<compile_context>
chip_gen: v7x
topology: tpu7x:2x2x1
jax: 0.10.2.dev20260603
libtpu: 0.0.44.dev20260713+nightly
codegen_flags: <defaults>
</compile_context>

<pallas_src>
import functools

import jax
import jax.numpy as jnp
from jax import lax
from jax.experimental import pallas as pl
from jax.experimental.pallas import tpu as pltpu
from jax.experimental.pallas import tpu_sc as plsc

_REG = 1e-12

_NC = 2
_NS = 16
_NW = _NC * _NS
_L = 16

_BATCH = 16384
_D = 64
_BPW = _BATCH // _NW
_CH = 16
_NCHUNK = _BPW // _CH
_GPC = _CH // _L


def _sc_body(uids_hbm, iids_hbm, utab_hbm, itab_hbm,
             out_hbm, ssqu_hbm, ssqi_hbm,
             uid_v, iid_v, ublk_a, iblk_a, ublk_b, iblk_b,
             dots_v, ssq_v, sem_a, sem_b):
    wid = lax.axis_index("s") * _NC + lax.axis_index("c")

    pltpu.sync_copy(uids_hbm.at[wid], uid_v)
    pltpu.sync_copy(iids_hbm.at[wid], iid_v)

    lanes = lax.broadcasted_iota(jnp.int32, (_L,), 0)
    zeros = jnp.zeros((_L,), jnp.float32)

    def fire(cbase, ublk, iblk, sem):
        for h in range(_GPC):
            uv = lax.shift_right_logical(uid_v[pl.ds(cbase + h * _L, _L)], 3)
            iv = lax.shift_right_logical(iid_v[pl.ds(cbase + h * _L, _L)], 3)
            for l in range(_L):
                m = h * _L + l
                pltpu.async_copy(utab_hbm.at[uv[l]], ublk.at[m], sem)
                pltpu.async_copy(itab_hbm.at[iv[l]], iblk.at[m], sem)

    def drain(ublk, iblk, sem):
        pltpu.make_async_copy(utab_hbm.at[pl.ds(0, _CH)], ublk, sem).wait()
        pltpu.make_async_copy(itab_hbm.at[pl.ds(0, _CH)], iblk, sem).wait()

    def extract(cbase, ublk, iblk, su, si):
        for g in range(_GPC):
            uv = uid_v[pl.ds(cbase + g * _L, _L)]
            iv = iid_v[pl.ds(cbase + g * _L, _L)]
            ru = jnp.bitwise_and(uv, 7)
            ri = jnp.bitwise_and(iv, 7)
            m = g * _L + lanes
            acc = zeros
            for d in range(_D):
                cols = jnp.full((_L,), d, jnp.int32)
                u = plsc.load_gather(ublk, [m, ru, cols])
                v = plsc.load_gather(iblk, [m, ri, cols])
                acc = acc + u * v
                su = su + u * u
                si = si + v * v
            dots_v[pl.ds(cbase + g * _L, _L)] = acc
        return su, si

    def pair_body(p, carry):
        su, si = carry
        ca = (2 * p) * _CH
        cb = (2 * p + 1) * _CH
        fire(ca, ublk_a, iblk_a, sem_a)
        fire(cb, ublk_b, iblk_b, sem_b)
        drain(ublk_a, iblk_a, sem_a)
        su, si = extract(ca, ublk_a, iblk_a, su, si)
        drain(ublk_b, iblk_b, sem_b)
        su, si = extract(cb, ublk_b, iblk_b, su, si)
        return (su, si)

    su, si = lax.fori_loop(0, _NCHUNK // 2, pair_body, (zeros, zeros))
    ssq_v[0, :] = su
    ssq_v[1, :] = si

    pltpu.sync_copy(dots_v, out_hbm.at[pl.ds(wid * _BPW, _BPW)])
    pltpu.sync_copy(ssq_v.at[0], ssqu_hbm.at[wid])
    pltpu.sync_copy(ssq_v.at[1], ssqi_hbm.at[wid])


@functools.partial(
    pl.kernel,
    out_type=(
        jax.ShapeDtypeStruct((_BATCH,), jnp.float32),
        jax.ShapeDtypeStruct((_NW, _L), jnp.float32),
        jax.ShapeDtypeStruct((_NW, _L), jnp.float32),
    ),
    mesh=plsc.VectorSubcoreMesh(core_axis_name="c", subcore_axis_name="s"),
    compiler_params=pltpu.CompilerParams(needs_layout_passes=False),
    scratch_types=(
        pltpu.VMEM((_BPW,), jnp.int32),
        pltpu.VMEM((_BPW,), jnp.int32),
        pltpu.VMEM((_CH, 8, _D), jnp.float32),
        pltpu.VMEM((_CH, 8, _D), jnp.float32),
        pltpu.VMEM((_CH, 8, _D), jnp.float32),
        pltpu.VMEM((_CH, 8, _D), jnp.float32),
        pltpu.VMEM((_BPW,), jnp.float32),
        pltpu.VMEM((2, _L), jnp.float32),
        pltpu.SemaphoreType.DMA,
        pltpu.SemaphoreType.DMA,
    ),
)
def _funk_svd_sc(uids_hbm, iids_hbm, utab_hbm, itab_hbm,
                 out_hbm, ssqu_hbm, ssqi_hbm, *scratch):
    _sc_body(uids_hbm, iids_hbm, utab_hbm, itab_hbm,
             out_hbm, ssqu_hbm, ssqi_hbm, *scratch)


def kernel(user_ids, item_ids, user_table, item_table):
    utab = user_table.reshape(125000, 8, _D)
    itab = item_table.reshape(125000, 8, _D)
    uids = user_ids.reshape(_NW, _BPW)
    iids = item_ids.reshape(_NW, _BPW)
    dots, ssqu, ssqi = _funk_svd_sc(uids, iids, utab, itab)
    reg = _REG * (jnp.sqrt(jnp.sum(ssqu)) + jnp.sqrt(jnp.sum(ssqi)))
    return dots + reg

# --- scband reference (transcript-rebuilt; emitter-appended) ---
"""Pipeline reference for scband-funk-svd-34033320853770 (READ-ONLY COPY).

The authoritative reference and input builder live on the scoring server;
editing this copy changes nothing except your own understanding.
"""

import jax, jax.numpy as jnp
import numpy as np

NUM_USERS = 1000000
NUM_ITEMS = 1000000
EMBED_DIM = 64
BATCH = 16384
REGULARIZATION = 1e-12

def setup_inputs(seed: int = 0) -> dict:
    key = jax.random.key(seed)
    k1, k2, k3, k4 = jax.random.split(key, 4)
    user_ids = jax.random.randint(k1, (BATCH,), 0, NUM_USERS, dtype=jnp.int64) if jax.config.jax_enable_x64 else jax.random.randint(k1, (BATCH,), 0, NUM_USERS, dtype=jnp.int32)
    item_ids = jax.random.randint(k2, (BATCH,), 0, NUM_ITEMS, dtype=jnp.int32)
    user_ids = user_ids.astype(jnp.int32)
    user_table = jax.random.uniform(k3, (NUM_USERS, EMBED_DIM), dtype=jnp.float32, minval=0.0, maxval=0.005)
    item_table = jax.random.uniform(k4, (NUM_ITEMS, EMBED_DIM), dtype=jnp.float32, minval=0.0, maxval=0.005)
    return {"user_ids": user_ids, "item_ids": item_ids, "user_table": user_table, "item_table": item_table}

def reference(user_ids, item_ids, user_table, item_table):
    user_embeds = jnp.take(user_table, user_ids, axis=0)
    item_embeds = jnp.take(item_table, item_ids, axis=0)
    dot_product = jnp.sum(user_embeds * item_embeds, axis=1)
    regularization_term = REGULARIZATION * (jnp.linalg.norm(user_embeds) + jnp.linalg.norm(item_embeds))
    preds = dot_product + regularization_term
    return preds

if __name__ == "__main__":
    import jax
    _d = setup_inputs()
    print(jax.jit(kernel)(*tuple(_d.values())))

</pallas_src>

<mosaic_0001>
#map = affine_map<(d0, d1) -> (0, 0)>
#map1 = affine_map<(d0, d1) -> (0, 0, 0)>
#map2 = affine_map<(d0, d1) -> (0)>
module attributes {stable_mosaic.version = 14 : i64} {
  func.func @_funk_svd_sc(%arg0: i32, %arg1: i32, %arg2: memref<32x512xi32, #tpu.memory_space<hbm>>, %arg3: memref<32x512xi32, #tpu.memory_space<hbm>>, %arg4: memref<125000x8x64xf32, #tpu.memory_space<hbm>>, %arg5: memref<125000x8x64xf32, #tpu.memory_space<hbm>>, %arg6: memref<16384xf32, #tpu.memory_space<hbm>>, %arg7: memref<32x16xf32, #tpu.memory_space<hbm>>, %arg8: memref<32x16xf32, #tpu.memory_space<hbm>>, %arg9: memref<512xi32, #tpu.memory_space<vmem>>, %arg10: memref<512xi32, #tpu.memory_space<vmem>>, %arg11: memref<16x8x64xf32, #tpu.memory_space<vmem>>, %arg12: memref<16x8x64xf32, #tpu.memory_space<vmem>>, %arg13: memref<16x8x64xf32, #tpu.memory_space<vmem>>, %arg14: memref<16x8x64xf32, #tpu.memory_space<vmem>>, %arg15: memref<512xf32, #tpu.memory_space<vmem>>, %arg16: memref<2x16xf32, #tpu.memory_space<vmem>>, %arg17: memref<!tpu.dma_semaphore, #tpu.memory_space<semaphore_mem>>, %arg18: memref<!tpu.dma_semaphore, #tpu.memory_space<semaphore_mem>>) attributes {dimension_semantics = [#tpu.dimension_semantics<core_parallel>, #tpu.dimension_semantics<subcore_parallel>], iteration_bounds = array<i64: 2, 16>, scalar_prefetch = 0 : i64, scratch_operands = 10 : i64, tpu.core_type = #tpu.core_type<sc_vector_subcore>, window_params = [{transform_indices = #map}, {transform_indices = #map}, {transform_indices = #map1}, {transform_indices = #map1}, {transform_indices = #map2}, {transform_indices = #map}, {transform_indices = #map}]} {
    %mul3A = arith.constant 2 : i32
    %mul3A_0 = arith.muli %arg1, %mul3A : i32
    %add3A = arith.addi %mul3A_0, %arg0 : i32
    "tpu.region"() ({
      %run_scoped3A_17 = tpu.sem_alloc : memref<!tpu.dma_semaphore, #tpu.memory_space<semaphore_mem>>
      %dma_start3A = arith.constant 0 : i32
      %dma_start3A_18 = tpu.memref_slice %arg2[%add3A, %dma_start3A] : memref<32x512xi32, #tpu.memory_space<hbm>> -> memref<1x512xi32, #tpu.memory_space<hbm>>
      %dma_start3A_19 = tpu.memref_squeeze %dma_start3A_18 : memref<1x512xi32, #tpu.memory_space<hbm>> -> memref<512xi32, #tpu.memory_space<hbm>>
      %dma_start3A_20 = arith.constant 0 : i32
      %dma_start3A_21 = tpu.memref_slice %arg2[%add3A, %dma_start3A_20] : memref<32x512xi32, #tpu.memory_space<hbm>> -> memref<1x512xi32, #tpu.memory_space<hbm>>
      %dma_start3A_22 = tpu.memref_squeeze %dma_start3A_21 : memref<1x512xi32, #tpu.memory_space<hbm>> -> memref<512xi32, #tpu.memory_space<hbm>>
      tpu.enqueue_dma source(%dma_start3A_22 : memref<512xi32, #tpu.memory_space<hbm>>) target(%arg9 : memref<512xi32, #tpu.memory_space<vmem>>) target_semaphore(%run_scoped3A_17 : memref<!tpu.dma_semaphore, #tpu.memory_space<semaphore_mem>>)
      %dma_wait3A = arith.constant 0 : i32
      %dma_wait3A_23 = tpu.memref_slice %arg2[%add3A, %dma_wait3A] : memref<32x512xi32, #tpu.memory_space<hbm>> -> memref<1x512xi32, #tpu.memory_space<hbm>>
      %dma_wait3A_24 = tpu.memref_squeeze %dma_wait3A_23 : memref<1x512xi32, #tpu.memory_space<hbm>> -> memref<512xi32, #tpu.memory_space<hbm>>
      %dma_wait3A_25 = arith.constant 0 : i32
      %dma_wait3A_26 = tpu.memref_slice %arg2[%add3A, %dma_wait3A_25] : memref<32x512xi32, #tpu.memory_space<hbm>> -> memref<1x512xi32, #tpu.memory_space<hbm>>
      %dma_wait3A_27 = tpu.memref_squeeze %dma_wait3A_26 : memref<1x512xi32, #tpu.memory_space<hbm>> -> memref<512xi32, #tpu.memory_space<hbm>>
      tpu.wait_dma2 semaphore(%run_scoped3A_17 : memref<!tpu.dma_semaphore, #tpu.memory_space<semaphore_mem>>) src(%dma_wait3A_27 : memref<512xi32, #tpu.memory_space<hbm>>) dst(%arg9 : memref<512xi32, #tpu.memory_space<vmem>>)
      tpu.yield
    }) : () -> ()
    "tpu.region"() ({
      %run_scoped3A_17 = tpu.sem_alloc : memref<!tpu.dma_semaphore, #tpu.memory_space<semaphore_mem>>
      %dma_start3A = arith.constant 0 : i32
      %dma_start3A_18 = tpu.memref_slice %arg3[%add3A, %dma_start3A] : memref<32x512xi32, #tpu.memory_space<hbm>> -> memref<1x512xi32, #tpu.memory_space<hbm>>
      %dma_start3A_19 = tpu.memref_squeeze %dma_start3A_18 : memref<1x512xi32, #tpu.memory_space<hbm>> -> memref<512xi32, #tpu.memory_space<hbm>>
      %dma_start3A_20 = arith.constant 0 : i32
      %dma_start3A_21 = tpu.memref_slice %arg3[%add3A, %dma_start3A_20] : memref<32x512xi32, #tpu.memory_space<hbm>> -> memref<1x512xi32, #tpu.memory_space<hbm>>
      %dma_start3A_22 = tpu.memref_squeeze %dma_start3A_21 : memref<1x512xi32, #tpu.memory_space<hbm>> -> memref<512xi32, #tpu.memory_space<hbm>>
      tpu.enqueue_dma source(%dma_start3A_22 : memref<512xi32, #tpu.memory_space<hbm>>) target(%arg10 : memref<512xi32, #tpu.memory_space<vmem>>) target_semaphore(%run_scoped3A_17 : memref<!tpu.dma_semaphore, #tpu.memory_space<semaphore_mem>>)
      %dma_wait3A = arith.constant 0 : i32
      %dma_wait3A_23 = tpu.memref_slice %arg3[%add3A, %dma_wait3A] : memref<32x512xi32, #tpu.memory_space<hbm>> -> memref<1x512xi32, #tpu.memory_space<hbm>>
      %dma_wait3A_24 = tpu.memref_squeeze %dma_wait3A_23 : memref<1x512xi32, #tpu.memory_space<hbm>> -> memref<512xi32, #tpu.memory_space<hbm>>
      %dma_wait3A_25 = arith.constant 0 : i32
      %dma_wait3A_26 = tpu.memref_slice %arg3[%add3A, %dma_wait3A_25] : memref<32x512xi32, #tpu.memory_space<hbm>> -> memref<1x512xi32, #tpu.memory_space<hbm>>
      %dma_wait3A_27 = tpu.memref_squeeze %dma_wait3A_26 : memref<1x512xi32, #tpu.memory_space<hbm>> -> memref<512xi32, #tpu.memory_space<hbm>>
      tpu.wait_dma2 semaphore(%run_scoped3A_17 : memref<!tpu.dma_semaphore, #tpu.memory_space<semaphore_mem>>) src(%dma_wait3A_27 : memref<512xi32, #tpu.memory_space<hbm>>) dst(%arg10 : memref<512xi32, #tpu.memory_space<vmem>>)
      tpu.yield
    }) : () -> ()
    %iota3A = tpu.iota {dimensions = array<i32: 0>} : vector<16xi32>
    %broadcast_in_dim3A = arith.constant 0.000000e+00 : f32
    %broadcast_in_dim3A_1 = vector.broadcast %broadcast_in_dim3A : f32 to vector<16xf32>
    %scan3A = arith.constant 0 : i32
    %scan3A_2 = arith.constant 16 : i32
    %scan3A_3 = arith.addi %scan3A, %scan3A_2 : i32
    %scan3A_4 = arith.constant 1 : i32
    %scan3A_5:2 = scf.for %scan3A_17 = %scan3A to %scan3A_3 step %scan3A_4 iter_args(%scan3A_18 = %broadcast_in_dim3A_1, %scan3A_19 = %broadcast_in_dim3A_1) -> (vector<16xf32>, vector<16xf32>)  : i32 {
      %mul3A_20 = arith.constant 2 : i32
      %mul3A_21 = arith.muli %mul3A_20, %scan3A_17 : i32
      %mul3A_22 = arith.constant 16 : i32
      %mul3A_23 = arith.muli %mul3A_21, %mul3A_22 : i32
      %mul3A_24 = arith.constant 2 : i32
      %mul3A_25 = arith.muli %mul3A_24, %scan3A_17 : i32
      %add3A_26 = arith.constant 1 : i32
      %add3A_27 = arith.addi %mul3A_25, %add3A_26 : i32
      %mul3A_28 = arith.constant 16 : i32
      %mul3A_29 = arith.muli %add3A_27, %mul3A_28 : i32
      %add3A_30 = arith.constant 0 : i32
      %add3A_31 = arith.addi %mul3A_23, %add3A_30 : i32
      %get3A = arith.index_cast %add3A_31 : i32 to index
      %get3A_32 = tpu.vector_load %arg9[%get3A] {strides = array<i32>} : memref<512xi32, #tpu.memory_space<vmem>>, vector<16xi32>,
      %shift_right_logical3A = arith.constant 3 : i32
      %shift_right_logical3A_33 = vector.broadcast %shift_right_logical3A : i32 to vector<16xi32>
      %shift_right_logical3A_34 = arith.shrui %get3A_32, %shift_right_logical3A_33 : vector<16xi32>
      %add3A_35 = arith.constant 0 : i32
      %add3A_36 = arith.addi %mul3A_23, %add3A_35 : i32
      %get3A_37 = arith.index_cast %add3A_36 : i32 to index
      %get3A_38 = tpu.vector_load %arg10[%get3A_37] {strides = array<i32>} : memref<512xi32, #tpu.memory_space<vmem>>, vector<16xi32>,
      %shift_right_logical3A_39 = arith.constant 3 : i32
      %shift_right_logical3A_40 = vector.broadcast %shift_right_logical3A_39 : i32 to vector<16xi32>
      %shift_right_logical3A_41 = arith.shrui %get3A_38, %shift_right_logical3A_40 : vector<16xi32>
      %slice3A = vector.extract_strided_slice %shift_right_logical3A_34 {offsets = [0], sizes = [1], strides = [1]} : vector<16xi32> to vector<1xi32>
      %squeeze3A = vector.extract %slice3A[0] : i32 from vector<1xi32>
      %dma_start3A = arith.constant 0 : i32
      %dma_start3A_42 = arith.constant 0 : i32
      %dma_start3A_43 = arith.constant 0 : i32
      %dma_start3A_44 = tpu.memref_slice %arg11[%dma_start3A, %dma_start3A_42, %dma_start3A_43] : memref<16x8x64xf32, #tpu.memory_space<vmem>> -> memref<1x8x64xf32, #tpu.memory_space<vmem>>
      %dma_start3A_45 = tpu.memref_squeeze %dma_start3A_44 : memref<1x8x64xf32, #tpu.memory_space<vmem>> -> memref<8x64xf32, #tpu.memory_space<vmem>>
      %dma_start3A_46 = arith.constant 0 : i32
      %dma_start3A_47 = arith.constant 0 : i32
      %dma_start3A_48 = tpu.memref_slice %arg4[%squeeze3A, %dma_start3A_46, %dma_start3A_47] : memref<125000x8x64xf32, #tpu.memory_space<hbm>> -> memref<1x8x64xf32, #tpu.memory_space<hbm>>
      %dma_start3A_49 = tpu.memref_squeeze %dma_start3A_48 : memref<1x8x64xf32, #tpu.memory_space<hbm>> -> memref<8x64xf32, #tpu.memory_space<hbm>>
      %dma_start3A_50 = arith.constant 0 : i32
      %dma_start3A_51 = arith.constant 0 : i32
      %dma_start3A_52 = tpu.memref_slice %arg11[%dma_start3A, %dma_start3A_50, %dma_start3A_51] : memref<16x8x64xf32, #tpu.memory_space<vmem>> -> memref<1x8x64xf32, #tpu.memory_space<vmem>>
      %dma_start3A_53 = tpu.memref_squeeze %dma_start3A_52 : memref<1x8x64xf32, #tpu.memory_space<vmem>> -> memref<8x64xf32, #tpu.memory_space<vmem>>
      %dma_start3A_54 = arith.constant 0 : i32
      %dma_start3A_55 = arith.constant 0 : i32
      %dma_start3A_56 = tpu.memref_slice %arg4[%squeeze3A, %dma_start3A_54, %dma_start3A_55] : memref<125000x8x64xf32, #tpu.memory_space<hbm>> -> memref<1x8x64xf32, #tpu.memory_space<hbm>>
      %dma_start3A_57 = tpu.memref_squeeze %dma_start3A_56 : memref<1x8x64xf32, #tpu.memory_space<hbm>> -> memref<8x64xf32, #tpu.memory_space<hbm>>
      tpu.enqueue_dma source(%dma_start3A_57 : memref<8x64xf32, #tpu.memory_space<hbm>>) target(%dma_start3A_53 : memref<8x64xf32, #tpu.memory_space<vmem>>) target_semaphore(%arg17 : memref<!tpu.dma_semaphore, #tpu.memory_space<semaphore_mem>>)
      %slice3A_58 = vector.extract_strided_slice %shift_right_logical3A_41 {offsets = [0], sizes = [1], strides = [1]} : vector<16xi32> to vector<1xi32>
      %squeeze3A_59 = vector.extract %slice3A_58[0] : i32 from vector<1xi32>
      %dma_start3A_60 = arith.constant 0 : i32
      %dma_start3A_61 = arith.constant 0 : i32
      %dma_start3A_62 = arith.constant 0 : i32
      %dma_start3A_63 = tpu.memref_slice %arg12[%dma_start3A_60, %dma_start3A_61, %dma_start3A_62] : memref<16x8x64xf32, #tpu.memory_space<vmem>> -> memref<1x8x64xf32, #tpu.memory_space<vmem>>
      %dma_start3A_64 = tpu.memref_squeeze %dma_start3A_63 : memref<1x8x64xf32, #tpu.memory_space<vmem>> -> memref<8x64xf32, #tpu.memory_space<vmem>>
      %dma_start3A_65 = arith.constant 0 : i32
      %dma_start3A_66 = arith.constant 0 : i32
      %dma_start3A_67 = tpu.memref_slice %arg5[%squeeze3A_59, %dma_start3A_65, %dma_start3A_66] : memref<125000x8x64xf32, #tpu.memory_space<hbm>> -> memref<1x8x64xf32, #tpu.memory_space<hbm>>
      %dma_start3A_68 = tpu.memref_squeeze %dma_start3A_67 : memref<1x8x64xf32, #tpu.memory_space<hbm>> -> memref<8x64xf32, #tpu.memory_space<hbm>>
      %dma_start3A_69 = arith.constant 0 : i32
      %dma_start3A_70 = arith.constant 0 : i32
      %dma_start3A_71 = tpu.memref_slice %arg12[%dma_start3A_60, %dma_start3A_69, %dma_start3A_70] : memref<16x8x64xf32, #tpu.memory_space<vmem>> -> memref<1x8x64xf32, #tpu.memory_space<vmem>>
      %dma_start3A_72 = tpu.memref_squeeze %dma_start3A_71 : memref<1x8x64xf32, #tpu.memory_space<vmem>> -> memref<8x64xf32, #tpu.memory_space<vmem>>
      %dma_start3A_73 = arith.constant 0 : i32
      %dma_start3A_74 = arith.constant 0 : i32
      %dma_start3A_75 = tpu.memref_slice %arg5[%squeeze3A_59, %dma_start3A_73, %dma_start3A_74] : memref<125000x8x64xf32, #tpu.memory_space<hbm>> -> memref<1x8x64xf32, #tpu.memory_space<hbm>>
      %dma_start3A_76 = tpu.memref_squeeze %dma_start3A_75 : memref<1x8x64xf32, #tpu.memory_space<hbm>> -> memref<8x64xf32, #tpu.memory_space<hbm>>
      tpu.enqueue_dma source(%dma_start3A_76 : memref<8x64xf32, #tpu.memory_space<hbm>>) target(%dma_start3A_72 : memref<8x64xf32, #tpu.memory_space<vmem>>) target_semaphore(%arg17 : memref<!tpu.dma_semaphore, #tpu.memory_space<semaphore_mem>>)
      %slice3A_77 = vector.extract_strided_slice %shift_right_logical3A_34 {offsets = [1], sizes = [1], strides = [1]} : vector<16xi32> to vector<1xi32>
      %squeeze3A_78 = vector.extract %slice3A_77[0] : i32 from vector<1xi32>
      %dma_start3A_79 = arith.constant 1 : i32
      %dma_start3A_80 = arith.constant 0 : i32
      %dma_start3A_81 = arith.constant 0 : i32
      %dma_start3A_82 = tpu.memref_slice %arg11[%dma_start3A_79, %dma_start3A_80, %dma_start3A_81] : memref<16x8x64xf32, #tpu.memory_space<vmem>> -> memref<1x8x64xf32, #tpu.memory_space<vmem>>
      %dma_start3A_83 = tpu.memref_squeeze %dma_start3A_82 : memref<1x8x64xf32, #tpu.memory_space<vmem>> -> memref<8x64xf32, #tpu.memory_space<vmem>>
      %dma_start3A_84 = arith.constant 0 : i32
      %dma_start3A_85 = arith.constant 0 : i32
      %dma_start3A_86 = tpu.memref_slice %arg4[%squeeze3A_78, %dma_start3A_84, %dma_start3A_85] : memref<125000x8x64xf32, #tpu.memory_space<hbm>> -> memref<1x8x64xf32, #tpu.memory_space<hbm>>
      %dma_start3A_87 = tpu.memref_squeeze %dma_start3A_86 : memref<1x8x64xf32, #tpu.memory_space<hbm>> -> memref<8x64xf32, #tpu.memory_space<hbm>>
      %dma_start3A_88 = arith.constant 0 : i32
      %dma_start3A_89 = arith.constant 0 : i32
      %dma_start3A_90 = tpu.memref_slice %arg11[%dma_start3A_79, %dma_start3A_88, %dma_start3A_89] : memref<16x8x64xf32, #tpu.memory_space<vmem>> -> memref<1x8x64xf32, #tpu.memory_space<vmem>>
      %dma_start3A_91 = tpu.memref_squeeze %dma_start3A_90 : memref<1x8x64xf32, #tpu.memory_space<vmem>> -> memref<8x64xf32, #tpu.memory_space<vmem>>
      %dma_start3A_92 = arith.constant 0 : i32
      %dma_start3A_93 = arith.constant 0 : i32
      %dma_start3A_94 = tpu.memref_slice %arg4[%squeeze3A_78, %dma_start3A_92, %dma_start3A_93] : memref<125000x8x64xf32, #tpu.memory_space<hbm>> -> memref<1x8x64xf32, #tpu.memory_space<hbm>>
      %dma_start3A_95 = tpu.memref_squeeze %dma_start3A_94 : memref<1x8x64xf32, #tpu.memory_space<hbm>> -> memref<8x64xf32, #tpu.memory_space<hbm>>
      tpu.enqueue_dma source(%dma_start3A_95 : memref<8x64xf32, #tpu.memory_space<hbm>>) target(%dma_start3A_91 : memref<8x64xf32, #tpu.memory_space<vmem>>) target_semaphore(%arg17 : memref<!tpu.dma_semaphore, #tpu.memory_space<semaphore_mem>>)
      %slice3A_96 = vector.extract_strided_slice %shift_right_logical3A_41 {offsets = [1], sizes = [1], strides = [1]} : vector<16xi32> to vector<1xi32>
      %squeeze3A_97 = vector.extract %slice3A_96[0] : i32 from vector<1xi32>
      %dma_start3A_98 = arith.constant 1 : i32
      %dma_start3A_99 = arith.constant 0 : i32
      %dma_start3A_100 = arith.constant 0 : i32
      %dma_start3A_101 = tpu.memref_slice %arg12[%dma_start3A_98, %dma_start3A_99, %dma_start3A_100] : memref<16x8x64xf32, #tpu.memory_space<vmem>> -> memref<1x8x64xf32, #tpu.memory_space<vmem>>
      %dma_start3A_102 = tpu.memref_squeeze %dma_start3A_101 : memref<1x8x64xf32, #tpu.memory_space<vmem>> -> memref<8x64xf32, #tpu.memory_space<vmem>>
      %dma_start3A_103 = arith.constant 0 : i32
      %dma_start3A_104 = arith.constant 0 : i32
      %dma_start3A_105 = tpu.memref_slice %arg5[%squeeze3A_97, %dma_start3A_103, %dma_start3A_104] : memref<125000x8x64xf32, #tpu.memory_space<hbm>> -> memref<1x8x64xf32, #tpu.memory_space<hbm>>
      %dma_start3A_106 = tpu.memref_squeeze %dma_start3A_105 : memref<1x8x64xf32, #tpu.memory_space<hbm>> -> memref<8x64xf32, #tpu.memory_space<hbm>>
      %dma_start3A_107 = arith.constant 0 : i32
      %dma_start3A_108 = arith.constant 0 : i32
      %dma_start3A_109 = tpu.memref_slice %arg12[%dma_start3A_98, %dma_start3A_107, %dma_start3A_108] : memref<16x8x64xf32, #tpu.memory_space<vmem>> -> memref<1x8x64xf32, #tpu.memory_space<vmem>>
      %dma_start3A_110 = tpu.memref_squeeze %dma_start3A_109 : memref<1x8x64xf32, #tpu.memory_space<vmem>> -> memref<8x64xf32, #tpu.memory_space<vmem>>
      %dma_start3A_111 = arith.constant 0 : i32
      %dma_start3A_112 = arith.constant 0 : i32
      %dma_start3A_113 = tpu.memref_slice %arg5[%squeeze3A_97, %dma_start3A_111, %dma_start3A_112] : memref<125000x8x64xf32, #tpu.memory_space<hbm>> -> memref<1x8x64xf32, #tpu.memory_space<hbm>>
      %dma_start3A_114 = tpu.memref_squeeze %dma_start3A_113 : memref<1x8x64xf32, #tpu.memory_space<hbm>> -> memref<8x64xf32, #tpu.memory_space<hbm>>
      tpu.enqueue_dma source(%dma_start3A_114 : memref<8x64xf32, #tpu.memory_space<hbm>>) target(%dma_start3A_110 : memref<8x64xf32, #tpu.memory_space<vmem>>) target_semaphore(%arg17 : memref<!tpu.dma_semaphore, #tpu.memory_space<semaphore_mem>>)
      %slice3A_115 = vector.extract_strided_slice %shift_right_logical3A_34 {offsets = [2], sizes = [1], strides = [1]} : vector<16xi32> to vector<1xi32>
      %squeeze3A_116 = vector.extract %slice3A_115[0] : i32 from vector<1xi32>
      %dma_start3A_117 = arith.constant 2 : i32
      %dma_start3A_118 = arith.constant 0 : i32
      %dma_start3A_119 = arith.constant 0 : i32
      %dma_start3A_120 = tpu.memref_slice %arg11[%dma_start3A_117, %dma_start3A_118, %dma_start3A_119] : memref<16x8x64xf32, #tpu.memory_space<vmem>> -> memref<1x8x64xf32, #tpu.memory_space<vmem>>
      %dma_start3A_121 = tpu.memref_squeeze %dma_start3A_120 : memref<1x8x64xf32, #tpu.memory_space<vmem>> -> memref<8x64xf32, #tpu.memory_space<vmem>>
      %dma_start3A_122 = arith.constant 0 : i32
      %dma_start3A_123 = arith.constant 0 : i32
      %dma_start3A_124 = tpu.memref_slice %arg4[%squeeze3A_116, %dma_start3A_122, %dma_start3A_123] : memref<125000x8x64xf32, #tpu.memory_space<hbm>> -> memref<1x8x64xf32, #tpu.memory_space<hbm>>
      %dma_start3A_125 = tpu.memref_squeeze %dma_start3A_124 : memref<1x8x64xf32, #tpu.memory_space<hbm>> -> memref<8x64xf32, #tpu.memory_space<hbm>>
      %dma_start3A_126 = arith.constant 0 : i32
      %dma_start3A_127 = arith.constant 0 : i32
      %dma_start3A_128 = tpu.memref_slice %arg11[%dma_start3A_117, %dma_start3A_126, %dma_start3A_127] : memref<16x8x64xf32, #tpu.memory_space<vmem>> -> memref<1x8x64xf32, #tpu.memory_space<vmem>>
      %dma_start3A_129 = tpu.memref_squeeze %dma_start3A_128 : memref<1x8x64xf32, #tpu.memory_space<vmem>> -> memref<8x64xf32, #tpu.memory_space<vmem>>
      %dma_start3A_130 = arith.constant 0 : i32
      %dma_start3A_131 = arith.constant 0 : i32
      %dma_start3A_132 = tpu.memref_slice %arg4[%squeeze3A_116, %dma_start3A_130, %dma_start3A_131] : memref<125000x8x64xf32, #tpu.memory_space<hbm>> -> memref<1x8x64xf32, #tpu.memory_space<hbm>>
      %dma_start3A_133 = tpu.memref_squeeze %dma_start3A_132 : memref<1x8x64xf32, #tpu.memory_space<hbm>> -> memref<8x64xf32, #tpu.memory_space<hbm>>
      tpu.enqueue_dma source(%dma_start3A_133 : memref<8x64xf32, #tpu.memory_space<hbm>>) target(%dma_start3A_129 : memref<8x64xf32, #tpu.memory_space<vmem>>) target_semaphore(%arg17 : memref<!tpu.dma_semaphore, #tpu.memory_space<semaphore_mem>>)
      %slice3A_134 = vector.extract_strided_slice %shift_right_logical3A_41 {offsets = [2], sizes = [1], strides = [1]} : vector<16xi32> to vector<1xi32>
      %squeeze3A_135 = vector.extract %slice3A_134[0] : i32 from vector<1xi32>
      %dma_start3A_136 = arith.constant 2 : i32
      %dma_start3A_137 = arith.constant 0 : i32
      %dma_start3A_138 = arith.constant 0 : i32
      %dma_start3A_139 = tpu.memref_slice %arg12[%dma_start3A_136, %dma_start3A_137, %dma_start3A_138] : memref<16x8x64xf32, #tpu.memory_space<vmem>> -> memref<1x8x64xf32, #tpu.memory_space<vmem>>
      %dma_start3A_140 = tpu.memref_squeeze %dma_start3A_139 : memref<1x8x64xf32, #tpu.memory_space<vmem>> -> memref<8x64xf32, #tpu.memory_space<vmem>>
      %dma_start3A_141 = arith.constant 0 : i32
      %dma_start3A_142 = arith.constant 0 : i32
      %dma_start3A_143 = tpu.memref_slice %arg5[%squeeze3A_135, %dma_start3A_141, %dma_start3A_142] : memref<125000x8x64xf32, #tpu.memory_space<hbm>> -> memref<1x8x64xf32, #tpu.memory_space<hbm>>
      %dma_start3A_144 = tpu.memref_squeeze %dma_start3A_143 : memref<1x8x64xf32, #tpu.memory_space<hbm>> -> memref<8x64xf32, #tpu.memory_space<hbm>>
      %dma_start3A_145 = arith.constant 0 : i32
      %dma_start3A_146 = arith.constant 0 : i32
      %dma_start3A_147 = tpu.memref_slice %arg12[%dma_start3A_136, %dma_start3A_145, %dma_start3A_146] : memref<16x8x64xf32, #tpu.memory_space<vmem>> -> memref<1x8x64xf32, #tpu.memory_space<vmem>>
      %dma_start3A_148 = tpu.memref_squeeze %dma_start3A_147 : memref<1x8x64xf32, #tpu.memory_space<vmem>> -> memref<8x64xf32, #tpu.memory_space<vmem>>
      %dma_start3A_149 = arith.constant 0 : i32
      %dma_start3A_150 = arith.constant 0 : i32
      %dma_start3A_151 = tpu.memref_slice %arg5[%squeeze3A_135, %dma_start3A_149, %dma_start3A_150] : memref<125000x8x64xf32, #tpu.memory_space<hbm>> -> memref<1x8x64xf32, #tpu.memory_space<hbm>>
      %dma_start3A_152 = tpu.memref_squeeze %dma_start3A_151 : memref<1x8x64xf32, #tpu.memory_space<hbm>> -> memref<8x64xf32, #tpu.memory_space<hbm>>
      tpu.enqueue_dma source(%dma_start3A_152 : memref<8x64xf32, #tpu.memory_space<hbm>>) target(%dma_start3A_148 : memref<8x64xf32, #tpu.memory_space<vmem>>) target_semaphore(%arg17 : memref<!tpu.dma_semaphore, #tpu.memory_space<semaphore_mem>>)
      %slice3A_153 = vector.extract_strided_slice %shift_right_logical3A_34 {offsets = [3], sizes = [1], strides = [1]} : vector<16xi32> to vector<1xi32>
      %squeeze3A_154 = vector.extract %slice3A_153[0] : i32 from vector<1xi32>
      %dma_start3A_155 = arith.constant 3 : i32
      %dma_start3A_156 = arith.constant 0 : i32
      %dma_start3A_157 = arith.constant 0 : i32
      %dma_start3A_158 = tpu.memref_slice %arg11[%dma_start3A_155, %dma_start3A_156, %dma_start3A_157] : memref<16x8x64xf32, #tpu.memory_space<vmem>> -> memref<1x8x64xf32, #tpu.memory_space<vmem>>
      %dma_start3A_159 = tpu.memref_squeeze %dma_start3A_158 : memref<1x8x64xf32, #tpu.memory_space<vmem>> -> memref<8x64xf32, #tpu.memory_space<vmem>>
      %dma_start3A_160 = arith.constant 0 : i32
      %dma_start3A_161 = arith.constant 0 : i32
      %dma_start3A_162 = tpu.memref_slice %arg4[%squeeze3A_154, %dma_start3A_160, %dma_start3A_161] : memref<125000x8x64xf32, #tpu.memory_space<hbm>> -> memref<1x8x64xf32, #tpu.memory_space<hbm>>
      %dma_start3A_163 = tpu.memref_squeeze %dma_start3A_162 : memref<1x8x64xf32, #tpu.memory_space<hbm>> -> memref<8x64xf32, #tpu.memory_space<hbm>>
      %dma_start3A_164 = arith.constant 0 : i32
      %dma_start3A_165 = arith.constant 0 : i32
      %dma_start3A_166 = tpu.memref_slice %arg11[%dma_start3A_155, %dma_start3A_164, %dma_start3A_165] : memref<16x8x64xf32, #tpu.memory_space<vmem>> -> memref<1x8x64xf32, #tpu.memory_space<vmem>>
      %dma_start3A_167 = tpu.memref_squeeze %dma_start3A_166 : memref<1x8x64xf32, #tpu.memory_space<vmem>> -> memref<8x64xf32, #tpu.memory_space<vmem>>
      %dma_start3A_168 = arith.constant 0 : i32
      %dma_start3A_169 = arith.constant 0 : i32
      %dma_start3A_170 = tpu.memref_slice %arg4[%squeeze3A_154, %dma_start3A_168, %dma_start3A_169] : memref<125000x8x64xf32, #tpu.memory_space<hbm>> -> memref<1x8x64xf32, #tpu.memory_space<hbm>>
      %dma_start3A_171 = tpu.memref_squeeze %dma_start3A_170 : memref<1x8x64xf32, #tpu.memory_space<hbm>> -> memref<8x64xf32, #tpu.memory_space<hbm>>
      tpu.enqueue_dma source(%dma_start3A_171 : memref<8x64xf32, #tpu.memory_space<hbm>>) target(%dma_start3A_167 : memref<8x64xf32, #tpu.memory_space<vmem>>) target_semaphore(%arg17 : memref<!tpu.dma_semaphore, #tpu.memory_space<semaphore_mem>>)
      %slice3A_172 = vector.extract_strided_slice %shift_right_logical3A_41 {offsets = [3], sizes = [1], strides = [1]} : vector<16xi32> to vector<1xi32>
      %squeeze3A_173 = vector.extract %slice3A_172[0] : i32 from vector<1xi32>
      %dma_start3A_174 = arith.constant 3 : i32
      %dma_start3A_175 = arith.constant 0 : i32
      %dma_start3A_176 = arith.constant 0 : i32
      %dma_start3A_177 = tpu.memref_slice %arg12[%dma_start3A_174, %dma_start3A_175, %dma_start3A_176] : memref<16x8x64xf32, #tpu.memory_space<vmem>> -> memref<1x8x64xf32, #tpu.memory_space<vmem>>
      %dma_start3A_178 = tpu.memref_squeeze %dma_start3A_177 : memref<1x8x64xf32, #tpu.memory_space<vmem>> -> memref<8x64xf32, #tpu.memory_space<vmem>>
      %dma_start3A_179 = arith.constant 0 : i32
      %dma_start3A_180 = arith.constant 0 : i32
      %dma_start3A_181 = tpu.memref_slice %arg5[%squeeze3A_173, %dma_start3A_179, %dma_start3A_180] : memref<125000x8x64xf32, #tpu.memory_space<hbm>> -> memref<1x8x64xf32, #tpu.memory_space<hbm>>
      %dma_start3A_182 = tpu.memref_squeeze %dma_start3A_181 : memref<1x8x64xf32, #tpu.memory_space<hbm>> -> memref<8x64xf32, #tpu.memory_space<hbm>>
      %dma_start3A_183 = arith.constant 0 : i32
      %dma_start3A_184 = arith.constant 0 : i32
      %dma_start3A_185 = tpu.memref_slice %arg12[%dma_start3A_174, %dma_start3A_183, %dma_start3A_184] : memref<16x8x64xf32, #tpu.memory_space<vmem>> -> memref<1x8x64xf32, #tpu.memory_space<vmem>>
      %dma_start3A_186 = tpu.memref_squeeze %dma_start3A_185 : memref<1x8x64xf32, #tpu.memory_space<vmem>> -> memref<8x64xf32, #tpu.memory_space<vmem>>
      %dma_start3A_187 = arith.constant 0 : i32
      %dma_start3A_188 = arith.constant 0 : i32
      %dma_start3A_189 = tpu.memref_slice %arg5[%squeeze3A_173, %dma_start3A_187, %dma_start3A_188] : memref<125000x8x64xf32, #tpu.memory_space<hbm>> -> memref<1x8x64xf32, #tpu.memory_space<hbm>>
      %dma_start3A_190 = tpu.memref_squeeze %dma_start3A_189 : memref<1x8x64xf32, #tpu.memory_space<hbm>> -> memref<8x64xf32, #tpu.memory_space<hbm>>
      tpu.enqueue_dma source(%dma_start3A_190 : memref<8x64xf32, #tpu.memory_space<hbm>>) target(%dma_start3A_186 : memref<8x64xf32, #tpu.memory_space<vmem>>) target_semaphore(%arg17 : memref<!tpu.dma_semaphore, #tpu.memory_space<semaphore_mem>>)
      %slice3A_191 = vector.extract_strided_slice %shift_right_logical3A_34 {offsets = [4], sizes = [1], strides = [1]} : vector<16xi32> to vector<1xi32>
      %squeeze3A_192 = vector.extract %slice3A_191[0] : i32 from vector<1xi32>
      %dma_start3A_193 = arith.constant 4 : i32
      %dma_start3A_194 = arith.constant 0 : i32
      %dma_start3A_195 = arith.constant 0 : i32
      %dma_start3A_196 = tpu.memref_slice %arg11[%dma_start3A_193, %dma_start3A_194, %dma_start3A_195] : memref<16x8x64xf32, #tpu.memory_space<vmem>> -> memref<1x8x64xf32, #tpu.memory_space<vmem>>
      %dma_start3A_197 = tpu.memref_squeeze %dma_start3A_196 : memref<1x8x64xf32, #tpu.memory_space<vmem>> -> memref<8x64xf32, #tpu.memory_space<vmem>>
      %dma_start3A_198 = arith.constant 0 : i32
      %dma_start3A_199 = arith.constant 0 : i32
      %dma_start3A_200 = tpu.memref_slice %arg4[%squeeze3A_192, %dma_start3A_198, %dma_start3A_199] : memref<125000x8x64xf32, #tpu.memory_space<hbm>> -> memref<1x8x64xf32, #tpu.memory_space<hbm>>
      %dma_start3A_201 = tpu.memref_squeeze %dma_start3A_200 : memref<1x8x64xf32, #tpu.memory_space<hbm>> -> memref<8x64xf32, #tpu.memory_space<hbm>>
      %dma_start3A_202 = arith.constant 0 : i32
      %dma_start3A_203 = arith.constant 0 : i32
      %dma_start3A_204 = tpu.memref_slice %arg11[%dma_start3A_193, %dma_start3A_202, %dma_start3A_203] : memref<16x8x64xf32, #tpu.memory_space<vmem>> -> memref<1x8x64xf32, #tpu.memory_space<vmem>>
      %dma_start3A_205 = tpu.memref_squeeze %dma_start3A_204 : memref<1x8x64xf32, #tpu.memory_space<vmem>> -> memref<8x64xf32, #tpu.memory_space<vmem>>
      %dma_start3A_206 = arith.constant 0 : i32
      %dma_start3A_207 = arith.constant 0 : i32
      %dma_start3A_208 = tpu.memref_slice %arg4[%squeeze3A_192, %dma_start3A_206, %dma_start3A_207] : memref<125000x8x64xf32, #tpu.memory_space<hbm>> -> memref<1x8x64xf32, #tpu.memory_space<hbm>>
      %dma_start3A_209 = tpu.memref_squeeze %dma_start3A_208 : memref<1x8x64xf32, #tpu.memory_space<hbm>> -> memref<8x64xf32, #tpu.memory_space<hbm>>
      tpu.enqueue_dma source(%dma_start3A_209 : memref<8x64xf32, #tpu.memory_space<hbm>>) target(%dma_start3A_205 : memref<8x64xf32, #tpu.memory_space<vmem>>) target_semaphore(%arg17 : memref<!tpu.dma_semaphore, #tpu.memory_space<semaphore_mem>>)
      %slice3A_210 = vector.extract_strided_slice %shift_right_logical3A_41 {offsets = [4], sizes = [1], strides = [1]} : vector<16xi32> to vector<1xi32>
      %squeeze3A_211 = vector.extract %slice3A_210[0] : i32 from vector<1xi32>
      %dma_start3A_212 = arith.constant 4 : i32
      %dma_start3A_213 = arith.constant 0 : i32
      %dma_start3A_214 = arith.constant 0 : i32
      %dma_start3A_215 = tpu.memref_slice %arg12[%dma_start3A_212, %dma_start3A_213, %dma_start3A_214] : memref<16x8x64xf32, #tpu.memory_space<vmem>> -> memref<1x8x64xf32, #tpu.memory_space<vmem>>
      %dma_start3A_216 = tpu.memref_squeeze %dma_start3A_215 : memref<1x8x64xf32, #tpu.memory_space<vmem>> -> memref<8x64xf32, #tpu.memory_space<vmem>>
      %dma_start3A_217 = arith.constant 0 : i32
      %dma_start3A_218 = arith.constant 0 : i32
      %dma_start3A_219 = tpu.memref_slice %arg5[%squeeze3A_211, %dma_start3A_217, %dma_start3A_218] : memref<125000x8x64xf32, #tpu.memory_space<hbm>> -> memref<1x8x64xf32, #tpu.memory_space<hbm>>
      %dma_start3A_220 = tpu.memref_squeeze %dma_start3A_219 : memref<1x8x64xf32, #tpu.memory_space<hbm>> -> memref<8x64xf32, #tpu.memory_space<hbm>>
      %dma_start3A_221 = arith.constant 0 : i32
      %dma_start3A_222 = arith.constant 0 : i32
      %dma_start3A_223 = tpu.memref_slice %arg12[%dma_start3A_212, %dma_start3A_221, %dma_start3A_222] : memref<16x8x64xf32, #tpu.memory_space<vmem>> -> memref<1x8x64xf32, #tpu.memory_space<vmem>>
      %dma_start3A_224 = tpu.memref_squeeze %dma_start3A_223 : memref<1x8x64xf32, #tpu.memory_space<vmem>> -> memref<8x64xf32, #tpu.memory_space<vmem>>
      %dma_start3A_225 = arith.constant 0 : i32
      %dma_start3A_226 = arith.constant 0 : i32
      %dma_start3A_227 = tpu.memref_slice %arg5[%squeeze3A_211, %dma_start3A_225, %dma_start3A_226] : memref<125000x8x64xf32, #tpu.memory_space<hbm>> -> memref<1x8x64xf32, #tpu.memory_space<hbm>>
      %dma_start3A_228 = tpu.memref_squeeze %dma_start3A_227 : memref<1x8x64xf32, #tpu.memory_space<hbm>> -> memref<8x64xf32, #tpu.memory_space<hbm>>
      tpu.enqueue_dma source(%dma_start3A_228 : memref<8x64xf32, #tpu.memory_space<hbm>>) target(%dma_start3A_224 : memref<8x64xf32, #tpu.memory_space<vmem>>) target_semaphore(%arg17 : memref<!tpu.dma_semaphore, #tpu.memory_space<semaphore_mem>>)
      %slice3A_229 = vector.extract_strided_slice %shift_right_logical3A_34 {offsets = [5], sizes = [1], strides = [1]} : vector<16xi32> to vector<1xi32>
      %squeeze3A_230 = vector.extract %slice3A_229[0] : i32 from vector<1xi32>
      %dma_start3A_231 = arith.constant 5 : i32
      %dma_start3A_232 = arith.constant 0 : i32
      %dma_start3A_233 = arith.constant 0 : i32
      %dma_start3A_234 = tpu.memref_slice %arg11[%dma_start3A_231, %dma_start3A_232, %dma_start3A_233] : memref<16x8x64xf32, #tpu.memory_space<vmem>> -> memref<1x8x64xf32, #tpu.memory_space<vmem>>
      %dma_start3A_235 = tpu.memref_squeeze %dma_start3A_234 : memref<1x8x64xf32, #tpu.memory_space<vmem>> -> memref<8x64xf32, #tpu.memory_space<vmem>>
      %dma_start3A_236 = arith.constant 0 : i32
      %dma_start3A_237 = arith.constant 0 : i32
      %dma_start3A_238 = tpu.memref_slice %arg4[%squeeze3A_230, %dma_start3A_236, %dma_start3A_237] : memref<125000x8x64xf32, #tpu.memory_space<hbm>> -> memref<1x8x64xf32, #tpu.memory_space<hbm>>
      %dma_start3A_239 = tpu.memref_squeeze %dma_start3A_238 : memref<1x8x64xf32, #tpu.memory_space<hbm>> -> memref<8x64xf32, #tpu.memory_space<hbm>>
      %dma_start3A_240 = arith.constant 0 : i32
      %dma_start3A_241 = arith.constant 0 : i32
      %dma_start3A_242 = tpu.memref_slice %arg11[%dma_start3A_231, %dma_start3A_240, %dma_start3A_241] : memref<16x8x64xf32, #tpu.memory_space<vmem>> -> memref<1x8x64xf32, #tpu.memory_space<vmem>>
      %dma_start3A_243 = tpu.memref_squeeze %dma_start3A_242 : memref<1x8x64xf32, #tpu.memory_space<vmem>> -> memref<8x64xf32, #tpu.memory_space<vmem>>
      %dma_start3A_244 = arith.constant 0 : i32
      %dma_start3A_245 = arith.constant 0 : i32
      %dma_start3A_246 = tpu.memref_slice %arg4[%squeeze3A_230, %dma_start3A_244, %dma_start3A_245] : memref<125000x8x64xf32, #tpu.memory_space<hbm>> -> memref<1x8x64xf32, #tpu.memory_space<hbm>>
      %dma_start3A_247 = tpu.memref_squeeze %dma_start3A_246 : memref<1x8x64xf32, #tpu.memory_space<hbm>> -> memref<8x64xf32, #tpu.memory_space<hbm>>
      tpu.enqueue_dma source(%dma_start3A_247 : memref<8x64xf32, #tpu.memory_space<hbm>>) target(%dma_start3A_243 : memref<8x64xf32, #tpu.memory_space<vmem>>) target_semaphore(%arg17 : memref<!tpu.dma_semaphore, #tpu.memory_space<semaphore_mem>>)
      %slice3A_248 = vector.extract_strided_slice %shift_right_logical3A_41 {offsets = [5], sizes = [1], strides = [1]} : vector<16xi32> to vector<1xi32>
      %squeeze3A_249 = vector.extract %slice3A_248[0] : i32 from vector<1xi32>
      %dma_start3A_250 = arith.constant 5 : i32
      %dma_start3A_251 = arith.constant 0 : i32
      %dma_start3A_252 = arith.constant 0 : i32
      %dma_start3A_253 = tpu.memref_slice %arg12[%dma_start3A_250, %dma_start3A_251, %dma_start3A_252] : memref<16x8x64xf32, #tpu.memory_space<vmem>> -> memref<1x8x64xf32, #tpu.memory_space<vmem>>
      %dma_start3A_254 = tpu.memref_squeeze %dma_start3A_253 : memref<1x8x64xf32, #tpu.memory_space<vmem>> -> memref<8x64xf32, #tpu.memory_space<vmem>>
      %dma_start3A_255 = arith.constant 0 : i32
      %dma_start3A_256 = arith.constant 0 : i32
      %dma_start3A_257 = tpu.memref_slice %arg5[%squeeze3A_249, %dma_start3A_255, %dma_start3A_256] : memref<125000x8x64xf32, #tpu.memory_space<hbm>> -> memref<1x8x64xf32, #tpu.memory_space<hbm>>
      %dma_start3A_258 = tpu.memref_squeeze %dma_start3A_257 : memref<1x8x64xf32, #tpu.memory_space<hbm>> -> memref<8x64xf32, #tpu.memory_space<hbm>>
      %dma_start3A_259 = arith.constant 0 : i32
      %dma_start3A_260 = arith.constant 0 : i32
      %dma_start3A_261 = tpu.memref_slice %arg12[%dma_start3A_250, %dma_start3A_259, %dma_start3A_260] : memref<16x8x64xf32, #tpu.memory_space<vmem>> -> memref<1x8x64xf32, #tpu.memory_space<vmem>>
      %dma_start3A_262 = tpu.memref_squeeze %dma_start3A_261 : memref<1x8x64xf32, #tpu.memory_space<vmem>> -> memref<8x64xf32, #tpu.memory_space<vmem>>
      %dma_start3A_263 = arith.constant 0 : i32
      %dma_start3A_264 = arith.constant 0 : i32
      %dma_start3A_265 = tpu.memref_slice %arg5[%squeeze3A_249, %dma_start3A_263, %dma_start3A_264] : memref<125000x8x64xf32, #tpu.memory_space<hbm>> -> memref<1x8x64xf32, #tpu.memory_space<hbm>>
      %dma_start3A_266 = tpu.memref_squeeze %dma_start3A_265 : memref<1x8x64xf32, #tpu.memory_space<hbm>> -> memref<8x64xf32, #tpu.memory_space<hbm>>
      tpu.enqueue_dma source(%dma_start3A_266 : memref<8x64xf32, #tpu.memory_space<hbm>>) target(%dma_start3A_262 : memref<8x64xf32, #tpu.memory_space<vmem>>) target_semaphore(%arg17 : memref<!tpu.dma_semaphore, #tpu.memory_space<semaphore_mem>>)
      %slice3A_267 = vector.extract_strided_slice %shift_right_logical3A_34 {offsets = [6], sizes = [1], strides = [1]} : vector<16xi32> to vector<1xi32>
      %squeeze3A_268 = vector.extract %slice3A_267[0] : i32 from vector<1xi32>
      %dma_start3A_269 = arith.constant 6 : i32
      %dma_start3A_270 = arith.constant 0 : i32
      %dma_start3A_271 = arith.constant 0 : i32
      %dma_start3A_272 = tpu.memref_slice %arg11[%dma_start3A_269, %dma_start3A_270, %dma_start3A_271] : memref<16x8x64xf32, #tpu.memory_space<vmem>> -> memref<1x8x64xf32, #tpu.memory_space<vmem>>
      %dma_start3A_273 = tpu.memref_squeeze %dma_start3A_272 : memref<1x8x64xf32, #tpu.memory_space<vmem>> -> memref<8x64xf32, #tpu.memory_space<vmem>>
      %dma_start3A_274 = arith.constant 0 : i32
      %dma_start3A_275 = arith.constant 0 : i32
      %dma_start3A_276 = tpu.memref_slice %arg4[%squeeze3A_268, %dma_start3A_274, %dma_start3A_275] : memref<125000x8x64xf32, #tpu.memory_space<hbm>> -> memref<1x8x64xf32, #tpu.memory_space<hbm>>
      %dma_start3A_277 = tpu.memref_squeeze %dma_start3A_276 : memref<1x8x64xf32, #tpu.memory_space<hbm>> -> memref<8x64xf32, #tpu.memory_space<hbm>>
      %dma_start3A_278 = arith.constant 0 : i32
      %dma_start3A_279 = arith.constant 0 : i32
      %dma_start3A_280 = tpu.memref_slice %arg11[%dma_start3A_269, %dma_start3A_278, %dma_start3A_279] : memref<16x8x64xf32, #tpu.memory_space<vmem>> -> memref<1x8x64xf32, #tpu.memory_space<vmem>>
      %dma_start3A_281 = tpu.memref_squeeze %dma_start3A_280 : memref<1x8x64xf32, #tpu.memory_space<vmem>> -> memref<8x64xf32, #tpu.memory_space<vmem>>
      %dma_start3A_282 = arith.constant 0 : i32
      %dma_start3A_283 = arith.constant 0 : i32
      %dma_start3A_284 = tpu.memref_slice %arg4[%squeeze3A_268, %dma_start3A_282, %dma_start3A_283] : memref<125000x8x64xf32, #tpu.memory_space<hbm>> -> memref<1x8x64xf32, #tpu.memory_space<hbm>>
      %dma_start3A_285 = tpu.memref_squeeze %dma_start3A_284 : memref<1x8x64xf32, #tpu.memory_space<hbm>> -> memref<8x64xf32, #tpu.memory_space<hbm>>
      tpu.enqueue_dma source(%dma_start3A_285 : memref<8x64xf32, #tpu.memory_space<hbm>>) target(%dma_start3A_281 : memref<8x64xf32, #tpu.memory_space<vmem>>) target_semaphore(%arg17 : memref<!tpu.dma_semaphore, #tpu.memory_space<semaphore_mem>>)
      %slice3A_286 = vector.extract_strided_slice %shift_right_logical3A_41 {offsets = [6], sizes = [1], strides = [1]} : vector<16xi32> to vector<1xi32>
      %squeeze3A_287 = vector.extract %slice3A_286[0] : i32 from vector<1xi32>
      %dma_start3A_288 = arith.constant 6 : i32
      %dma_start3A_289 = arith.constant 0 : i32
      %dma_start3A_290 = arith.constant 0 : i32
      %dma_start3A_291 = tpu.memref_slice %arg12[%dma_start3A_288, %dma_start3A_289, %dma_start3A_290] : memref<16x8x64xf32, #tpu.memory_space<vmem>> -> memref<1x8x64xf32, #tpu.memory_space<vmem>>
      %dma_start3A_292 = tpu.memref_squeeze %dma_start3A_291 : memref<1x8x64xf32, #tpu.memory_space<vmem>> -> memref<8x64xf32, #tpu.memory_space<vmem>>
      %dma_start3A_293 = arith.constant 0 : i32
      %dma_start3A_294 = arith.constant 0 : i32
      %dma_start3A_295 = tpu.memref_slice %arg5[%squeeze3A_287, %dma_start3A_293, %dma_start3A_294] : memref<125000x8x64xf32, #tpu.memory_space<hbm>> -> memref<1x8x64xf32, #tpu.memory_space<hbm>>
      %dma_start3A_296 = tpu.memref_squeeze %dma_start3A_295 : memref<1x8x64xf32, #tpu.memory_space<hbm>> -> memref<8x64xf32, #tpu.memory_space<hbm>>
      %dma_start3A_297 = arith.constant 0 : i32
      %dma_start3A_298 = arith.constant 0 : i32
      %dma_start3A_299 = tpu.memref_slice %arg12[%dma_start3A_288, %dma_start3A_297, %dma_start3A_298] : memref<16x8x64xf32, #tpu.memory_space<vmem>> -> memref<1x8x64xf32, #tpu.memory_space<vmem>>
      %dma_start3A_300 = tpu.memref_squeeze %dma_start3A_299 : memref<1x8x64xf32, #tpu.memory_space<vmem>> -> memref<8x64xf32, #tpu.memory_space<vmem>>
      %dma_start3A_301 = arith.constant 0 : i32
      %dma_start3A_302 = arith.constant 0 : i32
      %dma_start3A_303 = tpu.memref_slice %arg5[%squeeze3A_287, %dma_start3A_301, %dma_start3A_302] : memref<125000x8x64xf32, #tpu.memory_space<hbm>> -> memref<1x8x64xf32, #tpu.memory_space<hbm>>
      %dma_start3A_304 = tpu.memref_squeeze %dma_start3A_303 : memref<1x8x64xf32, #tpu.memory_space<hbm>> -> memref<8x64xf32, #tpu.memory_space<hbm>>
      tpu.enqueue_dma source(%dma_start3A_304 : memref<8x64xf32, #tpu.memory_space<hbm>>) target(%dma_start3A_300 : memref<8x64xf32, #tpu.memory_space<vmem>>) target_semaphore(%arg17 : memref<!tpu.dma_semaphore, #tpu.memory_space<semaphore_mem>>)
      %slice3A_305 = vector.extract_strided_slice %shift_right_logical3A_34 {offsets = [7], sizes = [1], strides = [1]} : vector<16xi32> to vector<1xi32>
      %squeeze3A_306 = vector.extract %slice3A_305[0] : i32 from vector<1xi32>
      %dma_start3A_307 = arith.constant 7 : i32
      %dma_start3A_308 = arith.constant 0 : i32
      %dma_start3A_309 = arith.constant 0 : i32
      %dma_start3A_310 = tpu.memref_slice %arg11[%dma_start3A_307, %dma_start3A_308, %dma_start3A_309] : memref<16x8x64xf32, #tpu.memory_space<vmem>> -> memref<1x8x64xf32, #tpu.memory_space<vmem>>
      %dma_start3A_311 = tpu.memref_squeeze %dma_start3A_310 : memref<1x8x64xf32, #tpu.memory_space<vmem>> -> memref<8x64xf32, #tpu.memory_space<vmem>>
      %dma_start3A_312 = arith.constant 0 : i32
      %dma_start3A_313 = arith.constant 0 : i32
      %dma_start3A_314 = tpu.memref_slice %arg4[%squeeze3A_306, %dma_start3A_312, %dma_start3A_313] : memref<125000x8x64xf32, #tpu.memory_space<hbm>> -> memref<1x8x64xf32, #tpu.memory_space<hbm>>
      %dma_start3A_315 = tpu.memref_squeeze %dma_start3A_314 : memref<1x8x64xf32, #tpu.memory_space<hbm>> -> memref<8x64xf32, #tpu.memory_space<hbm>>
      %dma_start3A_316 = arith.constant 0 : i32
      %dma_start3A_317 = arith.constant 0 : i32
      %dma_start3A_318 = tpu.memref_slice %arg11[%dma_start3A_307, %dma_start3A_316, %dma_start3A_317] : memref<16x8x64xf32, #tpu.memory_space<vmem>> -> memref<1x8x64xf32, #tpu.memory_space<vmem>>
      %dma_start3A_319 = tpu.memref_squeeze %dma_start3A_318 : memref<1x8x64xf32, #tpu.memory_space<vmem>> -> memref<8x64xf32, #tpu.memory_space<vmem>>
      %dma_start3A_320 = arith.constant 0 : i32
      %dma_start3A_321 = arith.constant 0 : i32
      %dma_start3A_322 = tpu.memref_slice %arg4[%squeeze3A_306, %dma_start3A_320, %dma_start3A_321] : memref<125000x8x64xf32, #tpu.memory_space<hbm>> -> memref<1x8x64xf32, #tpu.memory_space<hbm>>
      %dma_start3A_323 = tpu.memref_squeeze %dma_start3A_322 : memref<1x8x64xf32, #tpu.memory_space<hbm>> -> memref<8x64xf32, #tpu.memory_space<hbm>>
      tpu.enqueue_dma source(%dma_start3A_323 : memref<8x64xf32, #tpu.memory_space<hbm>>) target(%dma_start3A_319 : memref<8x64xf32, #tpu.memory_space<vmem>>) target_semaphore(%arg17 : memref<!tpu.dma_semaphore, #tpu.memory_space<semaphore_mem>>)
      %slice3A_324 = vector.extract_strided_slice %shift_right_logical3A_41 {offsets = [7], sizes = [1], strides = [1]} : vector<16xi32> to vector<1xi32>
      %squeeze3A_325 = vector.extract %slice3A_324[0] : i32 from vector<1xi32>
      %dma_start3A_326 = arith.constant 7 : i32
      %dma_start3A_327 = arith.constant 0 : i32
      %dma_start3A_328 = arith.constant 0 : i32
      %dma_start3A_329 = tpu.memref_slice %arg12[%dma_start3A_326, %dma_start3A_327, %dma_start3A_328] : memref<16x8x64xf32, #tpu.memory_space<vmem>> -> memref<1x8x64xf32, #tpu.memory_space<vmem>>
      %dma_start3A_330 = tpu.memref_squeeze %dma_start3A_329 : memref<1x8x64xf32, #tpu.memory_space<vmem>> -> memref<8x64xf32, #tpu.memory_space<vmem>>
      %dma_start3A_331 = arith.constant 0 : i32
      %dma_start3A_332 = arith.constant 0 : i32
      %dma_start3A_333 = tpu.memref_slice %arg5[%squeeze3A_325, %dma_start3A_331, %dma_start3A_332] : memref<125000x8x64xf32, #tpu.memory_space<hbm>> -> memref<1x8x64xf32, #tpu.memory_space<hbm>>
      %dma_start3A_334 = tpu.memref_squeeze %dma_start3A_333 : memref<1x8x64xf32, #tpu.memory_space<hbm>> -> memref<8x64xf32, #tpu.memory_space<hbm>>
      %dma_start3A_335 = arith.constant 0 : i32
      %dma_start3A_336 = arith.constant 0 : i32
      %dma_start3A_337 = tpu.memref_slice %arg12[%dma_start3A_326, %dma_start3A_335, %dma_start3A_336] : memref<16x8x64xf32, #tpu.memory_space<vmem>> -> memref<1x8x64xf32, #tpu.memory_space<vmem>>
      %dma_start3A_338 = tpu.memref_squeeze %dma_start3A_337 : memref<1x8x64xf32, #tpu.memory_space<vmem>> -> memref<8x64xf32, #tpu.memory_space<vmem>>
      %dma_start3A_339 = arith.constant 0 : i32
      %dma_start3A_340 = arith.constant 0 : i32
      %dma_start3A_341 = tpu.memref_slice %arg5[%squeeze3A_325, %dma_start3A_339, %dma_start3A_340] : memref<125000x8x64xf32, #tpu.memory_space<hbm>> -> memref<1x8x64xf32, #tpu.memory_space<hbm>>
      %dma_start3A_342 = tpu.memref_squeeze %dma_start3A_341 : memref<1x8x64xf32, #tpu.memory_space<hbm>> -> memref<8x64xf32, #tpu.memory_space<hbm>>
      tpu.enqueue_dma source(%dma_start3A_342 : memref<8x64xf32, #tpu.memory_space<hbm>>) target(%dma_start3A_338 : memref<8x64xf32, #tpu.memory_space<vmem>>) target_semaphore(%arg17 : memref<!tpu.dma_semaphore, #tpu.memory_space<semaphore_mem>>)
      %slice3A_343 = vector.extract_strided_slice %shift_right_logical3A_34 {offsets = [8], sizes = [1], strides = [1]} : vector<16xi32> to vector<1xi32>
      %squeeze3A_344 = vector.extract %slice3A_343[0] : i32 from vector<1xi32>
      %dma_start3A_345 = arith.constant 8 : i32
      %dma_start3A_346 = arith.constant 0 : i32
      %dma_start3A_347 = arith.constant 0 : i32
      %dma_start3A_348 = tpu.memref_slice %arg11[%dma_start3A_345, %dma_start3A_346, %dma_start3A_347] : memref<16x8x64xf32, #tpu.memory_space<vmem>> -> memref<1x8x64xf32, #tpu.memory_space<vmem>>
      %dma_start3A_349 = tpu.memref_squeeze %dma_start3A_348 : memref<1x8x64xf32, #tpu.memory_space<vmem>> -> memref<8x64xf32, #tpu.memory_space<vmem>>
      %dma_start3A_350 = arith.constant 0 : i32
      %dma_start3A_351 = arith.constant 0 : i32
      %dma_start3A_352 = tpu.memref_slice %arg4[%squeeze3A_344, %dma_start3A_350, %dma_start3A_351] : memref<125000x8x64xf32, #tpu.memory_space<hbm>> -> memref<1x8x64xf32, #tpu.memory_space<hbm>>
      %dma_start3A_353 = tpu.memref_squeeze %dma_start3A_352 : memref<1x8x64xf32, #tpu.memory_space<hbm>> -> memref<8x64xf32, #tpu.memory_space<hbm>>
      %dma_start3A_354 = arith.constant 0 : i32
      %dma_start3A_355 = arith.constant 0 : i32
      %dma_start3A_356 = tpu.memref_slice %arg11[%dma_start3A_345, %dma_start3A_354, %dma_start3A_355] : memref<16x8x64xf32, #tpu.memory_space<vmem>> -> memref<1x8x64xf32, #tpu.memory_space<vmem>>
      %dma_start3A_357 = tpu.memref_squeeze %dma_start3A_356 : memref<1x8x64xf32, #tpu.memory_space<vmem>> -> memref<8x64xf32, #tpu.memory_space<vmem>>
      %dma_start3A_358 = arith.constant 0 : i32
      %dma_start3A_359 = arith.constant 0 : i32
      %dma_start3A_360 = tpu.memref_slice %arg4[%squeeze3A_344, %dma_start3A_358, %dma_start3A_359] : memref<125000x8x64xf32, #tpu.memory_space<hbm>> -> memref<1x8x64xf32, #tpu.memory_space<hbm>>
      %dma_start3A_361 = tpu.memref_squeeze %dma_start3A_360 : memref<1x8x64xf32, #tpu.memory_space<hbm>> -> memref<8x64xf32, #tpu.memory_space<hbm>>
      tpu.enqueue_dma source(%dma_start3A_361 : memref<8x64xf32, #tpu.memory_space<hbm>>) target(%dma_start3A_357 : memref<8x64xf32, #tpu.memory_space<vmem>>) target_semaphore(%arg17 : memref<!tpu.dma_semaphore, #tpu.memory_space<semaphore_mem>>)
      %slice3A_362 = vector.extract_strided_slice %shift_right_logical3A_41 {offsets = [8], sizes = [1], strides = [1]} : vector<16xi32> to vector<1xi32>
      %squeeze3A_363 = vector.extract %slice3A_362[0] : i32 from vector<1xi32>
      %dma_start3A_364 = arith.constant 8 : i32
      %dma_start3A_365 = arith.constant 0 : i32
      %dma_start3A_366 = arith.constant 0 : i32
      %dma_start3A_367 = tpu.memref_slice %arg12[%dma_start3A_364, %dma_start3A_365, %dma_start3A_366] : memref<16x8x64xf32, #tpu.memory_space<vmem>> -> memref<1x8x64xf32, #tpu.memory_space<vmem>>
      %dma_start3A_368 = tpu.memref_squeeze %dma_start3A_367 : memref<1x8x64xf32, #tpu.memory_space<vmem>> -> memref<8x64xf32, #tpu.memory_space<vmem>>
      %dma_start3A_369 = arith.constant 0 : i32
      %dma_start3A_370 = arith.constant 0 : i32
      %dma_start3A_371 = tpu.memref_slice %arg5[%squeeze3A_363, %dma_start3A_369, %dma_start3A_370] : memref<125000x8x64xf32, #tpu.memory_space<hbm>> -> memref<1x8x64xf32, #tpu.memory_space<hbm>>
      %dma_start3A_372 = tpu.memref_squeeze %dma_start3A_371 : memref<1x8x64xf32, #tpu.memory_space<hbm>> -> memref<8x64xf32, #tpu.memory_space<hbm>>
      %dma_start3A_373 = arith.constant 0 : i32
      %dma_start3A_374 = arith.constant 0 : i32
      %dma_start3A_375 = tpu.memref_slice %arg12[%dma_start3A_364, %dma_start3A_373, %dma_start3A_374] : memref<16x8x64xf32, #tpu.memory_space<vmem>> -> memref<1x8x64xf32, #tpu.memory_space<vmem>>
      %dma_start3A_376 = tpu.memref_squeeze %dma_start3A_375 : memref<1x8x64xf32, #tpu.memory_space<vmem>> -> memref<8x64xf32, #tpu.memory_space<vmem>>
      %dma_start3A_377 = arith.constant 0 : i32
      %dma_start3A_378 = arith.constant 0 : i32
      %dma_start3A_379 = tpu.memref_slice %arg5[%squeeze3A_363, %dma_start3A_377, %dma_start3A_378] : memref<125000x8x64xf32, #tpu.memory_space<hbm>> -> memref<1x8x64xf32, #tpu.memory_space<hbm>>
      %dma_start3A_380 = tpu.memref_squeeze %dma_start3A_379 : memref<1x8x64xf32, #tpu.memory_space<hbm>> -> memref<8x64xf32, #tpu.memory_space<hbm>>
      tpu.enqueue_dma source(%dma_start3A_380 : memref<8x64xf32, #tpu.memory_space<hbm>>) target(%dma_start3A_376 : memref<8x64xf32, #tpu.memory_space<vmem>>) target_semaphore(%arg17 : memref<!tpu.dma_semaphore, #tpu.memory_space<semaphore_mem>>)
      %slice3A_381 = vector.extract_strided_slice %shift_right_logical3A_34 {offsets = [9], sizes = [1], strides = [1]} : vector<16xi32> to vector<1xi32>
      %squeeze3A_382 = vector.extract %slice3A_381[0] : i32 from vector<1xi32>
      %dma_start3A_383 = arith.constant 9 : i32
      %dma_start3A_384 = arith.constant 0 : i32
      %dma_start3A_385 = arith.constant 0 : i32
      %dma_start3A_386 = tpu.memref_slice %arg11[%dma_start3A_383, %dma_start3A_384, %dma_start3A_385] : memref<16x8x64xf32, #tpu.memory_space<vmem>> -> memref<1x8x64xf32, #tpu.memory_space<vmem>>
      %dma_start3A_387 = tpu.memref_squeeze %dma_start3A_386 : memref<1x8x64xf32, #tpu.memory_space<vmem>> -> memref<8x64xf32, #tpu.memory_space<vmem>>
      %dma_start3A_388 = arith.constant 0 : i32
      %dma_start3A_389 = arith.constant 0 : i32
      %dma_start3A_390 = tpu.memref_slice %arg4[%squeeze3A_382, %dma_start3A_388, %dma_start3A_389] : memref<125000x8x64xf32, #tpu.memory_space<hbm>> -> memref<1x8x64xf32, #tpu.memory_space<hbm>>
      %dma_start3A_391 = tpu.memref_squeeze %dma_start3A_390 : memref<1x8x64xf32, #tpu.memory_space<hbm>> -> memref<8x64xf32, #tpu.memory_space<hbm>>
      %dma_start3A_392 = arith.constant 0 : i32
      %dma_start3A_393 = arith.constant 0 : i32
      %dma_start3A_394 = tpu.memref_slice %arg11[%dma_start3A_383, %dma_start3A_392, %dma_start3A_393] : memref<16x8x64xf32, #tpu.memory_space<vmem>> -> memref<1x8x64xf32, #tpu.memory_space<vmem>>
      %dma_start3A_395 = tpu.memref_squeeze %dma_start3A_394 : memref<1x8x64xf32, #tpu.memory_space<vmem>> -> memref<8x64xf32, #tpu.memory_space<vmem>>
      %dma_start3A_396 = arith.constant 0 : i32
      %dma_start3A_397 = arith.constant 0 : i32
      %dma_start3A_398 = tpu.memref_slice %arg4[%squeeze3A_382, %dma_start3A_396, %dma_start3A_397] : memref<125000x8x64xf32, #tpu.memory_space<hbm>> -> memref<1x8x64xf32, #tpu.memory_space<hbm>>
      %dma_start3A_399 = tpu.memref_squeeze %dma_start3A_398 : memref<1x8x64xf32, #tpu.memory_space<hbm>> -> memref<8x64xf32, #tpu.memory_space<hbm>>
      tpu.enqueue_dma source(%dma_start3A_399 : memref<8x64xf32, #tpu.memory_space<hbm>>) target(%dma_start3A_395 : memref<8x64xf32, #tpu.memory_space<vmem>>) target_semaphore(%arg17 : memref<!tpu.dma_semaphore, #tpu.memory_space<semaphore_mem>>)
      %slice3A_400 = vector.extract_strided_slice %shift_right_logical3A_41 {offsets = [9], sizes = [1], strides = [1]} : vector<16xi32> to vector<1xi32>
      %squeeze3A_401 = vector.extract %slice3A_400[0] : i32 from vector<1xi32>
      %dma_start3A_402 = arith.constant 9 : i32
      %dma_start3A_403 = arith.constant 0 : i32
      %dma_start3A_404 = arith.constant 0 : i32
      %dma_start3A_405 = tpu.memref_slice %arg12[%dma_start3A_402, %dma_start3A_403, %dma_start3A_404] : memref<16x8x64xf32, #tpu.memory_space<vmem>> -> memref<1x8x64xf32, #tpu.memory_space<vmem>>
      %dma_start3A_406 = tpu.memref_squeeze %dma_start3A_405 : memref<1x8x64xf32, #tpu.memory_space<vmem>> -> memref<8x64xf32, #tpu.memory_space<vmem>>
      %dma_start3A_407 = arith.constant 0 : i32
      %dma_start3A_408 = arith.constant 0 : i32
      %dma_start3A_409 = tpu.memref_slice %arg5[%squeeze3A_401, %dma_start3A_407, %dma_start3A_408] : memref<125000x8x64xf32, #tpu.memory_space<hbm>> -> memref<1x8x64xf32, #tpu.memory_space<hbm>>
      %dma_start3A_410 = tpu.memref_squeeze %dma_start3A_409 : memref<1x8x64xf32, #tpu.memory_space<hbm>> -> memref<8x64xf32, #tpu.memory_space<hbm>>
      %dma_start3A_411 = arith.constant 0 : i32
      %dma_start3A_412 = arith.constant 0 : i32
      %dma_start3A_413 = tpu.memref_slice %arg12[%dma_start3A_402, %dma_start3A_411, %dma_start3A_412] : memref<16x8x64xf32, #tpu.memory_space<vmem>> -> memref<1x8x64xf32, #tpu.memory_space<vmem>>
      %dma_start3A_414 = tpu.memref_squeeze %dma_start3A_413 : memref<1x8x64xf32, #tpu.memory_space<vmem>> -> memref<8x64xf32, #tpu.memory_space<vmem>>
      %dma_start3A_415 = arith.constant 0 : i32
      %dma_start3A_416 = arith.constant 0 : i32
      %dma_start3A_417 = tpu.memref_slice %arg5[%squeeze3A_401, %dma_start3A_415, %dma_start3A_416] : memref<125000x8x64xf32, #tpu.memory_space<hbm>> -> memref<1x8x64xf32, #tpu.memory_space<hbm>>
      %dma_start3A_418 = tpu.memref_squeeze %dma_start3A_417 : memref<1x8x64xf32, #tpu.memory_space<hbm>> -> memref<8x64xf32, #tpu.memory_space<hbm>>
      tpu.enqueue_dma source(%dma_start3A_418 : memref<8x64xf32, #tpu.memory_space<hbm>>) target(%dma_start3A_414 : memref<8x64xf32, #tpu.memory_space<vmem>>) target_semaphore(%arg17 : memref<!tpu.dma_semaphore, #tpu.memory_space<semaphore_mem>>)
      %slice3A_419 = vector.extract_strided_slice %shift_right_logical3A_34 {offsets = [10], sizes = [1], strides = [1]} : vector<16xi32> to vector<1xi32>
      %squeeze3A_420 = vector.extract %slice3A_419[0] : i32 from vector<1xi32>
      %dma_start3A_421 = arith.constant 10 : i32
      %dma_start3A_422 = arith.constant 0 : i32
      %dma_start3A_423 = arith.constant 0 : i32
      %dma_start3A_424 = tpu.memref_slice %arg11[%dma_start3A_421, %dma_start3A_422, %dma_start3A_423] : memref<16x8x64xf32, #tpu.memory_space<vmem>> -> memref<1x8x64xf32, #tpu.memory_space<vmem>>
      %dma_start3A_425 = tpu.memref_squeeze %dma_start3A_424 : memref<1x8x64xf32, #tpu.memory_space<vmem>> -> memref<8x64xf32, #tpu.memory_space<vmem>>
      %dma_start3A_426 = arith.constant 0 : i32
      %dma_start3A_427 = arith.constant 0 : i32
      %dma_start3A_428 = tpu.memref_slice %arg4[%squeeze3A_420, %dma_start3A_426, %dma_start3A_427] : memref<125000x8x64xf32, #tpu.memory_space<hbm>> -> memref<1x8x64xf32, #tpu.memory_space<hbm>>
      %dma_start3A_429 = tpu.memref_squeeze %dma_start3A_428 : memref<1x8x64xf32, #tpu.memory_space<hbm>> -> memref<8x64xf32, #tpu.memory_space<hbm>>
      %dma_start3A_430 = arith.constant 0 : i32
      %dma_start3A_431 = arith.constant 0 : i32
      %dma_start3A_432 = tpu.memref_slice %arg11[%dma_start3A_421, %dma_start3A_430, %dma_start3A_431] : memref<16x8x64xf32, #tpu.memory_space<vmem>> -> memref<1x8x64xf32, #tpu.memory_space<vmem>>
      %dma_start3A_433 = tpu.memref_squeeze %dma_start3A_432 : memref<1x8x64xf32, #tpu.memory_space<vmem>> -> memref<8x64xf32, #tpu.memory_space<vmem>>
      %dma_start3A_434 = arith.constant 0 : i32
      %dma_start3A_435 = arith.constant 0 : i32
      %dma_start3A_436 = tpu.memref_slice %arg4[%squeeze3A_420, %dma_start3A_434, %dma_start3A_435] : memref<125000x8x64xf32, #tpu.memory_space<hbm>> -> memref<1x8x64xf32, #tpu.memory_space<hbm>>
      %dma_start3A_437 = tpu.memref_squeeze %dma_start3A_436 : memref<1x8x64xf32, #tpu.memory_space<hbm>> -> memref<8x64xf32, #tpu.memory_space<hbm>>
      tpu.enqueue_dma source(%dma_start3A_437 : memref<8x64xf32, #tpu.memory_space<hbm>>) target(%dma_start3A_433 : memref<8x64xf32, #tpu.memory_space<vmem>>) target_semaphore(%arg17 : memref<!tpu.dma_semaphore, #tpu.memory_space<semaphore_mem>>)
      %slice3A_438 = vector.extract_strided_slice %shift_right_logical3A_41 {offsets = [10], sizes = [1], strides = [1]} : vector<16xi32> to vector<1xi32>
      %squeeze3A_439 = vector.extract %slice3A_438[0] : i32 from vector<1xi32>
      %dma_start3A_440 = arith.constant 10 : i32
      %dma_start3A_441 = arith.constant 0 : i32
      %dma_start3A_442 = arith.constant 0 : i32
      %dma_start3A_443 = tpu.memref_slice %arg12[%dma_start3A_440, %dma_start3A_441, %dma_start3A_442] : memref<16x8x64xf32, #tpu.memory_space<vmem>> -> memref<1x8x64xf32, #tpu.memory_space<vmem>>
      %dma_start3A_444 = tpu.memref_squeeze %dma_start3A_443 : memref<1x8x64xf32, #tpu.memory_space<vmem>> -> memref<8x64xf32, #tpu.memory_space<vmem>>
      %dma_start3A_445 = arith.constant 0 : i32
      %dma_start3A_446 = arith.constant 0 : i32
      %dma_start3A_447 = tpu.memref_slice %arg5[%squeeze3A_439, %dma_start3A_445, %dma_start3A_446] : memref<125000x8x64xf32, #tpu.memory_space<hbm>> -> memref<1x8x64xf32, #tpu.memory_space<hbm>>
      %dma_start3A_448 = tpu.memref_squeeze %dma_start3A_447 : memref<1x8x64xf32, #tpu.memory_space<hbm>> -> memref<8x64xf32, #tpu.memory_space<hbm>>
      %dma_start3A_449 = arith.constant 0 : i32
      %dma_start3A_450 = arith.constant 0 : i32
      %dma_start3A_451 = tpu.memref_slice %arg12[%dma_start3A_440, %dma_start3A_449, %dma_start3A_450] : memref<16x8x64xf32, #tpu.memory_space<vmem>> -> memref<1x8x64xf32, #tpu.memory_space<vmem>>
      %dma_start3A_452 = tpu.memref_squeeze %dma_start3A_451 : memref<1x8x64xf32, #tpu.memory_space<vmem>> -> memref<8x64xf32, #tpu.memory_space<vmem>>
      %dma_start3A_453 = arith.constant 0 : i32
      %dma_start3A_454 = arith.constant 0 : i32
      %dma_start3A_455 = tpu.memref_slice %arg5[%squeeze3A_439, %dma_start3A_453, %dma_start3A_454] : memref<125000x8x64xf32, #tpu.memory_space<hbm>> -> memref<1x8x64xf32, #tpu.memory_space<hbm>>
      %dma_start3A_456 = tpu.memref_squeeze %dma_start3A_455 : memref<1x8x64xf32, #tpu.memory_space<hbm>> -> memref<8x64xf32, #tpu.memory_space<hbm>>
      tpu.enqueue_dma source(%dma_start3A_456 : memref<8x64xf32, #tpu.memory_space<hbm>>) target(%dma_start3A_452 : memref<8x64xf32, #tpu.memory_space<vmem>>) target_semaphore(%arg17 : memref<!tpu.dma_semaphore, #tpu.memory_space<semaphore_mem>>)
      %slice3A_457 = vector.extract_strided_slice %shift_right_logical3A_34 {offsets = [11], sizes = [1], strides = [1]} : vector<16xi32> to vector<1xi32>
      %squeeze3A_458 = vector.extract %slice3A_457[0] : i32 from vector<1xi32>
      %dma_start3A_459 = arith.constant 11 : i32
      %dma_start3A_460 = arith.constant 0 : i32
      %dma_start3A_461 = arith.constant 0 : i32
      %dma_start3A_462 = tpu.memref_slice %arg11[%dma_start3A_459, %dma_start3A_460, %dma_start3A_461] : memref<16x8x64xf32, #tpu.memory_space<vmem>> -> memref<1x8x64xf32, #tpu.memory_space<vmem>>
      %dma_start3A_463 = tpu.memref_squeeze %dma_start3A_462 : memref<1x8x64xf32, #tpu.memory_space<vmem>> -> memref<8x64xf32, #tpu.memory_space<vmem>>
      %dma_start3A_464 = arith.constant 0 : i32
      %dma_start3A_465 = arith.constant 0 : i32
      %dma_start3A_466 = tpu.memref_slice %arg4[%squeeze3A_458, %dma_start3A_464, %dma_start3A_465] : memref<125000x8x64xf32, #tpu.memory_space<hbm>> -> memref<1x8x64xf32, #tpu.memory_space<hbm>>
      %dma_start3A_467 = tpu.memref_squeeze %dma_start3A_466 : memref<1x8x64xf32, #tpu.memory_space<hbm>> -> memref<8x64xf32, #tpu.memory_space<hbm>>
      %dma_start3A_468 = arith.constant 0 : i32
      %dma_start3A_469 = arith.constant 0 : i32
      %dma_start3A_470 = tpu.memref_slice %arg11[%dma_start3A_459, %dma_start3A_468, %dma_start3A_469] : memref<16x8x64xf32, #tpu.memory_space<vmem>> -> memref<1x8x64xf32, #tpu.memory_space<vmem>>
      %dma_start3A_471 = tpu.memref_squeeze %dma_start3A_470 : memref<1x8x64xf32, #tpu.memory_space<vmem>> -> memref<8x64xf32, #tpu.memory_space<vmem>>
      %dma_start3A_472 = arith.constant 0 : i32
      %dma_start3A_473 = arith.constant 0 : i32
      %dma_start3A_474 = tpu.memref_slice %arg4[%squeeze3A_458, %dma_start3A_472, %dma_start3A_473] : memref<125000x8x64xf32, #tpu.memory_space<hbm>> -> memref<1x8x64xf32, #tpu.memory_space<hbm>>
      %dma_start3A_475 = tpu.memref_squeeze %dma_start3A_474 : memref<1x8x64xf32, #tpu.memory_space<hbm>> -> memref<8x64xf32, #tpu.memory_space<hbm>>
      tpu.enqueue_dma source(%dma_start3A_475 : memref<8x64xf32, #tpu.memory_space<hbm>>) target(%dma_start3A_471 : memref<8x64xf32, #tpu.memory_space<vmem>>) target_semaphore(%arg17 : memref<!tpu.dma_semaphore, #tpu.memory_space<semaphore_mem>>)
      %slice3A_476 = vector.extract_strided_slice %shift_right_logical3A_41 {offsets = [11], sizes = [1], strides = [1]} : vector<16xi32> to vector<1xi32>
      %squeeze3A_477 = vector.extract %slice3A_476[0] : i32 from vector<1xi32>
      %dma_start3A_478 = arith.constant 11 : i32
      %dma_start3A_479 = arith.constant 0 : i32
      %dma_start3A_480 = arith.constant 0 : i32
      %dma_start3A_481 = tpu.memref_slice %arg12[%dma_start3A_478, %dma_start3A_479, %dma_start3A_480] : memref<16x8x64xf32, #tpu.memory_space<vmem>> -> memref<1x8x64xf32, #tpu.memory_space<vmem>>
      %dma_start3A_482 = tpu.memref_squeeze %dma_start3A_481 : memref<1x8x64xf32, #tpu.memory_space<vmem>> -> memref<8x64xf32, #tpu.memory_space<vmem>>
      %dma_start3A_483 = arith.constant 0 : i32
      %dma_start3A_484 = arith.constant 0 : i32
      %dma_start3A_485 = tpu.memref_slice %arg5[%squeeze3A_477, %dma_start3A_483, %dma_start3A_484] : memref<125000x8x64xf32, #tpu.memory_space<hbm>> -> memref<1x8x64xf32, #tpu.memory_space<hbm>>
      %dma_start3A_486 = tpu.memref_squeeze %dma_start3A_485 : memref<1x8x64xf32, #tpu.memory_space<hbm>> -> memref<8x64xf32, #tpu.memory_space<hbm>>
      %dma_start3A_487 = arith.constant 0 : i32
      %dma_start3A_488 = arith.constant 0 : i32
      %dma_start3A_489 = tpu.memref_slice %arg12[%dma_start3A_478, %dma_start3A_487, %dma_start3A_488] : memref<16x8x64xf32, #tpu.memory_space<vmem>> -> memref<1x8x64xf32, #tpu.memory_space<vmem>>
      %dma_start3A_490 = tpu.memref_squeeze %dma_start3A_489 : memref<1x8x64xf32, #tpu.memory_space<vmem>> -> memref<8x64xf32, #tpu.memory_space<vmem>>
      %dma_start3A_491 = arith.constant 0 : i32
      %dma_start3A_492 = arith.constant 0 : i32
      %dma_start3A_493 = tpu.memref_slice %arg5[%squeeze3A_477, %dma_start3A_491, %dma_start3A_492] : memref<125000x8x64xf32, #tpu.memory_space<hbm>> -> memref<1x8x64xf32, #tpu.memory_space<hbm>>
      %dma_start3A_494 = tpu.memref_squeeze %dma_start3A_493 : memref<1x8x64xf32, #tpu.memory_space<hbm>> -> memref<8x64xf32, #tpu.memory_space<hbm>>
      tpu.enqueue_dma source(%dma_start3A_494 : memref<8x64xf32, #tpu.memory_space<hbm>>) target(%dma_start3A_490 : memref<8x64xf32, #tpu.memory_space<vmem>>) target_semaphore(%arg17 : memref<!tpu.dma_semaphore, #tpu.memory_space<semaphore_mem>>)
      %slice3A_495 = vector.extract_strided_slice %shift_right_logical3A_34 {offsets = [12], sizes = [1], strides = [1]} : vector<16xi32> to vector<1xi32>
      %squeeze3A_496 = vector.extract %slice3A_495[0] : i32 from vector<1xi32>
      %dma_start3A_497 = arith.constant 12 : i32
      %dma_start3A_498 = arith.constant 0 : i32
      %dma_start3A_499 = arith.constant 0 : i32
      %dma_start3A_500 = tpu.memref_slice %arg11[%dma_start3A_497, %dma_start3A_498, %dma_start3A_499] : memref<16x8x64xf32, #tpu.memory_space<vmem>> -> memref<1x8x64xf32, #tpu.memory_space<vmem>>
      %dma_start3A_501 = tpu.memref_squeeze %dma_start3A_500 : memref<1x8x64xf32, #tpu.memory_space<vmem>> -> memref<8x64xf32, #tpu.memory_space<vmem>>
      %dma_start3A_502 = arith.constant 0 : i32
      %dma_start3A_503 = arith.constant 0 : i32
      %dma_start3A_504 = tpu.memref_slice %arg4[%squeeze3A_496, %dma_start3A_502, %dma_start3A_503] : memref<125000x8x64xf32, #tpu.memory_space<hbm>> -> memref<1x8x64xf32, #tpu.memory_space<hbm>>
      %dma_start3A_505 = tpu.memref_squeeze %dma_start3A_504 : memref<1x8x64xf32, #tpu.memory_space<hbm>> -> memref<8x64xf32, #tpu.memory_space<hbm>>
      %dma_start3A_506 = arith.constant 0 : i32
      %dma_start3A_507 = arith.constant 0 : i32
      %dma_start3A_508 = tpu.memref_slice %arg11[%dma_start3A_497, %dma_start3A_506, %dma_start3A_507] : memref<16x8x64xf32, #tpu.memory_space<vmem>> -> memref<1x8x64xf32, #tpu.memory_space<vmem>>
      %dma_start3A_509 = tpu.memref_squeeze %dma_start3A_508 : memref<1x8x64xf32, #tpu.memory_space<vmem>> -> memref<8x64xf32, #tpu.memory_space<vmem>>
      %dma_start3A_510 = arith.constant 0 : i32
      %dma_start3A_511 = arith.constant 0 : i32
      %dma_start3A_512 = tpu.memref_slice %arg4[%squeeze3A_496, %dma_start3A_510, %dma_start3A_511] : memref<125000x8x64xf32, #tpu.memory_space<hbm>> -> memref<1x8x64xf32, #tpu.memory_space<hbm>>
      %dma_start3A_513 = tpu.memref_squeeze %dma_start3A_512 : memref<1x8x64xf32, #tpu.memory_space<hbm>> -> memref<8x64xf32, #tpu.memory_space<hbm>>
      tpu.enqueue_dma source(%dma_start3A_513 : memref<8x64xf32, #tpu.memory_space<hbm>>) target(%dma_start3A_509 : memref<8x64xf32, #tpu.memory_space<vmem>>) target_semaphore(%arg17 : memref<!tpu.dma_semaphore, #tpu.memory_space<semaphore_mem>>)
      %slice3A_514 = vector.extract_strided_slice %shift_right_logical3A_41 {offsets = [12], sizes = [1], strides = [1]} : vector<16xi32> to vector<1xi32>
      %squeeze3A_515 = vector.extract %slice3A_514[0] : i32 from vector<1xi32>
      %dma_start3A_516 = arith.constant 12 : i32
      %dma_start3A_517 = arith.constant 0 : i32
      %dma_start3A_518 = arith.constant 0 : i32
      %dma_start3A_519 = tpu.memref_slice %arg12[%dma_start3A_516, %dma_start3A_517, %dma_start3A_518] : memref<16x8x64xf32, #tpu.memory_space<vmem>> -> memref<1x8x64xf32, #tpu.memory_space<vmem>>
      %dma_start3A_520 = tpu.memref_squeeze %dma_start3A_519 : memref<1x8x64xf32, #tpu.memory_space<vmem>> -> memref<8x64xf32, #tpu.memory_space<vmem>>
      %dma_start3A_521 = arith.constant 0 : i32
      %dma_start3A_522 = arith.constant 0 : i32
      %dma_start3A_523 = tpu.memref_slice %arg5[%squeeze3A_515, %dma_start3A_521, %dma_start3A_522] : memref<125000x8x64xf32, #tpu.memory_space<hbm>> -> memref<1x8x64xf32, #tpu.memory_space<hbm>>
      %dma_start3A_524 = tpu.memref_squeeze %dma_start3A_523 : memref<1x8x64xf32, #tpu.memory_space<hbm>> -> memref<8x64xf32, #tpu.memory_space<hbm>>
      %dma_start3A_525 = arith.constant 0 : i32
      %dma_start3A_526 = arith.constant 0 : i32
      %dma_start3A_527 = tpu.memref_slice %arg12[%dma_start3A_516, %dma_start3A_525, %dma_start3A_526] : memref<16x8x64xf32, #tpu.memory_space<vmem>> -> memref<1x8x64xf32, #tpu.memory_space<vmem>>
      %dma_start3A_528 = tpu.memref_squeeze %dma_start3A_527 : memref<1x8x64xf32, #tpu.memory_space<vmem>> -> memref<8x64xf32, #tpu.memory_space<vmem>>
      %dma_start3A_529 = arith.constant 0 : i32
      %dma_start3A_530 = arith.constant 0 : i32
      %dma_start3A_531 = tpu.memref_slice %arg5[%squeeze3A_515, %dma_start3A_529, %dma_start3A_530] : memref<125000x8x64xf32, #tpu.memory_space<hbm>> -> memref<1x8x64xf32, #tpu.memory_space<hbm>>
      %dma_start3A_532 = tpu.memref_squeeze %dma_start3A_531 : memref<1x8x64xf32, #tpu.memory_space<hbm>> -> memref<8x64xf32, #tpu.memory_space<hbm>>
      tpu.enqueue_dma source(%dma_start3A_532 : memref<8x64xf32, #tpu.memory_space<hbm>>) target(%dma_start3A_528 : memref<8x64xf32, #tpu.memory_space<vmem>>) target_semaphore(%arg17 : memref<!tpu.dma_semaphore, #tpu.memory_space<semaphore_mem>>)
      %slice3A_533 = vector.extract_strided_slice %shift_right_logical3A_34 {offsets = [13], sizes = [1], strides = [1]} : vector<16xi32> to vector<1xi32>
      %squeeze3A_534 = vector.extract %slice3A_533[0] : i32 from vector<1xi32>
      %dma_start3A_535 = arith.constant 13 : i32
      %dma_start3A_536 = arith.constant 0 : i32
      %dma_start3A_537 = arith.constant 0 : i32
      %dma_start3A_538 = tpu.memref_slice %arg11[%dma_start3A_535, %dma_start3A_536, %dma_start3A_537] : memref<16x8x64xf32, #tpu.memory_space<vmem>> -> memref<1x8x64xf32, #tpu.memory_space<vmem>>
      %dma_start3A_539 = tpu.memref_squeeze %dma_start3A_538 : memref<1x8x64xf32, #tpu.memory_space<vmem>> -> memref<8x64xf32, #tpu.memory_space<vmem>>
      %dma_start3A_540 = arith.constant 0 : i32
      %dma_start3A_541 = arith.constant 0 : i32
      %dma_start3A_542 = tpu.memref_slice %arg4[%squeeze3A_534, %dma_start3A_540, %dma_start3A_541] : memref<125000x8x64xf32, #tpu.memory_space<hbm>> -> memref<1x8x64xf32, #tpu.memory_space<hbm>>
      %dma_start3A_543 = tpu.memref_squeeze %dma_start3A_542 : memref<1x8x64xf32, #tpu.memory_space<hbm>> -> memref<8x64xf32, #tpu.memory_space<hbm>>
      %dma_start3A_544 = arith.constant 0 : i32
      %dma_start3A_545 = arith.constant 0 : i32
      %dma_start3A_546 = tpu.memref_slice %arg11[%dma_start3A_535, %dma_start3A_544, %dma_start3A_545] : memref<16x8x64xf32, #tpu.memory_space<vmem>> -> memref<1x8x64xf32, #tpu.memory_space<vmem>>
      %dma_start3A_547 = tpu.memref_squeeze %dma_start3A_546 : memref<1x8x64xf32, #tpu.memory_space<vmem>> -> memref<8x64xf32, #tpu.memory_space<vmem>>
      %dma_start3A_548 = arith.constant 0 : i32
      %dma_start3A_549 = arith.constant 0 : i32
      %dma_start3A_550 = tpu.memref_slice %arg4[%squeeze3A_534, %dma_start3A_548, %dma_start3A_549] : memref<125000x8x64xf32, #tpu.memory_space<hbm>> -> memref<1x8x64xf32, #tpu.memory_space<hbm>>
      %dma_start3A_551 = tpu.memref_squeeze %dma_start3A_550 : memref<1x8x64xf32, #tpu.memory_space<hbm>> -> memref<8x64xf32, #tpu.memory_space<hbm>>
      tpu.enqueue_dma source(%dma_start3A_551 : memref<8x64xf32, #tpu.memory_space<hbm>>) target(%dma_start3A_547 : memref<8x64xf32, #tpu.memory_space<vmem>>) target_semaphore(%arg17 : memref<!tpu.dma_semaphore, #tpu.memory_space<semaphore_mem>>)
      %slice3A_552 = vector.extract_strided_slice %shift_right_logical3A_41 {offsets = [13], sizes = [1], strides = [1]} : vector<16xi32> to vector<1xi32>
      %squeeze3A_553 = vector.extract %slice3A_552[0] : i32 from vector<1xi32>
      %dma_start3A_554 = arith.constant 13 : i32
      %dma_start3A_555 = arith.constant 0 : i32
      %dma_start3A_556 = arith.constant 0 : i32
      %dma_start3A_557 = tpu.memref_slice %arg12[%dma_start3A_554, %dma_start3A_555, %dma_start3A_556] : memref<16x8x64xf32, #tpu.memory_space<vmem>> -> memref<1x8x64xf32, #tpu.memory_space<vmem>>
      %dma_start3A_558 = tpu.memref_squeeze %dma_start3A_557 : memref<1x8x64xf32, #tpu.memory_space<vmem>> -> memref<8x64xf32, #tpu.memory_space<vmem>>
      %dma_start3A_559 = arith.constant 0 : i32
      %dma_start3A_560 = arith.constant 0 : i32
      %dma_start3A_561 = tpu.memref_slice %arg5[%squeeze3A_553, %dma_start3A_559, %dma_start3A_560] : memref<125000x8x64xf32, #tpu.memory_space<hbm>> -> memref<1x8x64xf32, #tpu.memory_space<hbm>>
      %dma_start3A_562 = tpu.memref_squeeze %dma_start3A_561 : memref<1x8x64xf32, #tpu.memory_space<hbm>> -> memref<8x64xf32, #tpu.memory_space<hbm>>
      %dma_start3A_563 = arith.constant 0 : i32
      %dma_start3A_564 = arith.constant 0 : i32
      %dma_start3A_565 = tpu.memref_slice %arg12[%dma_start3A_554, %dma_start3A_563, %dma_start3A_564] : memref<16x8x64xf32, #tpu.memory_space<vmem>> -> memref<1x8x64xf32, #tpu.memory_space<vmem>>
      %dma_start3A_566 = tpu.memref_squeeze %dma_start3A_565 : memref<1x8x64xf32, #tpu.memory_space<vmem>> -> memref<8x64xf32, #tpu.memory_space<vmem>>
      %dma_start3A_567 = arith.constant 0 : i32
      %dma_start3A_568 = arith.constant 0 : i32
      %dma_start3A_569 = tpu.memref_slice %arg5[%squeeze3A_553, %dma_start3A_567, %dma_start3A_568] : memref<125000x8x64xf32, #tpu.memory_space<hbm>> -> memref<1x8x64xf32, #tpu.memory_space<hbm>>
      %dma_start3A_570 = tpu.memref_squeeze %dma_start3A_569 : memref<1x8x64xf32, #tpu.memory_space<hbm>> -> memref<8x64xf32, #tpu.memory_space<hbm>>
      tpu.enqueue_dma source(%dma_start3A_570 : memref<8x64xf32, #tpu.memory_space<hbm>>) target(%dma_start3A_566 : memref<8x64xf32, #tpu.memory_space<vmem>>) target_semaphore(%arg17 : memref<!tpu.dma_semaphore, #tpu.memory_space<semaphore_mem>>)
      %slice3A_571 = vector.extract_strided_slice %shift_right_logical3A_34 {offsets = [14], sizes = [1], strides = [1]} : vector<16xi32> to vector<1xi32>
      %squeeze3A_572 = vector.extract %slice3A_571[0] : i32 from vector<1xi32>
      %dma_start3A_573 = arith.constant 14 : i32
      %dma_start3A_574 = arith.constant 0 : i32
      %dma_start3A_575 = arith.constant 0 : i32
      %dma_start3A_576 = tpu.memref_slice %arg11[%dma_start3A_573, %dma_start3A_574, %dma_start3A_575] : memref<16x8x64xf32, #tpu.memory_space<vmem>> -> memref<1x8x64xf32, #tpu.memory_space<vmem>>
      %dma_start3A_577 = tpu.memref_squeeze %dma_start3A_576 : memref<1x8x64xf32, #tpu.memory_space<vmem>> -> memref<8x64xf32, #tpu.memory_space<vmem>>
      %dma_start3A_578 = arith.constant 0 : i32
      %dma_start3A_579 = arith.constant 0 : i32
      %dma_start3A_580 = tpu.memref_slice %arg4[%squeeze3A_572, %dma_start3A_578, %dma_start3A_579] : memref<125000x8x64xf32, #tpu.memory_space<hbm>> -> memref<1x8x64xf32, #tpu.memory_space<hbm>>
      %dma_start3A_581 = tpu.memref_squeeze %dma_start3A_580 : memref<1x8x64xf32, #tpu.memory_space<hbm>> -> memref<8x64xf32, #tpu.memory_space<hbm>>
      %dma_start3A_582 = arith.constant 0 : i32
      %dma_start3A_583 = arith.constant 0 : i32
      %dma_start3A_584 = tpu.memref_slice %arg11[%dma_start3A_573, %dma_start3A_582, %dma_start3A_583] : memref<16x8x64xf32, #tpu.memory_space<vmem>> -> memref<1x8x64xf32, #tpu.memory_space<vmem>>
      %dma_start3A_585 = tpu.memref_squeeze %dma_start3A_584 : memref<1x8x64xf32, #tpu.memory_space<vmem>> -> memref<8x64xf32, #tpu.memory_space<vmem>>
      %dma_start3A_586 = arith.constant 0 : i32
      %dma_start3A_587 = arith.constant 0 : i32
      %dma_start3A_588 = tpu.memref_slice %arg4[%squeeze3A_572, %dma_start3A_586, %dma_start3A_587] : memref<125000x8x64xf32, #tpu.memory_space<hbm>> -> memref<1x8x64xf32, #tpu.memory_space<hbm>>
      %dma_start3A_589 = tpu.memref_squeeze %dma_start3A_588 : memref<1x8x64xf32, #tpu.memory_space<hbm>> -> memref<8x64xf32, #tpu.memory_space<hbm>>
      tpu.enqueue_dma source(%dma_start3A_589 : memref<8x64xf32, #tpu.memory_space<hbm>>) target(%dma_start3A_585 : memref<8x64xf32, #tpu.memory_space<vmem>>) target_semaphore(%arg17 : memref<!tpu.dma_semaphore, #tpu.memory_space<semaphore_mem>>)
      %slice3A_590 = vector.extract_strided_slice %shift_right_logical3A_41 {offsets = [14], sizes = [1], strides = [1]} : vector<16xi32> to vector<1xi32>
      %squeeze3A_591 = vector.extract %slice3A_590[0] : i32 from vector<1xi32>
      %dma_start3A_592 = arith.constant 14 : i32
      %dma_start3A_593 = arith.constant 0 : i32
      %dma_start3A_594 = arith.constant 0 : i32
      %dma_start3A_595 = tpu.memref_slice %arg12[%dma_start3A_592, %dma_start3A_593, %dma_start3A_594] : memref<16x8x64xf32, #tpu.memory_space<vmem>> -> memref<1x8x64xf32, #tpu.memory_space<vmem>>
      %dma_start3A_596 = tpu.memref_squeeze %dma_start3A_595 : memref<1x8x64xf32, #tpu.memory_space<vmem>> -> memref<8x64xf32, #tpu.memory_space<vmem>>
      %dma_start3A_597 = arith.constant 0 : i32
      %dma_start3A_598 = arith.constant 0 : i32
      %dma_start3A_599 = tpu.memref_slice %arg5[%squeeze3A_591, %dma_start3A_597, %dma_start3A_598] : memref<125000x8x64xf32, #tpu.memory_space<hbm>> -> memref<1x8x64xf32, #tpu.memory_space<hbm>>
      %dma_start3A_600 = tpu.memref_squeeze %dma_start3A_599 : memref<1x8x64xf32, #tpu.memory_space<hbm>> -> memref<8x64xf32, #tpu.memory_space<hbm>>
      %dma_start3A_601 = arith.constant 0 : i32
      %dma_start3A_602 = arith.constant 0 : i32
      %dma_start3A_603 = tpu.memref_slice %arg12[%dma_start3A_592, %dma_start3A_601, %dma_start3A_602] : memref<16x8x64xf32, #tpu.memory_space<vmem>> -> memref<1x8x64xf32, #tpu.memory_space<vmem>>
      %dma_start3A_604 = tpu.memref_squeeze %dma_start3A_603 : memref<1x8x64xf32, #tpu.memory_space<vmem>> -> memref<8x64xf32, #tpu.memory_space<vmem>>
      %dma_start3A_605 = arith.constant 0 : i32
      %dma_start3A_606 = arith.constant 0 : i32
      %dma_start3A_607 = tpu.memref_slice %arg5[%squeeze3A_591, %dma_start3A_605, %dma_start3A_606] : memref<125000x8x64xf32, #tpu.memory_space<hbm>> -> memref<1x8x64xf32, #tpu.memory_space<hbm>>
      %dma_start3A_608 = tpu.memref_squeeze %dma_start3A_607 : memref<1x8x64xf32, #tpu.memory_space<hbm>> -> memref<8x64xf32, #tpu.memory_space<hbm>>
      tpu.enqueue_dma source(%dma_start3A_608 : memref<8x64xf32, #tpu.memory_space<hbm>>) target(%dma_start3A_604 : memref<8x64xf32, #tpu.memory_space<vmem>>) target_semaphore(%arg17 : memref<!tpu.dma_semaphore, #tpu.memory_space<semaphore_mem>>)
      %slice3A_609 = vector.extract_strided_slice %shift_right_logical3A_34 {offsets = [15], sizes = [1], strides = [1]} : vector<16xi32> to vector<1xi32>
      %squeeze3A_610 = vector.extract %slice3A_609[0] : i32 from vector<1xi32>
      %dma_start3A_611 = arith.constant 15 : i32
      %dma_start3A_612 = arith.constant 0 : i32
      %dma_start3A_613 = arith.constant 0 : i32
      %dma_start3A_614 = tpu.memref_slice %arg11[%dma_start3A_611, %dma_start3A_612, %dma_start3A_613] : memref<16x8x64xf32, #tpu.memory_space<vmem>> -> memref<1x8x64xf32, #tpu.memory_space<vmem>>
      %dma_start3A_615 = tpu.memref_squeeze %dma_start3A_614 : memref<1x8x64xf32, #tpu.memory_space<vmem>> -> memref<8x64xf32, #tpu.memory_space<vmem>>
      %dma_start3A_616 = arith.constant 0 : i32
      %dma_start3A_617 = arith.constant 0 : i32
      %dma_start3A_618 = tpu.memref_slice %arg4[%squeeze3A_610, %dma_start3A_616, %dma_start3A_617] : memref<125000x8x64xf32, #tpu.memory_space<hbm>> -> memref<1x8x64xf32, #tpu.memory_space<hbm>>
      %dma_start3A_619 = tpu.memref_squeeze %dma_start3A_618 : memref<1x8x64xf32, #tpu.memory_space<hbm>> -> memref<8x64xf32, #tpu.memory_space<hbm>>
      %dma_start3A_620 = arith.constant 0 : i32
      %dma_start3A_621 = arith.constant 0 : i32
      %dma_start3A_622 = tpu.memref_slice %arg11[%dma_start3A_611, %dma_start3A_620, %dma_start3A_621] : memref<16x8x64xf32, #tpu.memory_space<vmem>> -> memref<1x8x64xf32, #tpu.memory_space<vmem>>
      %dma_start3A_623 = tpu.memref_squeeze %dma_start3A_622 : memref<1x8x64xf32, #tpu.memory_space<vmem>> -> memref<8x64xf32, #tpu.memory_space<vmem>>
      %dma_start3A_624 = arith.constant 0 : i32
      %dma_start3A_625 = arith.constant 0 : i32
      %dma_start3A_626 = tpu.memref_slice %arg4[%squeeze3A_610, %dma_start3A_624, %dma_start3A_625] : memref<125000x8x64xf32, #tpu.memory_space<hbm>> -> memref<1x8x64xf32, #tpu.memory_space<hbm>>
      %dma_start3A_627 = tpu.memref_squeeze %dma_start3A_626 : memref<1x8x64xf32, #tpu.memory_space<hbm>> -> memref<8x64xf32, #tpu.memory_space<hbm>>
      tpu.enqueue_dma source(%dma_start3A_627 : memref<8x64xf32, #tpu.memory_space<hbm>>) target(%dma_start3A_623 : memref<8x64xf32, #tpu.memory_space<vmem>>) target_semaphore(%arg17 : memref<!tpu.dma_semaphore, #tpu.memory_space<semaphore_mem>>)
      %slice3A_628 = vector.extract_strided_slice %shift_right_logical3A_41 {offsets = [15], sizes = [1], strides = [1]} : vector<16xi32> to vector<1xi32>
      %squeeze3A_629 = vector.extract %slice3A_628[0] : i32 from vector<1xi32>
      %dma_start3A_630 = arith.constant 15 : i32
      %dma_start3A_631 = arith.constant 0 : i32
      %dma_start3A_632 = arith.constant 0 : i32
      %dma_start3A_633 = tpu.memref_slice %arg12[%dma_start3A_630, %dma_start3A_631, %dma_start3A_632] : memref<16x8x64xf32, #tpu.memory_space<vmem>> -> memref<1x8x64xf32, #tpu.memory_space<vmem>>
      %dma_start3A_634 = tpu.memref_squeeze %dma_start3A_633 : memref<1x8x64xf32, #tpu.memory_space<vmem>> -> memref<8x64xf32, #tpu.memory_space<vmem>>
      %dma_start3A_635 = arith.constant 0 : i32
      %dma_start3A_636 = arith.constant 0 : i32
      %dma_start3A_637 = tpu.memref_slice %arg5[%squeeze3A_629, %dma_start3A_635, %dma_start3A_636] : memref<125000x8x64xf32, #tpu.memory_space<hbm>> -> memref<1x8x64xf32, #tpu.memory_space<hbm>>
      %dma_start3A_638 = tpu.memref_squeeze %dma_start3A_637 : memref<1x8x64xf32, #tpu.memory_space<hbm>> -> memref<8x64xf32, #tpu.memory_space<hbm>>
      %dma_start3A_639 = arith.constant 0 : i32
      %dma_start3A_640 = arith.constant 0 : i32
      %dma_start3A_641 = tpu.memref_slice %arg12[%dma_start3A_630, %dma_start3A_639, %dma_start3A_640] : memref<16x8x64xf32, #tpu.memory_space<vmem>> -> memref<1x8x64xf32, #tpu.memory_space<vmem>>
      %dma_start3A_642 = tpu.memref_squeeze %dma_start3A_641 : memref<1x8x64xf32, #tpu.memory_space<vmem>> -> memref<8x64xf32, #tpu.memory_space<vmem>>
      %dma_start3A_643 = arith.constant 0 : i32
      %dma_start3A_644 = arith.constant 0 : i32
      %dma_start3A_645 = tpu.memref_slice %arg5[%squeeze3A_629, %dma_start3A_643, %dma_start3A_644] : memref<125000x8x64xf32, #tpu.memory_space<hbm>> -> memref<1x8x64xf32, #tpu.memory_space<hbm>>
      %dma_start3A_646 = tpu.memref_squeeze %dma_start3A_645 : memref<1x8x64xf32, #tpu.memory_space<hbm>> -> memref<8x64xf32, #tpu.memory_space<hbm>>
      tpu.enqueue_dma source(%dma_start3A_646 : memref<8x64xf32, #tpu.memory_space<hbm>>) target(%dma_start3A_642 : memref<8x64xf32, #tpu.memory_space<vmem>>) target_semaphore(%arg17 : memref<!tpu.dma_semaphore, #tpu.memory_space<semaphore_mem>>)
      %add3A_647 = arith.constant 0 : i32
      %add3A_648 = arith.addi %mul3A_29, %add3A_647 : i32
      %get3A_649 = arith.index_cast %add3A_648 : i32 to index
      %get3A_650 = tpu.vector_load %arg9[%get3A_649] {strides = array<i32>} : memref<512xi32, #tpu.memory_space<vmem>>, vector<16xi32>,
      %shift_right_logical3A_651 = arith.constant 3 : i32
      %shift_right_logical3A_652 = vector.broadcast %shift_right_logical3A_651 : i32 to vector<16xi32>
      %shift_right_logical3A_653 = arith.shrui %get3A_650, %shift_right_logical3A_652 : vector<16xi32>
      %add3A_654 = arith.constant 0 : i32
      %add3A_655 = arith.addi %mul3A_29, %add3A_654 : i32
      %get3A_656 = arith.index_cast %add3A_655 : i32 to index
      %get3A_657 = tpu.vector_load %arg10[%get3A_656] {strides = array<i32>} : memref<512xi32, #tpu.memory_space<vmem>>, vector<16xi32>,
      %shift_right_logical3A_658 = arith.constant 3 : i32
      %shift_right_logical3A_659 = vector.broadcast %shift_right_logical3A_658 : i32 to vector<16xi32>
      %shift_right_logical3A_660 = arith.shrui %get3A_657, %shift_right_logical3A_659 : vector<16xi32>
      %slice3A_661 = vector.extract_strided_slice %shift_right_logical3A_653 {offsets = [0], sizes = [1], strides = [1]} : vector<16xi32> to vector<1xi32>
      %squeeze3A_662 = vector.extract %slice3A_661[0] : i32 from vector<1xi32>
      %dma_start3A_663 = arith.constant 0 : i32
      %dma_start3A_664 = arith.constant 0 : i32
      %dma_start3A_665 = arith.constant 0 : i32
      %dma_start3A_666 = tpu.memref_slice %arg13[%dma_start3A_663, %dma_start3A_664, %dma_start3A_665] : memref<16x8x64xf32, #tpu.memory_space<vmem>> -> memref<1x8x64xf32, #tpu.memory_space<vmem>>
      %dma_start3A_667 = tpu.memref_squeeze %dma_start3A_666 : memref<1x8x64xf32, #tpu.memory_space<vmem>> -> memref<8x64xf32, #tpu.memory_space<vmem>>
      %dma_start3A_668 = arith.constant 0 : i32
      %dma_start3A_669 = arith.constant 0 : i32
      %dma_start3A_670 = tpu.memref_slice %arg4[%squeeze3A_662, %dma_start3A_668, %dma_start3A_669] : memref<125000x8x64xf32, #tpu.memory_space<hbm>> -> memref<1x8x64xf32, #tpu.memory_space<hbm>>
      %dma_start3A_671 = tpu.memref_squeeze %dma_start3A_670 : memref<1x8x64xf32, #tpu.memory_space<hbm>> -> memref<8x64xf32, #tpu.memory_space<hbm>>
      %dma_start3A_672 = arith.constant 0 : i32
      %dma_start3A_673 = arith.constant 0 : i32
      %dma_start3A_674 = tpu.memref_slice %arg13[%dma_start3A_663, %dma_start3A_672, %dma_start3A_673] : memref<16x8x64xf32, #tpu.memory_space<vmem>> -> memref<1x8x64xf32, #tpu.memory_space<vmem>>
      %dma_start3A_675 = tpu.memref_squeeze %dma_start3A_674 : memref<1x8x64xf32, #tpu.memory_space<vmem>> -> memref<8x64xf32, #tpu.memory_space<vmem>>
      %dma_start3A_676 = arith.constant 0 : i32
      %dma_start3A_677 = arith.constant 0 : i32
      %dma_start3A_678 = tpu.memref_slice %arg4[%squeeze3A_662, %dma_start3A_676, %dma_start3A_677] : memref<125000x8x64xf32, #tpu.memory_space<hbm>> -> memref<1x8x64xf32, #tpu.memory_space<hbm>>
      %dma_start3A_679 = tpu.memref_squeeze %dma_start3A_678 : memref<1x8x64xf32, #tpu.memory_space<hbm>> -> memref<8x64xf32, #tpu.memory_space<hbm>>
      tpu.enqueue_dma source(%dma_start3A_679 : memref<8x64xf32, #tpu.memory_space<hbm>>) target(%dma_start3A_675 : memref<8x64xf32, #tpu.memory_space<vmem>>) target_semaphore(%arg18 : memref<!tpu.dma_semaphore, #tpu.memory_space<semaphore_mem>>)
      %slice3A_680 = vector.extract_strided_slice %shift_right_logical3A_660 {offsets = [0], sizes = [1], strides = [1]} : vector<16xi32> to vector<1xi32>
      %squeeze3A_681 = vector.extract %slice3A_680[0] : i32 from vector<1xi32>
      %dma_start3A_682 = arith.constant 0 : i32
      %dma_start3A_683 = arith.constant 0 : i32
      %dma_start3A_684 = arith.constant 0 : i32
      %dma_start3A_685 = tpu.memref_slice %arg14[%dma_start3A_682, %dma_start3A_683, %dma_start3A_684] : memref<16x8x64xf32, #tpu.memory_space<vmem>> -> memref<1x8x64xf32, #tpu.memory_space<vmem>>
      %dma_start3A_686 = tpu.memref_squeeze %dma_start3A_685 : memref<1x8x64xf32, #tpu.memory_space<vmem>> -> memref<8x64xf32, #tpu.memory_space<vmem>>
      %dma_start3A_687 = arith.constant 0 : i32
      %dma_start3A_688 = arith.constant 0 : i32
      %dma_start3A_689 = tpu.memref_slice %arg5[%squeeze3A_681, %dma_start3A_687, %dma_start3A_688] : memref<125000x8x64xf32, #tpu.memory_space<hbm>> -> memref<1x8x64xf32, #tpu.memory_space<hbm>>
      %dma_start3A_690 = tpu.memref_squeeze %dma_start3A_689 : memref<1x8x64xf32, #tpu.memory_space<hbm>> -> memref<8x64xf32, #tpu.memory_space<hbm>>
      %dma_start3A_691 = arith.constant 0 : i32
      %dma_start3A_692 = arith.constant 0 : i32
      %dma_start3A_693 = tpu.memref_slice %arg14[%dma_start3A_682, %dma_start3A_691, %dma_start3A_692] : memref<16x8x64xf32, #tpu.memory_space<vmem>> -> memref<1x8x64xf32, #tpu.memory_space<vmem>>
      %dma_start3A_694 = tpu.memref_squeeze %dma_start3A_693 : memref<1x8x64xf32, #tpu.memory_space<vmem>> -> memref<8x64xf32, #tpu.memory_space<vmem>>
      %dma_start3A_695 = arith.constant 0 : i32
      %dma_start3A_696 = arith.constant 0 : i32
      %dma_start3A_697 = tpu.memref_slice %arg5[%squeeze3A_681, %dma_start3A_695, %dma_start3A_696] : memref<125000x8x64xf32, #tpu.memory_space<hbm>> -> memref<1x8x64xf32, #tpu.memory_space<hbm>>
      %dma_start3A_698 = tpu.memref_squeeze %dma_start3A_697 : memref<1x8x64xf32, #tpu.memory_space<hbm>> -> memref<8x64xf32, #tpu.memory_space<hbm>>
      tpu.enqueue_dma source(%dma_start3A_698 : memref<8x64xf32, #tpu.memory_space<hbm>>) target(%dma_start3A_694 : memref<8x64xf32, #tpu.memory_space<vmem>>) target_semaphore(%arg18 : memref<!tpu.dma_semaphore, #tpu.memory_space<semaphore_mem>>)
      %slice3A_699 = vector.extract_strided_slice %shift_right_logical3A_653 {offsets = [1], sizes = [1], strides = [1]} : vector<16xi32> to vector<1xi32>
      %squeeze3A_700 = vector.extract %slice3A_699[0] : i32 from vector<1xi32>
      %dma_start3A_701 = arith.constant 1 : i32
      %dma_start3A_702 = arith.constant 0 : i32
      %dma_start3A_703 = arith.constant 0 : i32
      %dma_start3A_704 = tpu.memref_slice %arg13[%dma_start3A_701, %dma_start3A_702, %dma_start3A_703] : memref<16x8x64xf32, #tpu.memory_space<vmem>> -> memref<1x8x64xf32, #tpu.memory_space<vmem>>
      %dma_start3A_705 = tpu.memref_squeeze %dma_start3A_704 : memref<1x8x64xf32, #tpu.memory_space<vmem>> -> memref<8x64xf32, #tpu.memory_space<vmem>>
      %dma_start3A_706 = arith.constant 0 : i32
      %dma_start3A_707 = arith.constant 0 : i32
      %dma_start3A_708 = tpu.memref_slice %arg4[%squeeze3A_700, %dma_start3A_706, %dma_start3A_707] : memref<125000x8x64xf32, #tpu.memory_space<hbm>> -> memref<1x8x64xf32, #tpu.memory_space<hbm>>
      %dma_start3A_709 = tpu.memref_squeeze %dma_start3A_708 : memref<1x8x64xf32, #tpu.memory_space<hbm>> -> memref<8x64xf32, #tpu.memory_space<hbm>>
      %dma_start3A_710 = arith.constant 0 : i32
      %dma_start3A_711 = arith.constant 0 : i32
      %dma_start3A_712 = tpu.memref_slice %arg13[%dma_start3A_701, %dma_start3A_710, %dma_start3A_711] : memref<16x8x64xf32, #tpu.memory_space<vmem>> -> memref<1x8x64xf32, #tpu.memory_space<vmem>>
      %dma_start3A_713 = tpu.memref_squeeze %dma_start3A_712 : memref<1x8x64xf32, #tpu.memory_space<vmem>> -> memref<8x64xf32, #tpu.memory_space<vmem>>
      %dma_start3A_714 = arith.constant 0 : i32
      %dma_start3A_715 = arith.constant 0 : i32
      %dma_start3A_716 = tpu.memref_slice %arg4[%squeeze3A_700, %dma_start3A_714, %dma_start3A_715] : memref<125000x8x64xf32, #tpu.memory_space<hbm>> -> memref<1x8x64xf32, #tpu.memory_space<hbm>>
      %dma_start3A_717 = tpu.memref_squeeze %dma_start3A_716 : memref<1x8x64xf32, #tpu.memory_space<hbm>> -> memref<8x64xf32, #tpu.memory_space<hbm>>
      tpu.enqueue_dma source(%dma_start3A_717 : memref<8x64xf32, #tpu.memory_space<hbm>>) target(%dma_start3A_713 : memref<8x64xf32, #tpu.memory_space<vmem>>) target_semaphore(%arg18 : memref<!tpu.dma_semaphore, #tpu.memory_space<semaphore_mem>>)
      %slice3A_718 = vector.extract_strided_slice %shift_right_logical3A_660 {offsets = [1], sizes = [1], strides = [1]} : vector<16xi32> to vector<1xi32>
      %squeeze3A_719 = vector.extract %slice3A_718[0] : i32 from vector<1xi32>
      %dma_start3A_720 = arith.constant 1 : i32
      %dma_start3A_721 = arith.constant 0 : i32
      %dma_start3A_722 = arith.constant 0 : i32
      %dma_start3A_723 = tpu.memref_slice %arg14[%dma_start3A_720, %dma_start3A_721, %dma_start3A_722] : memref<16x8x64xf32, #tpu.memory_space<vmem>> -> memref<1x8x64xf32, #tpu.memory_space<vmem>>
      %dma_start3A_724 = tpu.memref_squeeze %dma_start3A_723 : memref<1x8x64xf32, #tpu.memory_space<vmem>> -> memref<8x64xf32, #tpu.memory_space<vmem>>
      %dma_start3A_725 = arith.constant 0 : i32
      %dma_start3A_726 = arith.constant 0 : i32
      %dma_start3A_727 = tpu.memref_slice %arg5[%squeeze3A_719, %dma_start3A_725, %dma_start3A_726] : memref<125000x8x64xf32, #tpu.memory_space<hbm>> -> memref<1x8x64xf32, #tpu.memory_space<hbm>>
      %dma_start3A_728 = tpu.memref_squeeze %dma_start3A_727 : memref<1x8x64xf32, #tpu.memory_space<hbm>> -> memref<8x64xf32, #tpu.memory_space<hbm>>
      %dma_start3A_729 = arith.constant 0 : i32
      %dma_start3A_730 = arith.constant 0 : i32
      %dma_start3A_731 = tpu.memref_slice %arg14[%dma_start3A_720, %dma_start3A_729, %dma_start3A_730] : memref<16x8x64xf32, #tpu.memory_space<vmem>> -> memref<1x8x64xf32, #tpu.memory_space<vmem>>
      %dma_start3A_732 = tpu.memref_squeeze %dma_start3A_731 : memref<1x8x64xf32, #tpu.memory_space<vmem>> -> memref<8x64xf32, #tpu.memory_space<vmem>>
      %dma_start3A_733 = arith.constant 0 : i32
      %dma_start3A_734 = arith.constant 0 : i32
      %dma_start3A_735 = tpu.memref_slice %arg5[%squeeze3A_719, %dma_start3A_733, %dma_start3A_734] : memref<125000x8x64xf32, #tpu.memory_space<hbm>> -> memref<1x8x64xf32, #tpu.memory_space<hbm>>
      %dma_start3A_736 = tpu.memref_squeeze %dma_start3A_735 : memref<1x8x64xf32, #tpu.memory_space<hbm>> -> memref<8x64xf32, #tpu.memory_space<hbm>>
      tpu.enqueue_dma source(%dma_start3A_736 : memref<8x64xf32, #tpu.memory_space<hbm>>) target(%dma_start3A_732 : memref<8x64xf32, #tpu.memory_space<vmem>>) target_semaphore(%arg18 : memref<!tpu.dma_semaphore, #tpu.memory_space<semaphore_mem>>)
      %slice3A_737 = vector.extract_strided_slice %shift_right_logical3A_653 {offsets = [2], sizes = [1], strides = [1]} : vector<16xi32> to vector<1xi32>
      %squeeze3A_738 = vector.extract %slice3A_737[0] : i32 from vector<1xi32>
      %dma_start3A_739 = arith.constant 2 : i32
      %dma_start3A_740 = arith.constant 0 : i32
      %dma_start3A_741 = arith.constant 0 : i32
      %dma_start3A_742 = tpu.memref_slice %arg13[%dma_start3A_739, %dma_start3A_740, %dma_start3A_741] : memref<16x8x64xf32, #tpu.memory_space<vmem>> -> memref<1x8x64xf32, #tpu.memory_space<vmem>>
      %dma_start3A_743 = tpu.memref_squeeze %dma_start3A_742 : memref<1x8x64xf32, #tpu.memory_space<vmem>> -> memref<8x64xf32, #tpu.memory_space<vmem>>
      %dma_start3A_744 = arith.constant 0 : i32
      %dma_start3A_745 = arith.constant 0 : i32
      %dma_start3A_746 = tpu.memref_slice %arg4[%squeeze3A_738, %dma_start3A_744, %dma_start3A_745] : memref<125000x8x64xf32, #tpu.memory_space<hbm>> -> memref<1x8x64xf32, #tpu.memory_space<hbm>>
      %dma_start3A_747 = tpu.memref_squeeze %dma_start3A_746 : memref<1x8x64xf32, #tpu.memory_space<hbm>> -> memref<8x64xf32, #tpu.memory_space<hbm>>
      %dma_start3A_748 = arith.constant 0 : i32
      %dma_start3A_749 = arith.constant 0 : i32
      %dma_start3A_750 = tpu.memref_slice %arg13[%dma_start3A_739, %dma_start3A_748, %dma_start3A_749] : memref<16x8x64xf32, #tpu.memory_space<vmem>> -> memref<1x8x64xf32, #tpu.memory_space<vmem>>
      %dma_start3A_751 = tpu.memref_squeeze %dma_start3A_750 : memref<1x8x64xf32, #tpu.memory_space<vmem>> -> memref<8x64xf32, #tpu.memory_space<vmem>>
      %dma_start3A_752 = arith.constant 0 : i32
      %dma_start3A_753 = arith.constant 0 : i32
      %dma_start3A_754 = tpu.memref_slice %arg4[%squeeze3A_738, %dma_start3A_752, %dma_start3A_753] : memref<125000x8x64xf32, #tpu.memory_space<hbm>> -> memref<1x8x64xf32, #tpu.memory_space<hbm>>
      %dma_start3A_755 = tpu.memref_squeeze %dma_start3A_754 : memref<1x8x64xf32, #tpu.memory_space<hbm>> -> memref<8x64xf32, #tpu.memory_space<hbm>>
      tpu.enqueue_dma source(%dma_start3A_755 : memref<8x64xf32, #tpu.memory_space<hbm>>) target(%dma_start3A_751 : memref<8x64xf32, #tpu.memory_space<vmem>>) target_semaphore(%arg18 : memref<!tpu.dma_semaphore, #tpu.memory_space<semaphore_mem>>)
      %slice3A_756 = vector.extract_strided_slice %shift_right_logical3A_660 {offsets = [2], sizes = [1], strides = [1]} : vector<16xi32> to vector<1xi32>
      %squeeze3A_757 = vector.extract %slice3A_756[0] : i32 from vector<1xi32>
      %dma_start3A_758 = arith.constant 2 : i32
      %dma_start3A_759 = arith.constant 0 : i32
      %dma_start3A_760 = arith.constant 0 : i32
      %dma_start3A_761 = tpu.memref_slice %arg14[%dma_start3A_758, %dma_start3A_759, %dma_start3A_760] : memref<16x8x64xf32, #tpu.memory_space<vmem>> -> memref<1x8x64xf32, #tpu.memory_space<vmem>>
      %dma_start3A_762 = tpu.memref_squeeze %dma_start3A_761 : memref<1x8x64xf32, #tpu.memory_space<vmem>> -> memref<8x64xf32, #tpu.memory_space<vmem>>
      %dma_start3A_763 = arith.constant 0 : i32
      %dma_start3A_764 = arith.constant 0 : i32
      %dma_start3A_765 = tpu.memref_slice %arg5[%squeeze3A_757, %dma_start3A_763, %dma_start3A_764] : memref<125000x8x64xf32, #tpu.memory_space<hbm>> -> memref<1x8x64xf32, #tpu.memory_space<hbm>>
      %dma_start3A_766 = tpu.memref_squeeze %dma_start3A_765 : memref<1x8x64xf32, #tpu.memory_space<hbm>> -> memref<8x64xf32, #tpu.memory_space<hbm>>
      %dma_start3A_767 = arith.constant 0 : i32
      %dma_start3A_768 = arith.constant 0 : i32
      %dma_start3A_769 = tpu.memref_slice %arg14[%dma_start3A_758, %dma_start3A_767, %dma_start3A_768] : memref<16x8x64xf32, #tpu.memory_space<vmem>> -> memref<1x8x64xf32, #tpu.memory_space<vmem>>
      %dma_start3A_770 = tpu.memref_squeeze %dma_start3A_769 : memref<1x8x64xf32, #tpu.memory_space<vmem>> -> memref<8x64xf32, #tpu.memory_space<vmem>>
      %dma_start3A_771 = arith.constant 0 : i32
      %dma_start3A_772 = arith.constant 0 : i32
      %dma_start3A_773 = tpu.memref_slice %arg5[%squeeze3A_757, %dma_start3A_771, %dma_start3A_772] : memref<125000x8x64xf32, #tpu.memory_space<hbm>> -> memref<1x8x64xf32, #tpu.memory_space<hbm>>
      %dma_start3A_774 = tpu.memref_squeeze %dma_start3A_773 : memref<1x8x64xf32, #tpu.memory_space<hbm>> -> memref<8x64xf32, #tpu.memory_space<hbm>>
      tpu.enqueue_dma source(%dma_start3A_774 : memref<8x64xf32, #tpu.memory_space<hbm>>) target(%dma_start3A_770 : memref<8x64xf32, #tpu.memory_space<vmem>>) target_semaphore(%arg18 : memref<!tpu.dma_semaphore, #tpu.memory_space<semaphore_mem>>)
      %slice3A_775 = vector.extract_strided_slice %shift_right_logical3A_653 {offsets = [3], sizes = [1], strides = [1]} : vector<16xi32> to vector<1xi32>
      %squeeze3A_776 = vector.extract %slice3A_775[0] : i32 from vector<1xi32>
      %dma_start3A_777 = arith.constant 3 : i32
      %dma_start3A_778 = arith.constant 0 : i32
      %dma_start3A_779 = arith.constant 0 : i32
      %dma_start3A_780 = tpu.memref_slice %arg13[%dma_start3A_777, %dma_start3A_778, %dma_start3A_779] : memref<16x8x64xf32, #tpu.memory_space<vmem>> -> memref<1x8x64xf32, #tpu.memory_space<vmem>>
      %dma_start3A_781 = tpu.memref_squeeze %dma_start3A_780 : memref<1x8x64xf32, #tpu.memory_space<vmem>> -> memref<8x64xf32, #tpu.memory_space<vmem>>
      %dma_start3A_782 = arith.constant 0 : i32
      %dma_start3A_783 = arith.constant 0 : i32
      %dma_start3A_784 = tpu.memref_slice %arg4[%squeeze3A_776, %dma_start3A_782, %dma_start3A_783] : memref<125000x8x64xf32, #tpu.memory_space<hbm>> -> memref<1x8x64xf32, #tpu.memory_space<hbm>>
      %dma_start3A_785 = tpu.memref_squeeze %dma_start3A_784 : memref<1x8x64xf32, #tpu.memory_space<hbm>> -> memref<8x64xf32, #tpu.memory_space<hbm>>
      %dma_start3A_786 = arith.constant 0 : i32
      %dma_start3A_787 = arith.constant 0 : i32
      %dma_start3A_788 = tpu.memref_slice %arg13[%dma_start3A_777, %dma_start3A_786, %dma_start3A_787] : memref<16x8x64xf32, #tpu.memory_space<vmem>> -> memref<1x8x64xf32, #tpu.memory_space<vmem>>
      %dma_start3A_789 = tpu.memref_squeeze %dma_start3A_788 : memref<1x8x64xf32, #tpu.memory_space<vmem>> -> memref<8x64xf32, #tpu.memory_space<vmem>>
      %dma_start3A_790 = arith.constant 0 : i32
      %dma_start3A_791 = arith.constant 0 : i32
      %dma_start3A_792 = tpu.memref_slice %arg4[%squeeze3A_776, %dma_start3A_790, %dma_start3A_791] : memref<125000x8x64xf32, #tpu.memory_space<hbm>> -> memref<1x8x64xf32, #tpu.memory_space<hbm>>
      %dma_start3A_793 = tpu.memref_squeeze %dma_start3A_792 : memref<1x8x64xf32, #tpu.memory_space<hbm>> -> memref<8x64xf32, #tpu.memory_space<hbm>>
      tpu.enqueue_dma source(%dma_start3A_793 : memref<8x64xf32, #tpu.memory_space<hbm>>) target(%dma_start3A_789 : memref<8x64xf32, #tpu.memory_space<vmem>>) target_semaphore(%arg18 : memref<!tpu.dma_semaphore, #tpu.memory_space<semaphore_mem>>)
      %slice3A_794 = vector.extract_strided_slice %shift_right_logical3A_660 {offsets = [3], sizes = [1], strides = [1]} : vector<16xi32> to vector<1xi32>
      %squeeze3A_795 = vector.extract %slice3A_794[0] : i32 from vector<1xi32>
      %dma_start3A_796 = arith.constant 3 : i32
      %dma_start3A_797 = arith.constant 0 : i32
      %dma_start3A_798 = arith.constant 0 : i32
      %dma_start3A_799 = tpu.memref_slice %arg14[%dma_start3A_796, %dma_start3A_797, %dma_start3A_798] : memref<16x8x64xf32, #tpu.memory_space<vmem>> -> memref<1x8x64xf32, #tpu.memory_space<vmem>>
      %dma_start3A_800 = tpu.memref_squeeze %dma_start3A_799 : memref<1x8x64xf32, #tpu.memory_space<vmem>> -> memref<8x64xf32, #tpu.memory_space<vmem>>
      %dma_start3A_801 = arith.constant 0 : i32
      %dma_start3A_802 = arith.constant 0 : i32
      %dma_start3A_803 = tpu.memref_slice %arg5[%squeeze3A_795, %dma_start3A_801, %dma_start3A_802] : memref<125000x8x64xf32, #tpu.memory_space<hbm>> -> memref<1x8x64xf32, #tpu.memory_space<hbm>>
      %dma_start3A_804 = tpu.memref_squeeze %dma_start3A_803 : memref<1x8x64xf32, #tpu.memory_space<hbm>> -> memref<8x64xf32, #tpu.memory_space<hbm>>
      %dma_start3A_805 = arith.constant 0 : i32
      %dma_start3A_806 = arith.constant 0 : i32
      %dma_start3A_807 = tpu.memref_slice %arg14[%dma_start3A_796, %dma_start3A_805, %dma_start3A_806] : memref<16x8x64xf32, #tpu.memory_space<vmem>> -> memref<1x8x64xf32, #tpu.memory_space<vmem>>
      %dma_start3A_808 = tpu.memref_squeeze %dma_start3A_807 : memref<1x8x64xf32, #tpu.memory_space<vmem>> -> memref<8x64xf32, #tpu.memory_space<vmem>>
      %dma_start3A_809 = arith.constant 0 : i32
      %dma_start3A_810 = arith.constant 0 : i32
      %dma_start3A_811 = tpu.memref_slice %arg5[%squeeze3A_795, %dma_start3A_809, %dma_start3A_810] : memref<125000x8x64xf32, #tpu.memory_space<hbm>> -> memref<1x8x64xf32, #tpu.memory_space<hbm>>
      %dma_start3A_812 = tpu.memref_squeeze %dma_start3A_811 : memref<1x8x64xf32, #tpu.memory_space<hbm>> -> memref<8x64xf32, #tpu.memory_space<hbm>>
      tpu.enqueue_dma source(%dma_start3A_812 : memref<8x64xf32, #tpu.memory_space<hbm>>) target(%dma_start3A_808 : memref<8x64xf32, #tpu.memory_space<vmem>>) target_semaphore(%arg18 : memref<!tpu.dma_semaphore, #tpu.memory_space<semaphore_mem>>)
      %slice3A_813 = vector.extract_strided_slice %shift_right_logical3A_653 {offsets = [4], sizes = [1], strides = [1]} : vector<16xi32> to vector<1xi32>
      %squeeze3A_814 = vector.extract %slice3A_813[0] : i32 from vector<1xi32>
      %dma_start3A_815 = arith.constant 4 : i32
      %dma_start3A_816 = arith.constant 0 : i32
      %dma_start3A_817 = arith.constant 0 : i32
      %dma_start3A_818 = tpu.memref_slice %arg13[%dma_start3A_815, %dma_start3A_816, %dma_start3A_817] : memref<16x8x64xf32, #tpu.memory_space<vmem>> -> memref<1x8x64xf32, #tpu.memory_space<vmem>>
      %dma_start3A_819 = tpu.memref_squeeze %dma_start3A_818 : memref<1x8x64xf32, #tpu.memory_space<vmem>> -> memref<8x64xf32, #tpu.memory_space<vmem>>
      %dma_start3A_820 = arith.constant 0 : i32
      %dma_start3A_821 = arith.constant 0 : i32
      %dma_start3A_822 = tpu.memref_slice %arg4[%squeeze3A_814, %dma_start3A_820, %dma_start3A_821] : memref<125000x8x64xf32, #tpu.memory_space<hbm>> -> memref<1x8x64xf32, #tpu.memory_space<hbm>>
      %dma_start3A_823 = tpu.memref_squeeze %dma_start3A_822 : memref<1x8x64xf32, #tpu.memory_space<hbm>> -> memref<8x64xf32, #tpu.memory_space<hbm>>
      %dma_start3A_824 = arith.constant 0 : i32
      %dma_start3A_825 = arith.constant 0 : i32
      %dma_start3A_826 = tpu.memref_slice %arg13[%dma_start3A_815, %dma_start3A_824, %dma_start3A_825] : memref<16x8x64xf32, #tpu.memory_space<vmem>> -> memref<1x8x64xf32, #tpu.memory_space<vmem>>
      %dma_start3A_827 = tpu.memref_squeeze %dma_start3A_826 : memref<1x8x64xf32, #tpu.memory_space<vmem>> -> memref<8x64xf32, #tpu.memory_space<vmem>>
      %dma_start3A_828 = arith.constant 0 : i32
      %dma_start3A_829 = arith.constant 0 : i32
      %dma_start3A_830 = tpu.memref_slice %arg4[%squeeze3A_814, %dma_start3A_828, %dma_start3A_829] : memref<125000x8x64xf32, #tpu.memory_space<hbm>> -> memref<1x8x64xf32, #tpu.memory_space<hbm>>
      %dma_start3A_831 = tpu.memref_squeeze %dma_start3A_830 : memref<1x8x64xf32, #tpu.memory_space<hbm>> -> memref<8x64xf32, #tpu.memory_space<hbm>>
      tpu.enqueue_dma source(%dma_start3A_831 : memref<8x64xf32, #tpu.memory_space<hbm>>) target(%dma_start3A_827 : memref<8x64xf32, #tpu.memory_space<vmem>>) target_semaphore(%arg18 : memref<!tpu.dma_semaphore, #tpu.memory_space<semaphore_mem>>)
      %slice3A_832 = vector.extract_strided_slice %shift_right_logical3A_660 {offsets = [4], sizes = [1], strides = [1]} : vector<16xi32> to vector<1xi32>
      %squeeze3A_833 = vector.extract %slice3A_832[0] : i32 from vector<1xi32>
      %dma_start3A_834 = arith.constant 4 : i32
      %dma_start3A_835 = arith.constant 0 : i32
      %dma_start3A_836 = arith.constant 0 : i32
      %dma_start3A_837 = tpu.memref_slice %arg14[%dma_start3A_834, %dma_start3A_835, %dma_start3A_836] : memref<16x8x64xf32, #tpu.memory_space<vmem>> -> memref<1x8x64xf32, #tpu.memory_space<vmem>>
      %dma_start3A_838 = tpu.memref_squeeze %dma_start3A_837 : memref<1x8x64xf32, #tpu.memory_space<vmem>> -> memref<8x64xf32, #tpu.memory_space<vmem>>
      %dma_start3A_839 = arith.constant 0 : i32
      %dma_start3A_840 = arith.constant 0 : i32
      %dma_start3A_841 = tpu.memref_slice %arg5[%squeeze3A_833, %dma_start3A_839, %dma_start3A_840] : memref<125000x8x64xf32, #tpu.memory_space<hbm>> -> memref<1x8x64xf32, #tpu.memory_space<hbm>>
      %dma_start3A_842 = tpu.memref_squeeze %dma_start3A_841 : memref<1x8x64xf32, #tpu.memory_space<hbm>> -> memref<8x64xf32, #tpu.memory_space<hbm>>
      %dma_start3A_843 = arith.constant 0 : i32
      %dma_start3A_844 = arith.constant 0 : i32
      %dma_start3A_845 = tpu.memref_slice %arg14[%dma_start3A_834, %dma_start3A_843, %dma_start3A_844] : memref<16x8x64xf32, #tpu.memory_space<vmem>> -> memref<1x8x64xf32, #tpu.memory_space<vmem>>
      %dma_start3A_846 = tpu.memref_squeeze %dma_start3A_845 : memref<1x8x64xf32, #tpu.memory_space<vmem>> -> memref<8x64xf32, #tpu.memory_space<vmem>>
      %dma_start3A_847 = arith.constant 0 : i32
      %dma_start3A_848 = arith.constant 0 : i32
      %dma_start3A_849 = tpu.memref_slice %arg5[%squeeze3A_833, %dma_start3A_847, %dma_start3A_848] : memref<125000x8x64xf32, #tpu.memory_space<hbm>> -> memref<1x8x64xf32, #tpu.memory_space<hbm>>
      %dma_start3A_850 = tpu.memref_squeeze %dma_start3A_849 : memref<1x8x64xf32, #tpu.memory_space<hbm>> -> memref<8x64xf32, #tpu.memory_space<hbm>>
      tpu.enqueue_dma source(%dma_start3A_850 : memref<8x64xf32, #tpu.memory_space<hbm>>) target(%dma_start3A_846 : memref<8x64xf32, #tpu.memory_space<vmem>>) target_semaphore(%arg18 : memref<!tpu.dma_semaphore, #tpu.memory_space<semaphore_mem>>)
      %slice3A_851 = vector.extract_strided_slice %shift_right_logical3A_653 {offsets = [5], sizes = [1], strides = [1]} : vector<16xi32> to vector<1xi32>
      %squeeze3A_852 = vector.extract %slice3A_851[0] : i32 from vector<1xi32>
      %dma_start3A_853 = arith.constant 5 : i32
      %dma_start3A_854 = arith.constant 0 : i32
      %dma_start3A_855 = arith.constant 0 : i32
      %dma_start3A_856 = tpu.memref_slice %arg13[%dma_start3A_853, %dma_start3A_854, %dma_start3A_855] : memref<16x8x64xf32, #tpu.memory_space<vmem>> -> memref<1x8x64xf32, #tpu.memory_space<vmem>>
      %dma_start3A_857 = tpu.memref_squeeze %dma_start3A_856 : memref<1x8x64xf32, #tpu.memory_space<vmem>> -> memref<8x64xf32, #tpu.memory_space<vmem>>
      %dma_start3A_858 = arith.constant 0 : i32
      %dma_start3A_859 = arith.constant 0 : i32
      %dma_start3A_860 = tpu.memref_slice %arg4[%squeeze3A_852, %dma_start3A_858, %dma_start3A_859] : memref<125000x8x64xf32, #tpu.memory_space<hbm>> -> memref<1x8x64xf32, #tpu.memory_space<hbm>>
      %dma_start3A_861 = tpu.memref_squeeze %dma_start3A_860 : memref<1x8x64xf32, #tpu.memory_space<hbm>> -> memref<8x64xf32, #tpu.memory_space<hbm>>
      %dma_start3A_862 = arith.constant 0 : i32
      %dma_start3A_863 = arith.constant 0 : i32
      %dma_start3A_864 = tpu.memref_slice %arg13[%dma_start3A_853, %dma_start3A_862, %dma_start3A_863] : memref<16x8x64xf32, #tpu.memory_space<vmem>> -> memref<1x8x64xf32, #tpu.memory_space<vmem>>
      %dma_start3A_865 = tpu.memref_squeeze %dma_start3A_864 : memref<1x8x64xf32, #tpu.memory_space<vmem>> -> memref<8x64xf32, #tpu.memory_space<vmem>>
      %dma_start3A_866 = arith.constant 0 : i32
      %dma_start3A_867 = arith.constant 0 : i32
      %dma_start3A_868 = tpu.memref_slice %arg4[%squeeze3A_852, %dma_start3A_866, %dma_start3A_867] : memref<125000x8x64xf32, #tpu.memory_space<hbm>> -> memref<1x8x64xf32, #tpu.memory_space<hbm>>
      %dma_start3A_869 = tpu.memref_squeeze %dma_start3A_868 : memref<1x8x64xf32, #tpu.memory_space<hbm>> -> memref<8x64xf32, #tpu.memory_space<hbm>>
      tpu.enqueue_dma source(%dma_start3A_869 : memref<8x64xf32, #tpu.memory_space<hbm>>) target(%dma_start3A_865 : memref<8x64xf32, #tpu.memory_space<vmem>>) target_semaphore(%arg18 : memref<!tpu.dma_semaphore, #tpu.memory_space<semaphore_mem>>)
      %slice3A_870 = vector.extract_strided_slice %shift_right_logical3A_660 {offsets = [5], sizes = [1], strides = [1]} : vector<16xi32> to vector<1xi32>
      %squeeze3A_871 = vector.extract %slice3A_870[0] : i32 from vector<1xi32>
      %dma_start3A_872 = arith.constant 5 : i32
      %dma_start3A_873 = arith.constant 0 : i32
      %dma_start3A_874 = arith.constant 0 : i32
      %dma_start3A_875 = tpu.memref_slice %arg14[%dma_start3A_872, %dma_start3A_873, %dma_start3A_874] : memref<16x8x64xf32, #tpu.memory_space<vmem>> -> memref<1x8x64xf32, #tpu.memory_space<vmem>>
      %dma_start3A_876 = tpu.memref_squeeze %dma_start3A_875 : memref<1x8x64xf32, #tpu.memory_space<vmem>> -> memref<8x64xf32, #tpu.memory_space<vmem>>
      %dma_start3A_877 = arith.constant 0 : i32
      %dma_start3A_878 = arith.constant 0 : i32
      %dma_start3A_879 = tpu.memref_slice %arg5[%squeeze3A_871, %dma_start3A_877, %dma_start3A_878] : memref<125000x8x64xf32, #tpu.memory_space<hbm>> -> memref<1x8x64xf32, #tpu.memory_space<hbm>>
      %dma_start3A_880 = tpu.memref_squeeze %dma_start3A_879 : memref<1x8x64xf32, #tpu.memory_space<hbm>> -> memref<8x64xf32, #tpu.memory_space<hbm>>
      %dma_start3A_881 = arith.constant 0 : i32
      %dma_start3A_882 = arith.constant 0 : i32
      %dma_start3A_883 = tpu.memref_slice %arg14[%dma_start3A_872, %dma_start3A_881, %dma_start3A_882] : memref<16x8x64xf32, #tpu.memory_space<vmem>> -> memref<1x8x64xf32, #tpu.memory_space<vmem>>
      %dma_start3A_884 = tpu.memref_squeeze %dma_start3A_883 : memref<1x8x64xf32, #tpu.memory_space<vmem>> -> memref<8x64xf32, #tpu.memory_space<vmem>>
      %dma_start3A_885 = arith.constant 0 : i32
      %dma_start3A_886 = arith.constant 0 : i32
      %dma_start3A_887 = tpu.memref_slice %arg5[%squeeze3A_871, %dma_start3A_885, %dma_start3A_886] : memref<125000x8x64xf32, #tpu.memory_space<hbm>> -> memref<1x8x64xf32, #tpu.memory_space<hbm>>
      %dma_start3A_888 = tpu.memref_squeeze %dma_start3A_887 : memref<1x8x64xf32, #tpu.memory_space<hbm>> -> memref<8x64xf32, #tpu.memory_space<hbm>>
      tpu.enqueue_dma source(%dma_start3A_888 : memref<8x64xf32, #tpu.memory_space<hbm>>) target(%dma_start3A_884 : memref<8x64xf32, #tpu.memory_space<vmem>>) target_semaphore(%arg18 : memref<!tpu.dma_semaphore, #tpu.memory_space<semaphore_mem>>)
      %slice3A_889 = vector.extract_strided_slice %shift_right_logical3A_653 {offsets = [6], sizes = [1], strides = [1]} : vector<16xi32> to vector<1xi32>
      %squeeze3A_890 = vector.extract %slice3A_889[0] : i32 from vector<1xi32>
      %dma_start3A_891 = arith.constant 6 : i32
      %dma_start3A_892 = arith.constant 0 : i32
      %dma_start3A_893 = arith.constant 0 : i32
      %dma_start3A_894 = tpu.memref_slice %arg13[%dma_start3A_891, %dma_start3A_892, %dma_start3A_893] : memref<16x8x64xf32, #tpu.memory_space<vmem>> -> memref<1x8x64xf32, #tpu.memory_space<vmem>>
      %dma_start3A_895 = tpu.memref_squeeze %dma_start3A_894 : memref<1x8x64xf32, #tpu.memory_space<vmem>> -> memref<8x64xf32, #tpu.memory_space<vmem>>
      %dma_start3A_896 = arith.constant 0 : i32
      %dma_start3A_897 = arith.constant 0 : i32
      %dma_start3A_898 = tpu.memref_slice %arg4[%squeeze3A_890, %dma_start3A_896, %dma_start3A_897] : memref<125000x8x64xf32, #tpu.memory_space<hbm>> -> memref<1x8x64xf32, #tpu.memory_space<hbm>>
      %dma_start3A_899 = tpu.memref_squeeze %dma_start3A_898 : memref<1x8x64xf32, #tpu.memory_space<hbm>> -> memref<8x64xf32, #tpu.memory_space<hbm>>
      %dma_start3A_900 = arith.constant 0 : i32
      %dma_start3A_901 = arith.constant 0 : i32
      %dma_start3A_902 = tpu.memref_slice %arg13[%dma_start3A_891, %dma_start3A_900, %dma_start3A_901] : memref<16x8x64xf32, #tpu.memory_space<vmem>> -> memref<1x8x64xf32, #tpu.memory_space<vmem>>
      %dma_start3A_903 = tpu.memref_squeeze %dma_start3A_902 : memref<1x8x64xf32, #tpu.memory_space<vmem>> -> memref<8x64xf32, #tpu.memory_space<vmem>>
      %dma_start3A_904 = arith.constant 0 : i32
      %dma_start3A_905 = arith.constant 0 : i32
      %dma_start3A_906 = tpu.memref_slice %arg4[%squeeze3A_890, %dma_start3A_904, %dma_start3A_905] : memref<125000x8x64xf32, #tpu.memory_space<hbm>> -> memref<1x8x64xf32, #tpu.memory_space<hbm>>
      %dma_start3A_907 = tpu.memref_squeeze %dma_start3A_906 : memref<1x8x64xf32, #tpu.memory_space<hbm>> -> memref<8x64xf32, #tpu.memory_space<hbm>>
      tpu.enqueue_dma source(%dma_start3A_907 : memref<8x64xf32, #tpu.memory_space<hbm>>) target(%dma_start3A_903 : memref<8x64xf32, #tpu.memory_space<vmem>>) target_semaphore(%arg18 : memref<!tpu.dma_semaphore, #tpu.memory_space<semaphore_mem>>)
      %slice3A_908 = vector.extract_strided_slice %shift_right_logical3A_660 {offsets = [6], sizes = [1], strides = [1]} : vector<16xi32> to vector<1xi32>
      %squeeze3A_909 = vector.extract %slice3A_908[0] : i32 from vector<1xi32>
      %dma_start3A_910 = arith.constant 6 : i32
      %dma_start3A_911 = arith.constant 0 : i32
      %dma_start3A_912 = arith.constant 0 : i32
      %dma_start3A_913 = tpu.memref_slice %arg14[%dma_start3A_910, %dma_start3A_911, %dma_start3A_912] : memref<16x8x64xf32, #tpu.memory_space<vmem>> -> memref<1x8x64xf32, #tpu.memory_space<vmem>>
      %dma_start3A_914 = tpu.memref_squeeze %dma_start3A_913 : memref<1x8x64xf32, #tpu.memory_space<vmem>> -> memref<8x64xf32, #tpu.memory_space<vmem>>
      %dma_start3A_915 = arith.constant 0 : i32
      %dma_start3A_916 = arith.constant 0 : i32
      %dma_start3A_917 = tpu.memref_slice %arg5[%squeeze3A_909, %dma_start3A_915, %dma_start3A_916] : memref<125000x8x64xf32, #tpu.memory_space<hbm>> -> memref<1x8x64xf32, #tpu.memory_space<hbm>>
      %dma_start3A_918 = tpu.memref_squeeze %dma_start3A_917 : memref<1x8x64xf32, #tpu.memory_space<hbm>> -> memref<8x64xf32, #tpu.memory_space<hbm>>
      %dma_start3A_919 = arith.constant 0 : i32
      %dma_start3A_920 = arith.constant 0 : i32
      %dma_start3A_921 = tpu.memref_slice %arg14[%dma_start3A_910, %dma_start3A_919, %dma_start3A_920] : memref<16x8x64xf32, #tpu.memory_space<vmem>> -> memref<1x8x64xf32, #tpu.memory_space<vmem>>
      %dma_start3A_922 = tpu.memref_squeeze %dma_start3A_921 : memref<1x8x64xf32, #tpu.memory_space<vmem>> -> memref<8x64xf32, #tpu.memory_space<vmem>>
      %dma_start3A_923 = arith.constant 0 : i32
      %dma_start3A_924 = arith.constant 0 : i32
      %dma_start3A_925 = tpu.memref_slice %arg5[%squeeze3A_909, %dma_start3A_923, %dma_start3A_924] : memref<125000x8x64xf32, #tpu.memory_space<hbm>> -> memref<1x8x64xf32, #tpu.memory_space<hbm>>
      %dma_start3A_926 = tpu.memref_squeeze %dma_start3A_925 : memref<1x8x64xf32, #tpu.memory_space<hbm>> -> memref<8x64xf32, #tpu.memory_space<hbm>>
      tpu.enqueue_dma source(%dma_start3A_926 : memref<8x64xf32, #tpu.memory_space<hbm>>) target(%dma_start3A_922 : memref<8x64xf32, #tpu.memory_space<vmem>>) target_semaphore(%arg18 : memref<!tpu.dma_semaphore, #tpu.memory_space<semaphore_mem>>)
      %slice3A_927 = vector.extract_strided_slice %shift_right_logical3A_653 {offsets = [7], sizes = [1], strides = [1]} : vector<16xi32> to vector<1xi32>
      %squeeze3A_928 = vector.extract %slice3A_927[0] : i32 from vector<1xi32>
      %dma_start3A_929 = arith.constant 7 : i32
      %dma_start3A_930 = arith.constant 0 : i32
      %dma_start3A_931 = arith.constant 0 : i32
      %dma_start3A_932 = tpu.memref_slice %arg13[%dma_start3A_929, %dma_start3A_930, %dma_start3A_931] : memref<16x8x64xf32, #tpu.memory_space<vmem>> -> memref<1x8x64xf32, #tpu.memory_space<vmem>>
      %dma_start3A_933 = tpu.memref_squeeze %dma_start3A_932 : memref<1x8x64xf32, #tpu.memory_space<vmem>> -> memref<8x64xf32, #tpu.memory_space<vmem>>
      %dma_start3A_934 = arith.constant 0 : i32
      %dma_start3A_935 = arith.constant 0 : i32
      %dma_start3A_936 = tpu.memref_slice %arg4[%squeeze3A_928, %dma_start3A_934, %dma_start3A_935] : memref<125000x8x64xf32, #tpu.memory_space<hbm>> -> memref<1x8x64xf32, #tpu.memory_space<hbm>>
      %dma_start3A_937 = tpu.memref_squeeze %dma_start3A_936 : memref<1x8x64xf32, #tpu.memory_space<hbm>> -> memref<8x64xf32, #tpu.memory_space<hbm>>
      %dma_start3A_938 = arith.constant 0 : i32
      %dma_start3A_939 = arith.constant 0 : i32
      %dma_start3A_940 = tpu.memref_slice %arg13[%dma_start3A_929, %dma_start3A_938, %dma_start3A_939] : memref<16x8x64xf32, #tpu.memory_space<vmem>> -> memref<1x8x64xf32, #tpu.memory_space<vmem>>
      %dma_start3A_941 = tpu.memref_squeeze %dma_start3A_940 : memref<1x8x64xf32, #tpu.memory_space<vmem>> -> memref<8x64xf32, #tpu.memory_space<vmem>>
      %dma_start3A_942 = arith.constant 0 : i32
      %dma_start3A_943 = arith.constant 0 : i32
      %dma_start3A_944 = tpu.memref_slice %arg4[%squeeze3A_928, %dma_start3A_942, %dma_start3A_943] : memref<125000x8x64xf32, #tpu.memory_space<hbm>> -> memref<1x8x64xf32, #tpu.memory_space<hbm>>
      %dma_start3A_945 = tpu.memref_squeeze %dma_start3A_944 : memref<1x8x64xf32, #tpu.memory_space<hbm>> -> memref<8x64xf32, #tpu.memory_space<hbm>>
      tpu.enqueue_dma source(%dma_start3A_945 : memref<8x64xf32, #tpu.memory_space<hbm>>) target(%dma_start3A_941 : memref<8x64xf32, #tpu.memory_space<vmem>>) target_semaphore(%arg18 : memref<!tpu.dma_semaphore, #tpu.memory_space<semaphore_mem>>)
      %slice3A_946 = vector.extract_strided_slice %shift_right_logical3A_660 {offsets = [7], sizes = [1], strides = [1]} : vector<16xi32> to vector<1xi32>
      %squeeze3A_947 = vector.extract %slice3A_946[0] : i32 from vector<1xi32>
      %dma_start3A_948 = arith.constant 7 : i32
      %dma_start3A_949 = arith.constant 0 : i32
      %dma_start3A_950 = arith.constant 0 : i32
      %dma_start3A_951 = tpu.memref_slice %arg14[%dma_start3A_948, %dma_start3A_949, %dma_start3A_950] : memref<16x8x64xf32, #tpu.memory_space<vmem>> -> memref<1x8x64xf32, #tpu.memory_space<vmem>>
      %dma_start3A_952 = tpu.memref_squeeze %dma_start3A_951 : memref<1x8x64xf32, #tpu.memory_space<vmem>> -> memref<8x64xf32, #tpu.memory_space<vmem>>
      %dma_start3A_953 = arith.constant 0 : i32
      %dma_start3A_954 = arith.constant 0 : i32
      %dma_start3A_955 = tpu.memref_slice %arg5[%squeeze3A_947, %dma_start3A_953, %dma_start3A_954] : memref<125000x8x64xf32, #tpu.memory_space<hbm>> -> memref<1x8x64xf32, #tpu.memory_space<hbm>>
      %dma_start3A_956 = tpu.memref_squeeze %dma_start3A_955 : memref<1x8x64xf32, #tpu.memory_space<hbm>> -> memref<8x64xf32, #tpu.memory_space<hbm>>
      %dma_start3A_957 = arith.constant 0 : i32
      %dma_start3A_958 = arith.constant 0 : i32
      %dma_start3A_959 = tpu.memref_slice %arg14[%dma_start3A_948, %dma_start3A_957, %dma_start3A_958] : memref<16x8x64xf32, #tpu.memory_space<vmem>> -> memref<1x8x64xf32, #tpu.memory_space<vmem>>
      %dma_start3A_960 = tpu.memref_squeeze %dma_start3A_959 : memref<1x8x64xf32, #tpu.memory_space<vmem>> -> memref<8x64xf32, #tpu.memory_space<vmem>>
      %dma_start3A_961 = arith.constant 0 : i32
      %dma_start3A_962 = arith.constant 0 : i32
      %dma_start3A_963 = tpu.memref_slice %arg5[%squeeze3A_947, %dma_start3A_961, %dma_start3A_962] : memref<125000x8x64xf32, #tpu.memory_space<hbm>> -> memref<1x8x64xf32, #tpu.memory_space<hbm>>
      %dma_start3A_964 = tpu.memref_squeeze %dma_start3A_963 : memref<1x8x64xf32, #tpu.memory_space<hbm>> -> memref<8x64xf32, #tpu.memory_space<hbm>>
      tpu.enqueue_dma source(%dma_start3A_964 : memref<8x64xf32, #tpu.memory_space<hbm>>) target(%dma_start3A_960 : memref<8x64xf32, #tpu.memory_space<vmem>>) target_semaphore(%arg18 : memref<!tpu.dma_semaphore, #tpu.memory_space<semaphore_mem>>)
      %slice3A_965 = vector.extract_strided_slice %shift_right_logical3A_653 {offsets = [8], sizes = [1], strides = [1]} : vector<16xi32> to vector<1xi32>
      %squeeze3A_966 = vector.extract %slice3A_965[0] : i32 from vector<1xi32>
      %dma_start3A_967 = arith.constant 8 : i32
      %dma_start3A_968 = arith.constant 0 : i32
      %dma_start3A_969 = arith.constant 0 : i32
      %dma_start3A_970 = tpu.memref_slice %arg13[%dma_start3A_967, %dma_start3A_968, %dma_start3A_969] : memref<16x8x64xf32, #tpu.memory_space<vmem>> -> memref<1x8x64xf32, #tpu.memory_space<vmem>>
      %dma_start3A_971 = tpu.memref_squeeze %dma_start3A_970 : memref<1x8x64xf32, #tpu.memory_space<vmem>> -> memref<8x64xf32, #tpu.memory_space<vmem>>
      %dma_start3A_972 = arith.constant 0 : i32
      %dma_start3A_973 = arith.constant 0 : i32
      %dma_start3A_974 = tpu.memref_slice %arg4[%squeeze3A_966, %dma_start3A_972, %dma_start3A_973] : memref<125000x8x64xf32, #tpu.memory_space<hbm>> -> memref<1x8x64xf32, #tpu.memory_space<hbm>>
      %dma_start3A_975 = tpu.memref_squeeze %dma_start3A_974 : memref<1x8x64xf32, #tpu.memory_space<hbm>> -> memref<8x64xf32, #tpu.memory_space<hbm>>
      %dma_start3A_976 = arith.constant 0 : i32
      %dma_start3A_977 = arith.constant 0 : i32
      %dma_start3A_978 = tpu.memref_slice %arg13[%dma_start3A_967, %dma_start3A_976, %dma_start3A_977] : memref<16x8x64xf32, #tpu.memory_space<vmem>> -> memref<1x8x64xf32, #tpu.memory_space<vmem>>
      %dma_start3A_979 = tpu.memref_squeeze %dma_start3A_978 : memref<1x8x64xf32, #tpu.memory_space<vmem>> -> memref<8x64xf32, #tpu.memory_space<vmem>>
      %dma_start3A_980 = arith.constant 0 : i32
      %dma_start3A_981 = arith.constant 0 : i32
      %dma_start3A_982 = tpu.memref_slice %arg4[%squeeze3A_966, %dma_start3A_980, %dma_start3A_981] : memref<125000x8x64xf32, #tpu.memory_space<hbm>> -> memref<1x8x64xf32, #tpu.memory_space<hbm>>
      %dma_start3A_983 = tpu.memref_squeeze %dma_start3A_982 : memref<1x8x64xf32, #tpu.memory_space<hbm>> -> memref<8x64xf32, #tpu.memory_space<hbm>>
      tpu.enqueue_dma source(%dma_start3A_983 : memref<8x64xf32, #tpu.memory_space<hbm>>) target(%dma_start3A_979 : memref<8x64xf32, #tpu.memory_space<vmem>>) target_semaphore(%arg18 : memref<!tpu.dma_semaphore, #tpu.memory_space<semaphore_mem>>)
      %slice3A_984 = vector.extract_strided_slice %shift_right_logical3A_660 {offsets = [8], sizes = [1], strides = [1]} : vector<16xi32> to vector<1xi32>
      %squeeze3A_985 = vector.extract %slice3A_984[0] : i32 from vector<1xi32>
      %dma_start3A_986 = arith.constant 8 : i32
      %dma_start3A_987 = arith.constant 0 : i32
      %dma_start3A_988 = arith.constant 0 : i32
      %dma_start3A_989 = tpu.memref_slice %arg14[%dma_start3A_986, %dma_start3A_987, %dma_start3A_988] : memref<16x8x64xf32, #tpu.memory_space<vmem>> -> memref<1x8x64xf32, #tpu.memory_space<vmem>>
      %dma_start3A_990 = tpu.memref_squeeze %dma_start3A_989 : memref<1x8x64xf32, #tpu.memory_space<vmem>> -> memref<8x64xf32, #tpu.memory_space<vmem>>
      %dma_start3A_991 = arith.constant 0 : i32
      %dma_start3A_992 = arith.constant 0 : i32
      %dma_start3A_993 = tpu.memref_slice %arg5[%squeeze3A_985, %dma_start3A_991, %dma_start3A_992] : memref<125000x8x64xf32, #tpu.memory_space<hbm>> -> memref<1x8x64xf32, #tpu.memory_space<hbm>>
      %dma_start3A_994 = tpu.memref_squeeze %dma_start3A_993 : memref<1x8x64xf32, #tpu.memory_space<hbm>> -> memref<8x64xf32, #tpu.memory_space<hbm>>
      %dma_start3A_995 = arith.constant 0 : i32
      %dma_start3A_996 = arith.constant 0 : i32
      %dma_start3A_997 = tpu.memref_slice %arg14[%dma_start3A_986, %dma_start3A_995, %dma_start3A_996] : memref<16x8x64xf32, #tpu.memory_space<vmem>> -> memref<1x8x64xf32, #tpu.memory_space<vmem>>
      %dma_start3A_998 = tpu.memref_squeeze %dma_start3A_997 : memref<1x8x64xf32, #tpu.memory_space<vmem>> -> memref<8x64xf32, #tpu.memory_space<vmem>>
      %dma_start3A_999 = arith.constant 0 : i32
      %dma_start3A_1000 = arith.constant 0 : i32
      %dma_start3A_1001 = tpu.memref_slice %arg5[%squeeze3A_985, %dma_start3A_999, %dma_start3A_1000] : memref<125000x8x64xf32, #tpu.memory_space<hbm>> -> memref<1x8x64xf32, #tpu.memory_space<hbm>>
      %dma_start3A_1002 = tpu.memref_squeeze %dma_start3A_1001 : memref<1x8x64xf32, #tpu.memory_space<hbm>> -> memref<8x64xf32, #tpu.memory_space<hbm>>
      tpu.enqueue_dma source(%dma_start3A_1002 : memref<8x64xf32, #tpu.memory_space<hbm>>) target(%dma_start3A_998 : memref<8x64xf32, #tpu.memory_space<vmem>>) target_semaphore(%arg18 : memref<!tpu.dma_semaphore, #tpu.memory_space<semaphore_mem>>)
      %slice3A_1003 = vector.extract_strided_slice %shift_right_logical3A_653 {offsets = [9], sizes = [1], strides = [1]} : vector<16xi32> to vector<1xi32>
      %squeeze3A_1004 = vector.extract %slice3A_1003[0] : i32 from vector<1xi32>
      %dma_start3A_1005 = arith.constant 9 : i32
      %dma_start3A_1006 = arith.constant 0 : i32
      %dma_start3A_1007 = arith.constant 0 : i32
      %dma_start3A_1008 = tpu.memref_slice %arg13[%dma_start3A_1005, %dma_start3A_1006, %dma_start3A_1007] : memref<16x8x64xf32, #tpu.memory_space<vmem>> -> memref<1x8x64xf32, #tpu.memory_space<vmem>>
      %dma_start3A_1009 = tpu.memref_squeeze %dma_start3A_1008 : memref<1x8x64xf32, #tpu.memory_space<vmem>> -> memref<8x64xf32, #tpu.memory_space<vmem>>
      %dma_start3A_1010 = arith.constant 0 : i32
      %dma_start3A_1011 = arith.constant 0 : i32
      %dma_start3A_1012 = tpu.memref_slice %arg4[%squeeze3A_1004, %dma_start3A_1010, %dma_start3A_1011] : memref<125000x8x64xf32, #tpu.memory_space<hbm>> -> memref<1x8x64xf32, #tpu.memory_space<hbm>>
      %dma_start3A_1013 = tpu.memref_squeeze %dma_start3A_1012 : memref<1x8x64xf32, #tpu.memory_space<hbm>> -> memref<8x64xf32, #tpu.memory_space<hbm>>
      %dma_start3A_1014 = arith.constant 0 : i32
      %dma_start3A_1015 = arith.constant 0 : i32
      %dma_start3A_1016 = tpu.memref_slice %arg13[%dma_start3A_1005, %dma_start3A_1014, %dma_start3A_1015] : memref<16x8x64xf32, #tpu.memory_space<vmem>> -> memref<1x8x64xf32, #tpu.memory_space<vmem>>
      %dma_start3A_1017 = tpu.memref_squeeze %dma_start3A_1016 : memref<1x8x64xf32, #tpu.memory_space<vmem>> -> memref<8x64xf32, #tpu.memory_space<vmem>>
      %dma_start3A_1018 = arith.constant 0 : i32
      %dma_start3A_1019 = arith.constant 0 : i32
      %dma_start3A_1020 = tpu.memref_slice %arg4[%squeeze3A_1004, %dma_start3A_1018, %dma_start3A_1019] : memref<125000x8x64xf32, #tpu.memory_space<hbm>> -> memref<1x8x64xf32, #tpu.memory_space<hbm>>
      %dma_start3A_1021 = tpu.memref_squeeze %dma_start3A_1020 : memref<1x8x64xf32, #tpu.memory_space<hbm>> -> memref<8x64xf32, #tpu.memory_space<hbm>>
      tpu.enqueue_dma source(%dma_start3A_1021 : memref<8x64xf32, #tpu.memory_space<hbm>>) target(%dma_start3A_1017 : memref<8x64xf32, #tpu.memory_space<vmem>>) target_semaphore(%arg18 : memref<!tpu.dma_semaphore, #tpu.memory_space<semaphore_mem>>)
      %slice3A_1022 = vector.extract_strided_slice %shift_right_logical3A_660 {offsets = [9], sizes = [1], strides = [1]} : vector<16xi32> to vector<1xi32>
      %squeeze3A_1023 = vector.extract %slice3A_1022[0] : i32 from vector<1xi32>
      %dma_start3A_1024 = arith.constant 9 : i32
      %dma_start3A_1025 = arith.constant 0 : i32
      %dma_start3A_1026 = arith.constant 0 : i32
      %dma_start3A_1027 = tpu.memref_slice %arg14[%dma_start3A_1024, %dma_start3A_1025, %dma_start3A_1026] : memref<16x8x64xf32, #tpu.memory_space<vmem>> -> memref<1x8x64xf32, #tpu.memory_space<vmem>>
      %dma_start3A_1028 = tpu.memref_squeeze %dma_start3A_1027 : memref<1x8x64xf32, #tpu.memory_space<vmem>> -> memref<8x64xf32, #tpu.memory_space<vmem>>
      %dma_start3A_1029 = arith.constant 0 : i32
      %dma_start3A_1030 = arith.constant 0 : i32
      %dma_start3A_1031 = tpu.memref_slice %arg5[%squeeze3A_1023, %dma_start3A_1029, %dma_start3A_1030] : memref<125000x8x64xf32, #tpu.memory_space<hbm>> -> memref<1x8x64xf32, #tpu.memory_space<hbm>>
      %dma_start3A_1032 = tpu.memref_squeeze %dma_start3A_1031 : memref<1x8x64xf32, #tpu.memory_space<hbm>> -> memref<8x64xf32, #tpu.memory_space<hbm>>
      %dma_start3A_1033 = arith.constant 0 : i32
      %dma_start3A_1034 = arith.constant 0 : i32
      %dma_start3A_1035 = tpu.memref_slice %arg14[%dma_start3A_1024, %dma_start3A_1033, %dma_start3A_1034] : memref<16x8x64xf32, #tpu.memory_space<vmem>> -> memref<1x8x64xf32, #tpu.memory_space<vmem>>
      %dma_start3A_1036 = tpu.memref_squeeze %dma_start3A_1035 : memref<1x8x64xf32, #tpu.memory_space<vmem>> -> memref<8x64xf32, #tpu.memory_space<vmem>>
      %dma_start3A_1037 = arith.constant 0 : i32
      %dma_start3A_1038 = arith.constant 0 : i32
      %dma_start3A_1039 = tpu.memref_slice %arg5[%squeeze3A_1023, %dma_start3A_1037, %dma_start3A_1038] : memref<125000x8x64xf32, #tpu.memory_space<hbm>> -> memref<1x8x64xf32, #tpu.memory_space<hbm>>
      %dma_start3A_1040 = tpu.memref_squeeze %dma_start3A_1039 : memref<1x8x64xf32, #tpu.memory_space<hbm>> -> memref<8x64xf32, #tpu.memory_space<hbm>>
      tpu.enqueue_dma source(%dma_start3A_1040 : memref<8x64xf32, #tpu.memory_space<hbm>>) target(%dma_start3A_1036 : memref<8x64xf32, #tpu.memory_space<vmem>>) target_semaphore(%arg18 : memref<!tpu.dma_semaphore, #tpu.memory_space<semaphore_mem>>)
      %slice3A_1041 = vector.extract_strided_slice %shift_right_logical3A_653 {offsets = [10], sizes = [1], strides = [1]} : vector<16xi32> to vector<1xi32>
      %squeeze3A_1042 = vector.extract %slice3A_1041[0] : i32 from vector<1xi32>
      %dma_start3A_1043 = arith.constant 10 : i32
      %dma_start3A_1044 = arith.constant 0 : i32
      %dma_start3A_1045 = arith.constant 0 : i32
      %dma_start3A_1046 = tpu.memref_slice %arg13[%dma_start3A_1043, %dma_start3A_1044, %dma_start3A_1045] : memref<16x8x64xf32, #tpu.memory_space<vmem>> -> memref<1x8x64xf32, #tpu.memory_space<vmem>>
      %dma_start3A_1047 = tpu.memref_squeeze %dma_start3A_1046 : memref<1x8x64xf32, #tpu.memory_space<vmem>> -> memref<8x64xf32, #tpu.memory_space<vmem>>
      %dma_start3A_1048 = arith.constant 0 : i32
      %dma_start3A_1049 = arith.constant 0 : i32
      %dma_start3A_1050 = tpu.memref_slice %arg4[%squeeze3A_1042, %dma_start3A_1048, %dma_start3A_1049] : memref<125000x8x64xf32, #tpu.memory_space<hbm>> -> memref<1x8x64xf32, #tpu.memory_space<hbm>>
      %dma_start3A_1051 = tpu.memref_squeeze %dma_start3A_1050 : memref<1x8x64xf32, #tpu.memory_space<hbm>> -> memref<8x64xf32, #tpu.memory_space<hbm>>
      %dma_start3A_1052 = arith.constant 0 : i32
      %dma_start3A_1053 = arith.constant 0 : i32
      %dma_start3A_1054 = tpu.memref_slice %arg13[%dma_start3A_1043, %dma_start3A_1052, %dma_start3A_1053] : memref<16x8x64xf32, #tpu.memory_space<vmem>> -> memref<1x8x64xf32, #tpu.memory_space<vmem>>
      %dma_start3A_1055 = tpu.memref_squeeze %dma_start3A_1054 : memref<1x8x64xf32, #tpu.memory_space<vmem>> -> memref<8x64xf32, #tpu.memory_space<vmem>>
      %dma_start3A_1056 = arith.constant 0 : i32
      %dma_start3A_1057 = arith.constant 0 : i32
      %dma_start3A_1058 = tpu.memref_slice %arg4[%squeeze3A_1042, %dma_start3A_1056, %dma_start3A_1057] : memref<125000x8x64xf32, #tpu.memory_space<hbm>> -> memref<1x8x64xf32, #tpu.memory_space<hbm>>
      %dma_start3A_1059 = tpu.memref_squeeze %dma_start3A_1058 : memref<1x8x64xf32, #tpu.memory_space<hbm>> -> memref<8x64xf32, #tpu.memory_space<hbm>>
      tpu.enqueue_dma source(%dma_start3A_1059 : memref<8x64xf32, #tpu.memory_space<hbm>>) target(%dma_start3A_1055 : memref<8x64xf32, #tpu.memory_space<vmem>>) target_semaphore(%arg18 : memref<!tpu.dma_semaphore, #tpu.memory_space<semaphore_mem>>)
      %slice3A_1060 = vector.extract_strided_slice %shift_right_logical3A_660 {offsets = [10], sizes = [1], strides = [1]} : vector<16xi32> to vector<1xi32>
      %squeeze3A_1061 = vector.extract %slice3A_1060[0] : i32 from vector<1xi32>
      %dma_start3A_1062 = arith.constant 10 : i32
      %dma_start3A_1063 = arith.constant 0 : i32
      %dma_start3A_1064 = arith.constant 0 : i32
      %dma_start3A_1065 = tpu.memref_slice %arg14[%dma_start3A_1062, %dma_start3A_1063, %dma_start3A_1064] : memref<16x8x64xf32, #tpu.memory_space<vmem>> -> memref<1x8x64xf32, #tpu.memory_space<vmem>>
      %dma_start3A_1066 = tpu.memref_squeeze %dma_start3A_1065 : memref<1x8x64xf32, #tpu.memory_space<vmem>> -> memref<8x64xf32, #tpu.memory_space<vmem>>
      %dma_start3A_1067 = arith.constant 0 : i32
      %dma_start3A_1068 = arith.constant 0 : i32
      %dma_start3A_1069 = tpu.memref_slice %arg5[%squeeze3A_1061, %dma_start3A_1067, %dma_start3A_1068] : memref<125000x8x64xf32, #tpu.memory_space<hbm>> -> memref<1x8x64xf32, #tpu.memory_space<hbm>>
      %dma_start3A_1070 = tpu.memref_squeeze %dma_start3A_1069 : memref<1x8x64xf32, #tpu.memory_space<hbm>> -> memref<8x64xf32, #tpu.memory_space<hbm>>
      %dma_start3A_1071 = arith.constant 0 : i32
      %dma_start3A_1072 = arith.constant 0 : i32
      %dma_start3A_1073 = tpu.memref_slice %arg14[%dma_start3A_1062, %dma_start3A_1071, %dma_start3A_1072] : memref<16x8x64xf32, #tpu.memory_space<vmem>> -> memref<1x8x64xf32, #tpu.memory_space<vmem>>
      %dma_start3A_1074 = tpu.memref_squeeze %dma_start3A_1073 : memref<1x8x64xf32, #tpu.memory_space<vmem>> -> memref<8x64xf32, #tpu.memory_space<vmem>>
      %dma_start3A_1075 = arith.constant 0 : i32
      %dma_start3A_1076 = arith.constant 0 : i32
      %dma_start3A_1077 = tpu.memref_slice %arg5[%squeeze3A_1061, %dma_start3A_1075, %dma_start3A_1076] : memref<125000x8x64xf32, #tpu.memory_space<hbm>> -> memref<1x8x64xf32, #tpu.memory_space<hbm>>
      %dma_start3A_1078 = tpu.memref_squeeze %dma_start3A_1077 : memref<1x8x64xf32, #tpu.memory_space<hbm>> -> memref<8x64xf32, #tpu.memory_space<hbm>>
      tpu.enqueue_dma source(%dma_start3A_1078 : memref<8x64xf32, #tpu.memory_space<hbm>>) target(%dma_start3A_1074 : memref<8x64xf32, #tpu.memory_space<vmem>>) target_semaphore(%arg18 : memref<!tpu.dma_semaphore, #tpu.memory_space<semaphore_mem>>)
      %slice3A_1079 = vector.extract_strided_slice %shift_right_logical3A_653 {offsets = [11], sizes = [1], strides = [1]} : vector<16xi32> to vector<1xi32>
      %squeeze3A_1080 = vector.extract %slice3A_1079[0] : i32 from vector<1xi32>
      %dma_start3A_1081 = arith.constant 11 : i32
      %dma_start3A_1082 = arith.constant 0 : i32
      %dma_start3A_1083 = arith.constant 0 : i32
      %dma_start3A_1084 = tpu.memref_slice %arg13[%dma_start3A_1081, %dma_start3A_1082, %dma_start3A_1083] : memref<16x8x64xf32, #tpu.memory_space<vmem>> -> memref<1x8x64xf32, #tpu.memory_space<vmem>>
      %dma_start3A_1085 = tpu.memref_squeeze %dma_start3A_1084 : memref<1x8x64xf32, #tpu.memory_space<vmem>> -> memref<8x64xf32, #tpu.memory_space<vmem>>
      %dma_start3A_1086 = arith.constant 0 : i32
      %dma_start3A_1087 = arith.constant 0 : i32
      %dma_start3A_1088 = tpu.memref_slice %arg4[%squeeze3A_1080, %dma_start3A_1086, %dma_start3A_1087] : memref<125000x8x64xf32, #tpu.memory_space<hbm>> -> memref<1x8x64xf32, #tpu.memory_space<hbm>>
      %dma_start3A_1089 = tpu.memref_squeeze %dma_start3A_1088 : memref<1x8x64xf32, #tpu.memory_space<hbm>> -> memref<8x64xf32, #tpu.memory_space<hbm>>
      %dma_start3A_1090 = arith.constant 0 : i32
      %dma_start3A_1091 = arith.constant 0 : i32
      %dma_start3A_1092 = tpu.memref_slice %arg13[%dma_start3A_1081, %dma_start3A_1090, %dma_start3A_1091] : memref<16x8x64xf32, #tpu.memory_space<vmem>> -> memref<1x8x64xf32, #tpu.memory_space<vmem>>
      %dma_start3A_1093 = tpu.memref_squeeze %dma_start3A_1092 : memref<1x8x64xf32, #tpu.memory_space<vmem>> -> memref<8x64xf32, #tpu.memory_space<vmem>>
      %dma_start3A_1094 = arith.constant 0 : i32
      %dma_start3A_1095 = arith.constant 0 : i32
      %dma_start3A_1096 = tpu.memref_slice %arg4[%squeeze3A_1080, %dma_start3A_1094, %dma_start3A_1095] : memref<125000x8x64xf32, #tpu.memory_space<hbm>> -> memref<1x8x64xf32, #tpu.memory_space<hbm>>
      %dma_start3A_1097 = tpu.memref_squeeze %dma_start3A_1096 : memref<1x8x64xf32, #tpu.memory_space<hbm>> -> memref<8x64xf32, #tpu.memory_space<hbm>>
      tpu.enqueue_dma source(%dma_start3A_1097 : memref<8x64xf32, #tpu.memory_space<hbm>>) target(%dma_start3A_1093 : memref<8x64xf32, #tpu.memory_space<vmem>>) target_semaphore(%arg18 : memref<!tpu.dma_semaphore, #tpu.memory_space<semaphore_mem>>)
      %slice3A_1098 = vector.extract_strided_slice %shift_right_logical3A_660 {offsets = [11], sizes = [1], strides = [1]} : vector<16xi32> to vector<1xi32>
      %squeeze3A_1099 = vector.extract %slice3A_1098[0] : i32 from vector<1xi32>
      %dma_start3A_1100 = arith.constant 11 : i32
      %dma_start3A_1101 = arith.constant 0 : i32
      %dma_start3A_1102 = arith.constant 0 : i32
      %dma_start3A_1103 = tpu.memref_slice %arg14[%dma_start3A_1100, %dma_start3A_1101, %dma_start3A_1102] : memref<16x8x64xf32, #tpu.memory_space<vmem>> -> memref<1x8x64xf32, #tpu.memory_space<vmem>>
      %dma_start3A_1104 = tpu.memref_squeeze %dma_start3A_1103 : memref<1x8x64xf32, #tpu.memory_space<vmem>> -> memref<8x64xf32, #tpu.memory_space<vmem>>
      %dma_start3A_1105 = arith.constant 0 : i32
      %dma_start3A_1106 = arith.constant 0 : i32
      %dma_start3A_1107 = tpu.memref_slice %arg5[%squeeze3A_1099, %dma_start3A_1105, %dma_start3A_1106] : memref<125000x8x64xf32, #tpu.memory_space<hbm>> -> memref<1x8x64xf32, #tpu.memory_space<hbm>>
      %dma_start3A_1108 = tpu.memref_squeeze %dma_start3A_1107 : memref<1x8x64xf32, #tpu.memory_space<hbm>> -> memref<8x64xf32, #tpu.memory_space<hbm>>
      %dma_start3A_1109 = arith.constant 0 : i32
      %dma_start3A_1110 = arith.constant 0 : i32
      %dma_start3A_1111 = tpu.memref_slice %arg14[%dma_start3A_1100, %dma_start3A_1109, %dma_start3A_1110] : memref<16x8x64xf32, #tpu.memory_space<vmem>> -> memref<1x8x64xf32, #tpu.memory_space<vmem>>
      %dma_start3A_1112 = tpu.memref_squeeze %dma_start3A_1111 : memref<1x8x64xf32, #tpu.memory_space<vmem>> -> memref<8x64xf32, #tpu.memory_space<vmem>>
      %dma_start3A_1113 = arith.constant 0 : i32
      %dma_start3A_1114 = arith.constant 0 : i32
      %dma_start3A_1115 = tpu.memref_slice %arg5[%squeeze3A_1099, %dma_start3A_1113, %dma_start3A_1114] : memref<125000x8x64xf32, #tpu.memory_space<hbm>> -> memref<1x8x64xf32, #tpu.memory_space<hbm>>
      %dma_start3A_1116 = tpu.memref_squeeze %dma_start3A_1115 : memref<1x8x64xf32, #tpu.memory_space<hbm>> -> memref<8x64xf32, #tpu.memory_space<hbm>>
      tpu.enqueue_dma source(%dma_start3A_1116 : memref<8x64xf32, #tpu.memory_space<hbm>>) target(%dma_start3A_1112 : memref<8x64xf32, #tpu.memory_space<vmem>>) target_semaphore(%arg18 : memref<!tpu.dma_semaphore, #tpu.memory_space<semaphore_mem>>)
      %slice3A_1117 = vector.extract_strided_slice %shift_right_logical3A_653 {offsets = [12], sizes = [1], strides = [1]} : vector<16xi32> to vector<1xi32>
      %squeeze3A_1118 = vector.extract %slice3A_1117[0] : i32 from vector<1xi32>
      %dma_start3A_1119 = arith.constant 12 : i32
      %dma_start3A_1120 = arith.constant 0 : i32
      %dma_start3A_1121 = arith.constant 0 : i32
      %dma_start3A_1122 = tpu.memref_slice %arg13[%dma_start3A_1119, %dma_start3A_1120, %dma_start3A_1121] : memref<16x8x64xf32, #tpu.memory_space<vmem>> -> memref<1x8x64xf32, #tpu.memory_space<vmem>>
      %dma_start3A_1123 = tpu.memref_squeeze %dma_start3A_1122 : memref<1x8x64xf32, #tpu.memory_space<vmem>> -> memref<8x64xf32, #tpu.memory_space<vmem>>
      %dma_start3A_1124 = arith.constant 0 : i32
      %dma_start3A_1125 = arith.constant 0 : i32
      %dma_start3A_1126 = tpu.memref_slice %arg4[%squeeze3A_1118, %dma_start3A_1124, %dma_start3A_1125] : memref<125000x8x64xf32, #tpu.memory_space<hbm>> -> memref<1x8x64xf32, #tpu.memory_space<hbm>>
      %dma_start3A_1127 = tpu.memref_squeeze %dma_start3A_1126 : memref<1x8x64xf32, #tpu.memory_space<hbm>> -> memref<8x64xf32, #tpu.memory_space<hbm>>
      %dma_start3A_1128 = arith.constant 0 : i32
      %dma_start3A_1129 = arith.constant 0 : i32
      %dma_start3A_1130 = tpu.memref_slice %arg13[%dma_start3A_1119, %dma_start3A_1128, %dma_start3A_1129] : memref<16x8x64xf32, #tpu.memory_space<vmem>> -> memref<1x8x64xf32, #tpu.memory_space<vmem>>
      %dma_start3A_1131 = tpu.memref_squeeze %dma_start3A_1130 : memref<1x8x64xf32, #tpu.memory_space<vmem>> -> memref<8x64xf32, #tpu.memory_space<vmem>>
      %dma_start3A_1132 = arith.constant 0 : i32
      %dma_start3A_1133 = arith.constant 0 : i32
      %dma_start3A_1134 = tpu.memref_slice %arg4[%squeeze3A_1118, %dma_start3A_1132, %dma_start3A_1133] : memref<125000x8x64xf32, #tpu.memory_space<hbm>> -> memref<1x8x64xf32, #tpu.memory_space<hbm>>
      %dma_start3A_1135 = tpu.memref_squeeze %dma_start3A_1134 : memref<1x8x64xf32, #tpu.memory_space<hbm>> -> memref<8x64xf32, #tpu.memory_space<hbm>>
      tpu.enqueue_dma source(%dma_start3A_1135 : memref<8x64xf32, #tpu.memory_space<hbm>>) target(%dma_start3A_1131 : memref<8x64xf32, #tpu.memory_space<vmem>>) target_semaphore(%arg18 : memref<!tpu.dma_semaphore, #tpu.memory_space<semaphore_mem>>)
      %slice3A_1136 = vector.extract_strided_slice %shift_right_logical3A_660 {offsets = [12], sizes = [1], strides = [1]} : vector<16xi32> to vector<1xi32>
      %squeeze3A_1137 = vector.extract %slice3A_1136[0] : i32 from vector<1xi32>
      %dma_start3A_1138 = arith.constant 12 : i32
      %dma_start3A_1139 = arith.constant 0 : i32
      %dma_start3A_1140 = arith.constant 0 : i32
      %dma_start3A_1141 = tpu.memref_slice %arg14[%dma_start3A_1138, %dma_start3A_1139, %dma_start3A_1140] : memref<16x8x64xf32, #tpu.memory_space<vmem>> -> memref<1x8x64xf32, #tpu.memory_space<vmem>>
      %dma_start3A_1142 = tpu.memref_squeeze %dma_start3A_1141 : memref<1x8x64xf32, #tpu.memory_space<vmem>> -> memref<8x64xf32, #tpu.memory_space<vmem>>
      %dma_start3A_1143 = arith.constant 0 : i32
      %dma_start3A_1144 = arith.constant 0 : i32
      %dma_start3A_1145 = tpu.memref_slice %arg5[%squeeze3A_1137, %dma_start3A_1143, %dma_start3A_1144] : memref<125000x8x64xf32, #tpu.memory_space<hbm>> -> memref<1x8x64xf32, #tpu.memory_space<hbm>>
      %dma_start3A_1146 = tpu.memref_squeeze %dma_start3A_1145 : memref<1x8x64xf32, #tpu.memory_space<hbm>> -> memref<8x64xf32, #tpu.memory_space<hbm>>
      %dma_start3A_1147 = arith.constant 0 : i32
      %dma_start3A_1148 = arith.constant 0 : i32
      %dma_start3A_1149 = tpu.memref_slice %arg14[%dma_start3A_1138, %dma_start3A_1147, %dma_start3A_1148] : memref<16x8x64xf32, #tpu.memory_space<vmem>> -> memref<1x8x64xf32, #tpu.memory_space<vmem>>
      %dma_start3A_1150 = tpu.memref_squeeze %dma_start3A_1149 : memref<1x8x64xf32, #tpu.memory_space<vmem>> -> memref<8x64xf32, #tpu.memory_space<vmem>>
      %dma_start3A_1151 = arith.constant 0 : i32
      %dma_start3A_1152 = arith.constant 0 : i32
      %dma_start3A_1153 = tpu.memref_slice %arg5[%squeeze3A_1137, %dma_start3A_1151, %dma_start3A_1152] : memref<125000x8x64xf32, #tpu.memory_space<hbm>> -> memref<1x8x64xf32, #tpu.memory_space<hbm>>
      %dma_start3A_1154 = tpu.memref_squeeze %dma_start3A_1153 : memref<1x8x64xf32, #tpu.memory_space<hbm>> -> memref<8x64xf32, #tpu.memory_space<hbm>>
      tpu.enqueue_dma source(%dma_start3A_1154 : memref<8x64xf32, #tpu.memory_space<hbm>>) target(%dma_start3A_1150 : memref<8x64xf32, #tpu.memory_space<vmem>>) target_semaphore(%arg18 : memref<!tpu.dma_semaphore, #tpu.memory_space<semaphore_mem>>)
      %slice3A_1155 = vector.extract_strided_slice %shift_right_logical3A_653 {offsets = [13], sizes = [1], strides = [1]} : vector<16xi32> to vector<1xi32>
      %squeeze3A_1156 = vector.extract %slice3A_1155[0] : i32 from vector<1xi32>
      %dma_start3A_1157 = arith.constant 13 : i32
      %dma_start3A_1158 = arith.constant 0 : i32
      %dma_start3A_1159 = arith.constant 0 : i32
      %dma_start3A_1160 = tpu.memref_slice %arg13[%dma_start3A_1157, %dma_start3A_1158, %dma_start3A_1159] : memref<16x8x64xf32, #tpu.memory_space<vmem>> -> memref<1x8x64xf32, #tpu.memory_space<vmem>>
      %dma_start3A_1161 = tpu.memref_squeeze %dma_start3A_1160 : memref<1x8x64xf32, #tpu.memory_space<vmem>> -> memref<8x64xf32, #tpu.memory_space<vmem>>
      %dma_start3A_1162 = arith.constant 0 : i32
      %dma_start3A_1163 = arith.constant 0 : i32
      %dma_start3A_1164 = tpu.memref_slice %arg4[%squeeze3A_1156, %dma_start3A_1162, %dma_start3A_1163] : memref<125000x8x64xf32, #tpu.memory_space<hbm>> -> memref<1x8x64xf32, #tpu.memory_space<hbm>>
      %dma_start3A_1165 = tpu.memref_squeeze %dma_start3A_1164 : memref<1x8x64xf32, #tpu.memory_space<hbm>> -> memref<8x64xf32, #tpu.memory_space<hbm>>
      %dma_start3A_1166 = arith.constant 0 : i32
      %dma_start3A_1167 = arith.constant 0 : i32
      %dma_start3A_1168 = tpu.memref_slice %arg13[%dma_start3A_1157, %dma_start3A_1166, %dma_start3A_1167] : memref<16x8x64xf32, #tpu.memory_space<vmem>> -> memref<1x8x64xf32, #tpu.memory_space<vmem>>
      %dma_start3A_1169 = tpu.memref_squeeze %dma_start3A_1168 : memref<1x8x64xf32, #tpu.memory_space<vmem>> -> memref<8x64xf32, #tpu.memory_space<vmem>>
      %dma_start3A_1170 = arith.constant 0 : i32
      %dma_start3A_1171 = arith.constant 0 : i32
      %dma_start3A_1172 = tpu.memref_slice %arg4[%squeeze3A_1156, %dma_start3A_1170, %dma_start3A_1171] : memref<125000x8x64xf32, #tpu.memory_space<hbm>> -> memref<1x8x64xf32, #tpu.memory_space<hbm>>
      %dma_start3A_1173 = tpu.memref_squeeze %dma_start3A_1172 : memref<1x8x64xf32, #tpu.memory_space<hbm>> -> memref<8x64xf32, #tpu.memory_space<hbm>>
      tpu.enqueue_dma source(%dma_start3A_1173 : memref<8x64xf32, #tpu.memory_space<hbm>>) target(%dma_start3A_1169 : memref<8x64xf32, #tpu.memory_space<vmem>>) target_semaphore(%arg18 : memref<!tpu.dma_semaphore, #tpu.memory_space<semaphore_mem>>)
      %slice3A_1174 = vector.extract_strided_slice %shift_right_logical3A_660 {offsets = [13], sizes = [1], strides = [1]} : vector<16xi32> to vector<1xi32>
      %squeeze3A_1175 = vector.extract %slice3A_1174[0] : i32 from vector<1xi32>
      %dma_start3A_1176 = arith.constant 13 : i32
      %dma_start3A_1177 = arith.constant 0 : i32
      %dma_start3A_1178 = arith.constant 0 : i32
      %dma_start3A_1179 = tpu.memref_slice %arg14[%dma_start3A_1176, %dma_start3A_1177, %dma_start3A_1178] : memref<16x8x64xf32, #tpu.memory_space<vmem>> -> memref<1x8x64xf32, #tpu.memory_space<vmem>>
      %dma_start3A_1180 = tpu.memref_squeeze %dma_start3A_1179 : memref<1x8x64xf32, #tpu.memory_space<vmem>> -> memref<8x64xf32, #tpu.memory_space<vmem>>
      %dma_start3A_1181 = arith.constant 0 : i32
      %dma_start3A_1182 = arith.constant 0 : i32
      %dma_start3A_1183 = tpu.memref_slice %arg5[%squeeze3A_1175, %dma_start3A_1181, %dma_start3A_1182] : memref<125000x8x64xf32, #tpu.memory_space<hbm>> -> memref<1x8x64xf32, #tpu.memory_space<hbm>>
      %dma_start3A_1184 = tpu.memref_squeeze %dma_start3A_1183 : memref<1x8x64xf32, #tpu.memory_space<hbm>> -> memref<8x64xf32, #tpu.memory_space<hbm>>
      %dma_start3A_1185 = arith.constant 0 : i32
      %dma_start3A_1186 = arith.constant 0 : i32
      %dma_start3A_1187 = tpu.memref_slice %arg14[%dma_start3A_1176, %dma_start3A_1185, %dma_start3A_1186] : memref<16x8x64xf32, #tpu.memory_space<vmem>> -> memref<1x8x64xf32, #tpu.memory_space<vmem>>
      %dma_start3A_1188 = tpu.memref_squeeze %dma_start3A_1187 : memref<1x8x64xf32, #tpu.memory_space<vmem>> -> memref<8x64xf32, #tpu.memory_space<vmem>>
      %dma_start3A_1189 = arith.constant 0 : i32
      %dma_start3A_1190 = arith.constant 0 : i32
      %dma_start3A_1191 = tpu.memref_slice %arg5[%squeeze3A_1175, %dma_start3A_1189, %dma_start3A_1190] : memref<125000x8x64xf32, #tpu.memory_space<hbm>> -> memref<1x8x64xf32, #tpu.memory_space<hbm>>
      %dma_start3A_1192 = tpu.memref_squeeze %dma_start3A_1191 : memref<1x8x64xf32, #tpu.memory_space<hbm>> -> memref<8x64xf32, #tpu.memory_space<hbm>>
      tpu.enqueue_dma source(%dma_start3A_1192 : memref<8x64xf32, #tpu.memory_space<hbm>>) target(%dma_start3A_1188 : memref<8x64xf32, #tpu.memory_space<vmem>>) target_semaphore(%arg18 : memref<!tpu.dma_semaphore, #tpu.memory_space<semaphore_mem>>)
      %slice3A_1193 = vector.extract_strided_slice %shift_right_logical3A_653 {offsets = [14], sizes = [1], strides = [1]} : vector<16xi32> to vector<1xi32>
      %squeeze3A_1194 = vector.extract %slice3A_1193[0] : i32 from vector<1xi32>
      %dma_start3A_1195 = arith.constant 14 : i32
      %dma_start3A_1196 = arith.constant 0 : i32
      %dma_start3A_1197 = arith.constant 0 : i32
      %dma_start3A_1198 = tpu.memref_slice %arg13[%dma_start3A_1195, %dma_start3A_1196, %dma_start3A_1197] : memref<16x8x64xf32, #tpu.memory_space<vmem>> -> memref<1x8x64xf32, #tpu.memory_space<vmem>>
      %dma_start3A_1199 = tpu.memref_squeeze %dma_start3A_1198 : memref<1x8x64xf32, #tpu.memory_space<vmem>> -> memref<8x64xf32, #tpu.memory_space<vmem>>
      %dma_start3A_1200 = arith.constant 0 : i32
      %dma_start3A_1201 = arith.constant 0 : i32
      %dma_start3A_1202 = tpu.memref_slice %arg4[%squeeze3A_1194, %dma_start3A_1200, %dma_start3A_1201] : memref<125000x8x64xf32, #tpu.memory_space<hbm>> -> memref<1x8x64xf32, #tpu.memory_space<hbm>>
      %dma_start3A_1203 = tpu.memref_squeeze %dma_start3A_1202 : memref<1x8x64xf32, #tpu.memory_space<hbm>> -> memref<8x64xf32, #tpu.memory_space<hbm>>
      %dma_start3A_1204 = arith.constant 0 : i32
      %dma_start3A_1205 = arith.constant 0 : i32
      %dma_start3A_1206 = tpu.memref_slice %arg13[%dma_start3A_1195, %dma_start3A_1204, %dma_start3A_1205] : memref<16x8x64xf32, #tpu.memory_space<vmem>> -> memref<1x8x64xf32, #tpu.memory_space<vmem>>
      %dma_start3A_1207 = tpu.memref_squeeze %dma_start3A_1206 : memref<1x8x64xf32, #tpu.memory_space<vmem>> -> memref<8x64xf32, #tpu.memory_space<vmem>>
      %dma_start3A_1208 = arith.constant 0 : i32
      %dma_start3A_1209 = arith.constant 0 : i32
      %dma_start3A_1210 = tpu.memref_slice %arg4[%squeeze3A_1194, %dma_start3A_1208, %dma_start3A_1209] : memref<125000x8x64xf32, #tpu.memory_space<hbm>> -> memref<1x8x64xf32, #tpu.memory_space<hbm>>
      %dma_start3A_1211 = tpu.memref_squeeze %dma_start3A_1210 : memref<1x8x64xf32, #tpu.memory_space<hbm>> -> memref<8x64xf32, #tpu.memory_space<hbm>>
      tpu.enqueue_dma source(%dma_start3A_1211 : memref<8x64xf32, #tpu.memory_space<hbm>>) target(%dma_start3A_1207 : memref<8x64xf32, #tpu.memory_space<vmem>>) target_semaphore(%arg18 : memref<!tpu.dma_semaphore, #tpu.memory_space<semaphore_mem>>)
      %slice3A_1212 = vector.extract_strided_slice %shift_right_logical3A_660 {offsets = [14], sizes = [1], strides = [1]} : vector<16xi32> to vector<1xi32>
      %squeeze3A_1213 = vector.extract %slice3A_1212[0] : i32 from vector<1xi32>
      %dma_start3A_1214 = arith.constant 14 : i32
      %dma_start3A_1215 = arith.constant 0 : i32
      %dma_start3A_1216 = arith.constant 0 : i32
      %dma_start3A_1217 = tpu.memref_slice %arg14[%dma_start3A_1214, %dma_start3A_1215, %dma_start3A_1216] : memref<16x8x64xf32, #tpu.memory_space<vmem>> -> memref<1x8x64xf32, #tpu.memory_space<vmem>>
      %dma_start3A_1218 = tpu.memref_squeeze %dma_start3A_1217 : memref<1x8x64xf32, #tpu.memory_space<vmem>> -> memref<8x64xf32, #tpu.memory_space<vmem>>
      %dma_start3A_1219 = arith.constant 0 : i32
      %dma_start3A_1220 = arith.constant 0 : i32
      %dma_start3A_1221 = tpu.memref_slice %arg5[%squeeze3A_1213, %dma_start3A_1219, %dma_start3A_1220] : memref<125000x8x64xf32, #tpu.memory_space<hbm>> -> memref<1x8x64xf32, #tpu.memory_space<hbm>>
      %dma_start3A_1222 = tpu.memref_squeeze %dma_start3A_1221 : memref<1x8x64xf32, #tpu.memory_space<hbm>> -> memref<8x64xf32, #tpu.memory_space<hbm>>
      %dma_start3A_1223 = arith.constant 0 : i32
      %dma_start3A_1224 = arith.constant 0 : i32
      %dma_start3A_1225 = tpu.memref_slice %arg14[%dma_start3A_1214, %dma_start3A_1223, %dma_start3A_1224] : memref<16x8x64xf32, #tpu.memory_space<vmem>> -> memref<1x8x64xf32, #tpu.memory_space<vmem>>
      %dma_start3A_1226 = tpu.memref_squeeze %dma_start3A_1225 : memref<1x8x64xf32, #tpu.memory_space<vmem>> -> memref<8x64xf32, #tpu.memory_space<vmem>>
      %dma_start3A_1227 = arith.constant 0 : i32
      %dma_start3A_1228 = arith.constant 0 : i32
      %dma_start3A_1229 = tpu.memref_slice %arg5[%squeeze3A_1213, %dma_start3A_1227, %dma_start3A_1228] : memref<125000x8x64xf32, #tpu.memory_space<hbm>> -> memref<1x8x64xf32, #tpu.memory_space<hbm>>
      %dma_start3A_1230 = tpu.memref_squeeze %dma_start3A_1229 : memref<1x8x64xf32, #tpu.memory_space<hbm>> -> memref<8x64xf32, #tpu.memory_space<hbm>>
      tpu.enqueue_dma source(%dma_start3A_1230 : memref<8x64xf32, #tpu.memory_space<hbm>>) target(%dma_start3A_1226 : memref<8x64xf32, #tpu.memory_space<vmem>>) target_semaphore(%arg18 : memref<!tpu.dma_semaphore, #tpu.memory_space<semaphore_mem>>)
      %slice3A_1231 = vector.extract_strided_slice %shift_right_logical3A_653 {offsets = [15], sizes = [1], strides = [1]} : vector<16xi32> to vector<1xi32>
      %squeeze3A_1232 = vector.extract %slice3A_1231[0] : i32 from vector<1xi32>
      %dma_start3A_1233 = arith.constant 15 : i32
      %dma_start3A_1234 = arith.constant 0 : i32
      %dma_start3A_1235 = arith.constant 0 : i32
      %dma_start3A_1236 = tpu.memref_slice %arg13[%dma_start3A_1233, %dma_start3A_1234, %dma_start3A_1235] : memref<16x8x64xf32, #tpu.memory_space<vmem>> -> memref<1x8x64xf32, #tpu.memory_space<vmem>>
      %dma_start3A_1237 = tpu.memref_squeeze %dma_start3A_1236 : memref<1x8x64xf32, #tpu.memory_space<vmem>> -> memref<8x64xf32, #tpu.memory_space<vmem>>
      %dma_start3A_1238 = arith.constant 0 : i32
      %dma_start3A_1239 = arith.constant 0 : i32
      %dma_start3A_1240 = tpu.memref_slice %arg4[%squeeze3A_1232, %dma_start3A_1238, %dma_start3A_1239] : memref<125000x8x64xf32, #tpu.memory_space<hbm>> -> memref<1x8x64xf32, #tpu.memory_space<hbm>>
      %dma_start3A_1241 = tpu.memref_squeeze %dma_start3A_1240 : memref<1x8x64xf32, #tpu.memory_space<hbm>> -> memref<8x64xf32, #tpu.memory_space<hbm>>
      %dma_start3A_1242 = arith.constant 0 : i32
      %dma_start3A_1243 = arith.constant 0 : i32
      %dma_start3A_1244 = tpu.memref_slice %arg13[%dma_start3A_1233, %dma_start3A_1242, %dma_start3A_1243] : memref<16x8x64xf32, #tpu.memory_space<vmem>> -> memref<1x8x64xf32, #tpu.memory_space<vmem>>
      %dma_start3A_1245 = tpu.memref_squeeze %dma_start3A_1244 : memref<1x8x64xf32, #tpu.memory_space<vmem>> -> memref<8x64xf32, #tpu.memory_space<vmem>>
      %dma_start3A_1246 = arith.constant 0 : i32
      %dma_start3A_1247 = arith.constant 0 : i32
      %dma_start3A_1248 = tpu.memref_slice %arg4[%squeeze3A_1232, %dma_start3A_1246, %dma_start3A_1247] : memref<125000x8x64xf32, #tpu.memory_space<hbm>> -> memref<1x8x64xf32, #tpu.memory_space<hbm>>
      %dma_start3A_1249 = tpu.memref_squeeze %dma_start3A_1248 : memref<1x8x64xf32, #tpu.memory_space<hbm>> -> memref<8x64xf32, #tpu.memory_space<hbm>>
      tpu.enqueue_dma source(%dma_start3A_1249 : memref<8x64xf32, #tpu.memory_space<hbm>>) target(%dma_start3A_1245 : memref<8x64xf32, #tpu.memory_space<vmem>>) target_semaphore(%arg18 : memref<!tpu.dma_semaphore, #tpu.memory_space<semaphore_mem>>)
      %slice3A_1250 = vector.extract_strided_slice %shift_right_logical3A_660 {offsets = [15], sizes = [1], strides = [1]} : vector<16xi32> to vector<1xi32>
      %squeeze3A_1251 = vector.extract %slice3A_1250[0] : i32 from vector<1xi32>
      %dma_start3A_1252 = arith.constant 15 : i32
      %dma_start3A_1253 = arith.constant 0 : i32
      %dma_start3A_1254 = arith.constant 0 : i32
      %dma_start3A_1255 = tpu.memref_slice %arg14[%dma_start3A_1252, %dma_start3A_1253, %dma_start3A_1254] : memref<16x8x64xf32, #tpu.memory_space<vmem>> -> memref<1x8x64xf32, #tpu.memory_space<vmem>>
      %dma_start3A_1256 = tpu.memref_squeeze %dma_start3A_1255 : memref<1x8x64xf32, #tpu.memory_space<vmem>> -> memref<8x64xf32, #tpu.memory_space<vmem>>
      %dma_start3A_1257 = arith.constant 0 : i32
      %dma_start3A_1258 = arith.constant 0 : i32
      %dma_start3A_1259 = tpu.memref_slice %arg5[%squeeze3A_1251, %dma_start3A_1257, %dma_start3A_1258] : memref<125000x8x64xf32, #tpu.memory_space<hbm>> -> memref<1x8x64xf32, #tpu.memory_space<hbm>>
      %dma_start3A_1260 = tpu.memref_squeeze %dma_start3A_1259 : memref<1x8x64xf32, #tpu.memory_space<hbm>> -> memref<8x64xf32, #tpu.memory_space<hbm>>
      %dma_start3A_1261 = arith.constant 0 : i32
      %dma_start3A_1262 = arith.constant 0 : i32
      %dma_start3A_1263 = tpu.memref_slice %arg14[%dma_start3A_1252, %dma_start3A_1261, %dma_start3A_1262] : memref<16x8x64xf32, #tpu.memory_space<vmem>> -> memref<1x8x64xf32, #tpu.memory_space<vmem>>
      %dma_start3A_1264 = tpu.memref_squeeze %dma_start3A_1263 : memref<1x8x64xf32, #tpu.memory_space<vmem>> -> memref<8x64xf32, #tpu.memory_space<vmem>>
      %dma_start3A_1265 = arith.constant 0 : i32
      %dma_start3A_1266 = arith.constant 0 : i32
      %dma_start3A_1267 = tpu.memref_slice %arg5[%squeeze3A_1251, %dma_start3A_1265, %dma_start3A_1266] : memref<125000x8x64xf32, #tpu.memory_space<hbm>> -> memref<1x8x64xf32, #tpu.memory_space<hbm>>
      %dma_start3A_1268 = tpu.memref_squeeze %dma_start3A_1267 : memref<1x8x64xf32, #tpu.memory_space<hbm>> -> memref<8x64xf32, #tpu.memory_space<hbm>>
      tpu.enqueue_dma source(%dma_start3A_1268 : memref<8x64xf32, #tpu.memory_space<hbm>>) target(%dma_start3A_1264 : memref<8x64xf32, #tpu.memory_space<vmem>>) target_semaphore(%arg18 : memref<!tpu.dma_semaphore, #tpu.memory_space<semaphore_mem>>)
      %dma_wait3A = arith.constant 0 : i32
      %dma_wait3A_1269 = arith.constant 0 : i32
      %dma_wait3A_1270 = arith.constant 0 : i32
      %dma_wait3A_1271 = tpu.memref_slice %arg4[%dma_wait3A, %dma_wait3A_1269, %dma_wait3A_1270] : memref<125000x8x64xf32, #tpu.memory_space<hbm>> -> memref<16x8x64xf32, #tpu.memory_space<hbm>>
      %dma_wait3A_1272 = arith.constant 0 : i32
      %dma_wait3A_1273 = arith.constant 0 : i32
      %dma_wait3A_1274 = arith.constant 0 : i32
      %dma_wait3A_1275 = tpu.memref_slice %arg4[%dma_wait3A_1272, %dma_wait3A_1273, %dma_wait3A_1274] : memref<125000x8x64xf32, #tpu.memory_space<hbm>> -> memref<16x8x64xf32, #tpu.memory_space<hbm>>
      tpu.wait_dma2 semaphore(%arg17 : memref<!tpu.dma_semaphore, #tpu.memory_space<semaphore_mem>>) src(%dma_wait3A_1275 : memref<16x8x64xf32, #tpu.memory_space<hbm>>) dst(%arg11 : memref<16x8x64xf32, #tpu.memory_space<vmem>>)
      %dma_wait3A_1276 = arith.constant 0 : i32
      %dma_wait3A_1277 = arith.constant 0 : i32
      %dma_wait3A_1278 = arith.constant 0 : i32
      %dma_wait3A_1279 = tpu.memref_slice %arg5[%dma_wait3A_1276, %dma_wait3A_1277, %dma_wait3A_1278] : memref<125000x8x64xf32, #tpu.memory_space<hbm>> -> memref<16x8x64xf32, #tpu.memory_space<hbm>>
      %dma_wait3A_1280 = arith.constant 0 : i32
      %dma_wait3A_1281 = arith.constant 0 : i32
      %dma_wait3A_1282 = arith.constant 0 : i32
      %dma_wait3A_1283 = tpu.memref_slice %arg5[%dma_wait3A_1280, %dma_wait3A_1281, %dma_wait3A_1282] : memref<125000x8x64xf32, #tpu.memory_space<hbm>> -> memref<16x8x64xf32, #tpu.memory_space<hbm>>
      tpu.wait_dma2 semaphore(%arg17 : memref<!tpu.dma_semaphore, #tpu.memory_space<semaphore_mem>>) src(%dma_wait3A_1283 : memref<16x8x64xf32, #tpu.memory_space<hbm>>) dst(%arg12 : memref<16x8x64xf32, #tpu.memory_space<vmem>>)
      %add3A_1284 = arith.constant 0 : i32
      %add3A_1285 = arith.addi %mul3A_23, %add3A_1284 : i32
      %get3A_1286 = arith.index_cast %add3A_1285 : i32 to index
      %get3A_1287 = tpu.vector_load %arg9[%get3A_1286] {strides = array<i32>} : memref<512xi32, #tpu.memory_space<vmem>>, vector<16xi32>,
      %add3A_1288 = arith.constant 0 : i32
      %add3A_1289 = arith.addi %mul3A_23, %add3A_1288 : i32
      %get3A_1290 = arith.index_cast %add3A_1289 : i32 to index
      %get3A_1291 = tpu.vector_load %arg10[%get3A_1290] {strides = array<i32>} : memref<512xi32, #tpu.memory_space<vmem>>, vector<16xi32>,
      %and3A = arith.constant 7 : i32
      %and3A_1292 = vector.broadcast %and3A : i32 to vector<16xi32>
      %and3A_1293 = arith.andi %get3A_1287, %and3A_1292 : vector<16xi32>
      %and3A_1294 = arith.constant 7 : i32
      %and3A_1295 = vector.broadcast %and3A_1294 : i32 to vector<16xi32>
      %and3A_1296 = arith.andi %get3A_1291, %and3A_1295 : vector<16xi32>
      %add3A_1297 = arith.constant 0 : i32
      %add3A_1298 = vector.broadcast %add3A_1297 : i32 to vector<16xi32>
      %add3A_1299 = arith.addi %add3A_1298, %iota3A : vector<16xi32>
      %broadcast_in_dim3A_1300 = arith.constant 0 : i32
      %broadcast_in_dim3A_1301 = vector.broadcast %broadcast_in_dim3A_1300 : i32 to vector<16xi32>
      %gather3A = tpu.vector_load_idx %arg11[%add3A_1299, %and3A_1293, %broadcast_in_dim3A_1301] : memref<16x8x64xf32, #tpu.memory_space<vmem>>[vector<16xi32>, vector<16xi32>, vector<16xi32>], vector<16xf32>,
      %gather3A_1302 = tpu.vector_load_idx %arg12[%add3A_1299, %and3A_1296, %broadcast_in_dim3A_1301] : memref<16x8x64xf32, #tpu.memory_space<vmem>>[vector<16xi32>, vector<16xi32>, vector<16xi32>], vector<16xf32>,
      %mul3A_1303 = arith.mulf %gather3A, %gather3A_1302 : vector<16xf32>
      %add3A_1304 = arith.addf %broadcast_in_dim3A_1, %mul3A_1303 : vector<16xf32>
      %mul3A_1305 = arith.mulf %gather3A, %gather3A : vector<16xf32>
      %add3A_1306 = arith.addf %scan3A_18, %mul3A_1305 : vector<16xf32>
      %mul3A_1307 = arith.mulf %gather3A_1302, %gather3A_1302 : vector<16xf32>
      %add3A_1308 = arith.addf %scan3A_19, %mul3A_1307 : vector<16xf32>
      %broadcast_in_dim3A_1309 = arith.constant 1 : i32
      %broadcast_in_dim3A_1310 = vector.broadcast %broadcast_in_dim3A_1309 : i32 to vector<16xi32>
      %gather3A_1311 = tpu.vector_load_idx %arg11[%add3A_1299, %and3A_1293, %broadcast_in_dim3A_1310] : memref<16x8x64xf32, #tpu.memory_space<vmem>>[vector<16xi32>, vector<16xi32>, vector<16xi32>], vector<16xf32>,
      %gather3A_1312 = tpu.vector_load_idx %arg12[%add3A_1299, %and3A_1296, %broadcast_in_dim3A_1310] : memref<16x8x64xf32, #tpu.memory_space<vmem>>[vector<16xi32>, vector<16xi32>, vector<16xi32>], vector<16xf32>,
      %mul3A_1313 = arith.mulf %gather3A_1311, %gather3A_1312 : vector<16xf32>
      %add3A_1314 = arith.addf %add3A_1304, %mul3A_1313 : vector<16xf32>
      %mul3A_1315 = arith.mulf %gather3A_1311, %gather3A_1311 : vector<16xf32>
      %add3A_1316 = arith.addf %add3A_1306, %mul3A_1315 : vector<16xf32>
      %mul3A_1317 = arith.mulf %gather3A_1312, %gather3A_1312 : vector<16xf32>
      %add3A_1318 = arith.addf %add3A_1308, %mul3A_1317 : vector<16xf32>
      %broadcast_in_dim3A_1319 = arith.constant 2 : i32
      %broadcast_in_dim3A_1320 = vector.broadcast %broadcast_in_dim3A_1319 : i32 to vector<16xi32>
      %gather3A_1321 = tpu.vector_load_idx %arg11[%add3A_1299, %and3A_1293, %broadcast_in_dim3A_1320] : memref<16x8x64xf32, #tpu.memory_space<vmem>>[vector<16xi32>, vector<16xi32>, vector<16xi32>], vector<16xf32>,
      %gather3A_1322 = tpu.vector_load_idx %arg12[%add3A_1299, %and3A_1296, %broadcast_in_dim3A_1320] : memref<16x8x64xf32, #tpu.memory_space<vmem>>[vector<16xi32>, vector<16xi32>, vector<16xi32>], vector<16xf32>,
      %mul3A_1323 = arith.mulf %gather3A_1321, %gather3A_1322 : vector<16xf32>
      %add3A_1324 = arith.addf %add3A_1314, %mul3A_1323 : vector<16xf32>
      %mul3A_1325 = arith.mulf %gather3A_1321, %gather3A_1321 : vector<16xf32>
      %add3A_1326 = arith.addf %add3A_1316, %mul3A_1325 : vector<16xf32>
      %mul3A_1327 = arith.mulf %gather3A_1322, %gather3A_1322 : vector<16xf32>
      %add3A_1328 = arith.addf %add3A_1318, %mul3A_1327 : vector<16xf32>
      %broadcast_in_dim3A_1329 = arith.constant 3 : i32
      %broadcast_in_dim3A_1330 = vector.broadcast %broadcast_in_dim3A_1329 : i32 to vector<16xi32>
      %gather3A_1331 = tpu.vector_load_idx %arg11[%add3A_1299, %and3A_1293, %broadcast_in_dim3A_1330] : memref<16x8x64xf32, #tpu.memory_space<vmem>>[vector<16xi32>, vector<16xi32>, vector<16xi32>], vector<16xf32>,
      %gather3A_1332 = tpu.vector_load_idx %arg12[%add3A_1299, %and3A_1296, %broadcast_in_dim3A_1330] : memref<16x8x64xf32, #tpu.memory_space<vmem>>[vector<16xi32>, vector<16xi32>, vector<16xi32>], vector<16xf32>,
      %mul3A_1333 = arith.mulf %gather3A_1331, %gather3A_1332 : vector<16xf32>
      %add3A_1334 = arith.addf %add3A_1324, %mul3A_1333 : vector<16xf32>
      %mul3A_1335 = arith.mulf %gather3A_1331, %gather3A_1331 : vector<16xf32>
      %add3A_1336 = arith.addf %add3A_1326, %mul3A_1335 : vector<16xf32>
      %mul3A_1337 = arith.mulf %gather3A_1332, %gather3A_1332 : vector<16xf32>
      %add3A_1338 = arith.addf %add3A_1328, %mul3A_1337 : vector<16xf32>
      %broadcast_in_dim3A_1339 = arith.constant 4 : i32
      %broadcast_in_dim3A_1340 = vector.broadcast %broadcast_in_dim3A_1339 : i32 to vector<16xi32>
      %gather3A_1341 = tpu.vector_load_idx %arg11[%add3A_1299, %and3A_1293, %broadcast_in_dim3A_1340] : memref<16x8x64xf32, #tpu.memory_space<vmem>>[vector<16xi32>, vector<16xi32>, vector<16xi32>], vector<16xf32>,
      %gather3A_1342 = tpu.vector_load_idx %arg12[%add3A_1299, %and3A_1296, %broadcast_in_dim3A_1340] : memref<16x8x64xf32, #tpu.memory_space<vmem>>[vector<16xi32>, vector<16xi32>, vector<16xi32>], vector<16xf32>,
      %mul3A_1343 = arith.mulf %gather3A_1341, %gather3A_1342 : vector<16xf32>
      %add3A_1344 = arith.addf %add3A_1334, %mul3A_1343 : vector<16xf32>
      %mul3A_1345 = arith.mulf %gather3A_1341, %gather3A_1341 : vector<16xf32>
      %add3A_1346 = arith.addf %add3A_1336, %mul3A_1345 : vector<16xf32>
      %mul3A_1347 = arith.mulf %gather3A_1342, %gather3A_1342 : vector<16xf32>
      %add3A_1348 = arith.addf %add3A_1338, %mul3A_1347 : vector<16xf32>
      %broadcast_in_dim3A_1349 = arith.constant 5 : i32
      %broadcast_in_dim3A_1350 = vector.broadcast %broadcast_in_dim3A_1349 : i32 to vector<16xi32>
      %gather3A_1351 = tpu.vector_load_idx %arg11[%add3A_1299, %and3A_1293, %broadcast_in_dim3A_1350] : memref<16x8x64xf32, #tpu.memory_space<vmem>>[vector<16xi32>, vector<16xi32>, vector<16xi32>], vector<16xf32>,
      %gather3A_1352 = tpu.vector_load_idx %arg12[%add3A_1299, %and3A_1296, %broadcast_in_dim3A_1350] : memref<16x8x64xf32, #tpu.memory_space<vmem>>[vector<16xi32>, vector<16xi32>, vector<16xi32>], vector<16xf32>,
      %mul3A_1353 = arith.mulf %gather3A_1351, %gather3A_1352 : vector<16xf32>
      %add3A_1354 = arith.addf %add3A_1344, %mul3A_1353 : vector<16xf32>
      %mul3A_1355 = arith.mulf %gather3A_1351, %gather3A_1351 : vector<16xf32>
      %add3A_1356 = arith.addf %add3A_1346, %mul3A_1355 : vector<16xf32>
      %mul3A_1357 = arith.mulf %gather3A_1352, %gather3A_1352 : vector<16xf32>
      %add3A_1358 = arith.addf %add3A_1348, %mul3A_1357 : vector<16xf32>
      %broadcast_in_dim3A_1359 = arith.constant 6 : i32
      %broadcast_in_dim3A_1360 = vector.broadcast %broadcast_in_dim3A_1359 : i32 to vector<16xi32>
      %gather3A_1361 = tpu.vector_load_idx %arg11[%add3A_1299, %and3A_1293, %broadcast_in_dim3A_1360] : memref<16x8x64xf32, #tpu.memory_space<vmem>>[vector<16xi32>, vector<16xi32>, vector<16xi32>], vector<16xf32>,
      %gather3A_1362 = tpu.vector_load_idx %arg12[%add3A_1299, %and3A_1296, %broadcast_in_dim3A_1360] : memref<16x8x64xf32, #tpu.memory_space<vmem>>[vector<16xi32>, vector<16xi32>, vector<16xi32>], vector<16xf32>,
      %mul3A_1363 = arith.mulf %gather3A_1361, %gather3A_1362 : vector<16xf32>
      %add3A_1364 = arith.addf %add3A_1354, %mul3A_1363 : vector<16xf32>
      %mul3A_1365 = arith.mulf %gather3A_1361, %gather3A_1361 : vector<16xf32>
      %add3A_1366 = arith.addf %add3A_1356, %mul3A_1365 : vector<16xf32>
      %mul3A_1367 = arith.mulf %gather3A_1362, %gather3A_1362 : vector<16xf32>
      %add3A_1368 = arith.addf %add3A_1358, %mul3A_1367 : vector<16xf32>
      %broadcast_in_dim3A_1369 = arith.constant 7 : i32
      %broadcast_in_dim3A_1370 = vector.broadcast %broadcast_in_dim3A_1369 : i32 to vector<16xi32>
      %gather3A_1371 = tpu.vector_load_idx %arg11[%add3A_1299, %and3A_1293, %broadcast_in_dim3A_1370] : memref<16x8x64xf32, #tpu.memory_space<vmem>>[vector<16xi32>, vector<16xi32>, vector<16xi32>], vector<16xf32>,
      %gather3A_1372 = tpu.vector_load_idx %arg12[%add3A_1299, %and3A_1296, %broadcast_in_dim3A_1370] : memref<16x8x64xf32, #tpu.memory_space<vmem>>[vector<16xi32>, vector<16xi32>, vector<16xi32>], vector<16xf32>,
      %mul3A_1373 = arith.mulf %gather3A_1371, %gather3A_1372 : vector<16xf32>
      %add3A_1374 = arith.addf %add3A_1364, %mul3A_1373 : vector<16xf32>
      %mul3A_1375 = arith.mulf %gather3A_1371, %gather3A_1371 : vector<16xf32>
      %add3A_1376 = arith.addf %add3A_1366, %mul3A_1375 : vector<16xf32>
      %mul3A_1377 = arith.mulf %gather3A_1372, %gather3A_1372 : vector<16xf32>
      %add3A_1378 = arith.addf %add3A_1368, %mul3A_1377 : vector<16xf32>
      %broadcast_in_dim3A_1379 = arith.constant 8 : i32
      %broadcast_in_dim3A_1380 = vector.broadcast %broadcast_in_dim3A_1379 : i32 to vector<16xi32>
      %gather3A_1381 = tpu.vector_load_idx %arg11[%add3A_1299, %and3A_1293, %broadcast_in_dim3A_1380] : memref<16x8x64xf32, #tpu.memory_space<vmem>>[vector<16xi32>, vector<16xi32>, vector<16xi32>], vector<16xf32>,
      %gather3A_1382 = tpu.vector_load_idx %arg12[%add3A_1299, %and3A_1296, %broadcast_in_dim3A_1380] : memref<16x8x64xf32, #tpu.memory_space<vmem>>[vector<16xi32>, vector<16xi32>, vector<16xi32>], vector<16xf32>,
      %mul3A_1383 = arith.mulf %gather3A_1381, %gather3A_1382 : vector<16xf32>
      %add3A_1384 = arith.addf %add3A_1374, %mul3A_1383 : vector<16xf32>
      %mul3A_1385 = arith.mulf %gather3A_1381, %gather3A_1381 : vector<16xf32>
      %add3A_1386 = arith.addf %add3A_1376, %mul3A_1385 : vector<16xf32>
      %mul3A_1387 = arith.mulf %gather3A_1382, %gather3A_1382 : vector<16xf32>
      %add3A_1388 = arith.addf %add3A_1378, %mul3A_1387 : vector<16xf32>
      %broadcast_in_dim3A_1389 = arith.constant 9 : i32
      %broadcast_in_dim3A_1390 = vector.broadcast %broadcast_in_dim3A_1389 : i32 to vector<16xi32>
      %gather3A_1391 = tpu.vector_load_idx %arg11[%add3A_1299, %and3A_1293, %broadcast_in_dim3A_1390] : memref<16x8x64xf32, #tpu.memory_space<vmem>>[vector<16xi32>, vector<16xi32>, vector<16xi32>], vector<16xf32>,
      %gather3A_1392 = tpu.vector_load_idx %arg12[%add3A_1299, %and3A_1296, %broadcast_in_dim3A_1390] : memref<16x8x64xf32, #tpu.memory_space<vmem>>[vector<16xi32>, vector<16xi32>, vector<16xi32>], vector<16xf32>,
      %mul3A_1393 = arith.mulf %gather3A_1391, %gather3A_1392 : vector<16xf32>
      %add3A_1394 = arith.addf %add3A_1384, %mul3A_1393 : vector<16xf32>
      %mul3A_1395 = arith.mulf %gather3A_1391, %gather3A_1391 : vector<16xf32>
      %add3A_1396 = arith.addf %add3A_1386, %mul3A_1395 : vector<16xf32>
      %mul3A_1397 = arith.mulf %gather3A_1392, %gather3A_1392 : vector<16xf32>
      %add3A_1398 = arith.addf %add3A_1388, %mul3A_1397 : vector<16xf32>
      %broadcast_in_dim3A_1399 = arith.constant 10 : i32
      %broadcast_in_dim3A_1400 = vector.broadcast %broadcast_in_dim3A_1399 : i32 to vector<16xi32>
      %gather3A_1401 = tpu.vector_load_idx %arg11[%add3A_1299, %and3A_1293, %broadcast_in_dim3A_1400] : memref<16x8x64xf32, #tpu.memory_space<vmem>>[vector<16xi32>, vector<16xi32>, vector<16xi32>], vector<16xf32>,
      %gather3A_1402 = tpu.vector_load_idx %arg12[%add3A_1299, %and3A_1296, %broadcast_in_dim3A_1400] : memref<16x8x64xf32, #tpu.memory_space<vmem>>[vector<16xi32>, vector<16xi32>, vector<16xi32>], vector<16xf32>,
      %mul3A_1403 = arith.mulf %gather3A_1401, %gather3A_1402 : vector<16xf32>
      %add3A_1404 = arith.addf %add3A_1394, %mul3A_1403 : vector<16xf32>
      %mul3A_1405 = arith.mulf %gather3A_1401, %gather3A_1401 : vector<16xf32>
      %add3A_1406 = arith.addf %add3A_1396, %mul3A_1405 : vector<16xf32>
      %mul3A_1407 = arith.mulf %gather3A_1402, %gather3A_1402 : vector<16xf32>
      %add3A_1408 = arith.addf %add3A_1398, %mul3A_1407 : vector<16xf32>
      %broadcast_in_dim3A_1409 = arith.constant 11 : i32
      %broadcast_in_dim3A_1410 = vector.broadcast %broadcast_in_dim3A_1409 : i32 to vector<16xi32>
      %gather3A_1411 = tpu.vector_load_idx %arg11[%add3A_1299, %and3A_1293, %broadcast_in_dim3A_1410] : memref<16x8x64xf32, #tpu.memory_space<vmem>>[vector<16xi32>, vector<16xi32>, vector<16xi32>], vector<16xf32>,
      %gather3A_1412 = tpu.vector_load_idx %arg12[%add3A_1299, %and3A_1296, %broadcast_in_dim3A_1410] : memref<16x8x64xf32, #tpu.memory_space<vmem>>[vector<16xi32>, vector<16xi32>, vector<16xi32>], vector<16xf32>,
      %mul3A_1413 = arith.mulf %gather3A_1411, %gather3A_1412 : vector<16xf32>
      %add3A_1414 = arith.addf %add3A_1404, %mul3A_1413 : vector<16xf32>
      %mul3A_1415 = arith.mulf %gather3A_1411, %gather3A_1411 : vector<16xf32>
      %add3A_1416 = arith.addf %add3A_1406, %mul3A_1415 : vector<16xf32>
      %mul3A_1417 = arith.mulf %gather3A_1412, %gather3A_1412 : vector<16xf32>
      %add3A_1418 = arith.addf %add3A_1408, %mul3A_1417 : vector<16xf32>
      %broadcast_in_dim3A_1419 = arith.constant 12 : i32
      %broadcast_in_dim3A_1420 = vector.broadcast %broadcast_in_dim3A_1419 : i32 to vector<16xi32>
      %gather3A_1421 = tpu.vector_load_idx %arg11[%add3A_1299, %and3A_1293, %broadcast_in_dim3A_1420] : memref<16x8x64xf32, #tpu.memory_space<vmem>>[vector<16xi32>, vector<16xi32>, vector<16xi32>], vector<16xf32>,
      %gather3A_1422 = tpu.vector_load_idx %arg12[%add3A_1299, %and3A_1296, %broadcast_in_dim3A_1420] : memref<16x8x64xf32, #tpu.memory_space<vmem>>[vector<16xi32>, vector<16xi32>, vector<16xi32>], vector<16xf32>,
      %mul3A_1423 = arith.mulf %gather3A_1421, %gather3A_1422 : vector<16xf32>
      %add3A_1424 = arith.addf %add3A_1414, %mul3A_1423 : vector<16xf32>
      %mul3A_1425 = arith.mulf %gather3A_1421, %gather3A_1421 : vector<16xf32>
      %add3A_1426 = arith.addf %add3A_1416, %mul3A_1425 : vector<16xf32>
      %mul3A_1427 = arith.mulf %gather3A_1422, %gather3A_1422 : vector<16xf32>
      %add3A_1428 = arith.addf %add3A_1418, %mul3A_1427 : vector<16xf32>
      %broadcast_in_dim3A_1429 = arith.constant 13 : i32
      %broadcast_in_dim3A_1430 = vector.broadcast %broadcast_in_dim3A_1429 : i32 to vector<16xi32>
      %gather3A_1431 = tpu.vector_load_idx %arg11[%add3A_1299, %and3A_1293, %broadcast_in_dim3A_1430] : memref<16x8x64xf32, #tpu.memory_space<vmem>>[vector<16xi32>, vector<16xi32>, vector<16xi32>], vector<16xf32>,
      %gather3A_1432 = tpu.vector_load_idx %arg12[%add3A_1299, %and3A_1296, %broadcast_in_dim3A_1430] : memref<16x8x64xf32, #tpu.memory_space<vmem>>[vector<16xi32>, vector<16xi32>, vector<16xi32>], vector<16xf32>,
      %mul3A_1433 = arith.mulf %gather3A_1431, %gather3A_1432 : vector<16xf32>
      %add3A_1434 = arith.addf %add3A_1424, %mul3A_1433 : vector<16xf32>
      %mul3A_1435 = arith.mulf %gather3A_1431, %gather3A_1431 : vector<16xf32>
      %add3A_1436 = arith.addf %add3A_1426, %mul3A_1435 : vector<16xf32>
      %mul3A_1437 = arith.mulf %gather3A_1432, %gather3A_1432 : vector<16xf32>
      %add3A_1438 = arith.addf %add3A_1428, %mul3A_1437 : vector<16xf32>
      %broadcast_in_dim3A_1439 = arith.constant 14 : i32
      %broadcast_in_dim3A_1440 = vector.broadcast %broadcast_in_dim3A_1439 : i32 to vector<16xi32>
      %gather3A_1441 = tpu.vector_load_idx %arg11[%add3A_1299, %and3A_1293, %broadcast_in_dim3A_1440] : memref<16x8x64xf32, #tpu.memory_space<vmem>>[vector<16xi32>, vector<16xi32>, vector<16xi32>], vector<16xf32>,
      %gather3A_1442 = tpu.vector_load_idx %arg12[%add3A_1299, %and3A_1296, %broadcast_in_dim3A_1440] : memref<16x8x64xf32, #tpu.memory_space<vmem>>[vector<16xi32>, vector<16xi32>, vector<16xi32>], vector<16xf32>,
      %mul3A_1443 = arith.mulf %gather3A_1441, %gather3A_1442 : vector<16xf32>
      %add3A_1444 = arith.addf %add3A_1434, %mul3A_1443 : vector<16xf32>
      %mul3A_1445 = arith.mulf %gather3A_1441, %gather3A_1441 : vector<16xf32>
      %add3A_1446 = arith.addf %add3A_1436, %mul3A_1445 : vector<16xf32>
      %mul3A_1447 = arith.mulf %gather3A_1442, %gather3A_1442 : vector<16xf32>
      %add3A_1448 = arith.addf %add3A_1438, %mul3A_1447 : vector<16xf32>
      %broadcast_in_dim3A_1449 = arith.constant 15 : i32
      %broadcast_in_dim3A_1450 = vector.broadcast %broadcast_in_dim3A_1449 : i32 to vector<16xi32>
      %gather3A_1451 = tpu.vector_load_idx %arg11[%add3A_1299, %and3A_1293, %broadcast_in_dim3A_1450] : memref<16x8x64xf32, #tpu.memory_space<vmem>>[vector<16xi32>, vector<16xi32>, vector<16xi32>], vector<16xf32>,
      %gather3A_1452 = tpu.vector_load_idx %arg12[%add3A_1299, %and3A_1296, %broadcast_in_dim3A_1450] : memref<16x8x64xf32, #tpu.memory_space<vmem>>[vector<16xi32>, vector<16xi32>, vector<16xi32>], vector<16xf32>,
      %mul3A_1453 = arith.mulf %gather3A_1451, %gather3A_1452 : vector<16xf32>
      %add3A_1454 = arith.addf %add3A_1444, %mul3A_1453 : vector<16xf32>
      %mul3A_1455 = arith.mulf %gather3A_1451, %gather3A_1451 : vector<16xf32>
      %add3A_1456 = arith.addf %add3A_1446, %mul3A_1455 : vector<16xf32>
      %mul3A_1457 = arith.mulf %gather3A_1452, %gather3A_1452 : vector<16xf32>
      %add3A_1458 = arith.addf %add3A_1448, %mul3A_1457 : vector<16xf32>
      %broadcast_in_dim3A_1459 = arith.constant 16 : i32
      %broadcast_in_dim3A_1460 = vector.broadcast %broadcast_in_dim3A_1459 : i32 to vector<16xi32>
      %gather3A_1461 = tpu.vector_load_idx %arg11[%add3A_1299, %and3A_1293, %broadcast_in_dim3A_1460] : memref<16x8x64xf32, #tpu.memory_space<vmem>>[vector<16xi32>, vector<16xi32>, vector<16xi32>], vector<16xf32>,
      %gather3A_1462 = tpu.vector_load_idx %arg12[%add3A_1299, %and3A_1296, %broadcast_in_dim3A_1460] : memref<16x8x64xf32, #tpu.memory_space<vmem>>[vector<16xi32>, vector<16xi32>, vector<16xi32>], vector<16xf32>,
      %mul3A_1463 = arith.mulf %gather3A_1461, %gather3A_1462 : vector<16xf32>
      %add3A_1464 = arith.addf %add3A_1454, %mul3A_1463 : vector<16xf32>
      %mul3A_1465 = arith.mulf %gather3A_1461, %gather3A_1461 : vector<16xf32>
      %add3A_1466 = arith.addf %add3A_1456, %mul3A_1465 : vector<16xf32>
      %mul3A_1467 = arith.mulf %gather3A_1462, %gather3A_1462 : vector<16xf32>
      %add3A_1468 = arith.addf %add3A_1458, %mul3A_1467 : vector<16xf32>
      %broadcast_in_dim3A_1469 = arith.constant 17 : i32
      %broadcast_in_dim3A_1470 = vector.broadcast %broadcast_in_dim3A_1469 : i32 to vector<16xi32>
      %gather3A_1471 = tpu.vector_load_idx %arg11[%add3A_1299, %and3A_1293, %broadcast_in_dim3A_1470] : memref<16x8x64xf32, #tpu.memory_space<vmem>>[vector<16xi32>, vector<16xi32>, vector<16xi32>], vector<16xf32>,
      %gather3A_1472 = tpu.vector_load_idx %arg12[%add3A_1299, %and3A_1296, %broadcast_in_dim3A_1470] : memref<16x8x64xf32, #tpu.memory_space<vmem>>[vector<16xi32>, vector<16xi32>, vector<16xi32>], vector<16xf32>,
      %mul3A_1473 = arith.mulf %gather3A_1471, %gather3A_1472 : vector<16xf32>
      %add3A_1474 = arith.addf %add3A_1464, %mul3A_1473 : vector<16xf32>
      %mul3A_1475 = arith.mulf %gather3A_1471, %gather3A_1471 : vector<16xf32>
      %add3A_1476 = arith.addf %add3A_1466, %mul3A_1475 : vector<16xf32>
      %mul3A_1477 = arith.mulf %gather3A_1472, %gather3A_1472 : vector<16xf32>
      %add3A_1478 = arith.addf %add3A_1468, %mul3A_1477 : vector<16xf32>
      %broadcast_in_dim3A_1479 = arith.constant 18 : i32
      %broadcast_in_dim3A_1480 = vector.broadcast %broadcast_in_dim3A_1479 : i32 to vector<16xi32>
      %gather3A_1481 = tpu.vector_load_idx %arg11[%add3A_1299, %and3A_1293, %broadcast_in_dim3A_1480] : memref<16x8x64xf32, #tpu.memory_space<vmem>>[vector<16xi32>, vector<16xi32>, vector<16xi32>], vector<16xf32>,
      %gather3A_1482 = tpu.vector_load_idx %arg12[%add3A_1299, %and3A_1296, %broadcast_in_dim3A_1480] : memref<16x8x64xf32, #tpu.memory_space<vmem>>[vector<16xi32>, vector<16xi32>, vector<16xi32>], vector<16xf32>,
      %mul3A_1483 = arith.mulf %gather3A_1481, %gather3A_1482 : vector<16xf32>
      %add3A_1484 = arith.addf %add3A_1474, %mul3A_1483 : vector<16xf32>
      %mul3A_1485 = arith.mulf %gather3A_1481, %gather3A_1481 : vector<16xf32>
      %add3A_1486 = arith.addf %add3A_1476, %mul3A_1485 : vector<16xf32>
      %mul3A_1487 = arith.mulf %gather3A_1482, %gather3A_1482 : vector<16xf32>
      %add3A_1488 = arith.addf %add3A_1478, %mul3A_1487 : vector<16xf32>
      %broadcast_in_dim3A_1489 = arith.constant 19 : i32
      %broadcast_in_dim3A_1490 = vector.broadcast %broadcast_in_dim3A_1489 : i32 to vector<16xi32>
      %gather3A_1491 = tpu.vector_load_idx %arg11[%add3A_1299, %and3A_1293, %broadcast_in_dim3A_1490] : memref<16x8x64xf32, #tpu.memory_space<vmem>>[vector<16xi32>, vector<16xi32>, vector<16xi32>], vector<16xf32>,
      %gather3A_1492 = tpu.vector_load_idx %arg12[%add3A_1299, %and3A_1296, %broadcast_in_dim3A_1490] : memref<16x8x64xf32, #tpu.memory_space<vmem>>[vector<16xi32>, vector<16xi32>, vector<16xi32>], vector<16xf32>,
      %mul3A_1493 = arith.mulf %gather3A_1491, %gather3A_1492 : vector<16xf32>
      %add3A_1494 = arith.addf %add3A_1484, %mul3A_1493 : vector<16xf32>
      %mul3A_1495 = arith.mulf %gather3A_1491, %gather3A_1491 : vector<16xf32>
      %add3A_1496 = arith.addf %add3A_1486, %mul3A_1495 : vector<16xf32>
      %mul3A_1497 = arith.mulf %gather3A_1492, %gather3A_1492 : vector<16xf32>
      %add3A_1498 = arith.addf %add3A_1488, %mul3A_1497 : vector<16xf32>
      %broadcast_in_dim3A_1499 = arith.constant 20 : i32
      %broadcast_in_dim3A_1500 = vector.broadcast %broadcast_in_dim3A_1499 : i32 to vector<16xi32>
      %gather3A_1501 = tpu.vector_load_idx %arg11[%add3A_1299, %and3A_1293, %broadcast_in_dim3A_1500] : memref<16x8x64xf32, #tpu.memory_space<vmem>>[vector<16xi32>, vector<16xi32>, vector<16xi32>], vector<16xf32>,
      %gather3A_1502 = tpu.vector_load_idx %arg12[%add3A_1299, %and3A_1296, %broadcast_in_dim3A_1500] : memref<16x8x64xf32, #tpu.memory_space<vmem>>[vector<16xi32>, vector<16xi32>, vector<16xi32>], vector<16xf32>,
      %mul3A_1503 = arith.mulf %gather3A_1501, %gather3A_1502 : vector<16xf32>
      %add3A_1504 = arith.addf %add3A_1494, %mul3A_1503 : vector<16xf32>
      %mul3A_1505 = arith.mulf %gather3A_1501, %gather3A_1501 : vector<16xf32>
      %add3A_1506 = arith.addf %add3A_1496, %mul3A_1505 : vector<16xf32>
      %mul3A_1507 = arith.mulf %gather3A_1502, %gather3A_1502 : vector<16xf32>
      %add3A_1508 = arith.addf %add3A_1498, %mul3A_1507 : vector<16xf32>
      %broadcast_in_dim3A_1509 = arith.constant 21 : i32
      %broadcast_in_dim3A_1510 = vector.broadcast %broadcast_in_dim3A_1509 : i32 to vector<16xi32>
      %gather3A_1511 = tpu.vector_load_idx %arg11[%add3A_1299, %and3A_1293, %broadcast_in_dim3A_1510] : memref<16x8x64xf32, #tpu.memory_space<vmem>>[vector<16xi32>, vector<16xi32>, vector<16xi32>], vector<16xf32>,
      %gather3A_1512 = tpu.vector_load_idx %arg12[%add3A_1299, %and3A_1296, %broadcast_in_dim3A_1510] : memref<16x8x64xf32, #tpu.memory_space<vmem>>[vector<16xi32>, vector<16xi32>, vector<16xi32>], vector<16xf32>,
      %mul3A_1513 = arith.mulf %gather3A_1511, %gather3A_1512 : vector<16xf32>
      %add3A_1514 = arith.addf %add3A_1504, %mul3A_1513 : vector<16xf32>
      %mul3A_1515 = arith.mulf %gather3A_1511, %gather3A_1511 : vector<16xf32>
      %add3A_1516 = arith.addf %add3A_1506, %mul3A_1515 : vector<16xf32>
      %mul3A_1517 = arith.mulf %gather3A_1512, %gather3A_1512 : vector<16xf32>
      %add3A_1518 = arith.addf %add3A_1508, %mul3A_1517 : vector<16xf32>
      %broadcast_in_dim3A_1519 = arith.constant 22 : i32
      %broadcast_in_dim3A_1520 = vector.broadcast %broadcast_in_dim3A_1519 : i32 to vector<16xi32>
      %gather3A_1521 = tpu.vector_load_idx %arg11[%add3A_1299, %and3A_1293, %broadcast_in_dim3A_1520] : memref<16x8x64xf32, #tpu.memory_space<vmem>>[vector<16xi32>, vector<16xi32>, vector<16xi32>], vector<16xf32>,
      %gather3A_1522 = tpu.vector_load_idx %arg12[%add3A_1299, %and3A_1296, %broadcast_in_dim3A_1520] : memref<16x8x64xf32, #tpu.memory_space<vmem>>[vector<16xi32>, vector<16xi32>, vector<16xi32>], vector<16xf32>,
      %mul3A_1523 = arith.mulf %gather3A_1521, %gather3A_1522 : vector<16xf32>
      %add3A_1524 = arith.addf %add3A_1514, %mul3A_1523 : vector<16xf32>
      %mul3A_1525 = arith.mulf %gather3A_1521, %gather3A_1521 : vector<16xf32>
      %add3A_1526 = arith.addf %add3A_1516, %mul3A_1525 : vector<16xf32>
      %mul3A_1527 = arith.mulf %gather3A_1522, %gather3A_1522 : vector<16xf32>
      %add3A_1528 = arith.addf %add3A_1518, %mul3A_1527 : vector<16xf32>
      %broadcast_in_dim3A_1529 = arith.constant 23 : i32
      %broadcast_in_dim3A_1530 = vector.broadcast %broadcast_in_dim3A_1529 : i32 to vector<16xi32>
      %gather3A_1531 = tpu.vector_load_idx %arg11[%add3A_1299, %and3A_1293, %broadcast_in_dim3A_1530] : memref<16x8x64xf32, #tpu.memory_space<vmem>>[vector<16xi32>, vector<16xi32>, vector<16xi32>], vector<16xf32>,
      %gather3A_1532 = tpu.vector_load_idx %arg12[%add3A_1299, %and3A_1296, %broadcast_in_dim3A_1530] : memref<16x8x64xf32, #tpu.memory_space<vmem>>[vector<16xi32>, vector<16xi32>, vector<16xi32>], vector<16xf32>,
      %mul3A_1533 = arith.mulf %gather3A_1531, %gather3A_1532 : vector<16xf32>
      %add3A_1534 = arith.addf %add3A_1524, %mul3A_1533 : vector<16xf32>
      %mul3A_1535 = arith.mulf %gather3A_1531, %gather3A_1531 : vector<16xf32>
      %add3A_1536 = arith.addf %add3A_1526, %mul3A_1535 : vector<16xf32>
      %mul3A_1537 = arith.mulf %gather3A_1532, %gather3A_1532 : vector<16xf32>
      %add3A_1538 = arith.addf %add3A_1528, %mul3A_1537 : vector<16xf32>
      %broadcast_in_dim3A_1539 = arith.constant 24 : i32
      %broadcast_in_dim3A_1540 = vector.broadcast %broadcast_in_dim3A_1539 : i32 to vector<16xi32>
      %gather3A_1541 = tpu.vector_load_idx %arg11[%add3A_1299, %and3A_1293, %broadcast_in_dim3A_1540] : memref<16x8x64xf32, #tpu.memory_space<vmem>>[vector<16xi32>, vector<16xi32>, vector<16xi32>], vector<16xf32>,
      %gather3A_1542 = tpu.vector_load_idx %arg12[%add3A_1299, %and3A_1296, %broadcast_in_dim3A_1540] : memref<16x8x64xf32, #tpu.memory_space<vmem>>[vector<16xi32>, vector<16xi32>, vector<16xi32>], vector<16xf32>,
      %mul3A_1543 = arith.mulf %gather3A_1541, %gather3A_1542 : vector<16xf32>
      %add3A_1544 = arith.addf %add3A_1534, %mul3A_1543 : vector<16xf32>
      %mul3A_1545 = arith.mulf %gather3A_1541, %gather3A_1541 : vector<16xf32>
      %add3A_1546 = arith.addf %add3A_1536, %mul3A_1545 : vector<16xf32>
      %mul3A_1547 = arith.mulf %gather3A_1542, %gather3A_1542 : vector<16xf32>
      %add3A_1548 = arith.addf %add3A_1538, %mul3A_1547 : vector<16xf32>
      %broadcast_in_dim3A_1549 = arith.constant 25 : i32
      %broadcast_in_dim3A_1550 = vector.broadcast %broadcast_in_dim3A_1549 : i32 to vector<16xi32>
      %gather3A_1551 = tpu.vector_load_idx %arg11[%add3A_1299, %and3A_1293, %broadcast_in_dim3A_1550] : memref<16x8x64xf32, #tpu.memory_space<vmem>>[vector<16xi32>, vector<16xi32>, vector<16xi32>], vector<16xf32>,
      %gather3A_1552 = tpu.vector_load_idx %arg12[%add3A_1299, %and3A_1296, %broadcast_in_dim3A_1550] : memref<16x8x64xf32, #tpu.memory_space<vmem>>[vector<16xi32>, vector<16xi32>, vector<16xi32>], vector<16xf32>,
      %mul3A_1553 = arith.mulf %gather3A_1551, %gather3A_1552 : vector<16xf32>
      %add3A_1554 = arith.addf %add3A_1544, %mul3A_1553 : vector<16xf32>
      %mul3A_1555 = arith.mulf %gather3A_1551, %gather3A_1551 : vector<16xf32>
      %add3A_1556 = arith.addf %add3A_1546, %mul3A_1555 : vector<16xf32>
      %mul3A_1557 = arith.mulf %gather3A_1552, %gather3A_1552 : vector<16xf32>
      %add3A_1558 = arith.addf %add3A_1548, %mul3A_1557 : vector<16xf32>
      %broadcast_in_dim3A_1559 = arith.constant 26 : i32
      %broadcast_in_dim3A_1560 = vector.broadcast %broadcast_in_dim3A_1559 : i32 to vector<16xi32>
      %gather3A_1561 = tpu.vector_load_idx %arg11[%add3A_1299, %and3A_1293, %broadcast_in_dim3A_1560] : memref<16x8x64xf32, #tpu.memory_space<vmem>>[vector<16xi32>, vector<16xi32>, vector<16xi32>], vector<16xf32>,
      %gather3A_1562 = tpu.vector_load_idx %arg12[%add3A_1299, %and3A_1296, %broadcast_in_dim3A_1560] : memref<16x8x64xf32, #tpu.memory_space<vmem>>[vector<16xi32>, vector<16xi32>, vector<16xi32>], vector<16xf32>,
      %mul3A_1563 = arith.mulf %gather3A_1561, %gather3A_1562 : vector<16xf32>
      %add3A_1564 = arith.addf %add3A_1554, %mul3A_1563 : vector<16xf32>
      %mul3A_1565 = arith.mulf %gather3A_1561, %gather3A_1561 : vector<16xf32>
      %add3A_1566 = arith.addf %add3A_1556, %mul3A_1565 : vector<16xf32>
      %mul3A_1567 = arith.mulf %gather3A_1562, %gather3A_1562 : vector<16xf32>
      %add3A_1568 = arith.addf %add3A_1558, %mul3A_1567 : vector<16xf32>
      %broadcast_in_dim3A_1569 = arith.constant 27 : i32
      %broadcast_in_dim3A_1570 = vector.broadcast %broadcast_in_dim3A_1569 : i32 to vector<16xi32>
      %gather3A_1571 = tpu.vector_load_idx %arg11[%add3A_1299, %and3A_1293, %broadcast_in_dim3A_1570] : memref<16x8x64xf32, #tpu.memory_space<vmem>>[vector<16xi32>, vector<16xi32>, vector<16xi32>], vector<16xf32>,
      %gather3A_1572 = tpu.vector_load_idx %arg12[%add3A_1299, %and3A_1296, %broadcast_in_dim3A_1570] : memref<16x8x64xf32, #tpu.memory_space<vmem>>[vector<16xi32>, vector<16xi32>, vector<16xi32>], vector<16xf32>,
      %mul3A_1573 = arith.mulf %gather3A_1571, %gather3A_1572 : vector<16xf32>
      %add3A_1574 = arith.addf %add3A_1564, %mul3A_1573 : vector<16xf32>
      %mul3A_1575 = arith.mulf %gather3A_1571, %gather3A_1571 : vector<16xf32>
      %add3A_1576 = arith.addf %add3A_1566, %mul3A_1575 : vector<16xf32>
      %mul3A_1577 = arith.mulf %gather3A_1572, %gather3A_1572 : vector<16xf32>
      %add3A_1578 = arith.addf %add3A_1568, %mul3A_1577 : vector<16xf32>
      %broadcast_in_dim3A_1579 = arith.constant 28 : i32
      %broadcast_in_dim3A_1580 = vector.broadcast %broadcast_in_dim3A_1579 : i32 to vector<16xi32>
      %gather3A_1581 = tpu.vector_load_idx %arg11[%add3A_1299, %and3A_1293, %broadcast_in_dim3A_1580] : memref<16x8x64xf32, #tpu.memory_space<vmem>>[vector<16xi32>, vector<16xi32>, vector<16xi32>], vector<16xf32>,
      %gather3A_1582 = tpu.vector_load_idx %arg12[%add3A_1299, %and3A_1296, %broadcast_in_dim3A_1580] : memref<16x8x64xf32, #tpu.memory_space<vmem>>[vector<16xi32>, vector<16xi32>, vector<16xi32>], vector<16xf32>,
      %mul3A_1583 = arith.mulf %gather3A_1581, %gather3A_1582 : vector<16xf32>
      %add3A_1584 = arith.addf %add3A_1574, %mul3A_1583 : vector<16xf32>
      %mul3A_1585 = arith.mulf %gather3A_1581, %gather3A_1581 : vector<16xf32>
      %add3A_1586 = arith.addf %add3A_1576, %mul3A_1585 : vector<16xf32>
      %mul3A_1587 = arith.mulf %gather3A_1582, %gather3A_1582 : vector<16xf32>
      %add3A_1588 = arith.addf %add3A_1578, %mul3A_1587 : vector<16xf32>
      %broadcast_in_dim3A_1589 = arith.constant 29 : i32
      %broadcast_in_dim3A_1590 = vector.broadcast %broadcast_in_dim3A_1589 : i32 to vector<16xi32>
      %gather3A_1591 = tpu.vector_load_idx %arg11[%add3A_1299, %and3A_1293, %broadcast_in_dim3A_1590] : memref<16x8x64xf32, #tpu.memory_space<vmem>>[vector<16xi32>, vector<16xi32>, vector<16xi32>], vector<16xf32>,
      %gather3A_1592 = tpu.vector_load_idx %arg12[%add3A_1299, %and3A_1296, %broadcast_in_dim3A_1590] : memref<16x8x64xf32, #tpu.memory_space<vmem>>[vector<16xi32>, vector<16xi32>, vector<16xi32>], vector<16xf32>,
      %mul3A_1593 = arith.mulf %gather3A_1591, %gather3A_1592 : vector<16xf32>
      %add3A_1594 = arith.addf %add3A_1584, %mul3A_1593 : vector<16xf32>
      %mul3A_1595 = arith.mulf %gather3A_1591, %gather3A_1591 : vector<16xf32>
      %add3A_1596 = arith.addf %add3A_1586, %mul3A_1595 : vector<16xf32>
      %mul3A_1597 = arith.mulf %gather3A_1592, %gather3A_1592 : vector<16xf32>
      %add3A_1598 = arith.addf %add3A_1588, %mul3A_1597 : vector<16xf32>
      %broadcast_in_dim3A_1599 = arith.constant 30 : i32
      %broadcast_in_dim3A_1600 = vector.broadcast %broadcast_in_dim3A_1599 : i32 to vector<16xi32>
      %gather3A_1601 = tpu.vector_load_idx %arg11[%add3A_1299, %and3A_1293, %broadcast_in_dim3A_1600] : memref<16x8x64xf32, #tpu.memory_space<vmem>>[vector<16xi32>, vector<16xi32>, vector<16xi32>], vector<16xf32>,
      %gather3A_1602 = tpu.vector_load_idx %arg12[%add3A_1299, %and3A_1296, %broadcast_in_dim3A_1600] : memref<16x8x64xf32, #tpu.memory_space<vmem>>[vector<16xi32>, vector<16xi32>, vector<16xi32>], vector<16xf32>,
      %mul3A_1603 = arith.mulf %gather3A_1601, %gather3A_1602 : vector<16xf32>
      %add3A_1604 = arith.addf %add3A_1594, %mul3A_1603 : vector<16xf32>
      %mul3A_1605 = arith.mulf %gather3A_1601, %gather3A_1601 : vector<16xf32>
      %add3A_1606 = arith.addf %add3A_1596, %mul3A_1605 : vector<16xf32>
      %mul3A_1607 = arith.mulf %gather3A_1602, %gather3A_1602 : vector<16xf32>
      %add3A_1608 = arith.addf %add3A_1598, %mul3A_1607 : vector<16xf32>
      %broadcast_in_dim3A_1609 = arith.constant 31 : i32
      %broadcast_in_dim3A_1610 = vector.broadcast %broadcast_in_dim3A_1609 : i32 to vector<16xi32>
      %gather3A_1611 = tpu.vector_load_idx %arg11[%add3A_1299, %and3A_1293, %broadcast_in_dim3A_1610] : memref<16x8x64xf32, #tpu.memory_space<vmem>>[vector<16xi32>, vector<16xi32>, vector<16xi32>], vector<16xf32>,
      %gather3A_1612 = tpu.vector_load_idx %arg12[%add3A_1299, %and3A_1296, %broadcast_in_dim3A_1610] : memref<16x8x64xf32, #tpu.memory_space<vmem>>[vector<16xi32>, vector<16xi32>, vector<16xi32>], vector<16xf32>,
      %mul3A_1613 = arith.mulf %gather3A_1611, %gather3A_1612 : vector<16xf32>
      %add3A_1614 = arith.addf %add3A_1604, %mul3A_1613 : vector<16xf32>
      %mul3A_1615 = arith.mulf %gather3A_1611, %gather3A_1611 : vector<16xf32>
      %add3A_1616 = arith.addf %add3A_1606, %mul3A_1615 : vector<16xf32>
      %mul3A_1617 = arith.mulf %gather3A_1612, %gather3A_1612 : vector<16xf32>
      %add3A_1618 = arith.addf %add3A_1608, %mul3A_1617 : vector<16xf32>
      %broadcast_in_dim3A_1619 = arith.constant 32 : i32
      %broadcast_in_dim3A_1620 = vector.broadcast %broadcast_in_dim3A_1619 : i32 to vector<16xi32>
      %gather3A_1621 = tpu.vector_load_idx %arg11[%add3A_1299, %and3A_1293, %broadcast_in_dim3A_1620] : memref<16x8x64xf32, #tpu.memory_space<vmem>>[vector<16xi32>, vector<16xi32>, vector<16xi32>], vector<16xf32>,
      %gather3A_1622 = tpu.vector_load_idx %arg12[%add3A_1299, %and3A_1296, %broadcast_in_dim3A_1620] : memref<16x8x64xf32, #tpu.memory_space<vmem>>[vector<16xi32>, vector<16xi32>, vector<16xi32>], vector<16xf32>,
      %mul3A_1623 = arith.mulf %gather3A_1621, %gather3A_1622 : vector<16xf32>
      %add3A_1624 = arith.addf %add3A_1614, %mul3A_1623 : vector<16xf32>
      %mul3A_1625 = arith.mulf %gather3A_1621, %gather3A_1621 : vector<16xf32>
      %add3A_1626 = arith.addf %add3A_1616, %mul3A_1625 : vector<16xf32>
      %mul3A_1627 = arith.mulf %gather3A_1622, %gather3A_1622 : vector<16xf32>
      %add3A_1628 = arith.addf %add3A_1618, %mul3A_1627 : vector<16xf32>
      %broadcast_in_dim3A_1629 = arith.constant 33 : i32
      %broadcast_in_dim3A_1630 = vector.broadcast %broadcast_in_dim3A_1629 : i32 to vector<16xi32>
      %gather3A_1631 = tpu.vector_load_idx %arg11[%add3A_1299, %and3A_1293, %broadcast_in_dim3A_1630] : memref<16x8x64xf32, #tpu.memory_space<vmem>>[vector<16xi32>, vector<16xi32>, vector<16xi32>], vector<16xf32>,
      %gather3A_1632 = tpu.vector_load_idx %arg12[%add3A_1299, %and3A_1296, %broadcast_in_dim3A_1630] : memref<16x8x64xf32, #tpu.memory_space<vmem>>[vector<16xi32>, vector<16xi32>, vector<16xi32>], vector<16xf32>,
      %mul3A_1633 = arith.mulf %gather3A_1631, %gather3A_1632 : vector<16xf32>
      %add3A_1634 = arith.addf %add3A_1624, %mul3A_1633 : vector<16xf32>
      %mul3A_1635 = arith.mulf %gather3A_1631, %gather3A_1631 : vector<16xf32>
      %add3A_1636 = arith.addf %add3A_1626, %mul3A_1635 : vector<16xf32>
      %mul3A_1637 = arith.mulf %gather3A_1632, %gather3A_1632 : vector<16xf32>
      %add3A_1638 = arith.addf %add3A_1628, %mul3A_1637 : vector<16xf32>
      %broadcast_in_dim3A_1639 = arith.constant 34 : i32
      %broadcast_in_dim3A_1640 = vector.broadcast %broadcast_in_dim3A_1639 : i32 to vector<16xi32>
      %gather3A_1641 = tpu.vector_load_idx %arg11[%add3A_1299, %and3A_1293, %broadcast_in_dim3A_1640] : memref<16x8x64xf32, #tpu.memory_space<vmem>>[vector<16xi32>, vector<16xi32>, vector<16xi32>], vector<16xf32>,
      %gather3A_1642 = tpu.vector_load_idx %arg12[%add3A_1299, %and3A_1296, %broadcast_in_dim3A_1640] : memref<16x8x64xf32, #tpu.memory_space<vmem>>[vector<16xi32>, vector<16xi32>, vector<16xi32>], vector<16xf32>,
      %mul3A_1643 = arith.mulf %gather3A_1641, %gather3A_1642 : vector<16xf32>
      %add3A_1644 = arith.addf %add3A_1634, %mul3A_1643 : vector<16xf32>
      %mul3A_1645 = arith.mulf %gather3A_1641, %gather3A_1641 : vector<16xf32>
      %add3A_1646 = arith.addf %add3A_1636, %mul3A_1645 : vector<16xf32>
      %mul3A_1647 = arith.mulf %gather3A_1642, %gather3A_1642 : vector<16xf32>
      %add3A_1648 = arith.addf %add3A_1638, %mul3A_1647 : vector<16xf32>
      %broadcast_in_dim3A_1649 = arith.constant 35 : i32
      %broadcast_in_dim3A_1650 = vector.broadcast %broadcast_in_dim3A_1649 : i32 to vector<16xi32>
      %gather3A_1651 = tpu.vector_load_idx %arg11[%add3A_1299, %and3A_1293, %broadcast_in_dim3A_1650] : memref<16x8x64xf32, #tpu.memory_space<vmem>>[vector<16xi32>, vector<16xi32>, vector<16xi32>], vector<16xf32>,
      %gather3A_1652 = tpu.vector_load_idx %arg12[%add3A_1299, %and3A_1296, %broadcast_in_dim3A_1650] : memref<16x8x64xf32, #tpu.memory_space<vmem>>[vector<16xi32>, vector<16xi32>, vector<16xi32>], vector<16xf32>,
      %mul3A_1653 = arith.mulf %gather3A_1651, %gather3A_1652 : vector<16xf32>
      %add3A_1654 = arith.addf %add3A_1644, %mul3A_1653 : vector<16xf32>
      %mul3A_1655 = arith.mulf %gather3A_1651, %gather3A_1651 : vector<16xf32>
      %add3A_1656 = arith.addf %add3A_1646, %mul3A_1655 : vector<16xf32>
      %mul3A_1657 = arith.mulf %gather3A_1652, %gather3A_1652 : vector<16xf32>
      %add3A_1658 = arith.addf %add3A_1648, %mul3A_1657 : vector<16xf32>
      %broadcast_in_dim3A_1659 = arith.constant 36 : i32
      %broadcast_in_dim3A_1660 = vector.broadcast %broadcast_in_dim3A_1659 : i32 to vector<16xi32>
      %gather3A_1661 = tpu.vector_load_idx %arg11[%add3A_1299, %and3A_1293, %broadcast_in_dim3A_1660] : memref<16x8x64xf32, #tpu.memory_space<vmem>>[vector<16xi32>, vector<16xi32>, vector<16xi32>], vector<16xf32>,
      %gather3A_1662 = tpu.vector_load_idx %arg12[%add3A_1299, %and3A_1296, %broadcast_in_dim3A_1660] : memref<16x8x64xf32, #tpu.memory_space<vmem>>[vector<16xi32>, vector<16xi32>, vector<16xi32>], vector<16xf32>,
      %mul3A_1663 = arith.mulf %gather3A_1661, %gather3A_1662 : vector<16xf32>
      %add3A_1664 = arith.addf %add3A_1654, %mul3A_1663 : vector<16xf32>
      %mul3A_1665 = arith.mulf %gather3A_1661, %gather3A_1661 : vector<16xf32>
      %add3A_1666 = arith.addf %add3A_1656, %mul3A_1665 : vector<16xf32>
      %mul3A_1667 = arith.mulf %gather3A_1662, %gather3A_1662 : vector<16xf32>
      %add3A_1668 = arith.addf %add3A_1658, %mul3A_1667 : vector<16xf32>
      %broadcast_in_dim3A_1669 = arith.constant 37 : i32
      %broadcast_in_dim3A_1670 = vector.broadcast %broadcast_in_dim3A_1669 : i32 to vector<16xi32>
      %gather3A_1671 = tpu.vector_load_idx %arg11[%add3A_1299, %and3A_1293, %broadcast_in_dim3A_1670] : memref<16x8x64xf32, #tpu.memory_space<vmem>>[vector<16xi32>, vector<16xi32>, vector<16xi32>], vector<16xf32>,
      %gather3A_1672 = tpu.vector_load_idx %arg12[%add3A_1299, %and3A_1296, %broadcast_in_dim3A_1670] : memref<16x8x64xf32, #tpu.memory_space<vmem>>[vector<16xi32>, vector<16xi32>, vector<16xi32>], vector<16xf32>,
      %mul3A_1673 = arith.mulf %gather3A_1671, %gather3A_1672 : vector<16xf32>
      %add3A_1674 = arith.addf %add3A_1664, %mul3A_1673 : vector<16xf32>
      %mul3A_1675 = arith.mulf %gather3A_1671, %gather3A_1671 : vector<16xf32>
      %add3A_1676 = arith.addf %add3A_1666, %mul3A_1675 : vector<16xf32>
      %mul3A_1677 = arith.mulf %gather3A_1672, %gather3A_1672 : vector<16xf32>
      %add3A_1678 = arith.addf %add3A_1668, %mul3A_1677 : vector<16xf32>
      %broadcast_in_dim3A_1679 = arith.constant 38 : i32
      %broadcast_in_dim3A_1680 = vector.broadcast %broadcast_in_dim3A_1679 : i32 to vector<16xi32>
      %gather3A_1681 = tpu.vector_load_idx %arg11[%add3A_1299, %and3A_1293, %broadcast_in_dim3A_1680] : memref<16x8x64xf32, #tpu.memory_space<vmem>>[vector<16xi32>, vector<16xi32>, vector<16xi32>], vector<16xf32>,
      %gather3A_1682 = tpu.vector_load_idx %arg12[%add3A_1299, %and3A_1296, %broadcast_in_dim3A_1680] : memref<16x8x64xf32, #tpu.memory_space<vmem>>[vector<16xi32>, vector<16xi32>, vector<16xi32>], vector<16xf32>,
      %mul3A_1683 = arith.mulf %gather3A_1681, %gather3A_1682 : vector<16xf32>
      %add3A_1684 = arith.addf %add3A_1674, %mul3A_1683 : vector<16xf32>
      %mul3A_1685 = arith.mulf %gather3A_1681, %gather3A_1681 : vector<16xf32>
      %add3A_1686 = arith.addf %add3A_1676, %mul3A_1685 : vector<16xf32>
      %mul3A_1687 = arith.mulf %gather3A_1682, %gather3A_1682 : vector<16xf32>
      %add3A_1688 = arith.addf %add3A_1678, %mul3A_1687 : vector<16xf32>
      %broadcast_in_dim3A_1689 = arith.constant 39 : i32
      %broadcast_in_dim3A_1690 = vector.broadcast %broadcast_in_dim3A_1689 : i32 to vector<16xi32>
      %gather3A_1691 = tpu.vector_load_idx %arg11[%add3A_1299, %and3A_1293, %broadcast_in_dim3A_1690] : memref<16x8x64xf32, #tpu.memory_space<vmem>>[vector<16xi32>, vector<16xi32>, vector<16xi32>], vector<16xf32>,
      %gather3A_1692 = tpu.vector_load_idx %arg12[%add3A_1299, %and3A_1296, %broadcast_in_dim3A_1690] : memref<16x8x64xf32, #tpu.memory_space<vmem>>[vector<16xi32>, vector<16xi32>, vector<16xi32>], vector<16xf32>,
      %mul3A_1693 = arith.mulf %gather3A_1691, %gather3A_1692 : vector<16xf32>
      %add3A_1694 = arith.addf %add3A_1684, %mul3A_1693 : vector<16xf32>
      %mul3A_1695 = arith.mulf %gather3A_1691, %gather3A_1691 : vector<16xf32>
      %add3A_1696 = arith.addf %add3A_1686, %mul3A_1695 : vector<16xf32>
      %mul3A_1697 = arith.mulf %gather3A_1692, %gather3A_1692 : vector<16xf32>
      %add3A_1698 = arith.addf %add3A_1688, %mul3A_1697 : vector<16xf32>
      %broadcast_in_dim3A_1699 = arith.constant 40 : i32
      %broadcast_in_dim3A_1700 = vector.broadcast %broadcast_in_dim3A_1699 : i32 to vector<16xi32>
      %gather3A_1701 = tpu.vector_load_idx %arg11[%add3A_1299, %and3A_1293, %broadcast_in_dim3A_1700] : memref<16x8x64xf32, #tpu.memory_space<vmem>>[vector<16xi32>, vector<16xi32>, vector<16xi32>], vector<16xf32>,
      %gather3A_1702 = tpu.vector_load_idx %arg12[%add3A_1299, %and3A_1296, %broadcast_in_dim3A_1700] : memref<16x8x64xf32, #tpu.memory_space<vmem>>[vector<16xi32>, vector<16xi32>, vector<16xi32>], vector<16xf32>,
      %mul3A_1703 = arith.mulf %gather3A_1701, %gather3A_1702 : vector<16xf32>
      %add3A_1704 = arith.addf %add3A_1694, %mul3A_1703 : vector<16xf32>
      %mul3A_1705 = arith.mulf %gather3A_1701, %gather3A_1701 : vector<16xf32>
      %add3A_1706 = arith.addf %add3A_1696, %mul3A_1705 : vector<16xf32>
      %mul3A_1707 = arith.mulf %gather3A_1702, %gather3A_1702 : vector<16xf32>
      %add3A_1708 = arith.addf %add3A_1698, %mul3A_1707 : vector<16xf32>
      %broadcast_in_dim3A_1709 = arith.constant 41 : i32
      %broadcast_in_dim3A_1710 = vector.broadcast %broadcast_in_dim3A_1709 : i32 to vector<16xi32>
      %gather3A_1711 = tpu.vector_load_idx %arg11[%add3A_1299, %and3A_1293, %broadcast_in_dim3A_1710] : memref<16x8x64xf32, #tpu.memory_space<vmem>>[vector<16xi32>, vector<16xi32>, vector<16xi32>], vector<16xf32>,
      %gather3A_1712 = tpu.vector_load_idx %arg12[%add3A_1299, %and3A_1296, %broadcast_in_dim3A_1710] : memref<16x8x64xf32, #tpu.memory_space<vmem>>[vector<16xi32>, vector<16xi32>, vector<16xi32>], vector<16xf32>,
      %mul3A_1713 = arith.mulf %gather3A_1711, %gather3A_1712 : vector<16xf32>
      %add3A_1714 = arith.addf %add3A_1704, %mul3A_1713 : vector<16xf32>
      %mul3A_1715 = arith.mulf %gather3A_1711, %gather3A_1711 : vector<16xf32>
      %add3A_1716 = arith.addf %add3A_1706, %mul3A_1715 : vector<16xf32>
      %mul3A_1717 = arith.mulf %gather3A_1712, %gather3A_1712 : vector<16xf32>
      %add3A_1718 = arith.addf %add3A_1708, %mul3A_1717 : vector<16xf32>
      %broadcast_in_dim3A_1719 = arith.constant 42 : i32
      %broadcast_in_dim3A_1720 = vector.broadcast %broadcast_in_dim3A_1719 : i32 to vector<16xi32>
      %gather3A_1721 = tpu.vector_load_idx %arg11[%add3A_1299, %and3A_1293, %broadcast_in_dim3A_1720] : memref<16x8x64xf32, #tpu.memory_space<vmem>>[vector<16xi32>, vector<16xi32>, vector<16xi32>], vector<16xf32>,
      %gather3A_1722 = tpu.vector_load_idx %arg12[%add3A_1299, %and3A_1296, %broadcast_in_dim3A_1720] : memref<16x8x64xf32, #tpu.memory_space<vmem>>[vector<16xi32>, vector<16xi32>, vector<16xi32>], vector<16xf32>,
      %mul3A_1723 = arith.mulf %gather3A_1721, %gather3A_1722 : vector<16xf32>
      %add3A_1724 = arith.addf %add3A_1714, %mul3A_1723 : vector<16xf32>
      %mul3A_1725 = arith.mulf %gather3A_1721, %gather3A_1721 : vector<16xf32>
      %add3A_1726 = arith.addf %add3A_1716, %mul3A_1725 : vector<16xf32>
      %mul3A_1727 = arith.mulf %gather3A_1722, %gather3A_1722 : vector<16xf32>
      %add3A_1728 = arith.addf %add3A_1718, %mul3A_1727 : vector<16xf32>
      %broadcast_in_dim3A_1729 = arith.constant 43 : i32
      %broadcast_in_dim3A_1730 = vector.broadcast %broadcast_in_dim3A_1729 : i32 to vector<16xi32>
      %gather3A_1731 = tpu.vector_load_idx %arg11[%add3A_1299, %and3A_1293, %broadcast_in_dim3A_1730] : memref<16x8x64xf32, #tpu.memory_space<vmem>>[vector<16xi32>, vector<16xi32>, vector<16xi32>], vector<16xf32>,
      %gather3A_1732 = tpu.vector_load_idx %arg12[%add3A_1299, %and3A_1296, %broadcast_in_dim3A_1730] : memref<16x8x64xf32, #tpu.memory_space<vmem>>[vector<16xi32>, vector<16xi32>, vector<16xi32>], vector<16xf32>,
      %mul3A_1733 = arith.mulf %gather3A_1731, %gather3A_1732 : vector<16xf32>
      %add3A_1734 = arith.addf %add3A_1724, %mul3A_1733 : vector<16xf32>
      %mul3A_1735 = arith.mulf %gather3A_1731, %gather3A_1731 : vector<16xf32>
      %add3A_1736 = arith.addf %add3A_1726, %mul3A_1735 : vector<16xf32>
      %mul3A_1737 = arith.mulf %gather3A_1732, %gather3A_1732 : vector<16xf32>
      %add3A_1738 = arith.addf %add3A_1728, %mul3A_1737 : vector<16xf32>
      %broadcast_in_dim3A_1739 = arith.constant 44 : i32
      %broadcast_in_dim3A_1740 = vector.broadcast %broadcast_in_dim3A_1739 : i32 to vector<16xi32>
      %gather3A_1741 = tpu.vector_load_idx %arg11[%add3A_1299, %and3A_1293, %broadcast_in_dim3A_1740] : memref<16x8x64xf32, #tpu.memory_space<vmem>>[vector<16xi32>, vector<16xi32>, vector<16xi32>], vector<16xf32>,
      %gather3A_1742 = tpu.vector_load_idx %arg12[%add3A_1299, %and3A_1296, %broadcast_in_dim3A_1740] : memref<16x8x64xf32, #tpu.memory_space<vmem>>[vector<16xi32>, vector<16xi32>, vector<16xi32>], vector<16xf32>,
      %mul3A_1743 = arith.mulf %gather3A_1741, %gather3A_1742 : vector<16xf32>
      %add3A_1744 = arith.addf %add3A_1734, %mul3A_1743 : vector<16xf32>
      %mul3A_1745 = arith.mulf %gather3A_1741, %gather3A_1741 : vector<16xf32>
      %add3A_1746 = arith.addf %add3A_1736, %mul3A_1745 : vector<16xf32>
      %mul3A_1747 = arith.mulf %gather3A_1742, %gather3A_1742 : vector<16xf32>
      %add3A_1748 = arith.addf %add3A_1738, %mul3A_1747 : vector<16xf32>
      %broadcast_in_dim3A_1749 = arith.constant 45 : i32
      %broadcast_in_dim3A_1750 = vector.broadcast %broadcast_in_dim3A_1749 : i32 to vector<16xi32>
      %gather3A_1751 = tpu.vector_load_idx %arg11[%add3A_1299, %and3A_1293, %broadcast_in_dim3A_1750] : memref<16x8x64xf32, #tpu.memory_space<vmem>>[vector<16xi32>, vector<16xi32>, vector<16xi32>], vector<16xf32>,
      %gather3A_1752 = tpu.vector_load_idx %arg12[%add3A_1299, %and3A_1296, %broadcast_in_dim3A_1750] : memref<16x8x64xf32, #tpu.memory_space<vmem>>[vector<16xi32>, vector<16xi32>, vector<16xi32>], vector<16xf32>,
      %mul3A_1753 = arith.mulf %gather3A_1751, %gather3A_1752 : vector<16xf32>
      %add3A_1754 = arith.addf %add3A_1744, %mul3A_1753 : vector<16xf32>
      %mul3A_1755 = arith.mulf %gather3A_1751, %gather3A_1751 : vector<16xf32>
      %add3A_1756 = arith.addf %add3A_1746, %mul3A_1755 : vector<16xf32>
      %mul3A_1757 = arith.mulf %gather3A_1752, %gather3A_1752 : vector<16xf32>
      %add3A_1758 = arith.addf %add3A_1748, %mul3A_1757 : vector<16xf32>
      %broadcast_in_dim3A_1759 = arith.constant 46 : i32
      %broadcast_in_dim3A_1760 = vector.broadcast %broadcast_in_dim3A_1759 : i32 to vector<16xi32>
      %gather3A_1761 = tpu.vector_load_idx %arg11[%add3A_1299, %and3A_1293, %broadcast_in_dim3A_1760] : memref<16x8x64xf32, #tpu.memory_space<vmem>>[vector<16xi32>, vector<16xi32>, vector<16xi32>], vector<16xf32>,
      %gather3A_1762 = tpu.vector_load_idx %arg12[%add3A_1299, %and3A_1296, %broadcast_in_dim3A_1760] : memref<16x8x64xf32, #tpu.memory_space<vmem>>[vector<16xi32>, vector<16xi32>, vector<16xi32>], vector<16xf32>,
      %mul3A_1763 = arith.mulf %gather3A_1761, %gather3A_1762 : vector<16xf32>
      %add3A_1764 = arith.addf %add3A_1754, %mul3A_1763 : vector<16xf32>
      %mul3A_1765 = arith.mulf %gather3A_1761, %gather3A_1761 : vector<16xf32>
      %add3A_1766 = arith.addf %add3A_1756, %mul3A_1765 : vector<16xf32>
      %mul3A_1767 = arith.mulf %gather3A_1762, %gather3A_1762 : vector<16xf32>
      %add3A_1768 = arith.addf %add3A_1758, %mul3A_1767 : vector<16xf32>
      %broadcast_in_dim3A_1769 = arith.constant 47 : i32
      %broadcast_in_dim3A_1770 = vector.broadcast %broadcast_in_dim3A_1769 : i32 to vector<16xi32>
      %gather3A_1771 = tpu.vector_load_idx %arg11[%add3A_1299, %and3A_1293, %broadcast_in_dim3A_1770] : memref<16x8x64xf32, #tpu.memory_space<vmem>>[vector<16xi32>, vector<16xi32>, vector<16xi32>], vector<16xf32>,
      %gather3A_1772 = tpu.vector_load_idx %arg12[%add3A_1299, %and3A_1296, %broadcast_in_dim3A_1770] : memref<16x8x64xf32, #tpu.memory_space<vmem>>[vector<16xi32>, vector<16xi32>, vector<16xi32>], vector<16xf32>,
      %mul3A_1773 = arith.mulf %gather3A_1771, %gather3A_1772 : vector<16xf32>
      %add3A_1774 = arith.addf %add3A_1764, %mul3A_1773 : vector<16xf32>
      %mul3A_1775 = arith.mulf %gather3A_1771, %gather3A_1771 : vector<16xf32>
      %add3A_1776 = arith.addf %add3A_1766, %mul3A_1775 : vector<16xf32>
      %mul3A_1777 = arith.mulf %gather3A_1772, %gather3A_1772 : vector<16xf32>
      %add3A_1778 = arith.addf %add3A_1768, %mul3A_1777 : vector<16xf32>
      %broadcast_in_dim3A_1779 = arith.constant 48 : i32
      %broadcast_in_dim3A_1780 = vector.broadcast %broadcast_in_dim3A_1779 : i32 to vector<16xi32>
      %gather3A_1781 = tpu.vector_load_idx %arg11[%add3A_1299, %and3A_1293, %broadcast_in_dim3A_1780] : memref<16x8x64xf32, #tpu.memory_space<vmem>>[vector<16xi32>, vector<16xi32>, vector<16xi32>], vector<16xf32>,
      %gather3A_1782 = tpu.vector_load_idx %arg12[%add3A_1299, %and3A_1296, %broadcast_in_dim3A_1780] : memref<16x8x64xf32, #tpu.memory_space<vmem>>[vector<16xi32>, vector<16xi32>, vector<16xi32>], vector<16xf32>,
      %mul3A_1783 = arith.mulf %gather3A_1781, %gather3A_1782 : vector<16xf32>
      %add3A_1784 = arith.addf %add3A_1774, %mul3A_1783 : vector<16xf32>
      %mul3A_1785 = arith.mulf %gather3A_1781, %gather3A_1781 : vector<16xf32>
      %add3A_1786 = arith.addf %add3A_1776, %mul3A_1785 : vector<16xf32>
      %mul3A_1787 = arith.mulf %gather3A_1782, %gather3A_1782 : vector<16xf32>
      %add3A_1788 = arith.addf %add3A_1778, %mul3A_1787 : vector<16xf32>
      %broadcast_in_dim3A_1789 = arith.constant 49 : i32
      %broadcast_in_dim3A_1790 = vector.broadcast %broadcast_in_dim3A_1789 : i32 to vector<16xi32>
      %gather3A_1791 = tpu.vector_load_idx %arg11[%add3A_1299, %and3A_1293, %broadcast_in_dim3A_1790] : memref<16x8x64xf32, #tpu.memory_space<vmem>>[vector<16xi32>, vector<16xi32>, vector<16xi32>], vector<16xf32>,
      %gather3A_1792 = tpu.vector_load_idx %arg12[%add3A_1299, %and3A_1296, %broadcast_in_dim3A_1790] : memref<16x8x64xf32, #tpu.memory_space<vmem>>[vector<16xi32>, vector<16xi32>, vector<16xi32>], vector<16xf32>,
      %mul3A_1793 = arith.mulf %gather3A_1791, %gather3A_1792 : vector<16xf32>
      %add3A_1794 = arith.addf %add3A_1784, %mul3A_1793 : vector<16xf32>
      %mul3A_1795 = arith.mulf %gather3A_1791, %gather3A_1791 : vector<16xf32>
      %add3A_1796 = arith.addf %add3A_1786, %mul3A_1795 : vector<16xf32>
      %mul3A_1797 = arith.mulf %gather3A_1792, %gather3A_1792 : vector<16xf32>
      %add3A_1798 = arith.addf %add3A_1788, %mul3A_1797 : vector<16xf32>
      %broadcast_in_dim3A_1799 = arith.constant 50 : i32
      %broadcast_in_dim3A_1800 = vector.broadcast %broadcast_in_dim3A_1799 : i32 to vector<16xi32>
      %gather3A_1801 = tpu.vector_load_idx %arg11[%add3A_1299, %and3A_1293, %broadcast_in_dim3A_1800] : memref<16x8x64xf32, #tpu.memory_space<vmem>>[vector<16xi32>, vector<16xi32>, vector<16xi32>], vector<16xf32>,
      %gather3A_1802 = tpu.vector_load_idx %arg12[%add3A_1299, %and3A_1296, %broadcast_in_dim3A_1800] : memref<16x8x64xf32, #tpu.memory_space<vmem>>[vector<16xi32>, vector<16xi32>, vector<16xi32>], vector<16xf32>,
      %mul3A_1803 = arith.mulf %gather3A_1801, %gather3A_1802 : vector<16xf32>
      %add3A_1804 = arith.addf %add3A_1794, %mul3A_1803 : vector<16xf32>
      %mul3A_1805 = arith.mulf %gather3A_1801, %gather3A_1801 : vector<16xf32>
      %add3A_1806 = arith.addf %add3A_1796, %mul3A_1805 : vector<16xf32>
      %mul3A_1807 = arith.mulf %gather3A_1802, %gather3A_1802 : vector<16xf32>
      %add3A_1808 = arith.addf %add3A_1798, %mul3A_1807 : vector<16xf32>
      %broadcast_in_dim3A_1809 = arith.constant 51 : i32
      %broadcast_in_dim3A_1810 = vector.broadcast %broadcast_in_dim3A_1809 : i32 to vector<16xi32>
      %gather3A_1811 = tpu.vector_load_idx %arg11[%add3A_1299, %and3A_1293, %broadcast_in_dim3A_1810] : memref<16x8x64xf32, #tpu.memory_space<vmem>>[vector<16xi32>, vector<16xi32>, vector<16xi32>], vector<16xf32>,
      %gather3A_1812 = tpu.vector_load_idx %arg12[%add3A_1299, %and3A_1296, %broadcast_in_dim3A_1810] : memref<16x8x64xf32, #tpu.memory_space<vmem>>[vector<16xi32>, vector<16xi32>, vector<16xi32>], vector<16xf32>,
      %mul3A_1813 = arith.mulf %gather3A_1811, %gather3A_1812 : vector<16xf32>
      %add3A_1814 = arith.addf %add3A_1804, %mul3A_1813 : vector<16xf32>
      %mul3A_1815 = arith.mulf %gather3A_1811, %gather3A_1811 : vector<16xf32>
      %add3A_1816 = arith.addf %add3A_1806, %mul3A_1815 : vector<16xf32>
      %mul3A_1817 = arith.mulf %gather3A_1812, %gather3A_1812 : vector<16xf32>
      %add3A_1818 = arith.addf %add3A_1808, %mul3A_1817 : vector<16xf32>
      %broadcast_in_dim3A_1819 = arith.constant 52 : i32
      %broadcast_in_dim3A_1820 = vector.broadcast %broadcast_in_dim3A_1819 : i32 to vector<16xi32>
      %gather3A_1821 = tpu.vector_load_idx %arg11[%add3A_1299, %and3A_1293, %broadcast_in_dim3A_1820] : memref<16x8x64xf32, #tpu.memory_space<vmem>>[vector<16xi32>, vector<16xi32>, vector<16xi32>], vector<16xf32>,
      %gather3A_1822 = tpu.vector_load_idx %arg12[%add3A_1299, %and3A_1296, %broadcast_in_dim3A_1820] : memref<16x8x64xf32, #tpu.memory_space<vmem>>[vector<16xi32>, vector<16xi32>, vector<16xi32>], vector<16xf32>,
      %mul3A_1823 = arith.mulf %gather3A_1821, %gather3A_1822 : vector<16xf32>
      %add3A_1824 = arith.addf %add3A_1814, %mul3A_1823 : vector<16xf32>
      %mul3A_1825 = arith.mulf %gather3A_1821, %gather3A_1821 : vector<16xf32>
      %add3A_1826 = arith.addf %add3A_1816, %mul3A_1825 : vector<16xf32>
      %mul3A_1827 = arith.mulf %gather3A_1822, %gather3A_1822 : vector<16xf32>
      %add3A_1828 = arith.addf %add3A_1818, %mul3A_1827 : vector<16xf32>
      %broadcast_in_dim3A_1829 = arith.constant 53 : i32
      %broadcast_in_dim3A_1830 = vector.broadcast %broadcast_in_dim3A_1829 : i32 to vector<16xi32>
      %gather3A_1831 = tpu.vector_load_idx %arg11[%add3A_1299, %and3A_1293, %broadcast_in_dim3A_1830] : memref<16x8x64xf32, #tpu.memory_space<vmem>>[vector<16xi32>, vector<16xi32>, vector<16xi32>], vector<16xf32>,
      %gather3A_1832 = tpu.vector_load_idx %arg12[%add3A_1299, %and3A_1296, %broadcast_in_dim3A_1830] : memref<16x8x64xf32, #tpu.memory_space<vmem>>[vector<16xi32>, vector<16xi32>, vector<16xi32>], vector<16xf32>,
      %mul3A_1833 = arith.mulf %gather3A_1831, %gather3A_1832 : vector<16xf32>
      %add3A_1834 = arith.addf %add3A_1824, %mul3A_1833 : vector<16xf32>
      %mul3A_1835 = arith.mulf %gather3A_1831, %gather3A_1831 : vector<16xf32>
      %add3A_1836 = arith.addf %add3A_1826, %mul3A_1835 : vector<16xf32>
      %mul3A_1837 = arith.mulf %gather3A_1832, %gather3A_1832 : vector<16xf32>
      %add3A_1838 = arith.addf %add3A_1828, %mul3A_1837 : vector<16xf32>
      %broadcast_in_dim3A_1839 = arith.constant 54 : i32
      %broadcast_in_dim3A_1840 = vector.broadcast %broadcast_in_dim3A_1839 : i32 to vector<16xi32>
      %gather3A_1841 = tpu.vector_load_idx %arg11[%add3A_1299, %and3A_1293, %broadcast_in_dim3A_1840] : memref<16x8x64xf32, #tpu.memory_space<vmem>>[vector<16xi32>, vector<16xi32>, vector<16xi32>], vector<16xf32>,
      %gather3A_1842 = tpu.vector_load_idx %arg12[%add3A_1299, %and3A_1296, %broadcast_in_dim3A_1840] : memref<16x8x64xf32, #tpu.memory_space<vmem>>[vector<16xi32>, vector<16xi32>, vector<16xi32>], vector<16xf32>,
      %mul3A_1843 = arith.mulf %gather3A_1841, %gather3A_1842 : vector<16xf32>
      %add3A_1844 = arith.addf %add3A_1834, %mul3A_1843 : vector<16xf32>
      %mul3A_1845 = arith.mulf %gather3A_1841, %gather3A_1841 : vector<16xf32>
      %add3A_1846 = arith.addf %add3A_1836, %mul3A_1845 : vector<16xf32>
      %mul3A_1847 = arith.mulf %gather3A_1842, %gather3A_1842 : vector<16xf32>
      %add3A_1848 = arith.addf %add3A_1838, %mul3A_1847 : vector<16xf32>
      %broadcast_in_dim3A_1849 = arith.constant 55 : i32
      %broadcast_in_dim3A_1850 = vector.broadcast %broadcast_in_dim3A_1849 : i32 to vector<16xi32>
      %gather3A_1851 = tpu.vector_load_idx %arg11[%add3A_1299, %and3A_1293, %broadcast_in_dim3A_1850] : memref<16x8x64xf32, #tpu.memory_space<vmem>>[vector<16xi32>, vector<16xi32>, vector<16xi32>], vector<16xf32>,
      %gather3A_1852 = tpu.vector_load_idx %arg12[%add3A_1299, %and3A_1296, %broadcast_in_dim3A_1850] : memref<16x8x64xf32, #tpu.memory_space<vmem>>[vector<16xi32>, vector<16xi32>, vector<16xi32>], vector<16xf32>,
      %mul3A_1853 = arith.mulf %gather3A_1851, %gather3A_1852 : vector<16xf32>
      %add3A_1854 = arith.addf %add3A_1844, %mul3A_1853 : vector<16xf32>
      %mul3A_1855 = arith.mulf %gather3A_1851, %gather3A_1851 : vector<16xf32>
      %add3A_1856 = arith.addf %add3A_1846, %mul3A_1855 : vector<16xf32>
      %mul3A_1857 = arith.mulf %gather3A_1852, %gather3A_1852 : vector<16xf32>
      %add3A_1858 = arith.addf %add3A_1848, %mul3A_1857 : vector<16xf32>
      %broadcast_in_dim3A_1859 = arith.constant 56 : i32
      %broadcast_in_dim3A_1860 = vector.broadcast %broadcast_in_dim3A_1859 : i32 to vector<16xi32>
      %gather3A_1861 = tpu.vector_load_idx %arg11[%add3A_1299, %and3A_1293, %broadcast_in_dim3A_1860] : memref<16x8x64xf32, #tpu.memory_space<vmem>>[vector<16xi32>, vector<16xi32>, vector<16xi32>], vector<16xf32>,
      %gather3A_1862 = tpu.vector_load_idx %arg12[%add3A_1299, %and3A_1296, %broadcast_in_dim3A_1860] : memref<16x8x64xf32, #tpu.memory_space<vmem>>[vector<16xi32>, vector<16xi32>, vector<16xi32>], vector<16xf32>,
      %mul3A_1863 = arith.mulf %gather3A_1861, %gather3A_1862 : vector<16xf32>
      %add3A_1864 = arith.addf %add3A_1854, %mul3A_1863 : vector<16xf32>
      %mul3A_1865 = arith.mulf %gather3A_1861, %gather3A_1861 : vector<16xf32>
      %add3A_1866 = arith.addf %add3A_1856, %mul3A_1865 : vector<16xf32>
      %mul3A_1867 = arith.mulf %gather3A_1862, %gather3A_1862 : vector<16xf32>
      %add3A_1868 = arith.addf %add3A_1858, %mul3A_1867 : vector<16xf32>
      %broadcast_in_dim3A_1869 = arith.constant 57 : i32
      %broadcast_in_dim3A_1870 = vector.broadcast %broadcast_in_dim3A_1869 : i32 to vector<16xi32>
      %gather3A_1871 = tpu.vector_load_idx %arg11[%add3A_1299, %and3A_1293, %broadcast_in_dim3A_1870] : memref<16x8x64xf32, #tpu.memory_space<vmem>>[vector<16xi32>, vector<16xi32>, vector<16xi32>], vector<16xf32>,
      %gather3A_1872 = tpu.vector_load_idx %arg12[%add3A_1299, %and3A_1296, %broadcast_in_dim3A_1870] : memref<16x8x64xf32, #tpu.memory_space<vmem>>[vector<16xi32>, vector<16xi32>, vector<16xi32>], vector<16xf32>,
      %mul3A_1873 = arith.mulf %gather3A_1871, %gather3A_1872 : vector<16xf32>
      %add3A_1874 = arith.addf %add3A_1864, %mul3A_1873 : vector<16xf32>
      %mul3A_1875 = arith.mulf %gather3A_1871, %gather3A_1871 : vector<16xf32>
      %add3A_1876 = arith.addf %add3A_1866, %mul3A_1875 : vector<16xf32>
      %mul3A_1877 = arith.mulf %gather3A_1872, %gather3A_1872 : vector<16xf32>
      %add3A_1878 = arith.addf %add3A_1868, %mul3A_1877 : vector<16xf32>
      %broadcast_in_dim3A_1879 = arith.constant 58 : i32
      %broadcast_in_dim3A_1880 = vector.broadcast %broadcast_in_dim3A_1879 : i32 to vector<16xi32>
      %gather3A_1881 = tpu.vector_load_idx %arg11[%add3A_1299, %and3A_1293, %broadcast_in_dim3A_1880] : memref<16x8x64xf32, #tpu.memory_space<vmem>>[vector<16xi32>, vector<16xi32>, vector<16xi32>], vector<16xf32>,
      %gather3A_1882 = tpu.vector_load_idx %arg12[%add3A_1299, %and3A_1296, %broadcast_in_dim3A_1880] : memref<16x8x64xf32, #tpu.memory_space<vmem>>[vector<16xi32>, vector<16xi32>, vector<16xi32>], vector<16xf32>,
      %mul3A_1883 = arith.mulf %gather3A_1881, %gather3A_1882 : vector<16xf32>
      %add3A_1884 = arith.addf %add3A_1874, %mul3A_1883 : vector<16xf32>
      %mul3A_1885 = arith.mulf %gather3A_1881, %gather3A_1881 : vector<16xf32>
      %add3A_1886 = arith.addf %add3A_1876, %mul3A_1885 : vector<16xf32>
      %mul3A_1887 = arith.mulf %gather3A_1882, %gather3A_1882 : vector<16xf32>
      %add3A_1888 = arith.addf %add3A_1878, %mul3A_1887 : vector<16xf32>
      %broadcast_in_dim3A_1889 = arith.constant 59 : i32
      %broadcast_in_dim3A_1890 = vector.broadcast %broadcast_in_dim3A_1889 : i32 to vector<16xi32>
      %gather3A_1891 = tpu.vector_load_idx %arg11[%add3A_1299, %and3A_1293, %broadcast_in_dim3A_1890] : memref<16x8x64xf32, #tpu.memory_space<vmem>>[vector<16xi32>, vector<16xi32>, vector<16xi32>], vector<16xf32>,
      %gather3A_1892 = tpu.vector_load_idx %arg12[%add3A_1299, %and3A_1296, %broadcast_in_dim3A_1890] : memref<16x8x64xf32, #tpu.memory_space<vmem>>[vector<16xi32>, vector<16xi32>, vector<16xi32>], vector<16xf32>,
      %mul3A_1893 = arith.mulf %gather3A_1891, %gather3A_1892 : vector<16xf32>
      %add3A_1894 = arith.addf %add3A_1884, %mul3A_1893 : vector<16xf32>
      %mul3A_1895 = arith.mulf %gather3A_1891, %gather3A_1891 : vector<16xf32>
      %add3A_1896 = arith.addf %add3A_1886, %mul3A_1895 : vector<16xf32>
      %mul3A_1897 = arith.mulf %gather3A_1892, %gather3A_1892 : vector<16xf32>
      %add3A_1898 = arith.addf %add3A_1888, %mul3A_1897 : vector<16xf32>
      %broadcast_in_dim3A_1899 = arith.constant 60 : i32
      %broadcast_in_dim3A_1900 = vector.broadcast %broadcast_in_dim3A_1899 : i32 to vector<16xi32>
      %gather3A_1901 = tpu.vector_load_idx %arg11[%add3A_1299, %and3A_1293, %broadcast_in_dim3A_1900] : memref<16x8x64xf32, #tpu.memory_space<vmem>>[vector<16xi32>, vector<16xi32>, vector<16xi32>], vector<16xf32>,
      %gather3A_1902 = tpu.vector_load_idx %arg12[%add3A_1299, %and3A_1296, %broadcast_in_dim3A_1900] : memref<16x8x64xf32, #tpu.memory_space<vmem>>[vector<16xi32>, vector<16xi32>, vector<16xi32>], vector<16xf32>,
      %mul3A_1903 = arith.mulf %gather3A_1901, %gather3A_1902 : vector<16xf32>
      %add3A_1904 = arith.addf %add3A_1894, %mul3A_1903 : vector<16xf32>
      %mul3A_1905 = arith.mulf %gather3A_1901, %gather3A_1901 : vector<16xf32>
      %add3A_1906 = arith.addf %add3A_1896, %mul3A_1905 : vector<16xf32>
      %mul3A_1907 = arith.mulf %gather3A_1902, %gather3A_1902 : vector<16xf32>
      %add3A_1908 = arith.addf %add3A_1898, %mul3A_1907 : vector<16xf32>
      %broadcast_in_dim3A_1909 = arith.constant 61 : i32
      %broadcast_in_dim3A_1910 = vector.broadcast %broadcast_in_dim3A_1909 : i32 to vector<16xi32>
      %gather3A_1911 = tpu.vector_load_idx %arg11[%add3A_1299, %and3A_1293, %broadcast_in_dim3A_1910] : memref<16x8x64xf32, #tpu.memory_space<vmem>>[vector<16xi32>, vector<16xi32>, vector<16xi32>], vector<16xf32>,
      %gather3A_1912 = tpu.vector_load_idx %arg12[%add3A_1299, %and3A_1296, %broadcast_in_dim3A_1910] : memref<16x8x64xf32, #tpu.memory_space<vmem>>[vector<16xi32>, vector<16xi32>, vector<16xi32>], vector<16xf32>,
      %mul3A_1913 = arith.mulf %gather3A_1911, %gather3A_1912 : vector<16xf32>
      %add3A_1914 = arith.addf %add3A_1904, %mul3A_1913 : vector<16xf32>
      %mul3A_1915 = arith.mulf %gather3A_1911, %gather3A_1911 : vector<16xf32>
      %add3A_1916 = arith.addf %add3A_1906, %mul3A_1915 : vector<16xf32>
      %mul3A_1917 = arith.mulf %gather3A_1912, %gather3A_1912 : vector<16xf32>
      %add3A_1918 = arith.addf %add3A_1908, %mul3A_1917 : vector<16xf32>
      %broadcast_in_dim3A_1919 = arith.constant 62 : i32
      %broadcast_in_dim3A_1920 = vector.broadcast %broadcast_in_dim3A_1919 : i32 to vector<16xi32>
      %gather3A_1921 = tpu.vector_load_idx %arg11[%add3A_1299, %and3A_1293, %broadcast_in_dim3A_1920] : memref<16x8x64xf32, #tpu.memory_space<vmem>>[vector<16xi32>, vector<16xi32>, vector<16xi32>], vector<16xf32>,
      %gather3A_1922 = tpu.vector_load_idx %arg12[%add3A_1299, %and3A_1296, %broadcast_in_dim3A_1920] : memref<16x8x64xf32, #tpu.memory_space<vmem>>[vector<16xi32>, vector<16xi32>, vector<16xi32>], vector<16xf32>,
      %mul3A_1923 = arith.mulf %gather3A_1921, %gather3A_1922 : vector<16xf32>
      %add3A_1924 = arith.addf %add3A_1914, %mul3A_1923 : vector<16xf32>
      %mul3A_1925 = arith.mulf %gather3A_1921, %gather3A_1921 : vector<16xf32>
      %add3A_1926 = arith.addf %add3A_1916, %mul3A_1925 : vector<16xf32>
      %mul3A_1927 = arith.mulf %gather3A_1922, %gather3A_1922 : vector<16xf32>
      %add3A_1928 = arith.addf %add3A_1918, %mul3A_1927 : vector<16xf32>
      %broadcast_in_dim3A_1929 = arith.constant 63 : i32
      %broadcast_in_dim3A_1930 = vector.broadcast %broadcast_in_dim3A_1929 : i32 to vector<16xi32>
      %gather3A_1931 = tpu.vector_load_idx %arg11[%add3A_1299, %and3A_1293, %broadcast_in_dim3A_1930] : memref<16x8x64xf32, #tpu.memory_space<vmem>>[vector<16xi32>, vector<16xi32>, vector<16xi32>], vector<16xf32>,
      %gather3A_1932 = tpu.vector_load_idx %arg12[%add3A_1299, %and3A_1296, %broadcast_in_dim3A_1930] : memref<16x8x64xf32, #tpu.memory_space<vmem>>[vector<16xi32>, vector<16xi32>, vector<16xi32>], vector<16xf32>,
      %mul3A_1933 = arith.mulf %gather3A_1931, %gather3A_1932 : vector<16xf32>
      %add3A_1934 = arith.addf %add3A_1924, %mul3A_1933 : vector<16xf32>
      %mul3A_1935 = arith.mulf %gather3A_1931, %gather3A_1931 : vector<16xf32>
      %add3A_1936 = arith.addf %add3A_1926, %mul3A_1935 : vector<16xf32>
      %mul3A_1937 = arith.mulf %gather3A_1932, %gather3A_1932 : vector<16xf32>
      %add3A_1938 = arith.addf %add3A_1928, %mul3A_1937 : vector<16xf32>
      %add3A_1939 = arith.constant 0 : i32
      %add3A_1940 = arith.addi %mul3A_23, %add3A_1939 : i32
      %swap3A_1941 = arith.index_cast %add3A_1940 : i32 to index
      %swap3A_1942 = tpu.vector_load %arg15[%swap3A_1941] {strides = array<i32>} : memref<512xf32, #tpu.memory_space<vmem>>, vector<16xf32>,
      tpu.vector_store %arg15[%swap3A_1941], %add3A_1934 {strides = array<i32>} : memref<512xf32, #tpu.memory_space<vmem>>, vector<16xf32>,
      %dma_wait3A_1943 = arith.constant 0 : i32
      %dma_wait3A_1944 = arith.constant 0 : i32
      %dma_wait3A_1945 = arith.constant 0 : i32
      %dma_wait3A_1946 = tpu.memref_slice %arg4[%dma_wait3A_1943, %dma_wait3A_1944, %dma_wait3A_1945] : memref<125000x8x64xf32, #tpu.memory_space<hbm>> -> memref<16x8x64xf32, #tpu.memory_space<hbm>>
      %dma_wait3A_1947 = arith.constant 0 : i32
      %dma_wait3A_1948 = arith.constant 0 : i32
      %dma_wait3A_1949 = arith.constant 0 : i32
      %dma_wait3A_1950 = tpu.memref_slice %arg4[%dma_wait3A_1947, %dma_wait3A_1948, %dma_wait3A_1949] : memref<125000x8x64xf32, #tpu.memory_space<hbm>> -> memref<16x8x64xf32, #tpu.memory_space<hbm>>
      tpu.wait_dma2 semaphore(%arg18 : memref<!tpu.dma_semaphore, #tpu.memory_space<semaphore_mem>>) src(%dma_wait3A_1950 : memref<16x8x64xf32, #tpu.memory_space<hbm>>) dst(%arg13 : memref<16x8x64xf32, #tpu.memory_space<vmem>>)
      %dma_wait3A_1951 = arith.constant 0 : i32
      %dma_wait3A_1952 = arith.constant 0 : i32
      %dma_wait3A_1953 = arith.constant 0 : i32
      %dma_wait3A_1954 = tpu.memref_slice %arg5[%dma_wait3A_1951, %dma_wait3A_1952, %dma_wait3A_1953] : memref<125000x8x64xf32, #tpu.memory_space<hbm>> -> memref<16x8x64xf32, #tpu.memory_space<hbm>>
      %dma_wait3A_1955 = arith.constant 0 : i32
      %dma_wait3A_1956 = arith.constant 0 : i32
      %dma_wait3A_1957 = arith.constant 0 : i32
      %dma_wait3A_1958 = tpu.memref_slice %arg5[%dma_wait3A_1955, %dma_wait3A_1956, %dma_wait3A_1957] : memref<125000x8x64xf32, #tpu.memory_space<hbm>> -> memref<16x8x64xf32, #tpu.memory_space<hbm>>
      tpu.wait_dma2 semaphore(%arg18 : memref<!tpu.dma_semaphore, #tpu.memory_space<semaphore_mem>>) src(%dma_wait3A_1958 : memref<16x8x64xf32, #tpu.memory_space<hbm>>) dst(%arg14 : memref<16x8x64xf32, #tpu.memory_space<vmem>>)
      %add3A_1959 = arith.constant 0 : i32
      %add3A_1960 = arith.addi %mul3A_29, %add3A_1959 : i32
      %get3A_1961 = arith.index_cast %add3A_1960 : i32 to index
      %get3A_1962 = tpu.vector_load %arg9[%get3A_1961] {strides = array<i32>} : memref<512xi32, #tpu.memory_space<vmem>>, vector<16xi32>,
      %add3A_1963 = arith.constant 0 : i32
      %add3A_1964 = arith.addi %mul3A_29, %add3A_1963 : i32
      %get3A_1965 = arith.index_cast %add3A_1964 : i32 to index
      %get3A_1966 = tpu.vector_load %arg10[%get3A_1965] {strides = array<i32>} : memref<512xi32, #tpu.memory_space<vmem>>, vector<16xi32>,
      %and3A_1967 = arith.constant 7 : i32
      %and3A_1968 = vector.broadcast %and3A_1967 : i32 to vector<16xi32>
      %and3A_1969 = arith.andi %get3A_1962, %and3A_1968 : vector<16xi32>
      %and3A_1970 = arith.constant 7 : i32
      %and3A_1971 = vector.broadcast %and3A_1970 : i32 to vector<16xi32>
      %and3A_1972 = arith.andi %get3A_1966, %and3A_1971 : vector<16xi32>
      %add3A_1973 = arith.constant 0 : i32
      %add3A_1974 = vector.broadcast %add3A_1973 : i32 to vector<16xi32>
      %add3A_1975 = arith.addi %add3A_1974, %iota3A : vector<16xi32>
      %broadcast_in_dim3A_1976 = arith.constant 0 : i32
      %broadcast_in_dim3A_1977 = vector.broadcast %broadcast_in_dim3A_1976 : i32 to vector<16xi32>
      %gather3A_1978 = tpu.vector_load_idx %arg13[%add3A_1975, %and3A_1969, %broadcast_in_dim3A_1977] : memref<16x8x64xf32, #tpu.memory_space<vmem>>[vector<16xi32>, vector<16xi32>, vector<16xi32>], vector<16xf32>,
      %gather3A_1979 = tpu.vector_load_idx %arg14[%add3A_1975, %and3A_1972, %broadcast_in_dim3A_1977] : memref<16x8x64xf32, #tpu.memory_space<vmem>>[vector<16xi32>, vector<16xi32>, vector<16xi32>], vector<16xf32>,
      %mul3A_1980 = arith.mulf %gather3A_1978, %gather3A_1979 : vector<16xf32>
      %add3A_1981 = arith.addf %broadcast_in_dim3A_1, %mul3A_1980 : vector<16xf32>
      %mul3A_1982 = arith.mulf %gather3A_1978, %gather3A_1978 : vector<16xf32>
      %add3A_1983 = arith.addf %add3A_1936, %mul3A_1982 : vector<16xf32>
      %mul3A_1984 = arith.mulf %gather3A_1979, %gather3A_1979 : vector<16xf32>
      %add3A_1985 = arith.addf %add3A_1938, %mul3A_1984 : vector<16xf32>
      %broadcast_in_dim3A_1986 = arith.constant 1 : i32
      %broadcast_in_dim3A_1987 = vector.broadcast %broadcast_in_dim3A_1986 : i32 to vector<16xi32>
      %gather3A_1988 = tpu.vector_load_idx %arg13[%add3A_1975, %and3A_1969, %broadcast_in_dim3A_1987] : memref<16x8x64xf32, #tpu.memory_space<vmem>>[vector<16xi32>, vector<16xi32>, vector<16xi32>], vector<16xf32>,
      %gather3A_1989 = tpu.vector_load_idx %arg14[%add3A_1975, %and3A_1972, %broadcast_in_dim3A_1987] : memref<16x8x64xf32, #tpu.memory_space<vmem>>[vector<16xi32>, vector<16xi32>, vector<16xi32>], vector<16xf32>,
      %mul3A_1990 = arith.mulf %gather3A_1988, %gather3A_1989 : vector<16xf32>
      %add3A_1991 = arith.addf %add3A_1981, %mul3A_1990 : vector<16xf32>
      %mul3A_1992 = arith.mulf %gather3A_1988, %gather3A_1988 : vector<16xf32>
      %add3A_1993 = arith.addf %add3A_1983, %mul3A_1992 : vector<16xf32>
      %mul3A_1994 = arith.mulf %gather3A_1989, %gather3A_1989 : vector<16xf32>
      %add3A_1995 = arith.addf %add3A_1985, %mul3A_1994 : vector<16xf32>
      %broadcast_in_dim3A_1996 = arith.constant 2 : i32
      %broadcast_in_dim3A_1997 = vector.broadcast %broadcast_in_dim3A_1996 : i32 to vector<16xi32>
      %gather3A_1998 = tpu.vector_load_idx %arg13[%add3A_1975, %and3A_1969, %broadcast_in_dim3A_1997] : memref<16x8x64xf32, #tpu.memory_space<vmem>>[vector<16xi32>, vector<16xi32>, vector<16xi32>], vector<16xf32>,
      %gather3A_1999 = tpu.vector_load_idx %arg14[%add3A_1975, %and3A_1972, %broadcast_in_dim3A_1997] : memref<16x8x64xf32, #tpu.memory_space<vmem>>[vector<16xi32>, vector<16xi32>, vector<16xi32>], vector<16xf32>,
      %mul3A_2000 = arith.mulf %gather3A_1998, %gather3A_1999 : vector<16xf32>
      %add3A_2001 = arith.addf %add3A_1991, %mul3A_2000 : vector<16xf32>
      %mul3A_2002 = arith.mulf %gather3A_1998, %gather3A_1998 : vector<16xf32>
      %add3A_2003 = arith.addf %add3A_1993, %mul3A_2002 : vector<16xf32>
      %mul3A_2004 = arith.mulf %gather3A_1999, %gather3A_1999 : vector<16xf32>
      %add3A_2005 = arith.addf %add3A_1995, %mul3A_2004 : vector<16xf32>
      %broadcast_in_dim3A_2006 = arith.constant 3 : i32
      %broadcast_in_dim3A_2007 = vector.broadcast %broadcast_in_dim3A_2006 : i32 to vector<16xi32>
      %gather3A_2008 = tpu.vector_load_idx %arg13[%add3A_1975, %and3A_1969, %broadcast_in_dim3A_2007] : memref<16x8x64xf32, #tpu.memory_space<vmem>>[vector<16xi32>, vector<16xi32>, vector<16xi32>], vector<16xf32>,
      %gather3A_2009 = tpu.vector_load_idx %arg14[%add3A_1975, %and3A_1972, %broadcast_in_dim3A_2007] : memref<16x8x64xf32, #tpu.memory_space<vmem>>[vector<16xi32>, vector<16xi32>, vector<16xi32>], vector<16xf32>,
      %mul3A_2010 = arith.mulf %gather3A_2008, %gather3A_2009 : vector<16xf32>
      %add3A_2011 = arith.addf %add3A_2001, %mul3A_2010 : vector<16xf32>
      %mul3A_2012 = arith.mulf %gather3A_2008, %gather3A_2008 : vector<16xf32>
      %add3A_2013 = arith.addf %add3A_2003, %mul3A_2012 : vector<16xf32>
      %mul3A_2014 = arith.mulf %gather3A_2009, %gather3A_2009 : vector<16xf32>
      %add3A_2015 = arith.addf %add3A_2005, %mul3A_2014 : vector<16xf32>
      %broadcast_in_dim3A_2016 = arith.constant 4 : i32
      %broadcast_in_dim3A_2017 = vector.broadcast %broadcast_in_dim3A_2016 : i32 to vector<16xi32>
      %gather3A_2018 = tpu.vector_load_idx %arg13[%add3A_1975, %and3A_1969, %broadcast_in_dim3A_2017] : memref<16x8x64xf32, #tpu.memory_space<vmem>>[vector<16xi32>, vector<16xi32>, vector<16xi32>], vector<16xf32>,
      %gather3A_2019 = tpu.vector_load_idx %arg14[%add3A_1975, %and3A_1972, %broadcast_in_dim3A_2017] : memref<16x8x64xf32, #tpu.memory_space<vmem>>[vector<16xi32>, vector<16xi32>, vector<16xi32>], vector<16xf32>,
      %mul3A_2020 = arith.mulf %gather3A_2018, %gather3A_2019 : vector<16xf32>
      %add3A_2021 = arith.addf %add3A_2011, %mul3A_2020 : vector<16xf32>
      %mul3A_2022 = arith.mulf %gather3A_2018, %gather3A_2018 : vector<16xf32>
      %add3A_2023 = arith.addf %add3A_2013, %mul3A_2022 : vector<16xf32>
      %mul3A_2024 = arith.mulf %gather3A_2019, %gather3A_2019 : vector<16xf32>
      %add3A_2025 = arith.addf %add3A_2015, %mul3A_2024 : vector<16xf32>
      %broadcast_in_dim3A_2026 = arith.constant 5 : i32
      %broadcast_in_dim3A_2027 = vector.broadcast %broadcast_in_dim3A_2026 : i32 to vector<16xi32>
      %gather3A_2028 = tpu.vector_load_idx %arg13[%add3A_1975, %and3A_1969, %broadcast_in_dim3A_2027] : memref<16x8x64xf32, #tpu.memory_space<vmem>>[vector<16xi32>, vector<16xi32>, vector<16xi32>], vector<16xf32>,
      %gather3A_2029 = tpu.vector_load_idx %arg14[%add3A_1975, %and3A_1972, %broadcast_in_dim3A_2027] : memref<16x8x64xf32, #tpu.memory_space<vmem>>[vector<16xi32>, vector<16xi32>, vector<16xi32>], vector<16xf32>,
      %mul3A_2030 = arith.mulf %gather3A_2028, %gather3A_2029 : vector<16xf32>
      %add3A_2031 = arith.addf %add3A_2021, %mul3A_2030 : vector<16xf32>
      %mul3A_2032 = arith.mulf %gather3A_2028, %gather3A_2028 : vector<16xf32>
      %add3A_2033 = arith.addf %add3A_2023, %mul3A_2032 : vector<16xf32>
      %mul3A_2034 = arith.mulf %gather3A_2029, %gather3A_2029 : vector<16xf32>
      %add3A_2035 = arith.addf %add3A_2025, %mul3A_2034 : vector<16xf32>
      %broadcast_in_dim3A_2036 = arith.constant 6 : i32
      %broadcast_in_dim3A_2037 = vector.broadcast %broadcast_in_dim3A_2036 : i32 to vector<16xi32>
      %gather3A_2038 = tpu.vector_load_idx %arg13[%add3A_1975, %and3A_1969, %broadcast_in_dim3A_2037] : memref<16x8x64xf32, #tpu.memory_space<vmem>>[vector<16xi32>, vector<16xi32>, vector<16xi32>], vector<16xf32>,
      %gather3A_2039 = tpu.vector_load_idx %arg14[%add3A_1975, %and3A_1972, %broadcast_in_dim3A_2037] : memref<16x8x64xf32, #tpu.memory_space<vmem>>[vector<16xi32>, vector<16xi32>, vector<16xi32>], vector<16xf32>,
      %mul3A_2040 = arith.mulf %gather3A_2038, %gather3A_2039 : vector<16xf32>
      %add3A_2041 = arith.addf %add3A_2031, %mul3A_2040 : vector<16xf32>
      %mul3A_2042 = arith.mulf %gather3A_2038, %gather3A_2038 : vector<16xf32>
      %add3A_2043 = arith.addf %add3A_2033, %mul3A_2042 : vector<16xf32>
      %mul3A_2044 = arith.mulf %gather3A_2039, %gather3A_2039 : vector<16xf32>
      %add3A_2045 = arith.addf %add3A_2035, %mul3A_2044 : vector<16xf32>
      %broadcast_in_dim3A_2046 = arith.constant 7 : i32
      %broadcast_in_dim3A_2047 = vector.broadcast %broadcast_in_dim3A_2046 : i32 to vector<16xi32>
      %gather3A_2048 = tpu.vector_load_idx %arg13[%add3A_1975, %and3A_1969, %broadcast_in_dim3A_2047] : memref<16x8x64xf32, #tpu.memory_space<vmem>>[vector<16xi32>, vector<16xi32>, vector<16xi32>], vector<16xf32>,
      %gather3A_2049 = tpu.vector_load_idx %arg14[%add3A_1975, %and3A_1972, %broadcast_in_dim3A_2047] : memref<16x8x64xf32, #tpu.memory_space<vmem>>[vector<16xi32>, vector<16xi32>, vector<16xi32>], vector<16xf32>,
      %mul3A_2050 = arith.mulf %gather3A_2048, %gather3A_2049 : vector<16xf32>
      %add3A_2051 = arith.addf %add3A_2041, %mul3A_2050 : vector<16xf32>
      %mul3A_2052 = arith.mulf %gather3A_2048, %gather3A_2048 : vector<16xf32>
      %add3A_2053 = arith.addf %add3A_2043, %mul3A_2052 : vector<16xf32>
      %mul3A_2054 = arith.mulf %gather3A_2049, %gather3A_2049 : vector<16xf32>
      %add3A_2055 = arith.addf %add3A_2045, %mul3A_2054 : vector<16xf32>
      %broadcast_in_dim3A_2056 = arith.constant 8 : i32
      %broadcast_in_dim3A_2057 = vector.broadcast %broadcast_in_dim3A_2056 : i32 to vector<16xi32>
      %gather3A_2058 = tpu.vector_load_idx %arg13[%add3A_1975, %and3A_1969, %broadcast_in_dim3A_2057] : memref<16x8x64xf32, #tpu.memory_space<vmem>>[vector<16xi32>, vector<16xi32>, vector<16xi32>], vector<16xf32>,
      %gather3A_2059 = tpu.vector_load_idx %arg14[%add3A_1975, %and3A_1972, %broadcast_in_dim3A_2057] : memref<16x8x64xf32, #tpu.memory_space<vmem>>[vector<16xi32>, vector<16xi32>, vector<16xi32>], vector<16xf32>,
      %mul3A_2060 = arith.mulf %gather3A_2058, %gather3A_2059 : vector<16xf32>
      %add3A_2061 = arith.addf %add3A_2051, %mul3A_2060 : vector<16xf32>
      %mul3A_2062 = arith.mulf %gather3A_2058, %gather3A_2058 : vector<16xf32>
      %add3A_2063 = arith.addf %add3A_2053, %mul3A_2062 : vector<16xf32>
      %mul3A_2064 = arith.mulf %gather3A_2059, %gather3A_2059 : vector<16xf32>
      %add3A_2065 = arith.addf %add3A_2055, %mul3A_2064 : vector<16xf32>
      %broadcast_in_dim3A_2066 = arith.constant 9 : i32
      %broadcast_in_dim3A_2067 = vector.broadcast %broadcast_in_dim3A_2066 : i32 to vector<16xi32>
      %gather3A_2068 = tpu.vector_load_idx %arg13[%add3A_1975, %and3A_1969, %broadcast_in_dim3A_2067] : memref<16x8x64xf32, #tpu.memory_space<vmem>>[vector<16xi32>, vector<16xi32>, vector<16xi32>], vector<16xf32>,
      %gather3A_2069 = tpu.vector_load_idx %arg14[%add3A_1975, %and3A_1972, %broadcast_in_dim3A_2067] : memref<16x8x64xf32, #tpu.memory_space<vmem>>[vector<16xi32>, vector<16xi32>, vector<16xi32>], vector<16xf32>,
      %mul3A_2070 = arith.mulf %gather3A_2068, %gather3A_2069 : vector<16xf32>
      %add3A_2071 = arith.addf %add3A_2061, %mul3A_2070 : vector<16xf32>
      %mul3A_2072 = arith.mulf %gather3A_2068, %gather3A_2068 : vector<16xf32>
      %add3A_2073 = arith.addf %add3A_2063, %mul3A_2072 : vector<16xf32>
      %mul3A_2074 = arith.mulf %gather3A_2069, %gather3A_2069 : vector<16xf32>
      %add3A_2075 = arith.addf %add3A_2065, %mul3A_2074 : vector<16xf32>
      %broadcast_in_dim3A_2076 = arith.constant 10 : i32
      %broadcast_in_dim3A_2077 = vector.broadcast %broadcast_in_dim3A_2076 : i32 to vector<16xi32>
      %gather3A_2078 = tpu.vector_load_idx %arg13[%add3A_1975, %and3A_1969, %broadcast_in_dim3A_2077] : memref<16x8x64xf32, #tpu.memory_space<vmem>>[vector<16xi32>, vector<16xi32>, vector<16xi32>], vector<16xf32>,
      %gather3A_2079 = tpu.vector_load_idx %arg14[%add3A_1975, %and3A_1972, %broadcast_in_dim3A_2077] : memref<16x8x64xf32, #tpu.memory_space<vmem>>[vector<16xi32>, vector<16xi32>, vector<16xi32>], vector<16xf32>,
      %mul3A_2080 = arith.mulf %gather3A_2078, %gather3A_2079 : vector<16xf32>
      %add3A_2081 = arith.addf %add3A_2071, %mul3A_2080 : vector<16xf32>
      %mul3A_2082 = arith.mulf %gather3A_2078, %gather3A_2078 : vector<16xf32>
      %add3A_2083 = arith.addf %add3A_2073, %mul3A_2082 : vector<16xf32>
      %mul3A_2084 = arith.mulf %gather3A_2079, %gather3A_2079 : vector<16xf32>
      %add3A_2085 = arith.addf %add3A_2075, %mul3A_2084 : vector<16xf32>
      %broadcast_in_dim3A_2086 = arith.constant 11 : i32
      %broadcast_in_dim3A_2087 = vector.broadcast %broadcast_in_dim3A_2086 : i32 to vector<16xi32>
      %gather3A_2088 = tpu.vector_load_idx %arg13[%add3A_1975, %and3A_1969, %broadcast_in_dim3A_2087] : memref<16x8x64xf32, #tpu.memory_space<vmem>>[vector<16xi32>, vector<16xi32>, vector<16xi32>], vector<16xf32>,
      %gather3A_2089 = tpu.vector_load_idx %arg14[%add3A_1975, %and3A_1972, %broadcast_in_dim3A_2087] : memref<16x8x64xf32, #tpu.memory_space<vmem>>[vector<16xi32>, vector<16xi32>, vector<16xi32>], vector<16xf32>,
      %mul3A_2090 = arith.mulf %gather3A_2088, %gather3A_2089 : vector<16xf32>
      %add3A_2091 = arith.addf %add3A_2081, %mul3A_2090 : vector<16xf32>
      %mul3A_2092 = arith.mulf %gather3A_2088, %gather3A_2088 : vector<16xf32>
      %add3A_2093 = arith.addf %add3A_2083, %mul3A_2092 : vector<16xf32>
      %mul3A_2094 = arith.mulf %gather3A_2089, %gather3A_2089 : vector<16xf32>
      %add3A_2095 = arith.addf %add3A_2085, %mul3A_2094 : vector<16xf32>
      %broadcast_in_dim3A_2096 = arith.constant 12 : i32
      %broadcast_in_dim3A_2097 = vector.broadcast %broadcast_in_dim3A_2096 : i32 to vector<16xi32>
      %gather3A_2098 = tpu.vector_load_idx %arg13[%add3A_1975, %and3A_1969, %broadcast_in_dim3A_2097] : memref<16x8x64xf32, #tpu.memory_space<vmem>>[vector<16xi32>, vector<16xi32>, vector<16xi32>], vector<16xf32>,
      %gather3A_2099 = tpu.vector_load_idx %arg14[%add3A_1975, %and3A_1972, %broadcast_in_dim3A_2097] : memref<16x8x64xf32, #tpu.memory_space<vmem>>[vector<16xi32>, vector<16xi32>, vector<16xi32>], vector<16xf32>,
      %mul3A_2100 = arith.mulf %gather3A_2098, %gather3A_2099 : vector<16xf32>
      %add3A_2101 = arith.addf %add3A_2091, %mul3A_2100 : vector<16xf32>
      %mul3A_2102 = arith.mulf %gather3A_2098, %gather3A_2098 : vector<16xf32>
      %add3A_2103 = arith.addf %add3A_2093, %mul3A_2102 : vector<16xf32>
      %mul3A_2104 = arith.mulf %gather3A_2099, %gather3A_2099 : vector<16xf32>
      %add3A_2105 = arith.addf %add3A_2095, %mul3A_2104 : vector<16xf32>
      %broadcast_in_dim3A_2106 = arith.constant 13 : i32
      %broadcast_in_dim3A_2107 = vector.broadcast %broadcast_in_dim3A_2106 : i32 to vector<16xi32>
      %gather3A_2108 = tpu.vector_load_idx %arg13[%add3A_1975, %and3A_1969, %broadcast_in_dim3A_2107] : memref<16x8x64xf32, #tpu.memory_space<vmem>>[vector<16xi32>, vector<16xi32>, vector<16xi32>], vector<16xf32>,
      %gather3A_2109 = tpu.vector_load_idx %arg14[%add3A_1975, %and3A_1972, %broadcast_in_dim3A_2107] : memref<16x8x64xf32, #tpu.memory_space<vmem>>[vector<16xi32>, vector<16xi32>, vector<16xi32>], vector<16xf32>,
      %mul3A_2110 = arith.mulf %gather3A_2108, %gather3A_2109 : vector<16xf32>
      %add3A_2111 = arith.addf %add3A_2101, %mul3A_2110 : vector<16xf32>
      %mul3A_2112 = arith.mulf %gather3A_2108, %gather3A_2108 : vector<16xf32>
      %add3A_2113 = arith.addf %add3A_2103, %mul3A_2112 : vector<16xf32>
      %mul3A_2114 = arith.mulf %gather3A_2109, %gather3A_2109 : vector<16xf32>
      %add3A_2115 = arith.addf %add3A_2105, %mul3A_2114 : vector<16xf32>
      %broadcast_in_dim3A_2116 = arith.constant 14 : i32
      %broadcast_in_dim3A_2117 = vector.broadcast %broadcast_in_dim3A_2116 : i32 to vector<16xi32>
      %gather3A_2118 = tpu.vector_load_idx %arg13[%add3A_1975, %and3A_1969, %broadcast_in_dim3A_2117] : memref<16x8x64xf32, #tpu.memory_space<vmem>>[vector<16xi32>, vector<16xi32>, vector<16xi32>], vector<16xf32>,
      %gather3A_2119 = tpu.vector_load_idx %arg14[%add3A_1975, %and3A_1972, %broadcast_in_dim3A_2117] : memref<16x8x64xf32, #tpu.memory_space<vmem>>[vector<16xi32>, vector<16xi32>, vector<16xi32>], vector<16xf32>,
      %mul3A_2120 = arith.mulf %gather3A_2118, %gather3A_2119 : vector<16xf32>
      %add3A_2121 = arith.addf %add3A_2111, %mul3A_2120 : vector<16xf32>
      %mul3A_2122 = arith.mulf %gather3A_2118, %gather3A_2118 : vector<16xf32>
      %add3A_2123 = arith.addf %add3A_2113, %mul3A_2122 : vector<16xf32>
      %mul3A_2124 = arith.mulf %gather3A_2119, %gather3A_2119 : vector<16xf32>
      %add3A_2125 = arith.addf %add3A_2115, %mul3A_2124 : vector<16xf32>
      %broadcast_in_dim3A_2126 = arith.constant 15 : i32
      %broadcast_in_dim3A_2127 = vector.broadcast %broadcast_in_dim3A_2126 : i32 to vector<16xi32>
      %gather3A_2128 = tpu.vector_load_idx %arg13[%add3A_1975, %and3A_1969, %broadcast_in_dim3A_2127] : memref<16x8x64xf32, #tpu.memory_space<vmem>>[vector<16xi32>, vector<16xi32>, vector<16xi32>], vector<16xf32>,
      %gather3A_2129 = tpu.vector_load_idx %arg14[%add3A_1975, %and3A_1972, %broadcast_in_dim3A_2127] : memref<16x8x64xf32, #tpu.memory_space<vmem>>[vector<16xi32>, vector<16xi32>, vector<16xi32>], vector<16xf32>,
      %mul3A_2130 = arith.mulf %gather3A_2128, %gather3A_2129 : vector<16xf32>
      %add3A_2131 = arith.addf %add3A_2121, %mul3A_2130 : vector<16xf32>
      %mul3A_2132 = arith.mulf %gather3A_2128, %gather3A_2128 : vector<16xf32>
      %add3A_2133 = arith.addf %add3A_2123, %mul3A_2132 : vector<16xf32>
      %mul3A_2134 = arith.mulf %gather3A_2129, %gather3A_2129 : vector<16xf32>
      %add3A_2135 = arith.addf %add3A_2125, %mul3A_2134 : vector<16xf32>
      %broadcast_in_dim3A_2136 = arith.constant 16 : i32
      %broadcast_in_dim3A_2137 = vector.broadcast %broadcast_in_dim3A_2136 : i32 to vector<16xi32>
      %gather3A_2138 = tpu.vector_load_idx %arg13[%add3A_1975, %and3A_1969, %broadcast_in_dim3A_2137] : memref<16x8x64xf32, #tpu.memory_space<vmem>>[vector<16xi32>, vector<16xi32>, vector<16xi32>], vector<16xf32>,
      %gather3A_2139 = tpu.vector_load_idx %arg14[%add3A_1975, %and3A_1972, %broadcast_in_dim3A_2137] : memref<16x8x64xf32, #tpu.memory_space<vmem>>[vector<16xi32>, vector<16xi32>, vector<16xi32>], vector<16xf32>,
      %mul3A_2140 = arith.mulf %gather3A_2138, %gather3A_2139 : vector<16xf32>
      %add3A_2141 = arith.addf %add3A_2131, %mul3A_2140 : vector<16xf32>
      %mul3A_2142 = arith.mulf %gather3A_2138, %gather3A_2138 : vector<16xf32>
      %add3A_2143 = arith.addf %add3A_2133, %mul3A_2142 : vector<16xf32>
      %mul3A_2144 = arith.mulf %gather3A_2139, %gather3A_2139 : vector<16xf32>
      %add3A_2145 = arith.addf %add3A_2135, %mul3A_2144 : vector<16xf32>
      %broadcast_in_dim3A_2146 = arith.constant 17 : i32
      %broadcast_in_dim3A_2147 = vector.broadcast %broadcast_in_dim3A_2146 : i32 to vector<16xi32>
      %gather3A_2148 = tpu.vector_load_idx %arg13[%add3A_1975, %and3A_1969, %broadcast_in_dim3A_2147] : memref<16x8x64xf32, #tpu.memory_space<vmem>>[vector<16xi32>, vector<16xi32>, vector<16xi32>], vector<16xf32>,
      %gather3A_2149 = tpu.vector_load_idx %arg14[%add3A_1975, %and3A_1972, %broadcast_in_dim3A_2147] : memref<16x8x64xf32, #tpu.memory_space<vmem>>[vector<16xi32>, vector<16xi32>, vector<16xi32>], vector<16xf32>,
      %mul3A_2150 = arith.mulf %gather3A_2148, %gather3A_2149 : vector<16xf32>
      %add3A_2151 = arith.addf %add3A_2141, %mul3A_2150 : vector<16xf32>
      %mul3A_2152 = arith.mulf %gather3A_2148, %gather3A_2148 : vector<16xf32>
      %add3A_2153 = arith.addf %add3A_2143, %mul3A_2152 : vector<16xf32>
      %mul3A_2154 = arith.mulf %gather3A_2149, %gather3A_2149 : vector<16xf32>
      %add3A_2155 = arith.addf %add3A_2145, %mul3A_2154 : vector<16xf32>
      %broadcast_in_dim3A_2156 = arith.constant 18 : i32
      %broadcast_in_dim3A_2157 = vector.broadcast %broadcast_in_dim3A_2156 : i32 to vector<16xi32>
      %gather3A_2158 = tpu.vector_load_idx %arg13[%add3A_1975, %and3A_1969, %broadcast_in_dim3A_2157] : memref<16x8x64xf32, #tpu.memory_space<vmem>>[vector<16xi32>, vector<16xi32>, vector<16xi32>], vector<16xf32>,
      %gather3A_2159 = tpu.vector_load_idx %arg14[%add3A_1975, %and3A_1972, %broadcast_in_dim3A_2157] : memref<16x8x64xf32, #tpu.memory_space<vmem>>[vector<16xi32>, vector<16xi32>, vector<16xi32>], vector<16xf32>,
      %mul3A_2160 = arith.mulf %gather3A_2158, %gather3A_2159 : vector<16xf32>
      %add3A_2161 = arith.addf %add3A_2151, %mul3A_2160 : vector<16xf32>
      %mul3A_2162 = arith.mulf %gather3A_2158, %gather3A_2158 : vector<16xf32>
      %add3A_2163 = arith.addf %add3A_2153, %mul3A_2162 : vector<16xf32>
      %mul3A_2164 = arith.mulf %gather3A_2159, %gather3A_2159 : vector<16xf32>
      %add3A_2165 = arith.addf %add3A_2155, %mul3A_2164 : vector<16xf32>
      %broadcast_in_dim3A_2166 = arith.constant 19 : i32
      %broadcast_in_dim3A_2167 = vector.broadcast %broadcast_in_dim3A_2166 : i32 to vector<16xi32>
      %gather3A_2168 = tpu.vector_load_idx %arg13[%add3A_1975, %and3A_1969, %broadcast_in_dim3A_2167] : memref<16x8x64xf32, #tpu.memory_space<vmem>>[vector<16xi32>, vector<16xi32>, vector<16xi32>], vector<16xf32>,
      %gather3A_2169 = tpu.vector_load_idx %arg14[%add3A_1975, %and3A_1972, %broadcast_in_dim3A_2167] : memref<16x8x64xf32, #tpu.memory_space<vmem>>[vector<16xi32>, vector<16xi32>, vector<16xi32>], vector<16xf32>,
      %mul3A_2170 = arith.mulf %gather3A_2168, %gather3A_2169 : vector<16xf32>
      %add3A_2171 = arith.addf %add3A_2161, %mul3A_2170 : vector<16xf32>
      %mul3A_2172 = arith.mulf %gather3A_2168, %gather3A_2168 : vector<16xf32>
      %add3A_2173 = arith.addf %add3A_2163, %mul3A_2172 : vector<16xf32>
      %mul3A_2174 = arith.mulf %gather3A_2169, %gather3A_2169 : vector<16xf32>
      %add3A_2175 = arith.addf %add3A_2165, %mul3A_2174 : vector<16xf32>
      %broadcast_in_dim3A_2176 = arith.constant 20 : i32
      %broadcast_in_dim3A_2177 = vector.broadcast %broadcast_in_dim3A_2176 : i32 to vector<16xi32>
      %gather3A_2178 = tpu.vector_load_idx %arg13[%add3A_1975, %and3A_1969, %broadcast_in_dim3A_2177] : memref<16x8x64xf32, #tpu.memory_space<vmem>>[vector<16xi32>, vector<16xi32>, vector<16xi32>], vector<16xf32>,
      %gather3A_2179 = tpu.vector_load_idx %arg14[%add3A_1975, %and3A_1972, %broadcast_in_dim3A_2177] : memref<16x8x64xf32, #tpu.memory_space<vmem>>[vector<16xi32>, vector<16xi32>, vector<16xi32>], vector<16xf32>,
      %mul3A_2180 = arith.mulf %gather3A_2178, %gather3A_2179 : vector<16xf32>
      %add3A_2181 = arith.addf %add3A_2171, %mul3A_2180 : vector<16xf32>
      %mul3A_2182 = arith.mulf %gather3A_2178, %gather3A_2178 : vector<16xf32>
      %add3A_2183 = arith.addf %add3A_2173, %mul3A_2182 : vector<16xf32>
      %mul3A_2184 = arith.mulf %gather3A_2179, %gather3A_2179 : vector<16xf32>
      %add3A_2185 = arith.addf %add3A_2175, %mul3A_2184 : vector<16xf32>
      %broadcast_in_dim3A_2186 = arith.constant 21 : i32
      %broadcast_in_dim3A_2187 = vector.broadcast %broadcast_in_dim3A_2186 : i32 to vector<16xi32>
      %gather3A_2188 = tpu.vector_load_idx %arg13[%add3A_1975, %and3A_1969, %broadcast_in_dim3A_2187] : memref<16x8x64xf32, #tpu.memory_space<vmem>>[vector<16xi32>, vector<16xi32>, vector<16xi32>], vector<16xf32>,
      %gather3A_2189 = tpu.vector_load_idx %arg14[%add3A_1975, %and3A_1972, %broadcast_in_dim3A_2187] : memref<16x8x64xf32, #tpu.memory_space<vmem>>[vector<16xi32>, vector<16xi32>, vector<16xi32>], vector<16xf32>,
      %mul3A_2190 = arith.mulf %gather3A_2188, %gather3A_2189 : vector<16xf32>
      %add3A_2191 = arith.addf %add3A_2181, %mul3A_2190 : vector<16xf32>
      %mul3A_2192 = arith.mulf %gather3A_2188, %gather3A_2188 : vector<16xf32>
      %add3A_2193 = arith.addf %add3A_2183, %mul3A_2192 : vector<16xf32>
      %mul3A_2194 = arith.mulf %gather3A_2189, %gather3A_2189 : vector<16xf32>
      %add3A_2195 = arith.addf %add3A_2185, %mul3A_2194 : vector<16xf32>
      %broadcast_in_dim3A_2196 = arith.constant 22 : i32
      %broadcast_in_dim3A_2197 = vector.broadcast %broadcast_in_dim3A_2196 : i32 to vector<16xi32>
      %gather3A_2198 = tpu.vector_load_idx %arg13[%add3A_1975, %and3A_1969, %broadcast_in_dim3A_2197] : memref<16x8x64xf32, #tpu.memory_space<vmem>>[vector<16xi32>, vector<16xi32>, vector<16xi32>], vector<16xf32>,
      %gather3A_2199 = tpu.vector_load_idx %arg14[%add3A_1975, %and3A_1972, %broadcast_in_dim3A_2197] : memref<16x8x64xf32, #tpu.memory_space<vmem>>[vector<16xi32>, vector<16xi32>, vector<16xi32>], vector<16xf32>,
      %mul3A_2200 = arith.mulf %gather3A_2198, %gather3A_2199 : vector<16xf32>
      %add3A_2201 = arith.addf %add3A_2191, %mul3A_2200 : vector<16xf32>
      %mul3A_2202 = arith.mulf %gather3A_2198, %gather3A_2198 : vector<16xf32>
      %add3A_2203 = arith.addf %add3A_2193, %mul3A_2202 : vector<16xf32>
      %mul3A_2204 = arith.mulf %gather3A_2199, %gather3A_2199 : vector<16xf32>
      %add3A_2205 = arith.addf %add3A_2195, %mul3A_2204 : vector<16xf32>
      %broadcast_in_dim3A_2206 = arith.constant 23 : i32
      %broadcast_in_dim3A_2207 = vector.broadcast %broadcast_in_dim3A_2206 : i32 to vector<16xi32>
      %gather3A_2208 = tpu.vector_load_idx %arg13[%add3A_1975, %and3A_1969, %broadcast_in_dim3A_2207] : memref<16x8x64xf32, #tpu.memory_space<vmem>>[vector<16xi32>, vector<16xi32>, vector<16xi32>], vector<16xf32>,
      %gather3A_2209 = tpu.vector_load_idx %arg14[%add3A_1975, %and3A_1972, %broadcast_in_dim3A_2207] : memref<16x8x64xf32, #tpu.memory_space<vmem>>[vector<16xi32>, vector<16xi32>, vector<16xi32>], vector<16xf32>,
      %mul3A_2210 = arith.mulf %gather3A_2208, %gather3A_2209 : vector<16xf32>
      %add3A_2211 = arith.addf %add3A_2201, %mul3A_2210 : vector<16xf32>
      %mul3A_2212 = arith.mulf %gather3A_2208, %gather3A_2208 : vector<16xf32>
      %add3A_2213 = arith.addf %add3A_2203, %mul3A_2212 : vector<16xf32>
      %mul3A_2214 = arith.mulf %gather3A_2209, %gather3A_2209 : vector<16xf32>
      %add3A_2215 = arith.addf %add3A_2205, %mul3A_2214 : vector<16xf32>
      %broadcast_in_dim3A_2216 = arith.constant 24 : i32
      %broadcast_in_dim3A_2217 = vector.broadcast %broadcast_in_dim3A_2216 : i32 to vector<16xi32>
      %gather3A_2218 = tpu.vector_load_idx %arg13[%add3A_1975, %and3A_1969, %broadcast_in_dim3A_2217] : memref<16x8x64xf32, #tpu.memory_space<vmem>>[vector<16xi32>, vector<16xi32>, vector<16xi32>], vector<16xf32>,
      %gather3A_2219 = tpu.vector_load_idx %arg14[%add3A_1975, %and3A_1972, %broadcast_in_dim3A_2217] : memref<16x8x64xf32, #tpu.memory_space<vmem>>[vector<16xi32>, vector<16xi32>, vector<16xi32>], vector<16xf32>,
      %mul3A_2220 = arith.mulf %gather3A_2218, %gather3A_2219 : vector<16xf32>
      %add3A_2221 = arith.addf %add3A_2211, %mul3A_2220 : vector<16xf32>
      %mul3A_2222 = arith.mulf %gather3A_2218, %gather3A_2218 : vector<16xf32>
      %add3A_2223 = arith.addf %add3A_2213, %mul3A_2222 : vector<16xf32>
      %mul3A_2224 = arith.mulf %gather3A_2219, %gather3A_2219 : vector<16xf32>
      %add3A_2225 = arith.addf %add3A_2215, %mul3A_2224 : vector<16xf32>
      %broadcast_in_dim3A_2226 = arith.constant 25 : i32
      %broadcast_in_dim3A_2227 = vector.broadcast %broadcast_in_dim3A_2226 : i32 to vector<16xi32>
      %gather3A_2228 = tpu.vector_load_idx %arg13[%add3A_1975, %and3A_1969, %broadcast_in_dim3A_2227] : memref<16x8x64xf32, #tpu.memory_space<vmem>>[vector<16xi32>, vector<16xi32>, vector<16xi32>], vector<16xf32>,
      %gather3A_2229 = tpu.vector_load_idx %arg14[%add3A_1975, %and3A_1972, %broadcast_in_dim3A_2227] : memref<16x8x64xf32, #tpu.memory_space<vmem>>[vector<16xi32>, vector<16xi32>, vector<16xi32>], vector<16xf32>,
      %mul3A_2230 = arith.mulf %gather3A_2228, %gather3A_2229 : vector<16xf32>
      %add3A_2231 = arith.addf %add3A_2221, %mul3A_2230 : vector<16xf32>
      %mul3A_2232 = arith.mulf %gather3A_2228, %gather3A_2228 : vector<16xf32>
      %add3A_2233 = arith.addf %add3A_2223, %mul3A_2232 : vector<16xf32>
      %mul3A_2234 = arith.mulf %gather3A_2229, %gather3A_2229 : vector<16xf32>
      %add3A_2235 = arith.addf %add3A_2225, %mul3A_2234 : vector<16xf32>
      %broadcast_in_dim3A_2236 = arith.constant 26 : i32
      %broadcast_in_dim3A_2237 = vector.broadcast %broadcast_in_dim3A_2236 : i32 to vector<16xi32>
      %gather3A_2238 = tpu.vector_load_idx %arg13[%add3A_1975, %and3A_1969, %broadcast_in_dim3A_2237] : memref<16x8x64xf32, #tpu.memory_space<vmem>>[vector<16xi32>, vector<16xi32>, vector<16xi32>], vector<16xf32>,
      %gather3A_2239 = tpu.vector_load_idx %arg14[%add3A_1975, %and3A_1972, %broadcast_in_dim3A_2237] : memref<16x8x64xf32, #tpu.memory_space<vmem>>[vector<16xi32>, vector<16xi32>, vector<16xi32>], vector<16xf32>,
      %mul3A_2240 = arith.mulf %gather3A_2238, %gather3A_2239 : vector<16xf32>
      %add3A_2241 = arith.addf %add3A_2231, %mul3A_2240 : vector<16xf32>
      %mul3A_2242 = arith.mulf %gather3A_2238, %gather3A_2238 : vector<16xf32>
      %add3A_2243 = arith.addf %add3A_2233, %mul3A_2242 : vector<16xf32>
      %mul3A_2244 = arith.mulf %gather3A_2239, %gather3A_2239 : vector<16xf32>
      %add3A_2245 = arith.addf %add3A_2235, %mul3A_2244 : vector<16xf32>
      %broadcast_in_dim3A_2246 = arith.constant 27 : i32
      %broadcast_in_dim3A_2247 = vector.broadcast %broadcast_in_dim3A_2246 : i32 to vector<16xi32>
      %gather3A_2248 = tpu.vector_load_idx %arg13[%add3A_1975, %and3A_1969, %broadcast_in_dim3A_2247] : memref<16x8x64xf32, #tpu.memory_space<vmem>>[vector<16xi32>, vector<16xi32>, vector<16xi32>], vector<16xf32>,
      %gather3A_2249 = tpu.vector_load_idx %arg14[%add3A_1975, %and3A_1972, %broadcast_in_dim3A_2247] : memref<16x8x64xf32, #tpu.memory_space<vmem>>[vector<16xi32>, vector<16xi32>, vector<16xi32>], vector<16xf32>,
      %mul3A_2250 = arith.mulf %gather3A_2248, %gather3A_2249 : vector<16xf32>
      %add3A_2251 = arith.addf %add3A_2241, %mul3A_2250 : vector<16xf32>
      %mul3A_2252 = arith.mulf %gather3A_2248, %gather3A_2248 : vector<16xf32>
      %add3A_2253 = arith.addf %add3A_2243, %mul3A_2252 : vector<16xf32>
      %mul3A_2254 = arith.mulf %gather3A_2249, %gather3A_2249 : vector<16xf32>
      %add3A_2255 = arith.addf %add3A_2245, %mul3A_2254 : vector<16xf32>
      %broadcast_in_dim3A_2256 = arith.constant 28 : i32
      %broadcast_in_dim3A_2257 = vector.broadcast %broadcast_in_dim3A_2256 : i32 to vector<16xi32>
      %gather3A_2258 = tpu.vector_load_idx %arg13[%add3A_1975, %and3A_1969, %broadcast_in_dim3A_2257] : memref<16x8x64xf32, #tpu.memory_space<vmem>>[vector<16xi32>, vector<16xi32>, vector<16xi32>], vector<16xf32>,
      %gather3A_2259 = tpu.vector_load_idx %arg14[%add3A_1975, %and3A_1972, %broadcast_in_dim3A_2257] : memref<16x8x64xf32, #tpu.memory_space<vmem>>[vector<16xi32>, vector<16xi32>, vector<16xi32>], vector<16xf32>,
      %mul3A_2260 = arith.mulf %gather3A_2258, %gather3A_2259 : vector<16xf32>
      %add3A_2261 = arith.addf %add3A_2251, %mul3A_2260 : vector<16xf32>
      %mul3A_2262 = arith.mulf %gather3A_2258, %gather3A_2258 : vector<16xf32>
      %add3A_2263 = arith.addf %add3A_2253, %mul3A_2262 : vector<16xf32>
      %mul3A_2264 = arith.mulf %gather3A_2259, %gather3A_2259 : vector<16xf32>
      %add3A_2265 = arith.addf %add3A_2255, %mul3A_2264 : vector<16xf32>
      %broadcast_in_dim3A_2266 = arith.constant 29 : i32
      %broadcast_in_dim3A_2267 = vector.broadcast %broadcast_in_dim3A_2266 : i32 to vector<16xi32>
      %gather3A_2268 = tpu.vector_load_idx %arg13[%add3A_1975, %and3A_1969, %broadcast_in_dim3A_2267] : memref<16x8x64xf32, #tpu.memory_space<vmem>>[vector<16xi32>, vector<16xi32>, vector<16xi32>], vector<16xf32>,
      %gather3A_2269 = tpu.vector_load_idx %arg14[%add3A_1975, %and3A_1972, %broadcast_in_dim3A_2267] : memref<16x8x64xf32, #tpu.memory_space<vmem>>[vector<16xi32>, vector<16xi32>, vector<16xi32>], vector<16xf32>,
      %mul3A_2270 = arith.mulf %gather3A_2268, %gather3A_2269 : vector<16xf32>
      %add3A_2271 = arith.addf %add3A_2261, %mul3A_2270 : vector<16xf32>
      %mul3A_2272 = arith.mulf %gather3A_2268, %gather3A_2268 : vector<16xf32>
      %add3A_2273 = arith.addf %add3A_2263, %mul3A_2272 : vector<16xf32>
      %mul3A_2274 = arith.mulf %gather3A_2269, %gather3A_2269 : vector<16xf32>
      %add3A_2275 = arith.addf %add3A_2265, %mul3A_2274 : vector<16xf32>
      %broadcast_in_dim3A_2276 = arith.constant 30 : i32
      %broadcast_in_dim3A_2277 = vector.broadcast %broadcast_in_dim3A_2276 : i32 to vector<16xi32>
      %gather3A_2278 = tpu.vector_load_idx %arg13[%add3A_1975, %and3A_1969, %broadcast_in_dim3A_2277] : memref<16x8x64xf32, #tpu.memory_space<vmem>>[vector<16xi32>, vector<16xi32>, vector<16xi32>], vector<16xf32>,
      %gather3A_2279 = tpu.vector_load_idx %arg14[%add3A_1975, %and3A_1972, %broadcast_in_dim3A_2277] : memref<16x8x64xf32, #tpu.memory_space<vmem>>[vector<16xi32>, vector<16xi32>, vector<16xi32>], vector<16xf32>,
      %mul3A_2280 = arith.mulf %gather3A_2278, %gather3A_2279 : vector<16xf32>
      %add3A_2281 = arith.addf %add3A_2271, %mul3A_2280 : vector<16xf32>
      %mul3A_2282 = arith.mulf %gather3A_2278, %gather3A_2278 : vector<16xf32>
      %add3A_2283 = arith.addf %add3A_2273, %mul3A_2282 : vector<16xf32>
      %mul3A_2284 = arith.mulf %gather3A_2279, %gather3A_2279 : vector<16xf32>
      %add3A_2285 = arith.addf %add3A_2275, %mul3A_2284 : vector<16xf32>
      %broadcast_in_dim3A_2286 = arith.constant 31 : i32
      %broadcast_in_dim3A_2287 = vector.broadcast %broadcast_in_dim3A_2286 : i32 to vector<16xi32>
      %gather3A_2288 = tpu.vector_load_idx %arg13[%add3A_1975, %and3A_1969, %broadcast_in_dim3A_2287] : memref<16x8x64xf32, #tpu.memory_space<vmem>>[vector<16xi32>, vector<16xi32>, vector<16xi32>], vector<16xf32>,
      %gather3A_2289 = tpu.vector_load_idx %arg14[%add3A_1975, %and3A_1972, %broadcast_in_dim3A_2287] : memref<16x8x64xf32, #tpu.memory_space<vmem>>[vector<16xi32>, vector<16xi32>, vector<16xi32>], vector<16xf32>,
      %mul3A_2290 = arith.mulf %gather3A_2288, %gather3A_2289 : vector<16xf32>
      %add3A_2291 = arith.addf %add3A_2281, %mul3A_2290 : vector<16xf32>
      %mul3A_2292 = arith.mulf %gather3A_2288, %gather3A_2288 : vector<16xf32>
      %add3A_2293 = arith.addf %add3A_2283, %mul3A_2292 : vector<16xf32>
      %mul3A_2294 = arith.mulf %gather3A_2289, %gather3A_2289 : vector<16xf32>
      %add3A_2295 = arith.addf %add3A_2285, %mul3A_2294 : vector<16xf32>
      %broadcast_in_dim3A_2296 = arith.constant 32 : i32
      %broadcast_in_dim3A_2297 = vector.broadcast %broadcast_in_dim3A_2296 : i32 to vector<16xi32>
      %gather3A_2298 = tpu.vector_load_idx %arg13[%add3A_1975, %and3A_1969, %broadcast_in_dim3A_2297] : memref<16x8x64xf32, #tpu.memory_space<vmem>>[vector<16xi32>, vector<16xi32>, vector<16xi32>], vector<16xf32>,
      %gather3A_2299 = tpu.vector_load_idx %arg14[%add3A_1975, %and3A_1972, %broadcast_in_dim3A_2297] : memref<16x8x64xf32, #tpu.memory_space<vmem>>[vector<16xi32>, vector<16xi32>, vector<16xi32>], vector<16xf32>,
      %mul3A_2300 = arith.mulf %gather3A_2298, %gather3A_2299 : vector<16xf32>
      %add3A_2301 = arith.addf %add3A_2291, %mul3A_2300 : vector<16xf32>
      %mul3A_2302 = arith.mulf %gather3A_2298, %gather3A_2298 : vector<16xf32>
      %add3A_2303 = arith.addf %add3A_2293, %mul3A_2302 : vector<16xf32>
      %mul3A_2304 = arith.mulf %gather3A_2299, %gather3A_2299 : vector<16xf32>
      %add3A_2305 = arith.addf %add3A_2295, %mul3A_2304 : vector<16xf32>
      %broadcast_in_dim3A_2306 = arith.constant 33 : i32
      %broadcast_in_dim3A_2307 = vector.broadcast %broadcast_in_dim3A_2306 : i32 to vector<16xi32>
      %gather3A_2308 = tpu.vector_load_idx %arg13[%add3A_1975, %and3A_1969, %broadcast_in_dim3A_2307] : memref<16x8x64xf32, #tpu.memory_space<vmem>>[vector<16xi32>, vector<16xi32>, vector<16xi32>], vector<16xf32>,
      %gather3A_2309 = tpu.vector_load_idx %arg14[%add3A_1975, %and3A_1972, %broadcast_in_dim3A_2307] : memref<16x8x64xf32, #tpu.memory_space<vmem>>[vector<16xi32>, vector<16xi32>, vector<16xi32>], vector<16xf32>,
      %mul3A_2310 = arith.mulf %gather3A_2308, %gather3A_2309 : vector<16xf32>
      %add3A_2311 = arith.addf %add3A_2301, %mul3A_2310 : vector<16xf32>
      %mul3A_2312 = arith.mulf %gather3A_2308, %gather3A_2308 : vector<16xf32>
      %add3A_2313 = arith.addf %add3A_2303, %mul3A_2312 : vector<16xf32>
      %mul3A_2314 = arith.mulf %gather3A_2309, %gather3A_2309 : vector<16xf32>
      %add3A_2315 = arith.addf %add3A_2305, %mul3A_2314 : vector<16xf32>
      %broadcast_in_dim3A_2316 = arith.constant 34 : i32
      %broadcast_in_dim3A_2317 = vector.broadcast %broadcast_in_dim3A_2316 : i32 to vector<16xi32>
      %gather3A_2318 = tpu.vector_load_idx %arg13[%add3A_1975, %and3A_1969, %broadcast_in_dim3A_2317] : memref<16x8x64xf32, #tpu.memory_space<vmem>>[vector<16xi32>, vector<16xi32>, vector<16xi32>], vector<16xf32>,
      %gather3A_2319 = tpu.vector_load_idx %arg14[%add3A_1975, %and3A_1972, %broadcast_in_dim3A_2317] : memref<16x8x64xf32, #tpu.memory_space<vmem>>[vector<16xi32>, vector<16xi32>, vector<16xi32>], vector<16xf32>,
      %mul3A_2320 = arith.mulf %gather3A_2318, %gather3A_2319 : vector<16xf32>
      %add3A_2321 = arith.addf %add3A_2311, %mul3A_2320 : vector<16xf32>
      %mul3A_2322 = arith.mulf %gather3A_2318, %gather3A_2318 : vector<16xf32>
      %add3A_2323 = arith.addf %add3A_2313, %mul3A_2322 : vector<16xf32>
      %mul3A_2324 = arith.mulf %gather3A_2319, %gather3A_2319 : vector<16xf32>
      %add3A_2325 = arith.addf %add3A_2315, %mul3A_2324 : vector<16xf32>
      %broadcast_in_dim3A_2326 = arith.constant 35 : i32
      %broadcast_in_dim3A_2327 = vector.broadcast %broadcast_in_dim3A_2326 : i32 to vector<16xi32>
      %gather3A_2328 = tpu.vector_load_idx %arg13[%add3A_1975, %and3A_1969, %broadcast_in_dim3A_2327] : memref<16x8x64xf32, #tpu.memory_space<vmem>>[vector<16xi32>, vector<16xi32>, vector<16xi32>], vector<16xf32>,
      %gather3A_2329 = tpu.vector_load_idx %arg14[%add3A_1975, %and3A_1972, %broadcast_in_dim3A_2327] : memref<16x8x64xf32, #tpu.memory_space<vmem>>[vector<16xi32>, vector<16xi32>, vector<16xi32>], vector<16xf32>,
      %mul3A_2330 = arith.mulf %gather3A_2328, %gather3A_2329 : vector<16xf32>
      %add3A_2331 = arith.addf %add3A_2321, %mul3A_2330 : vector<16xf32>
      %mul3A_2332 = arith.mulf %gather3A_2328, %gather3A_2328 : vector<16xf32>
      %add3A_2333 = arith.addf %add3A_2323, %mul3A_2332 : vector<16xf32>
      %mul3A_2334 = arith.mulf %gather3A_2329, %gather3A_2329 : vector<16xf32>
      %add3A_2335 = arith.addf %add3A_2325, %mul3A_2334 : vector<16xf32>
      %broadcast_in_dim3A_2336 = arith.constant 36 : i32
      %broadcast_in_dim3A_2337 = vector.broadcast %broadcast_in_dim3A_2336 : i32 to vector<16xi32>
      %gather3A_2338 = tpu.vector_load_idx %arg13[%add3A_1975, %and3A_1969, %broadcast_in_dim3A_2337] : memref<16x8x64xf32, #tpu.memory_space<vmem>>[vector<16xi32>, vector<16xi32>, vector<16xi32>], vector<16xf32>,
      %gather3A_2339 = tpu.vector_load_idx %arg14[%add3A_1975, %and3A_1972, %broadcast_in_dim3A_2337] : memref<16x8x64xf32, #tpu.memory_space<vmem>>[vector<16xi32>, vector<16xi32>, vector<16xi32>], vector<16xf32>,
      %mul3A_2340 = arith.mulf %gather3A_2338, %gather3A_2339 : vector<16xf32>
      %add3A_2341 = arith.addf %add3A_2331, %mul3A_2340 : vector<16xf32>
      %mul3A_2342 = arith.mulf %gather3A_2338, %gather3A_2338 : vector<16xf32>
      %add3A_2343 = arith.addf %add3A_2333, %mul3A_2342 : vector<16xf32>
      %mul3A_2344 = arith.mulf %gather3A_2339, %gather3A_2339 : vector<16xf32>
      %add3A_2345 = arith.addf %add3A_2335, %mul3A_2344 : vector<16xf32>
      %broadcast_in_dim3A_2346 = arith.constant 37 : i32
      %broadcast_in_dim3A_2347 = vector.broadcast %broadcast_in_dim3A_2346 : i32 to vector<16xi32>
      %gather3A_2348 = tpu.vector_load_idx %arg13[%add3A_1975, %and3A_1969, %broadcast_in_dim3A_2347] : memref<16x8x64xf32, #tpu.memory_space<vmem>>[vector<16xi32>, vector<16xi32>, vector<16xi32>], vector<16xf32>,
      %gather3A_2349 = tpu.vector_load_idx %arg14[%add3A_1975, %and3A_1972, %broadcast_in_dim3A_2347] : memref<16x8x64xf32, #tpu.memory_space<vmem>>[vector<16xi32>, vector<16xi32>, vector<16xi32>], vector<16xf32>,
      %mul3A_2350 = arith.mulf %gather3A_2348, %gather3A_2349 : vector<16xf32>
      %add3A_2351 = arith.addf %add3A_2341, %mul3A_2350 : vector<16xf32>
      %mul3A_2352 = arith.mulf %gather3A_2348, %gather3A_2348 : vector<16xf32>
      %add3A_2353 = arith.addf %add3A_2343, %mul3A_2352 : vector<16xf32>
      %mul3A_2354 = arith.mulf %gather3A_2349, %gather3A_2349 : vector<16xf32>
      %add3A_2355 = arith.addf %add3A_2345, %mul3A_2354 : vector<16xf32>
      %broadcast_in_dim3A_2356 = arith.constant 38 : i32
      %broadcast_in_dim3A_2357 = vector.broadcast %broadcast_in_dim3A_2356 : i32 to vector<16xi32>
      %gather3A_2358 = tpu.vector_load_idx %arg13[%add3A_1975, %and3A_1969, %broadcast_in_dim3A_2357] : memref<16x8x64xf32, #tpu.memory_space<vmem>>[vector<16xi32>, vector<16xi32>, vector<16xi32>], vector<16xf32>,
      %gather3A_2359 = tpu.vector_load_idx %arg14[%add3A_1975, %and3A_1972, %broadcast_in_dim3A_2357] : memref<16x8x64xf32, #tpu.memory_space<vmem>>[vector<16xi32>, vector<16xi32>, vector<16xi32>], vector<16xf32>,
      %mul3A_2360 = arith.mulf %gather3A_2358, %gather3A_2359 : vector<16xf32>
      %add3A_2361 = arith.addf %add3A_2351, %mul3A_2360 : vector<16xf32>
      %mul3A_2362 = arith.mulf %gather3A_2358, %gather3A_2358 : vector<16xf32>
      %add3A_2363 = arith.addf %add3A_2353, %mul3A_2362 : vector<16xf32>
      %mul3A_2364 = arith.mulf %gather3A_2359, %gather3A_2359 : vector<16xf32>
      %add3A_2365 = arith.addf %add3A_2355, %mul3A_2364 : vector<16xf32>
      %broadcast_in_dim3A_2366 = arith.constant 39 : i32
      %broadcast_in_dim3A_2367 = vector.broadcast %broadcast_in_dim3A_2366 : i32 to vector<16xi32>
      %gather3A_2368 = tpu.vector_load_idx %arg13[%add3A_1975, %and3A_1969, %broadcast_in_dim3A_2367] : memref<16x8x64xf32, #tpu.memory_space<vmem>>[vector<16xi32>, vector<16xi32>, vector<16xi32>], vector<16xf32>,
      %gather3A_2369 = tpu.vector_load_idx %arg14[%add3A_1975, %and3A_1972, %broadcast_in_dim3A_2367] : memref<16x8x64xf32, #tpu.memory_space<vmem>>[vector<16xi32>, vector<16xi32>, vector<16xi32>], vector<16xf32>,
      %mul3A_2370 = arith.mulf %gather3A_2368, %gather3A_2369 : vector<16xf32>
      %add3A_2371 = arith.addf %add3A_2361, %mul3A_2370 : vector<16xf32>
      %mul3A_2372 = arith.mulf %gather3A_2368, %gather3A_2368 : vector<16xf32>
      %add3A_2373 = arith.addf %add3A_2363, %mul3A_2372 : vector<16xf32>
      %mul3A_2374 = arith.mulf %gather3A_2369, %gather3A_2369 : vector<16xf32>
      %add3A_2375 = arith.addf %add3A_2365, %mul3A_2374 : vector<16xf32>
      %broadcast_in_dim3A_2376 = arith.constant 40 : i32
      %broadcast_in_dim3A_2377 = vector.broadcast %broadcast_in_dim3A_2376 : i32 to vector<16xi32>
      %gather3A_2378 = tpu.vector_load_idx %arg13[%add3A_1975, %and3A_1969, %broadcast_in_dim3A_2377] : memref<16x8x64xf32, #tpu.memory_space<vmem>>[vector<16xi32>, vector<16xi32>, vector<16xi32>], vector<16xf32>,
      %gather3A_2379 = tpu.vector_load_idx %arg14[%add3A_1975, %and3A_1972, %broadcast_in_dim3A_2377] : memref<16x8x64xf32, #tpu.memory_space<vmem>>[vector<16xi32>, vector<16xi32>, vector<16xi32>], vector<16xf32>,
      %mul3A_2380 = arith.mulf %gather3A_2378, %gather3A_2379 : vector<16xf32>
      %add3A_2381 = arith.addf %add3A_2371, %mul3A_2380 : vector<16xf32>
      %mul3A_2382 = arith.mulf %gather3A_2378, %gather3A_2378 : vector<16xf32>
      %add3A_2383 = arith.addf %add3A_2373, %mul3A_2382 : vector<16xf32>
      %mul3A_2384 = arith.mulf %gather3A_2379, %gather3A_2379 : vector<16xf32>
      %add3A_2385 = arith.addf %add3A_2375, %mul3A_2384 : vector<16xf32>
      %broadcast_in_dim3A_2386 = arith.constant 41 : i32
      %broadcast_in_dim3A_2387 = vector.broadcast %broadcast_in_dim3A_2386 : i32 to vector<16xi32>
      %gather3A_2388 = tpu.vector_load_idx %arg13[%add3A_1975, %and3A_1969, %broadcast_in_dim3A_2387] : memref<16x8x64xf32, #tpu.memory_space<vmem>>[vector<16xi32>, vector<16xi32>, vector<16xi32>], vector<16xf32>,
      %gather3A_2389 = tpu.vector_load_idx %arg14[%add3A_1975, %and3A_1972, %broadcast_in_dim3A_2387] : memref<16x8x64xf32, #tpu.memory_space<vmem>>[vector<16xi32>, vector<16xi32>, vector<16xi32>], vector<16xf32>,
      %mul3A_2390 = arith.mulf %gather3A_2388, %gather3A_2389 : vector<16xf32>
      %add3A_2391 = arith.addf %add3A_2381, %mul3A_2390 : vector<16xf32>
      %mul3A_2392 = arith.mulf %gather3A_2388, %gather3A_2388 : vector<16xf32>
      %add3A_2393 = arith.addf %add3A_2383, %mul3A_2392 : vector<16xf32>
      %mul3A_2394 = arith.mulf %gather3A_2389, %gather3A_2389 : vector<16xf32>
      %add3A_2395 = arith.addf %add3A_2385, %mul3A_2394 : vector<16xf32>
      %broadcast_in_dim3A_2396 = arith.constant 42 : i32
      %broadcast_in_dim3A_2397 = vector.broadcast %broadcast_in_dim3A_2396 : i32 to vector<16xi32>
      %gather3A_2398 = tpu.vector_load_idx %arg13[%add3A_1975, %and3A_1969, %broadcast_in_dim3A_2397] : memref<16x8x64xf32, #tpu.memory_space<vmem>>[vector<16xi32>, vector<16xi32>, vector<16xi32>], vector<16xf32>,
      %gather3A_2399 = tpu.vector_load_idx %arg14[%add3A_1975, %and3A_1972, %broadcast_in_dim3A_2397] : memref<16x8x64xf32, #tpu.memory_space<vmem>>[vector<16xi32>, vector<16xi32>, vector<16xi32>], vector<16xf32>,
      %mul3A_2400 = arith.mulf %gather3A_2398, %gather3A_2399 : vector<16xf32>
      %add3A_2401 = arith.addf %add3A_2391, %mul3A_2400 : vector<16xf32>
      %mul3A_2402 = arith.mulf %gather3A_2398, %gather3A_2398 : vector<16xf32>
      %add3A_2403 = arith.addf %add3A_2393, %mul3A_2402 : vector<16xf32>
      %mul3A_2404 = arith.mulf %gather3A_2399, %gather3A_2399 : vector<16xf32>
      %add3A_2405 = arith.addf %add3A_2395, %mul3A_2404 : vector<16xf32>
      %broadcast_in_dim3A_2406 = arith.constant 43 : i32
      %broadcast_in_dim3A_2407 = vector.broadcast %broadcast_in_dim3A_2406 : i32 to vector<16xi32>
      %gather3A_2408 = tpu.vector_load_idx %arg13[%add3A_1975, %and3A_1969, %broadcast_in_dim3A_2407] : memref<16x8x64xf32, #tpu.memory_space<vmem>>[vector<16xi32>, vector<16xi32>, vector<16xi32>], vector<16xf32>,
      %gather3A_2409 = tpu.vector_load_idx %arg14[%add3A_1975, %and3A_1972, %broadcast_in_dim3A_2407] : memref<16x8x64xf32, #tpu.memory_space<vmem>>[vector<16xi32>, vector<16xi32>, vector<16xi32>], vector<16xf32>,
      %mul3A_2410 = arith.mulf %gather3A_2408, %gather3A_2409 : vector<16xf32>
      %add3A_2411 = arith.addf %add3A_2401, %mul3A_2410 : vector<16xf32>
      %mul3A_2412 = arith.mulf %gather3A_2408, %gather3A_2408 : vector<16xf32>
      %add3A_2413 = arith.addf %add3A_2403, %mul3A_2412 : vector<16xf32>
      %mul3A_2414 = arith.mulf %gather3A_2409, %gather3A_2409 : vector<16xf32>
      %add3A_2415 = arith.addf %add3A_2405, %mul3A_2414 : vector<16xf32>
      %broadcast_in_dim3A_2416 = arith.constant 44 : i32
      %broadcast_in_dim3A_2417 = vector.broadcast %broadcast_in_dim3A_2416 : i32 to vector<16xi32>
      %gather3A_2418 = tpu.vector_load_idx %arg13[%add3A_1975, %and3A_1969, %broadcast_in_dim3A_2417] : memref<16x8x64xf32, #tpu.memory_space<vmem>>[vector<16xi32>, vector<16xi32>, vector<16xi32>], vector<16xf32>,
      %gather3A_2419 = tpu.vector_load_idx %arg14[%add3A_1975, %and3A_1972, %broadcast_in_dim3A_2417] : memref<16x8x64xf32, #tpu.memory_space<vmem>>[vector<16xi32>, vector<16xi32>, vector<16xi32>], vector<16xf32>,
      %mul3A_2420 = arith.mulf %gather3A_2418, %gather3A_2419 : vector<16xf32>
      %add3A_2421 = arith.addf %add3A_2411, %mul3A_2420 : vector<16xf32>
      %mul3A_2422 = arith.mulf %gather3A_2418, %gather3A_2418 : vector<16xf32>
      %add3A_2423 = arith.addf %add3A_2413, %mul3A_2422 : vector<16xf32>
      %mul3A_2424 = arith.mulf %gather3A_2419, %gather3A_2419 : vector<16xf32>
      %add3A_2425 = arith.addf %add3A_2415, %mul3A_2424 : vector<16xf32>
      %broadcast_in_dim3A_2426 = arith.constant 45 : i32
      %broadcast_in_dim3A_2427 = vector.broadcast %broadcast_in_dim3A_2426 : i32 to vector<16xi32>
      %gather3A_2428 = tpu.vector_load_idx %arg13[%add3A_1975, %and3A_1969, %broadcast_in_dim3A_2427] : memref<16x8x64xf32, #tpu.memory_space<vmem>>[vector<16xi32>, vector<16xi32>, vector<16xi32>], vector<16xf32>,
      %gather3A_2429 = tpu.vector_load_idx %arg14[%add3A_1975, %and3A_1972, %broadcast_in_dim3A_2427] : memref<16x8x64xf32, #tpu.memory_space<vmem>>[vector<16xi32>, vector<16xi32>, vector<16xi32>], vector<16xf32>,
      %mul3A_2430 = arith.mulf %gather3A_2428, %gather3A_2429 : vector<16xf32>
      %add3A_2431 = arith.addf %add3A_2421, %mul3A_2430 : vector<16xf32>
      %mul3A_2432 = arith.mulf %gather3A_2428, %gather3A_2428 : vector<16xf32>
      %add3A_2433 = arith.addf %add3A_2423, %mul3A_2432 : vector<16xf32>
      %mul3A_2434 = arith.mulf %gather3A_2429, %gather3A_2429 : vector<16xf32>
      %add3A_2435 = arith.addf %add3A_2425, %mul3A_2434 : vector<16xf32>
      %broadcast_in_dim3A_2436 = arith.constant 46 : i32
      %broadcast_in_dim3A_2437 = vector.broadcast %broadcast_in_dim3A_2436 : i32 to vector<16xi32>
      %gather3A_2438 = tpu.vector_load_idx %arg13[%add3A_1975, %and3A_1969, %broadcast_in_dim3A_2437] : memref<16x8x64xf32, #tpu.memory_space<vmem>>[vector<16xi32>, vector<16xi32>, vector<16xi32>], vector<16xf32>,
      %gather3A_2439 = tpu.vector_load_idx %arg14[%add3A_1975, %and3A_1972, %broadcast_in_dim3A_2437] : memref<16x8x64xf32, #tpu.memory_space<vmem>>[vector<16xi32>, vector<16xi32>, vector<16xi32>], vector<16xf32>,
      %mul3A_2440 = arith.mulf %gather3A_2438, %gather3A_2439 : vector<16xf32>
      %add3A_2441 = arith.addf %add3A_2431, %mul3A_2440 : vector<16xf32>
      %mul3A_2442 = arith.mulf %gather3A_2438, %gather3A_2438 : vector<16xf32>
      %add3A_2443 = arith.addf %add3A_2433, %mul3A_2442 : vector<16xf32>
      %mul3A_2444 = arith.mulf %gather3A_2439, %gather3A_2439 : vector<16xf32>
      %add3A_2445 = arith.addf %add3A_2435, %mul3A_2444 : vector<16xf32>
      %broadcast_in_dim3A_2446 = arith.constant 47 : i32
      %broadcast_in_dim3A_2447 = vector.broadcast %broadcast_in_dim3A_2446 : i32 to vector<16xi32>
      %gather3A_2448 = tpu.vector_load_idx %arg13[%add3A_1975, %and3A_1969, %broadcast_in_dim3A_2447] : memref<16x8x64xf32, #tpu.memory_space<vmem>>[vector<16xi32>, vector<16xi32>, vector<16xi32>], vector<16xf32>,
      %gather3A_2449 = tpu.vector_load_idx %arg14[%add3A_1975, %and3A_1972, %broadcast_in_dim3A_2447] : memref<16x8x64xf32, #tpu.memory_space<vmem>>[vector<16xi32>, vector<16xi32>, vector<16xi32>], vector<16xf32>,
      %mul3A_2450 = arith.mulf %gather3A_2448, %gather3A_2449 : vector<16xf32>
      %add3A_2451 = arith.addf %add3A_2441, %mul3A_2450 : vector<16xf32>
      %mul3A_2452 = arith.mulf %gather3A_2448, %gather3A_2448 : vector<16xf32>
      %add3A_2453 = arith.addf %add3A_2443, %mul3A_2452 : vector<16xf32>
      %mul3A_2454 = arith.mulf %gather3A_2449, %gather3A_2449 : vector<16xf32>
      %add3A_2455 = arith.addf %add3A_2445, %mul3A_2454 : vector<16xf32>
      %broadcast_in_dim3A_2456 = arith.constant 48 : i32
      %broadcast_in_dim3A_2457 = vector.broadcast %broadcast_in_dim3A_2456 : i32 to vector<16xi32>
      %gather3A_2458 = tpu.vector_load_idx %arg13[%add3A_1975, %and3A_1969, %broadcast_in_dim3A_2457] : memref<16x8x64xf32, #tpu.memory_space<vmem>>[vector<16xi32>, vector<16xi32>, vector<16xi32>], vector<16xf32>,
      %gather3A_2459 = tpu.vector_load_idx %arg14[%add3A_1975, %and3A_1972, %broadcast_in_dim3A_2457] : memref<16x8x64xf32, #tpu.memory_space<vmem>>[vector<16xi32>, vector<16xi32>, vector<16xi32>], vector<16xf32>,
      %mul3A_2460 = arith.mulf %gather3A_2458, %gather3A_2459 : vector<16xf32>
      %add3A_2461 = arith.addf %add3A_2451, %mul3A_2460 : vector<16xf32>
      %mul3A_2462 = arith.mulf %gather3A_2458, %gather3A_2458 : vector<16xf32>
      %add3A_2463 = arith.addf %add3A_2453, %mul3A_2462 : vector<16xf32>
      %mul3A_2464 = arith.mulf %gather3A_2459, %gather3A_2459 : vector<16xf32>
      %add3A_2465 = arith.addf %add3A_2455, %mul3A_2464 : vector<16xf32>
      %broadcast_in_dim3A_2466 = arith.constant 49 : i32
      %broadcast_in_dim3A_2467 = vector.broadcast %broadcast_in_dim3A_2466 : i32 to vector<16xi32>
      %gather3A_2468 = tpu.vector_load_idx %arg13[%add3A_1975, %and3A_1969, %broadcast_in_dim3A_2467] : memref<16x8x64xf32, #tpu.memory_space<vmem>>[vector<16xi32>, vector<16xi32>, vector<16xi32>], vector<16xf32>,
      %gather3A_2469 = tpu.vector_load_idx %arg14[%add3A_1975, %and3A_1972, %broadcast_in_dim3A_2467] : memref<16x8x64xf32, #tpu.memory_space<vmem>>[vector<16xi32>, vector<16xi32>, vector<16xi32>], vector<16xf32>,
      %mul3A_2470 = arith.mulf %gather3A_2468, %gather3A_2469 : vector<16xf32>
      %add3A_2471 = arith.addf %add3A_2461, %mul3A_2470 : vector<16xf32>
      %mul3A_2472 = arith.mulf %gather3A_2468, %gather3A_2468 : vector<16xf32>
      %add3A_2473 = arith.addf %add3A_2463, %mul3A_2472 : vector<16xf32>
      %mul3A_2474 = arith.mulf %gather3A_2469, %gather3A_2469 : vector<16xf32>
      %add3A_2475 = arith.addf %add3A_2465, %mul3A_2474 : vector<16xf32>
      %broadcast_in_dim3A_2476 = arith.constant 50 : i32
      %broadcast_in_dim3A_2477 = vector.broadcast %broadcast_in_dim3A_2476 : i32 to vector<16xi32>
      %gather3A_2478 = tpu.vector_load_idx %arg13[%add3A_1975, %and3A_1969, %broadcast_in_dim3A_2477] : memref<16x8x64xf32, #tpu.memory_space<vmem>>[vector<16xi32>, vector<16xi32>, vector<16xi32>], vector<16xf32>,
      %gather3A_2479 = tpu.vector_load_idx %arg14[%add3A_1975, %and3A_1972, %broadcast_in_dim3A_2477] : memref<16x8x64xf32, #tpu.memory_space<vmem>>[vector<16xi32>, vector<16xi32>, vector<16xi32>], vector<16xf32>,
      %mul3A_2480 = arith.mulf %gather3A_2478, %gather3A_2479 : vector<16xf32>
      %add3A_2481 = arith.addf %add3A_2471, %mul3A_2480 : vector<16xf32>
      %mul3A_2482 = arith.mulf %gather3A_2478, %gather3A_2478 : vector<16xf32>
      %add3A_2483 = arith.addf %add3A_2473, %mul3A_2482 : vector<16xf32>
      %mul3A_2484 = arith.mulf %gather3A_2479, %gather3A_2479 : vector<16xf32>
      %add3A_2485 = arith.addf %add3A_2475, %mul3A_2484 : vector<16xf32>
      %broadcast_in_dim3A_2486 = arith.constant 51 : i32
      %broadcast_in_dim3A_2487 = vector.broadcast %broadcast_in_dim3A_2486 : i32 to vector<16xi32>
      %gather3A_2488 = tpu.vector_load_idx %arg13[%add3A_1975, %and3A_1969, %broadcast_in_dim3A_2487] : memref<16x8x64xf32, #tpu.memory_space<vmem>>[vector<16xi32>, vector<16xi32>, vector<16xi32>], vector<16xf32>,
      %gather3A_2489 = tpu.vector_load_idx %arg14[%add3A_1975, %and3A_1972, %broadcast_in_dim3A_2487] : memref<16x8x64xf32, #tpu.memory_space<vmem>>[vector<16xi32>, vector<16xi32>, vector<16xi32>], vector<16xf32>,
      %mul3A_2490 = arith.mulf %gather3A_2488, %gather3A_2489 : vector<16xf32>
      %add3A_2491 = arith.addf %add3A_2481, %mul3A_2490 : vector<16xf32>
      %mul3A_2492 = arith.mulf %gather3A_2488, %gather3A_2488 : vector<16xf32>
      %add3A_2493 = arith.addf %add3A_2483, %mul3A_2492 : vector<16xf32>
      %mul3A_2494 = arith.mulf %gather3A_2489, %gather3A_2489 : vector<16xf32>
      %add3A_2495 = arith.addf %add3A_2485, %mul3A_2494 : vector<16xf32>
      %broadcast_in_dim3A_2496 = arith.constant 52 : i32
      %broadcast_in_dim3A_2497 = vector.broadcast %broadcast_in_dim3A_2496 : i32 to vector<16xi32>
      %gather3A_2498 = tpu.vector_load_idx %arg13[%add3A_1975, %and3A_1969, %broadcast_in_dim3A_2497] : memref<16x8x64xf32, #tpu.memory_space<vmem>>[vector<16xi32>, vector<16xi32>, vector<16xi32>], vector<16xf32>,
      %gather3A_2499 = tpu.vector_load_idx %arg14[%add3A_1975, %and3A_1972, %broadcast_in_dim3A_2497] : memref<16x8x64xf32, #tpu.memory_space<vmem>>[vector<16xi32>, vector<16xi32>, vector<16xi32>], vector<16xf32>,
      %mul3A_2500 = arith.mulf %gather3A_2498, %gather3A_2499 : vector<16xf32>
      %add3A_2501 = arith.addf %add3A_2491, %mul3A_2500 : vector<16xf32>
      %mul3A_2502 = arith.mulf %gather3A_2498, %gather3A_2498 : vector<16xf32>
      %add3A_2503 = arith.addf %add3A_2493, %mul3A_2502 : vector<16xf32>
      %mul3A_2504 = arith.mulf %gather3A_2499, %gather3A_2499 : vector<16xf32>
      %add3A_2505 = arith.addf %add3A_2495, %mul3A_2504 : vector<16xf32>
      %broadcast_in_dim3A_2506 = arith.constant 53 : i32
      %broadcast_in_dim3A_2507 = vector.broadcast %broadcast_in_dim3A_2506 : i32 to vector<16xi32>
      %gather3A_2508 = tpu.vector_load_idx %arg13[%add3A_1975, %and3A_1969, %broadcast_in_dim3A_2507] : memref<16x8x64xf32, #tpu.memory_space<vmem>>[vector<16xi32>, vector<16xi32>, vector<16xi32>], vector<16xf32>,
      %gather3A_2509 = tpu.vector_load_idx %arg14[%add3A_1975, %and3A_1972, %broadcast_in_dim3A_2507] : memref<16x8x64xf32, #tpu.memory_space<vmem>>[vector<16xi32>, vector<16xi32>, vector<16xi32>], vector<16xf32>,
      %mul3A_2510 = arith.mulf %gather3A_2508, %gather3A_2509 : vector<16xf32>
      %add3A_2511 = arith.addf %add3A_2501, %mul3A_2510 : vector<16xf32>
      %mul3A_2512 = arith.mulf %gather3A_2508, %gather3A_2508 : vector<16xf32>
      %add3A_2513 = arith.addf %add3A_2503, %mul3A_2512 : vector<16xf32>
      %mul3A_2514 = arith.mulf %gather3A_2509, %gather3A_2509 : vector<16xf32>
      %add3A_2515 = arith.addf %add3A_2505, %mul3A_2514 : vector<16xf32>
      %broadcast_in_dim3A_2516 = arith.constant 54 : i32
      %broadcast_in_dim3A_2517 = vector.broadcast %broadcast_in_dim3A_2516 : i32 to vector<16xi32>
      %gather3A_2518 = tpu.vector_load_idx %arg13[%add3A_1975, %and3A_1969, %broadcast_in_dim3A_2517] : memref<16x8x64xf32, #tpu.memory_space<vmem>>[vector<16xi32>, vector<16xi32>, vector<16xi32>], vector<16xf32>,
      %gather3A_2519 = tpu.vector_load_idx %arg14[%add3A_1975, %and3A_1972, %broadcast_in_dim3A_2517] : memref<16x8x64xf32, #tpu.memory_space<vmem>>[vector<16xi32>, vector<16xi32>, vector<16xi32>], vector<16xf32>,
      %mul3A_2520 = arith.mulf %gather3A_2518, %gather3A_2519 : vector<16xf32>
      %add3A_2521 = arith.addf %add3A_2511, %mul3A_2520 : vector<16xf32>
      %mul3A_2522 = arith.mulf %gather3A_2518, %gather3A_2518 : vector<16xf32>
      %add3A_2523 = arith.addf %add3A_2513, %mul3A_2522 : vector<16xf32>
      %mul3A_2524 = arith.mulf %gather3A_2519, %gather3A_2519 : vector<16xf32>
      %add3A_2525 = arith.addf %add3A_2515, %mul3A_2524 : vector<16xf32>
      %broadcast_in_dim3A_2526 = arith.constant 55 : i32
      %broadcast_in_dim3A_2527 = vector.broadcast %broadcast_in_dim3A_2526 : i32 to vector<16xi32>
      %gather3A_2528 = tpu.vector_load_idx %arg13[%add3A_1975, %and3A_1969, %broadcast_in_dim3A_2527] : memref<16x8x64xf32, #tpu.memory_space<vmem>>[vector<16xi32>, vector<16xi32>, vector<16xi32>], vector<16xf32>,
      %gather3A_2529 = tpu.vector_load_idx %arg14[%add3A_1975, %and3A_1972, %broadcast_in_dim3A_2527] : memref<16x8x64xf32, #tpu.memory_space<vmem>>[vector<16xi32>, vector<16xi32>, vector<16xi32>], vector<16xf32>,
      %mul3A_2530 = arith.mulf %gather3A_2528, %gather3A_2529 : vector<16xf32>
      %add3A_2531 = arith.addf %add3A_2521, %mul3A_2530 : vector<16xf32>
      %mul3A_2532 = arith.mulf %gather3A_2528, %gather3A_2528 : vector<16xf32>
      %add3A_2533 = arith.addf %add3A_2523, %mul3A_2532 : vector<16xf32>
      %mul3A_2534 = arith.mulf %gather3A_2529, %gather3A_2529 : vector<16xf32>
      %add3A_2535 = arith.addf %add3A_2525, %mul3A_2534 : vector<16xf32>
      %broadcast_in_dim3A_2536 = arith.constant 56 : i32
      %broadcast_in_dim3A_2537 = vector.broadcast %broadcast_in_dim3A_2536 : i32 to vector<16xi32>
      %gather3A_2538 = tpu.vector_load_idx %arg13[%add3A_1975, %and3A_1969, %broadcast_in_dim3A_2537] : memref<16x8x64xf32, #tpu.memory_space<vmem>>[vector<16xi32>, vector<16xi32>, vector<16xi32>], vector<16xf32>,
      %gather3A_2539 = tpu.vector_load_idx %arg14[%add3A_1975, %and3A_1972, %broadcast_in_dim3A_2537] : memref<16x8x64xf32, #tpu.memory_space<vmem>>[vector<16xi32>, vector<16xi32>, vector<16xi32>], vector<16xf32>,
      %mul3A_2540 = arith.mulf %gather3A_2538, %gather3A_2539 : vector<16xf32>
      %add3A_2541 = arith.addf %add3A_2531, %mul3A_2540 : vector<16xf32>
      %mul3A_2542 = arith.mulf %gather3A_2538, %gather3A_2538 : vector<16xf32>
      %add3A_2543 = arith.addf %add3A_2533, %mul3A_2542 : vector<16xf32>
      %mul3A_2544 = arith.mulf %gather3A_2539, %gather3A_2539 : vector<16xf32>
      %add3A_2545 = arith.addf %add3A_2535, %mul3A_2544 : vector<16xf32>
      %broadcast_in_dim3A_2546 = arith.constant 57 : i32
      %broadcast_in_dim3A_2547 = vector.broadcast %broadcast_in_dim3A_2546 : i32 to vector<16xi32>
      %gather3A_2548 = tpu.vector_load_idx %arg13[%add3A_1975, %and3A_1969, %broadcast_in_dim3A_2547] : memref<16x8x64xf32, #tpu.memory_space<vmem>>[vector<16xi32>, vector<16xi32>, vector<16xi32>], vector<16xf32>,
      %gather3A_2549 = tpu.vector_load_idx %arg14[%add3A_1975, %and3A_1972, %broadcast_in_dim3A_2547] : memref<16x8x64xf32, #tpu.memory_space<vmem>>[vector<16xi32>, vector<16xi32>, vector<16xi32>], vector<16xf32>,
      %mul3A_2550 = arith.mulf %gather3A_2548, %gather3A_2549 : vector<16xf32>
      %add3A_2551 = arith.addf %add3A_2541, %mul3A_2550 : vector<16xf32>
      %mul3A_2552 = arith.mulf %gather3A_2548, %gather3A_2548 : vector<16xf32>
      %add3A_2553 = arith.addf %add3A_2543, %mul3A_2552 : vector<16xf32>
      %mul3A_2554 = arith.mulf %gather3A_2549, %gather3A_2549 : vector<16xf32>
      %add3A_2555 = arith.addf %add3A_2545, %mul3A_2554 : vector<16xf32>
      %broadcast_in_dim3A_2556 = arith.constant 58 : i32
      %broadcast_in_dim3A_2557 = vector.broadcast %broadcast_in_dim3A_2556 : i32 to vector<16xi32>
      %gather3A_2558 = tpu.vector_load_idx %arg13[%add3A_1975, %and3A_1969, %broadcast_in_dim3A_2557] : memref<16x8x64xf32, #tpu.memory_space<vmem>>[vector<16xi32>, vector<16xi32>, vector<16xi32>], vector<16xf32>,
      %gather3A_2559 = tpu.vector_load_idx %arg14[%add3A_1975, %and3A_1972, %broadcast_in_dim3A_2557] : memref<16x8x64xf32, #tpu.memory_space<vmem>>[vector<16xi32>, vector<16xi32>, vector<16xi32>], vector<16xf32>,
      %mul3A_2560 = arith.mulf %gather3A_2558, %gather3A_2559 : vector<16xf32>
      %add3A_2561 = arith.addf %add3A_2551, %mul3A_2560 : vector<16xf32>
      %mul3A_2562 = arith.mulf %gather3A_2558, %gather3A_2558 : vector<16xf32>
      %add3A_2563 = arith.addf %add3A_2553, %mul3A_2562 : vector<16xf32>
      %mul3A_2564 = arith.mulf %gather3A_2559, %gather3A_2559 : vector<16xf32>
      %add3A_2565 = arith.addf %add3A_2555, %mul3A_2564 : vector<16xf32>
      %broadcast_in_dim3A_2566 = arith.constant 59 : i32
      %broadcast_in_dim3A_2567 = vector.broadcast %broadcast_in_dim3A_2566 : i32 to vector<16xi32>
      %gather3A_2568 = tpu.vector_load_idx %arg13[%add3A_1975, %and3A_1969, %broadcast_in_dim3A_2567] : memref<16x8x64xf32, #tpu.memory_space<vmem>>[vector<16xi32>, vector<16xi32>, vector<16xi32>], vector<16xf32>,
      %gather3A_2569 = tpu.vector_load_idx %arg14[%add3A_1975, %and3A_1972, %broadcast_in_dim3A_2567] : memref<16x8x64xf32, #tpu.memory_space<vmem>>[vector<16xi32>, vector<16xi32>, vector<16xi32>], vector<16xf32>,
      %mul3A_2570 = arith.mulf %gather3A_2568, %gather3A_2569 : vector<16xf32>
      %add3A_2571 = arith.addf %add3A_2561, %mul3A_2570 : vector<16xf32>
      %mul3A_2572 = arith.mulf %gather3A_2568, %gather3A_2568 : vector<16xf32>
      %add3A_2573 = arith.addf %add3A_2563, %mul3A_2572 : vector<16xf32>
      %mul3A_2574 = arith.mulf %gather3A_2569, %gather3A_2569 : vector<16xf32>
      %add3A_2575 = arith.addf %add3A_2565, %mul3A_2574 : vector<16xf32>
      %broadcast_in_dim3A_2576 = arith.constant 60 : i32
      %broadcast_in_dim3A_2577 = vector.broadcast %broadcast_in_dim3A_2576 : i32 to vector<16xi32>
      %gather3A_2578 = tpu.vector_load_idx %arg13[%add3A_1975, %and3A_1969, %broadcast_in_dim3A_2577] : memref<16x8x64xf32, #tpu.memory_space<vmem>>[vector<16xi32>, vector<16xi32>, vector<16xi32>], vector<16xf32>,
      %gather3A_2579 = tpu.vector_load_idx %arg14[%add3A_1975, %and3A_1972, %broadcast_in_dim3A_2577] : memref<16x8x64xf32, #tpu.memory_space<vmem>>[vector<16xi32>, vector<16xi32>, vector<16xi32>], vector<16xf32>,
      %mul3A_2580 = arith.mulf %gather3A_2578, %gather3A_2579 : vector<16xf32>
      %add3A_2581 = arith.addf %add3A_2571, %mul3A_2580 : vector<16xf32>
      %mul3A_2582 = arith.mulf %gather3A_2578, %gather3A_2578 : vector<16xf32>
      %add3A_2583 = arith.addf %add3A_2573, %mul3A_2582 : vector<16xf32>
      %mul3A_2584 = arith.mulf %gather3A_2579, %gather3A_2579 : vector<16xf32>
      %add3A_2585 = arith.addf %add3A_2575, %mul3A_2584 : vector<16xf32>
      %broadcast_in_dim3A_2586 = arith.constant 61 : i32
      %broadcast_in_dim3A_2587 = vector.broadcast %broadcast_in_dim3A_2586 : i32 to vector<16xi32>
      %gather3A_2588 = tpu.vector_load_idx %arg13[%add3A_1975, %and3A_1969, %broadcast_in_dim3A_2587] : memref<16x8x64xf32, #tpu.memory_space<vmem>>[vector<16xi32>, vector<16xi32>, vector<16xi32>], vector<16xf32>,
      %gather3A_2589 = tpu.vector_load_idx %arg14[%add3A_1975, %and3A_1972, %broadcast_in_dim3A_2587] : memref<16x8x64xf32, #tpu.memory_space<vmem>>[vector<16xi32>, vector<16xi32>, vector<16xi32>], vector<16xf32>,
      %mul3A_2590 = arith.mulf %gather3A_2588, %gather3A_2589 : vector<16xf32>
      %add3A_2591 = arith.addf %add3A_2581, %mul3A_2590 : vector<16xf32>
      %mul3A_2592 = arith.mulf %gather3A_2588, %gather3A_2588 : vector<16xf32>
      %add3A_2593 = arith.addf %add3A_2583, %mul3A_2592 : vector<16xf32>
      %mul3A_2594 = arith.mulf %gather3A_2589, %gather3A_2589 : vector<16xf32>
      %add3A_2595 = arith.addf %add3A_2585, %mul3A_2594 : vector<16xf32>
      %broadcast_in_dim3A_2596 = arith.constant 62 : i32
      %broadcast_in_dim3A_2597 = vector.broadcast %broadcast_in_dim3A_2596 : i32 to vector<16xi32>
      %gather3A_2598 = tpu.vector_load_idx %arg13[%add3A_1975, %and3A_1969, %broadcast_in_dim3A_2597] : memref<16x8x64xf32, #tpu.memory_space<vmem>>[vector<16xi32>, vector<16xi32>, vector<16xi32>], vector<16xf32>,
      %gather3A_2599 = tpu.vector_load_idx %arg14[%add3A_1975, %and3A_1972, %broadcast_in_dim3A_2597] : memref<16x8x64xf32, #tpu.memory_space<vmem>>[vector<16xi32>, vector<16xi32>, vector<16xi32>], vector<16xf32>,
      %mul3A_2600 = arith.mulf %gather3A_2598, %gather3A_2599 : vector<16xf32>
      %add3A_2601 = arith.addf %add3A_2591, %mul3A_2600 : vector<16xf32>
      %mul3A_2602 = arith.mulf %gather3A_2598, %gather3A_2598 : vector<16xf32>
      %add3A_2603 = arith.addf %add3A_2593, %mul3A_2602 : vector<16xf32>
      %mul3A_2604 = arith.mulf %gather3A_2599, %gather3A_2599 : vector<16xf32>
      %add3A_2605 = arith.addf %add3A_2595, %mul3A_2604 : vector<16xf32>
      %broadcast_in_dim3A_2606 = arith.constant 63 : i32
      %broadcast_in_dim3A_2607 = vector.broadcast %broadcast_in_dim3A_2606 : i32 to vector<16xi32>
      %gather3A_2608 = tpu.vector_load_idx %arg13[%add3A_1975, %and3A_1969, %broadcast_in_dim3A_2607] : memref<16x8x64xf32, #tpu.memory_space<vmem>>[vector<16xi32>, vector<16xi32>, vector<16xi32>], vector<16xf32>,
      %gather3A_2609 = tpu.vector_load_idx %arg14[%add3A_1975, %and3A_1972, %broadcast_in_dim3A_2607] : memref<16x8x64xf32, #tpu.memory_space<vmem>>[vector<16xi32>, vector<16xi32>, vector<16xi32>], vector<16xf32>,
      %mul3A_2610 = arith.mulf %gather3A_2608, %gather3A_2609 : vector<16xf32>
      %add3A_2611 = arith.addf %add3A_2601, %mul3A_2610 : vector<16xf32>
      %mul3A_2612 = arith.mulf %gather3A_2608, %gather3A_2608 : vector<16xf32>
      %add3A_2613 = arith.addf %add3A_2603, %mul3A_2612 : vector<16xf32>
      %mul3A_2614 = arith.mulf %gather3A_2609, %gather3A_2609 : vector<16xf32>
      %add3A_2615 = arith.addf %add3A_2605, %mul3A_2614 : vector<16xf32>
      %add3A_2616 = arith.constant 0 : i32
      %add3A_2617 = arith.addi %mul3A_29, %add3A_2616 : i32
      %swap3A_2618 = arith.index_cast %add3A_2617 : i32 to index
      %swap3A_2619 = tpu.vector_load %arg15[%swap3A_2618] {strides = array<i32>} : memref<512xf32, #tpu.memory_space<vmem>>, vector<16xf32>,
      tpu.vector_store %arg15[%swap3A_2618], %add3A_2611 {strides = array<i32>} : memref<512xf32, #tpu.memory_space<vmem>>, vector<16xf32>,
      scf.yield %add3A_2613, %add3A_2615 : vector<16xf32>, vector<16xf32>
    }
    %scan3A_6 = arith.constant 16 : i32
    %swap3A = arith.constant 0 : i32
    %swap3A_7 = arith.index_cast %swap3A : i32 to index
    %swap3A_8 = arith.constant 0 : index
    %swap3A_9 = tpu.vector_load %arg16[%swap3A_7, %swap3A_8] {strides = array<i32>} : memref<2x16xf32, #tpu.memory_space<vmem>>, vector<16xf32>,
    tpu.vector_store %arg16[%swap3A_7, %swap3A_8], %scan3A_5#0 {strides = array<i32>} : memref<2x16xf32, #tpu.memory_space<vmem>>, vector<16xf32>,
    %swap3A_10 = arith.constant 1 : i32
    %swap3A_11 = arith.index_cast %swap3A_10 : i32 to index
    %swap3A_12 = arith.constant 0 : index
    %swap3A_13 = tpu.vector_load %arg16[%swap3A_11, %swap3A_12] {strides = array<i32>} : memref<2x16xf32, #tpu.memory_space<vmem>>, vector<16xf32>,
    tpu.vector_store %arg16[%swap3A_11, %swap3A_12], %scan3A_5#1 {strides = array<i32>} : memref<2x16xf32, #tpu.memory_space<vmem>>, vector<16xf32>,
    %mul3A_14 = arith.constant 512 : i32
    %mul3A_15 = arith.muli %add3A, %mul3A_14 : i32
    "tpu.region"() ({
      %run_scoped3A_17 = tpu.sem_alloc : memref<!tpu.dma_semaphore, #tpu.memory_space<semaphore_mem>>
      %dma_start3A = tpu.memref_slice %arg6[%mul3A_15] : memref<16384xf32, #tpu.memory_space<hbm>> -> memref<512xf32, #tpu.memory_space<hbm>>
      %dma_start3A_18 = tpu.memref_slice %arg6[%mul3A_15] : memref<16384xf32, #tpu.memory_space<hbm>> -> memref<512xf32, #tpu.memory_space<hbm>>
      tpu.enqueue_dma source(%arg15 : memref<512xf32, #tpu.memory_space<vmem>>) target(%dma_start3A_18 : memref<512xf32, #tpu.memory_space<hbm>>) target_semaphore(%run_scoped3A_17 : memref<!tpu.dma_semaphore, #tpu.memory_space<semaphore_mem>>)
      %dma_wait3A = tpu.memref_slice %arg6[%mul3A_15] : memref<16384xf32, #tpu.memory_space<hbm>> -> memref<512xf32, #tpu.memory_space<hbm>>
      %dma_wait3A_19 = tpu.memref_slice %arg6[%mul3A_15] : memref<16384xf32, #tpu.memory_space<hbm>> -> memref<512xf32, #tpu.memory_space<hbm>>
      tpu.wait_dma2 semaphore(%run_scoped3A_17 : memref<!tpu.dma_semaphore, #tpu.memory_space<semaphore_mem>>) src(%arg15 : memref<512xf32, #tpu.memory_space<vmem>>) dst(%dma_wait3A_19 : memref<512xf32, #tpu.memory_space<hbm>>)
      tpu.yield
    }) : () -> ()
    %run_scoped3A = arith.constant 0 : i32
    "tpu.region"() ({
      %run_scoped3A_17 = tpu.sem_alloc : memref<!tpu.dma_semaphore, #tpu.memory_space<semaphore_mem>>
      %dma_start3A = arith.constant 0 : i32
      %dma_start3A_18 = tpu.memref_slice %arg16[%run_scoped3A, %dma_start3A] : memref<2x16xf32, #tpu.memory_space<vmem>> -> memref<1x16xf32, #tpu.memory_space<vmem>>
      %dma_start3A_19 = tpu.memref_squeeze %dma_start3A_18 : memref<1x16xf32, #tpu.memory_space<vmem>> -> memref<16xf32, #tpu.memory_space<vmem>>
      %dma_start3A_20 = arith.constant 0 : i32
      %dma_start3A_21 = tpu.memref_slice %arg7[%add3A, %dma_start3A_20] : memref<32x16xf32, #tpu.memory_space<hbm>> -> memref<1x16xf32, #tpu.memory_space<hbm>>
      %dma_start3A_22 = tpu.memref_squeeze %dma_start3A_21 : memref<1x16xf32, #tpu.memory_space<hbm>> -> memref<16xf32, #tpu.memory_space<hbm>>
      %dma_start3A_23 = arith.constant 0 : i32
      %dma_start3A_24 = tpu.memref_slice %arg7[%add3A, %dma_start3A_23] : memref<32x16xf32, #tpu.memory_space<hbm>> -> memref<1x16xf32, #tpu.memory_space<hbm>>
      %dma_start3A_25 = tpu.memref_squeeze %dma_start3A_24 : memref<1x16xf32, #tpu.memory_space<hbm>> -> memref<16xf32, #tpu.memory_space<hbm>>
      %dma_start3A_26 = arith.constant 0 : i32
      %dma_start3A_27 = tpu.memref_slice %arg16[%run_scoped3A, %dma_start3A_26] : memref<2x16xf32, #tpu.memory_space<vmem>> -> memref<1x16xf32, #tpu.memory_space<vmem>>
      %dma_start3A_28 = tpu.memref_squeeze %dma_start3A_27 : memref<1x16xf32, #tpu.memory_space<vmem>> -> memref<16xf32, #tpu.memory_space<vmem>>
      tpu.enqueue_dma source(%dma_start3A_28 : memref<16xf32, #tpu.memory_space<vmem>>) target(%dma_start3A_25 : memref<16xf32, #tpu.memory_space<hbm>>) target_semaphore(%run_scoped3A_17 : memref<!tpu.dma_semaphore, #tpu.memory_space<semaphore_mem>>)
      %dma_wait3A = arith.constant 0 : i32
      %dma_wait3A_29 = tpu.memref_slice %arg16[%run_scoped3A, %dma_wait3A] : memref<2x16xf32, #tpu.memory_space<vmem>> -> memref<1x16xf32, #tpu.memory_space<vmem>>
      %dma_wait3A_30 = tpu.memref_squeeze %dma_wait3A_29 : memref<1x16xf32, #tpu.memory_space<vmem>> -> memref<16xf32, #tpu.memory_space<vmem>>
      %dma_wait3A_31 = arith.constant 0 : i32
      %dma_wait3A_32 = tpu.memref_slice %arg7[%add3A, %dma_wait3A_31] : memref<32x16xf32, #tpu.memory_space<hbm>> -> memref<1x16xf32, #tpu.memory_space<hbm>>
      %dma_wait3A_33 = tpu.memref_squeeze %dma_wait3A_32 : memref<1x16xf32, #tpu.memory_space<hbm>> -> memref<16xf32, #tpu.memory_space<hbm>>
      %dma_wait3A_34 = arith.constant 0 : i32
      %dma_wait3A_35 = tpu.memref_slice %arg7[%add3A, %dma_wait3A_34] : memref<32x16xf32, #tpu.memory_space<hbm>> -> memref<1x16xf32, #tpu.memory_space<hbm>>
      %dma_wait3A_36 = tpu.memref_squeeze %dma_wait3A_35 : memref<1x16xf32, #tpu.memory_space<hbm>> -> memref<16xf32, #tpu.memory_space<hbm>>
      %dma_wait3A_37 = arith.constant 0 : i32
      %dma_wait3A_38 = tpu.memref_slice %arg16[%run_scoped3A, %dma_wait3A_37] : memref<2x16xf32, #tpu.memory_space<vmem>> -> memref<1x16xf32, #tpu.memory_space<vmem>>
      %dma_wait3A_39 = tpu.memref_squeeze %dma_wait3A_38 : memref<1x16xf32, #tpu.memory_space<vmem>> -> memref<16xf32, #tpu.memory_space<vmem>>
      tpu.wait_dma2 semaphore(%run_scoped3A_17 : memref<!tpu.dma_semaphore, #tpu.memory_space<semaphore_mem>>) src(%dma_wait3A_39 : memref<16xf32, #tpu.memory_space<vmem>>) dst(%dma_wait3A_36 : memref<16xf32, #tpu.memory_space<hbm>>)
      tpu.yield
    }) : () -> ()
    %run_scoped3A_16 = arith.constant 1 : i32
    "tpu.region"() ({
      %run_scoped3A_17 = tpu.sem_alloc : memref<!tpu.dma_semaphore, #tpu.memory_space<semaphore_mem>>
      %dma_start3A = arith.constant 0 : i32
      %dma_start3A_18 = tpu.memref_slice %arg16[%run_scoped3A_16, %dma_start3A] : memref<2x16xf32, #tpu.memory_space<vmem>> -> memref<1x16xf32, #tpu.memory_space<vmem>>
      %dma_start3A_19 = tpu.memref_squeeze %dma_start3A_18 : memref<1x16xf32, #tpu.memory_space<vmem>> -> memref<16xf32, #tpu.memory_space<vmem>>
      %dma_start3A_20 = arith.constant 0 : i32
      %dma_start3A_21 = tpu.memref_slice %arg8[%add3A, %dma_start3A_20] : memref<32x16xf32, #tpu.memory_space<hbm>> -> memref<1x16xf32, #tpu.memory_space<hbm>>
      %dma_start3A_22 = tpu.memref_squeeze %dma_start3A_21 : memref<1x16xf32, #tpu.memory_space<hbm>> -> memref<16xf32, #tpu.memory_space<hbm>>
      %dma_start3A_23 = arith.constant 0 : i32
      %dma_start3A_24 = tpu.memref_slice %arg8[%add3A, %dma_start3A_23] : memref<32x16xf32, #tpu.memory_space<hbm>> -> memref<1x16xf32, #tpu.memory_space<hbm>>
      %dma_start3A_25 = tpu.memref_squeeze %dma_start3A_24 : memref<1x16xf32, #tpu.memory_space<hbm>> -> memref<16xf32, #tpu.memory_space<hbm>>
      %dma_start3A_26 = arith.constant 0 : i32
      %dma_start3A_27 = tpu.memref_slice %arg16[%run_scoped3A_16, %dma_start3A_26] : memref<2x16xf32, #tpu.memory_space<vmem>> -> memref<1x16xf32, #tpu.memory_space<vmem>>
      %dma_start3A_28 = tpu.memref_squeeze %dma_start3A_27 : memref<1x16xf32, #tpu.memory_space<vmem>> -> memref<16xf32, #tpu.memory_space<vmem>>
      tpu.enqueue_dma source(%dma_start3A_28 : memref<16xf32, #tpu.memory_space<vmem>>) target(%dma_start3A_25 : memref<16xf32, #tpu.memory_space<hbm>>) target_semaphore(%run_scoped3A_17 : memref<!tpu.dma_semaphore, #tpu.memory_space<semaphore_mem>>)
      %dma_wait3A = arith.constant 0 : i32
      %dma_wait3A_29 = tpu.memref_slice %arg16[%run_scoped3A_16, %dma_wait3A] : memref<2x16xf32, #tpu.memory_space<vmem>> -> memref<1x16xf32, #tpu.memory_space<vmem>>
      %dma_wait3A_30 = tpu.memref_squeeze %dma_wait3A_29 : memref<1x16xf32, #tpu.memory_space<vmem>> -> memref<16xf32, #tpu.memory_space<vmem>>
      %dma_wait3A_31 = arith.constant 0 : i32
      %dma_wait3A_32 = tpu.memref_slice %arg8[%add3A, %dma_wait3A_31] : memref<32x16xf32, #tpu.memory_space<hbm>> -> memref<1x16xf32, #tpu.memory_space<hbm>>
      %dma_wait3A_33 = tpu.memref_squeeze %dma_wait3A_32 : memref<1x16xf32, #tpu.memory_space<hbm>> -> memref<16xf32, #tpu.memory_space<hbm>>
      %dma_wait3A_34 = arith.constant 0 : i32
      %dma_wait3A_35 = tpu.memref_slice %arg8[%add3A, %dma_wait3A_34] : memref<32x16xf32, #tpu.memory_space<hbm>> -> memref<1x16xf32, #tpu.memory_space<hbm>>
      %dma_wait3A_36 = tpu.memref_squeeze %dma_wait3A_35 : memref<1x16xf32, #tpu.memory_space<hbm>> -> memref<16xf32, #tpu.memory_space<hbm>>
      %dma_wait3A_37 = arith.constant 0 : i32
      %dma_wait3A_38 = tpu.memref_slice %arg16[%run_scoped3A_16, %dma_wait3A_37] : memref<2x16xf32, #tpu.memory_space<vmem>> -> memref<1x16xf32, #tpu.memory_space<vmem>>
      %dma_wait3A_39 = tpu.memref_squeeze %dma_wait3A_38 : memref<1x16xf32, #tpu.memory_space<vmem>> -> memref<16xf32, #tpu.memory_space<vmem>>
      tpu.wait_dma2 semaphore(%run_scoped3A_17 : memref<!tpu.dma_semaphore, #tpu.memory_space<semaphore_mem>>) src(%dma_wait3A_39 : memref<16xf32, #tpu.memory_space<vmem>>) dst(%dma_wait3A_36 : memref<16xf32, #tpu.memory_space<hbm>>)
      tpu.yield
    }) : () -> ()
    return
  }
}

</mosaic_0001>

<sc_bundles>
// kernel: kernel.3.cloned.1.call-start
scs
__scs_entry_jumppad:
0x0: {  	(pc) =	sbr.rel $0x88, $3  }
0x1: {  	(tag) =	ssettag $0x0;
	lr =	simm.s32 $0x1  }
0x2: {  	[smem:$0x3F9D] =	sst lr;
	_ =	strace $0xD0000000  }
0x3: {  	_ = 	snop  }
0x4: {  	_ = 	snop  }
0x5: {  	_ = 	snop  }
0x6: {  	_ = 	snop  }
0x7: {  	_ = 	snop  }
__scs_overlays_trampoline_lowered:
0x8: {  	[smem:$0x3FAC] =	sst s0  }
0x9: {  	[smem:$0x3FAD] =	sst s1  }
0xa: {  	[smem:$0x3FAE] =	sst s2  }
0xb: {  	[smem:$0x3FAF] =	sst s3  }
0xc: {  	[smem:$0x3FB0] =	sst s4  }
0xd: {  	[smem:$0x3FB1] =	sst s5  }
0xe: {  	[smem:$0x3FB2] =	sst s6  }
0xf: {  	[smem:$0x3FB3] =	sst s7  }
0x10: {  	[smem:$0x3FB4] =	sst s8  }
0x11: {  	[smem:$0x3FB5] =	sst s9;
	s0 =	simm.s32 @!p0 $0x0  }
0x12: {  	s1 =	sld [smem:$0x3F9B];
	s0 =	simm.s32 @p0 $0x1  }
0x13: {  	[smem:$0x3FB6] =	sst s0;
	s0 =	simm.s32 @!p1 $0x0  }
0x14: {  	s2 =	sld [smem:$0x3F9A];
	s0 =	simm.s32 @p1 $0x1  }
0x15: {  	[smem:$0x3FB7] =	sst s0;
	s0 =	simm.s32 @!p2 $0x0  }
0x16: {  	s3 =	sld [smem:$0x3FDB];
	s0 =	simm.s32 @p2 $0x1  }
0x17: {  	s4 =	simm.s32 $0x1BF5;
	[smem:$0x3FB9] =	sst s0  }
0x18: {  	s0 =	sld [smem:$0x3F9C];
	_ =	swait.ge [sflag:s4], $0x0  }
0x19: {  	s7 =	sld [smem:$0x3F9D]  }
0x1a: {  	s8 =	sadd.s32 $0xFFFFE003, lr  }
0x1b: {  	s9 =	sadd.s32 $0xFFFFFEF7, lr;
	s5 =	simm.s32 $0xFFFFFFFF;
	p2 =	slt.u32 s8, $0xFFFFF086  }
0x1c: {  	p1 =	slt.u32 s9, $0xF7A;
	s5 =	simm.s32 @!p2 $0x0  }
0x1d: {  	s5 =	simm.s32 @p1 $0x1;
	p0 =	seq.s32 s7, s2  }
0x1e: {  	s7 =	smul.u32 @!p0 $0xF7A, s2;
	p2 =	seq.s32 @!p0 s5, $0x0  }
0x1f: {  	s9 =	smul.u32 $0xF7A, s1;
	s8 =	simm.s32 @!p0 $0x1BF5;
	p2 =	por !p2, p0  }
0x20: {  	[sflag:s8] =	ssyncset.s32 @!p0 $0xFFFFF086;
	s6 =	sadd.s32 @!p0 s3, s7;
	s7 =	simm.s32 @!p0 $0x108  }
0x21: {  	s3 =	sadd.s32 s3, s9;
	s6 =	sadd.s32 @!p0 $0x88, s6;
	s7 =	simm.s32 @p2 $0x1082  }
0x22: {  	[simem:s7], [sflag:s8] =	dma.local @!p0 [hbm:s6], $0xF7A  }
0x23: {  	s9 =	sor.u32 $0xD0000000, s2;
	s6 =	simm.s32 $0x108;
	_ =	swait.ge @!p0 [sflag:s8], $0x0  }
0x24: {  	s3 =	sadd.s32 $0x88, s3;
	s6 =	simm.s32 @!p1 $0x1082;
	[sflag:s4] =	ssyncset.s32 $0xFFFFF086  }
0x25: {  	[simem:s6], [sflag:s4] =	dma.local [hbm:s3], $0xF7A  }
0x26: {  	[smem:$0x3F9D] =	sst s1;
	(tag) =	ssettag s2;
	_ =	strace s9  }
0x27: {  	s1 =	sld [smem:$0x3FAD]  }
0x28: {  	s2 =	sld [smem:$0x3FAE]  }
0x29: {  	s4 =	sld [smem:$0x3FB0]  }
0x2a: {  	p0 =	seq.s32 s5, $0x0;
	s5 =	sld [smem:$0x3FB1]  }
0x2b: {  	s6 =	sld [smem:$0x3FB2]  }
0x2c: {  	s7 =	sld [smem:$0x3FB3]  }
0x2d: {  	s3 =	simm.s32 $0x108;
	s8 =	sld [smem:$0x3FB4]  }
0x2e: {  	s3 =	simm.s32 @!p0 $0x1082;
	s9 =	sld [smem:$0x3FB5]  }
0x2f: {  	lr =	sadd.s32 s0, s3;
	s0 =	sld [smem:$0x3FAC]  }
0x30: {  	s3 =	sld [smem:$0x3FAF]  }
0x31: {  	[smem:$0x3FB8] =	sst s10  }
0x32: {  	s10 =	sld [smem:$0x3FB6];
	_ =	sdelay $0x3  }
0x33: {  	p0 =	seq.s32 s10, $0x1;
	s10 =	sld [smem:$0x3FB8];
	_ =	sdelay $0x3  }
0x34: {  	[smem:$0x3FB8] =	sst s10  }
0x35: {  	s10 =	sld [smem:$0x3FB7];
	_ =	sdelay $0x3  }
0x36: {  	p1 =	seq.s32 s10, $0x1;
	s10 =	sld [smem:$0x3FB8];
	_ =	sdelay $0x3  }
0x37: {  	[smem:$0x3FB8] =	sst s10  }
0x38: {  	s10 =	sld [smem:$0x3FB9]  }
0x39: {  	_ = 	snop;
	(pc) =	sbr.ind lr, $3  }
0x3a: {  	_ = 	snop  }
0x3b: {  	_ = 	snop  }
0x3c: {  	p2 =	seq.s32 s10, $0x1;
	s10 =	sld [smem:$0x3FB8]  }
0x3d: {  	_ =	shalt  }
0x3e: {  	_ =	shalt  }
0x3f: {  	_ =	shalt  }
0x40: {  	_ =	shalt  }
0x41: {  	_ =	shalt  }
0x42: {  	_ =	shalt  }
0x43: {  	_ =	shalt  }
0x44: {  	_ =	shalt  }
0x45: {  	_ =	shalt  }
0x46: {  	_ =	shalt  }
0x47: {  	_ =	shalt  }
0x48: {  	_ =	shalt  }
0x49: {  	_ =	shalt  }
0x4a: {  	_ =	shalt  }
0x4b: {  	_ =	shalt  }
0x4c: {  	_ =	shalt  }
0x4d: {  	_ =	shalt  }
0x4e: {  	_ =	shalt  }
0x4f: {  	_ =	shalt  }
0x50: {  	_ =	shalt  }
0x51: {  	_ =	shalt  }
0x52: {  	_ =	shalt  }
0x53: {  	_ =	shalt  }
0x54: {  	_ =	shalt  }
0x55: {  	_ =	shalt  }
0x56: {  	_ =	shalt  }
0x57: {  	_ =	shalt  }
0x58: {  	_ =	shalt  }
0x59: {  	_ =	shalt  }
0x5a: {  	_ =	shalt  }
0x5b: {  	_ =	shalt  }
0x5c: {  	_ =	shalt  }
0x5d: {  	_ =	shalt  }
0x5e: {  	_ =	shalt  }
0x5f: {  	_ =	shalt  }
0x60: {  	_ =	shalt  }
0x61: {  	_ =	shalt  }
0x62: {  	_ =	shalt  }
0x63: {  	_ =	shalt  }
0x64: {  	_ =	shalt  }
0x65: {  	_ =	shalt  }
0x66: {  	_ =	shalt  }
0x67: {  	_ =	shalt  }
0x68: {  	_ =	shalt  }
0x69: {  	_ =	shalt  }
0x6a: {  	_ =	shalt  }
0x6b: {  	_ =	shalt  }
0x6c: {  	_ =	shalt  }
0x6d: {  	_ =	shalt  }
0x6e: {  	_ =	shalt  }
0x6f: {  	_ =	shalt  }
0x70: {  	_ =	shalt  }
0x71: {  	_ =	shalt  }
0x72: {  	_ =	shalt  }
0x73: {  	_ =	shalt  }
0x74: {  	_ =	shalt  }
0x75: {  	_ =	shalt  }
0x76: {  	_ =	shalt  }
0x77: {  	_ =	shalt  }
0x78: {  	_ =	shalt  }
0x79: {  	_ =	shalt  }
0x7a: {  	_ =	shalt  }
0x7b: {  	_ =	shalt  }
0x7c: {  	_ =	shalt  }
0x7d: {  	_ =	shalt  }
0x7e: {  	_ =	shalt  }
0x7f: {  	_ =	shalt  }
0x80: {  	_ =	shalt  }
0x81: {  	_ =	shalt  }
0x82: {  	_ =	shalt  }
0x83: {  	_ =	shalt  }
0x84: {  	_ =	shalt  }
0x85: {  	_ =	shalt  }
0x86: {  	_ =	shalt  }
0x87: {  	_ =	shalt  }
.Lfunc_end0:
.L_simem_size_0:
called_computation_lowered:
.L_overlay_start_0:
0x88: {  	s2 =	sld [smem:$0x3FD9]  }
0x89: {  	s3 =	sld [smem:$0x3FFE];
	_ =	sdelay $0x1  }
0x8a: {  	s1 =	srdreg.scid  }
0x8b: {  	s0 =	sand.u32 $0x1, s1  }
0x8c: {  	s17 =	sshll.u32 s0, $0xA;
	s2 =	sadd.s32 s3, s2  }
0x8d: {  	s2 =	sadd.s32 s2, s17  }
0x8e: {  	[smem:$0x3FC4] =	sst s2  }
0x8f: {  	_ = 	snop  }
0x90: {  	s2 =	sld [smem:$0x3FD0];
	(tm) =	ssettm $0x1  }
0x91: {  	s18 =	sld [smem:$0x3FFB];
	_ =	sdelay $0x3  }
0x92: {  	_ =	strace s18  }
0x93: {  	s3 =	sld [smem:$0x3FFC];
	_ =	sdelay $0x3  }
0x94: {  	_ =	strace s3  }
0x95: {  	s3 =	sld [smem:$0x3FFD];
	_ =	sdelay $0x3  }
0x96: {  	_ =	strace s3  }
0x97: {  	_ =	strace $0x8FFFFFFF  }
0x98: {  	s19 =	sld [smem:$0x3FDB];
	_ =	sdelay $0x1  }
0x99: {  	s4 =	simm.s32 $_scs_section_size  }
0x9a: {  	s5 =	simm.s32 $_size__tile_overlayer_lowered;
	s6 =	simm.s32 $_tile_overlayer_lowered  }
0x9b: {  	s22 =	simm.s32 $0x1BFF;
	s21 =	sshll.u32 s6, $0x1;
	s3 =	sadd.s32 s4, s19  }
0x9c: {  	s7 =	simm.s32 $0x0;
	s20 =	sshll.u32 s5, $0x1;
	s5 =	sadd.s32 s21, s3  }
0x9d: {  	[timem:s7], [sflag:s22] =	dma.local [hbm:s5], s20  }
0x9e: {  	_ =	swait.ge [sflag:s22], s20  }
0x9f: {  	s4 =	ssub.s32 $0x0, s20;
	[sflag:s22] =	ssyncset.done $0x0  }
0xa0: {  	[sflag:s22] =	ssyncadd.s32 s4;
	_ =	sdelay $0x1  }
0xa1: {  	s23 =	simm.s32 $0x1B8B  }
0xa2: {  	_ =	swait.ge [sflag:s23], $0x1  }
0xa3: {  	[sflag:s23] =	ssyncset.done $0x0  }
0xa4: {  	s25 =	simm.s32 $0x1B8E;
	s24 =	sld [smem:$0x3FFE];
	[sflag:s23] =	ssyncadd.s32 $0xFFFFFFFF  }
0xa5: {  	s26 =	simm.s32 $execute0_lowered;
	[smem:$0x3FD2] =	sst s25  }
0xa6: {  	s5 =	sshll.u32 s26, $0x1;
	_ =	strace $0x80000046;
	[dreg:$0x1] =	wrdreg $0xFFFFFFFF  }
0xa7: {  	s28 =	simm.s32 $_size_execute0_lowered;
	s3 =	sadd.s32 s3, s5;
	[dreg:$0x0] =	wrdreg $0x0  }
0xa8: {  	s5 =	sshll.u32 s28, $0x1;
	[dreg:$0x2] =	wrdreg s3  }
0xa9: {  	[dreg:$0x3] =	wrdreg s5  }
0xaa: {  	[dreg:$0x4] =	wrdreg $0xC0  }
0xab: {  	_ =	task [dreg:s7], $0x5FFFF  }
0xac: {  	[dreg:$0x1] =	wrdreg $0xFFFFFFFF  }
0xad: {  	[dreg:$0x0] =	wrdreg $0x60  }
0xae: {  	[dreg:$0x2] =	wrdreg s2  }
0xaf: {  	[dreg:$0x3] =	wrdreg s24  }
0xb0: {  	[dreg:$0x4] =	wrdreg $0x9  }
0xb1: {  	_ =	task.clear_ibuf [dreg:s7], $0x5FFFF;
	_ =	strace $0x90000046  }
0xb2: {  	s29 =	simm.s32 $0x9;
	_ =	strace $0x80000048  }
0xb3: {  	_ =	swait.ge [sflag:s29], $0x1  }
0xb4: {  	[sflag:s29] =	ssyncadd.s32 $0xFFFFFFFF  }
0xb5: {  	_ =	strace $0x90000048  }
0xb6: {  	_ =	sfence  }
0xb7: {  	s30 =	sld [smem:$0x0];
	_ =	sdelay $0x2  }
0xb8: {  	s31 =	sshll.u32 s1, $0xD;
	s1 =	sshrl.u32 s1, $0x2  }
0xb9: {  	s3 =	sand.u32 $0x4000, s31;
	s1 =	sadd.s32 s1, s30  }
0xba: {  	s0 =	sor.u32 s3, s0;
	s1 =	sshll.u32 s1, $0x11  }
0xbb: {  	s0 =	sor.u32 s1, s0  }
0xbc: {  	s0 =	sadd.s32 $0x8F2B, s0  }
0xbd: {  	[sflag:s0] =	ssyncadd.remote.s32 $0x1  }
0xbe: {  	_ =	sfence.sel $0xFFFF  }
0xbf: {  	[dreg:$0x0] =	wrdreg $0xFFFFFFFF;
	(pc) =	sbr.abs _section_cstart, $3  }
0xc0: {  	[dreg:$0x1] =	wrdreg $0xFFFFFFFF  }
0xc1: {  	_ =	task.clear_ibuf [dreg:s7], $0x2FFFF;
	_ =	strace $0x9FFFFFFF  }
0xc2: {  	(tm) =	ssettm $0x7FFFFFFF  }
0xc3: {  	_ =	shalt  }
tec
execute0_lowered:
.L_overlay_start_1:
0x0: {  	(tag) =	ssettag $0x1  }
0x1: {  	s5 =	rddreg [dreg:$0x0]  }
0x2: {  	s6 =	rddreg [dreg:$0x1]  }
0x3: {  	s0 =	rddreg [dreg:$0x2];
	s1 =	simm.s32 $0x0  }
0x4: {  	s2 =	simm.s32 $0x800;
	[smem:$0x7FF] =	sst s1  }
0x5: {  	s21 =	simm.s32 $0x4800;
	_ =	strace $0x80000047;
	[dreg:$0x3] =	wrdreg s2  }
0x6: {  	s22 =	simm.s32 $0xC00;
	[dreg:$0x4] =	wrdreg s21  }
0x7: {  	s23 =	simm.s32 $0x4C00;
	[dreg:$0x5] =	wrdreg s22  }
0x8: {  	s24 =	simm.s32 $0x1000;
	[dreg:$0x6] =	wrdreg s23  }
0x9: {  	s25 =	simm.s32 $0x5000;
	[dreg:$0x7] =	wrdreg s24  }
0xa: {  	s26 =	simm.s32 $0x1400;
	[dreg:$0x8] =	wrdreg s25  }
0xb: {  	s28 =	simm.s32 $0x5400;
	[dreg:$0x9] =	wrdreg s26  }
0xc: {  	s29 =	simm.s32 $0x1800;
	[dreg:$0xa] =	wrdreg s28  }
0xd: {  	s30 =	simm.s32 $0x5800;
	[dreg:$0xb] =	wrdreg s29  }
0xe: {  	s31 =	simm.s32 $0x1C00;
	[dreg:$0xc] =	wrdreg s30  }
0xf: {  	s3 =	simm.s32 $0x5C00;
	[dreg:$0xd] =	wrdreg s31  }
0x10: {  	s4 =	simm.s32 $0x2000;
	[dreg:$0xe] =	wrdreg s3  }
0x11: {  	s7 =	simm.s32 $0x6000;
	[dreg:$0xf] =	wrdreg s4  }
0x12: {  	s8 =	simm.s32 $0x2400;
	[dreg:$0x10] =	wrdreg s7  }
0x13: {  	s9 =	simm.s32 $0x6400;
	[dreg:$0x11] =	wrdreg s8  }
0x14: {  	s10 =	simm.s32 $0x2800;
	[dreg:$0x12] =	wrdreg s9  }
0x15: {  	s11 =	simm.s32 $0x6800;
	[dreg:$0x13] =	wrdreg s10  }
0x16: {  	s12 =	simm.s32 $0x2C00;
	[dreg:$0x14] =	wrdreg s11  }
0x17: {  	s13 =	simm.s32 $0x6C00;
	[dreg:$0x15] =	wrdreg s12  }
0x18: {  	s14 =	simm.s32 $0x3000;
	[dreg:$0x16] =	wrdreg s13  }
0x19: {  	s15 =	simm.s32 $0x7000;
	[dreg:$0x17] =	wrdreg s14  }
0x1a: {  	s16 =	simm.s32 $0x3400;
	[dreg:$0x18] =	wrdreg s15  }
0x1b: {  	s17 =	simm.s32 $0x7400;
	[dreg:$0x19] =	wrdreg s16  }
0x1c: {  	s18 =	simm.s32 $0x3800;
	[dreg:$0x1a] =	wrdreg s17  }
0x1d: {  	s19 =	simm.s32 $0x7800;
	v0 =	vlaneseq.u32;
	[dreg:$0x1b] =	wrdreg s18  }
0x1e: {  	s20 =	simm.s32 $0x4000;
	v2 =	vmul.u32 $0x400, v0;
	[dreg:$0x1c] =	wrdreg s19  }
0x1f: {  	s3 =	simm.s32 $0x3C00;
	[dreg:$0x1f] =	wrdreg s20  }
0x20: {  	s4 =	simm.s32 $0x7C00;
	[dreg:$0x1d] =	wrdreg s3;
	v0 =	vor.u32 $0x7, v2  }
0x21: {  	s8 =	simm.s32 $0x8000;
	[dreg:$0x1e] =	wrdreg s4;
	v1 =	vor.u32 $0x10, v2;
	[tilespmem:$0x1FD80] =	vst v0  }
0x22: {  	s21 =	simm.s32 $0x8800;
	[smem:$0x7DF] =	sst s8;
	v39 =	vor.u32 $0x16, v2;
	[tilespmem:$0x1FD90] =	vst v1  }
0x23: {  	s22 =	simm.s32 $0xC800;
	[smem:$0x7E0] =	sst s21;
	v40 =	vor.u32 $0x1B, v2;
	[tilespmem:$0x1FEA0] =	vst v39  }
0x24: {  	s24 =	simm.s32 $0x8C00;
	[smem:$0x7E1] =	sst s22;
	v38 =	vor.u32 $0x15, v2;
	[tilespmem:$0x1FEB0] =	vst v40  }
0x25: {  	s25 =	simm.s32 $0xCC00;
	[smem:$0x7E2] =	sst s24;
	v42 =	vor.u32 $0x19, v2;
	[tilespmem:$0x1FEC0] =	vst v38  }
0x26: {  	s11 =	simm.s32 $0x9000;
	[smem:$0x7E3] =	sst s25;
	v22 =	vor.u32 $0x5, v2;
	[tilespmem:$0x1FED0] =	vst v42  }
0x27: {  	s26 =	simm.s32 $0xD000;
	[smem:$0x7E4] =	sst s11;
	v41 =	vor.u32 $0x1F, v2;
	[tilespmem:$0x1FEE0] =	vst v22  }
0x28: {  	s29 =	simm.s32 $0x9400;
	[smem:$0x7E5] =	sst s26;
	v48 =	vor.u32 $0x17, v2;
	[tilespmem:$0x1FEF0] =	vst v41  }
0x29: {  	s30 =	simm.s32 $0xD400;
	[smem:$0x7E6] =	sst s29;
	v47 =	vor.u32 $0x1C, v2;
	[tilespmem:$0x1FF00] =	vst v48  }
0x2a: {  	s31 =	simm.s32 $0x9800;
	[smem:$0x7E7] =	sst s30;
	v20 =	vor.u32 $0x3, v2;
	[tilespmem:$0x1FF10] =	vst v47  }
0x2b: {  	s13 =	simm.s32 $0xD800;
	[smem:$0x7E8] =	sst s31;
	v18 =	vor.u32 $0x2, v2;
	[tilespmem:$0x1FF20] =	vst v20  }
0x2c: {  	s14 =	simm.s32 $0x9C00;
	[smem:$0x7E9] =	sst s13;
	v21 =	vor.u32 $0x18, v2;
	[tilespmem:$0x1FF30] =	vst v18  }
0x2d: {  	s16 =	simm.s32 $0xA000;
	[smem:$0x7EA] =	sst s14;
	v61 =	vor.u32 $0x4, v2;
	[tilespmem:$0x1FF40] =	vst v21  }
0x2e: {  	s17 =	simm.s32 $0xE000;
	v19 =	vor.u32 $0x1, v2;
	[smem:$0x7EC] =	sst s16;
	[tilespmem:$0x1FF50] =	vst v61  }
0x2f: {  	s19 =	simm.s32 $0xA400;
	[smem:$0x7ED] =	sst s17;
	v54 =	vor.u32 $0x21, v2;
	[tilespmem:$0x1FF60] =	vst v19  }
0x30: {  	s20 =	simm.s32 $0xE400;
	[smem:$0x7EE] =	sst s19;
	v29 =	vor.u32 $0xC, v2;
	[tilespmem:$0x1FF70] =	vst v54  }
0x31: {  	s2 =	sadd.s32 $0x800, s6;
	s13 =	simm.s32 $0xDC00;
	[smem:$0x7EF] =	sst s20;
	v36 =	vor.u32 $0x24, v2;
	[tilespmem:$0x1FF80] =	vst v29  }
0x32: {  	s7 =	srdreg.scid;
	s21 =	simm.s32 $0xA800;
	v37 =	vor.u32 $0x1A, v2;
	[smem:$0x7EB] =	sst s13;
	[tilespmem:$0x1FF90] =	vst v36  }
0x33: {  	s3 =	sadd.s32 $0xF42C00, s6;
	v23 =	vor.u32 $0x6, v2;
	s22 =	simm.s32 $0xE800;
	[smem:$0x7F0] =	sst s21;
	[tilespmem:$0x1FFA0] =	vst v37  }
0x34: {  	s4 =	stileid.u32;
	s24 =	simm.s32 $0xEC00;
	v53 =	vor.u32 $0x2C, v2;
	[smem:$0x7F1] =	sst s22;
	[tilespmem:$0x1FFB0] =	vst v23  }
0x35: {  	s10 =	sand.u32 $0x1, s7;
	s25 =	simm.s32 $0xB000;
	v56 =	vor.u32 $0x2D, v2;
	[smem:$0x7F3] =	sst s24;
	[tilespmem:$0x1FFC0] =	vst v53  }
0x36: {  	s26 =	simm.s32 $0xF000;
	s29 =	simm.s32 $0xF400;
	v57 =	vor.u32 $0x2E, v2;
	[smem:$0x7F4] =	sst s25;
	[tilespmem:$0x1FFD0] =	vst v56  }
0x37: {  	s30 =	simm.s32 $0xB800;
	s31 =	simm.s32 $0xF800;
	v62 =	vor.u32 $0x27, v2;
	[smem:$0x7F5] =	sst s26;
	[tilespmem:$0x1FFE0] =	vst v57  }
0x38: {  	s14 =	simm.s32 $0xBC00;
	s16 =	simm.s32 $0xC000;
	[smem:$0x7F7] =	sst s29;
	v1 =	vor.u32 $0x2F, v2;
	[tilespmem:$0x1FFF0] =	vst v62  }
0x39: {  	s17 =	simm.s32 $0xC400;
	s19 =	simm.s32 $0x2;
	[smem:$0x7F8] =	sst s30;
	[tilespmem:$0x1FDA0] =	vst v1;
	v1 =	vor.u32 $0x30, v2  }
0x3a: {  	s20 =	simm.s32 $0x10400;
	s23 =	sshll.u32 s4, $0x1;
	[smem:$0x7F9] =	sst s31;
	[tilespmem:$0x1FDB0] =	vst v1;
	v1 =	vor.u32 $0x31, v2  }
0x3b: {  	s28 =	sshrl.u32 s4, $0x2;
	s13 =	simm.s32 $0x3;
	[smem:$0x7FA] =	sst s14;
	[tilespmem:$0x1FDC0] =	vst v1;
	v1 =	vor.u32 $0x32, v2  }
0x3c: {  	s14 =	simm.s32 $0x200;
	[smem:$0x7FC] =	sst s16;
	s16 =	simm.s32 $0x8400;
	[tilespmem:$0x1FDD0] =	vst v1;
	v1 =	vor.u32 $0x33, v2  }
0x3d: {  	v26 =	vor.u32 $0x9, v2;
	s21 =	simm.s32 $0x10600;
	s22 =	simm.s32 $0x10680;
	s8 =	sor.u32 s10, s23;
	[tilespmem:$0x1FDE0] =	vst v1;
	v1 =	vor.u32 $0x34, v2  }
0x3e: {  	v27 =	vor.u32 $0xA, v2;
	v28 =	vor.u32 $0xB, v2;
	s12 =	sshll.u32 s28, $0xA;
	s10 =	ssub.s32 $0x2, s10;
	s11 =	sshll.u32 s28, $0xC;
	[tilespmem:$0x1FDF0] =	vst v1;
	v1 =	vor.u32 $0x35, v2  }
0x3f: {  	v30 =	vor.u32 $0xD, v2;
	v31 =	vor.u32 $0xE, v2;
	s23 =	simm.s32 $0xAC00;
	s28 =	simm.s32 $0xB400;
	s9 =	sshll.u32 s8, $0x6;
	[tilespmem:$0x1FE00] =	vst v1;
	v1 =	vor.u32 $0x36, v2  }
0x40: {  	v32 =	vor.u32 $0xF, v2;
	v34 =	vor.u32 $0x11, v2;
	s8 =	sshll.u32 s8, $0x7;
	s18 =	sshrl.u32 s10, $0x1;
	[smem:$0x7F2] =	sst s23;
	[tilespmem:$0x1FE10] =	vst v1;
	v1 =	vor.u32 $0x37, v2  }
0x41: {  	v35 =	vor.u32 $0x12, v2;
	v49 =	vor.u32 $0x13, v2;
	[smem:$0x7F6] =	sst s28;
	s23 =	simm.s32 $0x0;
	s7 =	sadd.s32 s9, s6;
	[tilespmem:$0x1FE20] =	vst v1;
	v1 =	vor.u32 $0x38, v2  }
0x42: {  	v59 =	vor.u32 $0x14, v2;
	v33 =	vor.u32 $0x1D, v2;
	s8 =	sand.u32 $0x380, s8;
	s10 =	ssub.s32 s10, s18;
	s18 =	simm.s32 $0x10000;
	[tilespmem:$0x1FE30] =	vst v1;
	v1 =	vor.u32 $0x39, v2  }
0x43: {  	v45 =	vor.u32 $0x1E, v2;
	v46 =	vor.u32 $0x20, v2;
	s12 =	sor.u32 s12, s8;
	s8 =	sor.u32 s11, s8;
	s7 =	sadd.s32 $0x1E85400, s7;
	[tilespmem:$0x1FE40] =	vst v1;
	v1 =	vor.u32 $0x3A, v2  }
0x44: {  	v50 =	vor.u32 $0x22, v2;
	v51 =	vor.u32 $0x23, v2;
	s10 =	smax.u32 s10, $0x1;
	s11 =	simm.s32 $0x80;
	[smem:$0x7FD] =	sst s18;
	[tilespmem:$0x1FE50] =	vst v1;
	v1 =	vor.u32 $0x3B, v2  }
0x45: {  	v52 =	vor.u32 $0x25, v2;
	v24 =	vor.u32 $0x26, v2;
	s18 =	simm.s32 $0x1;
	s12 =	sshrl.u32 s12, $0x3;
	s8 =	sshrl.u32 s8, $0x3;
	[tilespmem:$0x1FE60] =	vst v1;
	v1 =	vor.u32 $0x3C, v2  }
0x46: {  	v55 =	vor.u32 $0x28, v2;
	v44 =	vor.u32 $0x2A, v2;
	s15 =	sadd.s32 s12, s6;
	s5 =	sadd.s32 s5, s8;
	s6 =	sadd.s32 s6, s8;
	[tilespmem:$0x1FE70] =	vst v1;
	v1 =	vor.u32 $0x3D, v2  }
0x47: {  	s8 =	sadd.s32 $0x1E85200, s15;
	s9 =	sadd.s32 $0x1E85000, s15;
	s15 =	simm.s32 $0xFC00;
	[tilespmem:$0x1FE80] =	vst v1;
	v1 =	vor.u32 $0x3E, v2  }
0x48: {  	v25 =	vor.u32 $0x8, v2;
	v60 =	vor.u32 $0x2B, v2;
	v43 =	vmovc v2;
	v0 =	vor.u32 $0x29, v2;
	s12 =	simm.s32 $0x400;
	[smem:$0x7FB] =	sst s15;
	s15 =	simm.s32 $0x4400;
	[tilespmem:$0x1FE90] =	vst v1  }
.LBB2_1:
0x49: {  	[tilespmem:s1], [sflag:$0x3] =	stream.strided.gather [hbm4b:s5+s11], $0x200, s12, s11, $0x38;
	[tilespmem:$0x10700] =	vst v63  }
0x4a: {  	_ =	swait.ge [sflag:s13], $0x200  }
0x4b: {  	[sflag:s13] =	ssyncset.done $0x0  }
0x4c: {  	[sflag:s13] =	ssyncadd.s32 $0xFFFFFE00  }
0x4d: {  	[tilespmem:s14], [sflag:$0x3] =	stream.strided.gather [hbm4b:s6+s11], $0x200, s12, s11, $0x38;
	[tilespmem:$0x10700] =	vst v63  }
0x4e: {  	_ =	swait.ge [sflag:s13], $0x200  }
0x4f: {  	[sflag:s13] =	ssyncset.done $0x0  }
0x50: {  	v63 =	vimm.f32 $0.0e+00;
	s24 =	simm.s32 $0x0;
	v3 =	vimm.f32 $0.0e+00;
	[sflag:s13] =	ssyncadd.s32 $0xFFFFFE00  }
.LBB2_2:
0x51: {  	s25 =	sshra.s32 s24, $0x2  }
0x52: {  	v1 =	vld [tilespmem:s25+$0x0];
	_ =	sdelay $0x2  }
0x53: {  	v4 =	vld [tilespmem:s25+$0x200];
	_ =	sdelay $0x1  }
0x54: {  	v1 =	vshrl.u32 v1, $0x3  }
0x55: {  	v2 =	vshll.u32 v1, $0x7  }
0x56: {  	(v2sf) =	vpush v2, $0x0  }
0x57: {  	v1 =	vshrl.u32 v4, $0x3  }
0x58: {  	v1 =	vshll.u32 v1, $0x7  }
0x59: {  	(v2sf) =	vpush v1, $0x0;
	_ =	sdelay $0x2  }
0x5a: {  	(v2sf) =	vpush v2, $0x1;
	_ =	sdelay $0x6  }
0x5b: {  	(v2sf) =	vpush v1, $0x1;
	_ =	sdelay $0x1  }
0x5c: {  	s26 =	spop (v2sf);
	(v2sf) =	vpush v2, $0x2;
	_ =	sdelay $0x2  }
0x5d: {  	s30 =	spop (v2sf);
	(v2sf) =	vpush v1, $0x2;
	_ =	sdelay $0x2  }
0x5e: {  	s26 =	sand.u32 $0x1FFFFF80, s26;
	s31 =	spop (v2sf);
	(v2sf) =	vpush v2, $0x3  }
0x5f: {  	s26 =	sadd.s32 s2, s26  }
0x60: {  	[tilespmem:s12], [sflag:$0x1] =	stream.linear.gather [hbm4b:s26+s1], $0x400, $0x38;
	[tilespmem:$0x10700] =	vst v63  }
0x61: {  	s26 =	sand.u32 $0x1FFFFF80, s30  }
0x62: {  	s26 =	sadd.s32 s3, s26  }
0x63: {  	[tilespmem:s15], [sflag:$0x1] =	stream.linear.gather [hbm4b:s26+s1], $0x400, $0x38;
	[tilespmem:$0x10700] =	vst v63  }
0x64: {  	s26 =	sand.u32 $0x1FFFFF80, s31  }
0x65: {  	s28 =	rddreg [dreg:$0x3];
	s29 =	spop (v2sf);
	s26 =	sadd.s32 s2, s26  }
0x66: {  	[tilespmem:s28], [sflag:$0x1] =	stream.linear.gather [hbm4b:s26+s1], $0x400, $0x38;
	[tilespmem:$0x10700] =	vst v63  }
0x67: {  	s26 =	sand.u32 $0x1FFFFF80, s29;
	s31 =	spop (v2sf);
	(v2sf) =	vpush v1, $0x3  }
0x68: {  	s30 =	rddreg [dreg:$0x4];
	s26 =	sadd.s32 s3, s26  }
0x69: {  	[tilespmem:s30], [sflag:$0x1] =	stream.linear.gather [hbm4b:s26+s1], $0x400, $0x38;
	[tilespmem:$0x10700] =	vst v63  }
0x6a: {  	s26 =	sand.u32 $0x1FFFFF80, s31;
	s30 =	spop (v2sf);
	(v2sf) =	vpush v2, $0x4  }
0x6b: {  	s29 =	rddreg [dreg:$0x5];
	s26 =	sadd.s32 s2, s26  }
0x6c: {  	[tilespmem:s29], [sflag:$0x1] =	stream.linear.gather [hbm4b:s26+s1], $0x400, $0x38;
	[tilespmem:$0x10700] =	vst v63  }
0x6d: {  	s29 =	spop (v2sf);
	(v2sf) =	vpush v1, $0x4;
	_ =	sdelay $0x4  }
0x6e: {  	(v2sf) =	vpush v2, $0x5  }
0x6f: {  	s26 =	sand.u32 $0x1FFFFF80, s30  }
0x70: {  	s31 =	rddreg [dreg:$0x6];
	s26 =	sadd.s32 s3, s26  }
0x71: {  	[tilespmem:s31], [sflag:$0x1] =	stream.linear.gather [hbm4b:s26+s1], $0x400, $0x38;
	[tilespmem:$0x10700] =	vst v63  }
0x72: {  	s26 =	sand.u32 $0x1FFFFF80, s29;
	s31 =	spop (v2sf);
	(v2sf) =	vpush v1, $0x5  }
0x73: {  	s30 =	rddreg [dreg:$0x7];
	s26 =	sadd.s32 s2, s26  }
0x74: {  	[tilespmem:s30], [sflag:$0x1] =	stream.linear.gather [hbm4b:s26+s1], $0x400, $0x38;
	[tilespmem:$0x10700] =	vst v63  }
0x75: {  	s26 =	sand.u32 $0x1FFFFF80, s31;
	s30 =	spop (v2sf);
	(v2sf) =	vpush v2, $0x6  }
0x76: {  	s29 =	rddreg [dreg:$0x8];
	s26 =	sadd.s32 s3, s26  }
0x77: {  	[tilespmem:s29], [sflag:$0x1] =	stream.linear.gather [hbm4b:s26+s1], $0x400, $0x38;
	[tilespmem:$0x10700] =	vst v63  }
0x78: {  	s29 =	spop (v2sf);
	(v2sf) =	vpush v1, $0x6;
	_ =	sdelay $0x1  }
0x79: {  	s26 =	sand.u32 $0x1FFFFF80, s30  }
0x7a: {  	s31 =	rddreg [dreg:$0x9];
	s26 =	sadd.s32 s2, s26  }
0x7b: {  	[tilespmem:s31], [sflag:$0x1] =	stream.linear.gather [hbm4b:s26+s1], $0x400, $0x38;
	[tilespmem:$0x10700] =	vst v63  }
0x7c: {  	s31 =	spop (v2sf);
	(v2sf) =	vpush v2, $0x7  }
0x7d: {  	s26 =	sand.u32 $0x1FFFFF80, s29  }
0x7e: {  	s30 =	rddreg [dreg:$0xa];
	s26 =	sadd.s32 s3, s26  }
0x7f: {  	[tilespmem:s30], [sflag:$0x1] =	stream.linear.gather [hbm4b:s26+s1], $0x400, $0x38;
	[tilespmem:$0x10700] =	vst v63  }
0x80: {  	s26 =	sand.u32 $0x1FFFFF80, s31;
	s30 =	spop (v2sf);
	(v2sf) =	vpush v1, $0x7  }
0x81: {  	s29 =	rddreg [dreg:$0xb];
	s26 =	sadd.s32 s2, s26  }
0x82: {  	[tilespmem:s29], [sflag:$0x1] =	stream.linear.gather [hbm4b:s26+s1], $0x400, $0x38;
	[tilespmem:$0x10700] =	vst v63  }
0x83: {  	s26 =	sand.u32 $0x1FFFFF80, s30;
	s29 =	spop (v2sf);
	(v2sf) =	vpush v2, $0x8  }
0x84: {  	s31 =	rddreg [dreg:$0xc];
	s26 =	sadd.s32 s3, s26  }
0x85: {  	[tilespmem:s31], [sflag:$0x1] =	stream.linear.gather [hbm4b:s26+s1], $0x400, $0x38;
	[tilespmem:$0x10700] =	vst v63  }
0x86: {  	s31 =	spop (v2sf);
	(v2sf) =	vpush v1, $0x8;
	_ =	sdelay $0x1  }
0x87: {  	s26 =	sand.u32 $0x1FFFFF80, s29  }
0x88: {  	s30 =	rddreg [dreg:$0xd];
	s26 =	sadd.s32 s2, s26  }
0x89: {  	[tilespmem:s30], [sflag:$0x1] =	stream.linear.gather [hbm4b:s26+s1], $0x400, $0x38;
	[tilespmem:$0x10700] =	vst v63  }
0x8a: {  	s30 =	spop (v2sf);
	(v2sf) =	vpush v2, $0x9  }
0x8b: {  	s26 =	sand.u32 $0x1FFFFF80, s31  }
0x8c: {  	s29 =	rddreg [dreg:$0xe];
	s26 =	sadd.s32 s3, s26  }
0x8d: {  	[tilespmem:s29], [sflag:$0x1] =	stream.linear.gather [hbm4b:s26+s1], $0x400, $0x38;
	[tilespmem:$0x10700] =	vst v63  }
0x8e: {  	s26 =	sand.u32 $0x1FFFFF80, s30;
	s29 =	spop (v2sf);
	(v2sf) =	vpush v1, $0x9  }
0x8f: {  	s31 =	rddreg [dreg:$0xf];
	s26 =	sadd.s32 s2, s26  }
0x90: {  	[tilespmem:s31], [sflag:$0x1] =	stream.linear.gather [hbm4b:s26+s1], $0x400, $0x38;
	[tilespmem:$0x10700] =	vst v63  }
0x91: {  	s26 =	sand.u32 $0x1FFFFF80, s29;
	s31 =	spop (v2sf);
	(v2sf) =	vpush v2, $0xA  }
0x92: {  	s30 =	rddreg [dreg:$0x10];
	s26 =	sadd.s32 s3, s26  }
0x93: {  	[tilespmem:s30], [sflag:$0x1] =	stream.linear.gather [hbm4b:s26+s1], $0x400, $0x38;
	[tilespmem:$0x10700] =	vst v63  }
0x94: {  	s30 =	spop (v2sf);
	(v2sf) =	vpush v1, $0xA;
	_ =	sdelay $0x1  }
0x95: {  	s26 =	sand.u32 $0x1FFFFF80, s31  }
0x96: {  	s29 =	rddreg [dreg:$0x11];
	s26 =	sadd.s32 s2, s26  }
0x97: {  	[tilespmem:s29], [sflag:$0x1] =	stream.linear.gather [hbm4b:s26+s1], $0x400, $0x38;
	[tilespmem:$0x10700] =	vst v63  }
0x98: {  	s26 =	sand.u32 $0x1FFFFF80, s30;
	s29 =	spop (v2sf);
	(v2sf) =	vpush v2, $0xB  }
0x99: {  	s31 =	rddreg [dreg:$0x12];
	s26 =	sadd.s32 s3, s26  }
0x9a: {  	[tilespmem:s31], [sflag:$0x1] =	stream.linear.gather [hbm4b:s26+s1], $0x400, $0x38;
	[tilespmem:$0x10700] =	vst v63  }
0x9b: {  	s26 =	sand.u32 $0x1FFFFF80, s29  }
0x9c: {  	s30 =	rddreg [dreg:$0x13];
	s26 =	sadd.s32 s2, s26;
	s31 =	spop (v2sf);
	(v2sf) =	vpush v1, $0xB  }
0x9d: {  	[tilespmem:s30], [sflag:$0x1] =	stream.linear.gather [hbm4b:s26+s1], $0x400, $0x38;
	[tilespmem:$0x10700] =	vst v63  }
0x9e: {  	s26 =	sand.u32 $0x1FFFFF80, s31  }
0x9f: {  	s29 =	rddreg [dreg:$0x14];
	s30 =	spop (v2sf);
	(v2sf) =	vpush v2, $0xC;
	s26 =	sadd.s32 s3, s26  }
0xa0: {  	[tilespmem:s29], [sflag:$0x1] =	stream.linear.gather [hbm4b:s26+s1], $0x400, $0x38;
	[tilespmem:$0x10700] =	vst v63  }
0xa1: {  	s26 =	sand.u32 $0x1FFFFF80, s30  }
0xa2: {  	s31 =	rddreg [dreg:$0x15];
	s29 =	spop (v2sf);
	(v2sf) =	vpush v1, $0xC;
	s26 =	sadd.s32 s2, s26  }
0xa3: {  	[tilespmem:s31], [sflag:$0x1] =	stream.linear.gather [hbm4b:s26+s1], $0x400, $0x38;
	[tilespmem:$0x10700] =	vst v63  }
0xa4: {  	s26 =	sand.u32 $0x1FFFFF80, s29  }
0xa5: {  	s30 =	rddreg [dreg:$0x16];
	s26 =	sadd.s32 s3, s26  }
0xa6: {  	[tilespmem:s30], [sflag:$0x1] =	stream.linear.gather [hbm4b:s26+s1], $0x400, $0x38;
	[tilespmem:$0x10700] =	vst v63  }
0xa7: {  	s26 =	spop (v2sf);
	(v2sf) =	vpush v2, $0xD;
	_ =	sdelay $0x3  }
0xa8: {  	s26 =	sand.u32 $0x1FFFFF80, s26;
	s31 =	spop (v2sf);
	(v2sf) =	vpush v1, $0xD  }
0xa9: {  	s28 =	rddreg [dreg:$0x17];
	s26 =	sadd.s32 s2, s26  }
0xaa: {  	[tilespmem:s28], [sflag:$0x1] =	stream.linear.gather [hbm4b:s26+s1], $0x400, $0x38;
	[tilespmem:$0x10700] =	vst v63  }
0xab: {  	s26 =	sand.u32 $0x1FFFFF80, s31;
	s30 =	spop (v2sf);
	(v2sf) =	vpush v2, $0xE  }
0xac: {  	s29 =	rddreg [dreg:$0x18];
	s26 =	sadd.s32 s3, s26  }
0xad: {  	[tilespmem:s29], [sflag:$0x1] =	stream.linear.gather [hbm4b:s26+s1], $0x400, $0x38;
	[tilespmem:$0x10700] =	vst v63  }
0xae: {  	s29 =	spop (v2sf);
	(v2sf) =	vpush v1, $0xE;
	_ =	sdelay $0x1  }
0xaf: {  	s26 =	sand.u32 $0x1FFFFF80, s30  }
0xb0: {  	s31 =	rddreg [dreg:$0x19];
	s26 =	sadd.s32 s2, s26  }
0xb1: {  	[tilespmem:s31], [sflag:$0x1] =	stream.linear.gather [hbm4b:s26+s1], $0x400, $0x38;
	[tilespmem:$0x10700] =	vst v63  }
0xb2: {  	s26 =	sand.u32 $0x1FFFFF80, s29;
	s31 =	spop (v2sf);
	(v2sf) =	vpush v2, $0xF  }
0xb3: {  	s30 =	rddreg [dreg:$0x1a];
	s26 =	sadd.s32 s3, s26  }
0xb4: {  	[tilespmem:s30], [sflag:$0x1] =	stream.linear.gather [hbm4b:s26+s1], $0x400, $0x38;
	[tilespmem:$0x10700] =	vst v63  }
0xb5: {  	s26 =	sand.u32 $0x1FFFFF80, s31  }
0xb6: {  	s29 =	rddreg [dreg:$0x1b];
	s26 =	sadd.s32 s2, s26;
	s30 =	spop (v2sf);
	(v2sf) =	vpush v1, $0xF  }
0xb7: {  	[tilespmem:s29], [sflag:$0x1] =	stream.linear.gather [hbm4b:s26+s1], $0x400, $0x38;
	[tilespmem:$0x10700] =	vst v63  }
0xb8: {  	s26 =	sand.u32 $0x1FFFFF80, s30  }
0xb9: {  	s31 =	rddreg [dreg:$0x1c];
	s29 =	spop (v2sf);
	s26 =	sadd.s32 s3, s26  }
0xba: {  	[tilespmem:s31], [sflag:$0x1] =	stream.linear.gather [hbm4b:s26+s1], $0x400, $0x38;
	[tilespmem:$0x10700] =	vst v63  }
0xbb: {  	s26 =	sand.u32 $0x1FFFFF80, s29  }
0xbc: {  	s30 =	rddreg [dreg:$0x1d];
	s31 =	spop (v2sf);
	s26 =	sadd.s32 s2, s26  }
0xbd: {  	[tilespmem:s30], [sflag:$0x1] =	stream.linear.gather [hbm4b:s26+s1], $0x400, $0x38;
	[tilespmem:$0x10700] =	vst v63  }
0xbe: {  	s26 =	sand.u32 $0x1FFFFF80, s31  }
0xbf: {  	s29 =	rddreg [dreg:$0x1e];
	s26 =	sadd.s32 s3, s26  }
0xc0: {  	[tilespmem:s29], [sflag:$0x1] =	stream.linear.gather [hbm4b:s26+s1], $0x400, $0x38;
	[tilespmem:$0x10700] =	vst v63  }
0xc1: {  	s30 =	spop (v2sf)  }
0xc2: {  	s26 =	sand.u32 $0x1FFFFF80, s30  }
0xc3: {  	s31 =	rddreg [dreg:$0x1f];
	s26 =	sadd.s32 s2, s26  }
0xc4: {  	[tilespmem:s31], [sflag:$0x1] =	stream.linear.gather [hbm4b:s26+s1], $0x400, $0x38;
	[tilespmem:$0x10700] =	vst v63  }
0xc5: {  	s30 =	sld [smem:$0x7DF];
	s29 =	spop (v2sf)  }
0xc6: {  	s26 =	sand.u32 $0x1FFFFF80, s29  }
0xc7: {  	s26 =	sadd.s32 s3, s26  }
0xc8: {  	[tilespmem:s30], [sflag:$0x1] =	stream.linear.gather [hbm4b:s26+s1], $0x400, $0x38;
	[tilespmem:$0x10700] =	vst v63  }
0xc9: {  	v1 =	vld [tilespmem:s25+$0x10];
	_ =	sdelay $0x1  }
0xca: {  	v4 =	vld [tilespmem:s25+$0x210];
	_ =	sdelay $0x2  }
0xcb: {  	v1 =	vshrl.u32 v1, $0x3  }
0xcc: {  	v2 =	vshll.u32 v1, $0x7  }
0xcd: {  	v1 =	vshrl.u32 v4, $0x3;
	(v2sf) =	vpush v2, $0x0  }
0xce: {  	v1 =	vshll.u32 v1, $0x7  }
0xcf: {  	(v2sf) =	vpush v1, $0x0;
	_ =	sdelay $0x2  }
0xd0: {  	(v2sf) =	vpush v2, $0x1;
	_ =	sdelay $0x2  }
0xd1: {  	(v2sf) =	vpush v1, $0x1;
	_ =	sdelay $0x6  }
0xd2: {  	s31 =	spop (v2sf);
	(v2sf) =	vpush v2, $0x2;
	_ =	sdelay $0x1  }
0xd3: {  	s28 =	spop (v2sf);
	(v2sf) =	vpush v1, $0x2;
	_ =	sdelay $0x2  }
0xd4: {  	s26 =	sand.u32 $0x1FFFFF80, s31;
	s29 =	spop (v2sf);
	(v2sf) =	vpush v2, $0x3  }
0xd5: {  	s26 =	sadd.s32 s2, s26  }
0xd6: {  	[tilespmem:s16], [sflag:$0x2] =	stream.linear.gather [hbm4b:s26+s1], $0x400, $0x38;
	[tilespmem:$0x10700] =	vst v63  }
0xd7: {  	s26 =	sand.u32 $0x1FFFFF80, s28;
	s31 =	spop (v2sf);
	(v2sf) =	vpush v1, $0x3  }
0xd8: {  	s30 =	sld [smem:$0x7E0];
	s26 =	sadd.s32 s3, s26  }
0xd9: {  	[tilespmem:s17], [sflag:$0x2] =	stream.linear.gather [hbm4b:s26+s1], $0x400, $0x38;
	[tilespmem:$0x10700] =	vst v63  }
0xda: {  	s26 =	sand.u32 $0x1FFFFF80, s29  }
0xdb: {  	s29 =	sld [smem:$0x7E1];
	s26 =	sadd.s32 s2, s26  }
0xdc: {  	[tilespmem:s30], [sflag:$0x2] =	stream.linear.gather [hbm4b:s26+s1], $0x400, $0x38;
	[tilespmem:$0x10700] =	vst v63  }
0xdd: {  	s26 =	sand.u32 $0x1FFFFF80, s31  }
0xde: {  	s31 =	sld [smem:$0x7E2];
	s26 =	sadd.s32 s3, s26;
	s30 =	spop (v2sf);
	(v2sf) =	vpush v2, $0x4  }
0xdf: {  	[tilespmem:s29], [sflag:$0x2] =	stream.linear.gather [hbm4b:s26+s1], $0x400, $0x38;
	[tilespmem:$0x10700] =	vst v63  }
0xe0: {  	s26 =	sand.u32 $0x1FFFFF80, s30;
	s29 =	spop (v2sf);
	(v2sf) =	vpush v1, $0x4  }
0xe1: {  	s30 =	sld [smem:$0x7E3];
	s26 =	sadd.s32 s2, s26  }
0xe2: {  	[tilespmem:s31], [sflag:$0x2] =	stream.linear.gather [hbm4b:s26+s1], $0x400, $0x38;
	[tilespmem:$0x10700] =	vst v63  }
0xe3: {  	s26 =	sand.u32 $0x1FFFFF80, s29;
	s31 =	spop (v2sf);
	(v2sf) =	vpush v2, $0x5  }
0xe4: {  	s26 =	sadd.s32 s3, s26  }
0xe5: {  	[tilespmem:s30], [sflag:$0x2] =	stream.linear.gather [hbm4b:s26+s1], $0x400, $0x38;
	[tilespmem:$0x10700] =	vst v63  }
0xe6: {  	s30 =	spop (v2sf);
	(v2sf) =	vpush v1, $0x5;
	_ =	sdelay $0x1  }
0xe7: {  	s29 =	sld [smem:$0x7E4]  }
0xe8: {  	s26 =	sand.u32 $0x1FFFFF80, s31  }
0xe9: {  	s31 =	sld [smem:$0x7E5];
	s26 =	sadd.s32 s2, s26  }
0xea: {  	[tilespmem:s29], [sflag:$0x2] =	stream.linear.gather [hbm4b:s26+s1], $0x400, $0x38;
	[tilespmem:$0x10700] =	vst v63  }
0xeb: {  	s26 =	sand.u32 $0x1FFFFF80, s30  }
0xec: {  	s30 =	sld [smem:$0x7E6];
	s26 =	sadd.s32 s3, s26;
	s29 =	spop (v2sf);
	(v2sf) =	vpush v2, $0x6  }
0xed: {  	[tilespmem:s31], [sflag:$0x2] =	stream.linear.gather [hbm4b:s26+s1], $0x400, $0x38;
	[tilespmem:$0x10700] =	vst v63  }
0xee: {  	s26 =	sand.u32 $0x1FFFFF80, s29;
	s31 =	spop (v2sf);
	(v2sf) =	vpush v1, $0x6  }
0xef: {  	s29 =	sld [smem:$0x7E7];
	s26 =	sadd.s32 s2, s26  }
0xf0: {  	[tilespmem:s30], [sflag:$0x2] =	stream.linear.gather [hbm4b:s26+s1], $0x400, $0x38;
	[tilespmem:$0x10700] =	vst v63  }
0xf1: {  	s26 =	sand.u32 $0x1FFFFF80, s31;
	s30 =	spop (v2sf);
	(v2sf) =	vpush v2, $0x7  }
0xf2: {  	s26 =	sadd.s32 s3, s26  }
0xf3: {  	[tilespmem:s29], [sflag:$0x2] =	stream.linear.gather [hbm4b:s26+s1], $0x400, $0x38;
	[tilespmem:$0x10700] =	vst v63  }
0xf4: {  	s29 =	spop (v2sf);
	(v2sf) =	vpush v1, $0x7;
	_ =	sdelay $0x1  }
0xf5: {  	s31 =	sld [smem:$0x7E8]  }
0xf6: {  	s26 =	sand.u32 $0x1FFFFF80, s30  }
0xf7: {  	s30 =	sld [smem:$0x7E9];
	s26 =	sadd.s32 s2, s26  }
0xf8: {  	[tilespmem:s31], [sflag:$0x2] =	stream.linear.gather [hbm4b:s26+s1], $0x400, $0x38;
	[tilespmem:$0x10700] =	vst v63  }
0xf9: {  	s26 =	sand.u32 $0x1FFFFF80, s29  }
0xfa: {  	s29 =	sld [smem:$0x7EA];
	s26 =	sadd.s32 s3, s26;
	s31 =	spop (v2sf);
	(v2sf) =	vpush v2, $0x8  }
0xfb: {  	[tilespmem:s30], [sflag:$0x2] =	stream.linear.gather [hbm4b:s26+s1], $0x400, $0x38;
	[tilespmem:$0x10700] =	vst v63  }
0xfc: {  	s26 =	sand.u32 $0x1FFFFF80, s31;
	s30 =	spop (v2sf);
	(v2sf) =	vpush v1, $0x8  }
0xfd: {  	s31 =	sld [smem:$0x7EB];
	s26 =	sadd.s32 s2, s26  }
0xfe: {  	[tilespmem:s29], [sflag:$0x2] =	stream.linear.gather [hbm4b:s26+s1], $0x400, $0x38;
	[tilespmem:$0x10700] =	vst v63  }
0xff: {  	s26 =	sand.u32 $0x1FFFFF80, s30;
	s29 =	spop (v2sf);
	(v2sf) =	vpush v2, $0x9  }
0x100: {  	s26 =	sadd.s32 s3, s26  }
0x101: {  	[tilespmem:s31], [sflag:$0x2] =	stream.linear.gather [hbm4b:s26+s1], $0x400, $0x38;
	[tilespmem:$0x10700] =	vst v63  }
0x102: {  	s31 =	spop (v2sf);
	(v2sf) =	vpush v1, $0x9;
	_ =	sdelay $0x1  }
0x103: {  	s30 =	sld [smem:$0x7EC]  }
0x104: {  	s26 =	sand.u32 $0x1FFFFF80, s29  }
0x105: {  	s29 =	sld [smem:$0x7ED];
	s26 =	sadd.s32 s2, s26  }
0x106: {  	[tilespmem:s30], [sflag:$0x2] =	stream.linear.gather [hbm4b:s26+s1], $0x400, $0x38;
	[tilespmem:$0x10700] =	vst v63  }
0x107: {  	s26 =	sand.u32 $0x1FFFFF80, s31  }
0x108: {  	s31 =	sld [smem:$0x7EE];
	s26 =	sadd.s32 s3, s26;
	s30 =	spop (v2sf);
	(v2sf) =	vpush v2, $0xA  }
0x109: {  	[tilespmem:s29], [sflag:$0x2] =	stream.linear.gather [hbm4b:s26+s1], $0x400, $0x38;
	[tilespmem:$0x10700] =	vst v63  }
0x10a: {  	s26 =	sand.u32 $0x1FFFFF80, s30;
	s29 =	spop (v2sf);
	(v2sf) =	vpush v1, $0xA  }
0x10b: {  	s30 =	sld [smem:$0x7EF];
	s26 =	sadd.s32 s2, s26  }
0x10c: {  	[tilespmem:s31], [sflag:$0x2] =	stream.linear.gather [hbm4b:s26+s1], $0x400, $0x38;
	[tilespmem:$0x10700] =	vst v63  }
0x10d: {  	s26 =	sand.u32 $0x1FFFFF80, s29;
	s31 =	spop (v2sf);
	(v2sf) =	vpush v2, $0xB  }
0x10e: {  	s26 =	sadd.s32 s3, s26  }
0x10f: {  	[tilespmem:s30], [sflag:$0x2] =	stream.linear.gather [hbm4b:s26+s1], $0x400, $0x38;
	[tilespmem:$0x10700] =	vst v63  }
0x110: {  	s30 =	spop (v2sf);
	(v2sf) =	vpush v1, $0xB;
	_ =	sdelay $0x1  }
0x111: {  	s29 =	sld [smem:$0x7F0]  }
0x112: {  	s26 =	sand.u32 $0x1FFFFF80, s31  }
0x113: {  	s31 =	sld [smem:$0x7F1];
	s26 =	sadd.s32 s2, s26  }
0x114: {  	[tilespmem:s29], [sflag:$0x2] =	stream.linear.gather [hbm4b:s26+s1], $0x400, $0x38;
	[tilespmem:$0x10700] =	vst v63  }
0x115: {  	s26 =	sand.u32 $0x1FFFFF80, s30  }
0x116: {  	s30 =	sld [smem:$0x7F2];
	s26 =	sadd.s32 s3, s26;
	s29 =	spop (v2sf);
	(v2sf) =	vpush v2, $0xC  }
0x117: {  	[tilespmem:s31], [sflag:$0x2] =	stream.linear.gather [hbm4b:s26+s1], $0x400, $0x38;
	[tilespmem:$0x10700] =	vst v63  }
0x118: {  	s26 =	sand.u32 $0x1FFFFF80, s29;
	s31 =	spop (v2sf);
	(v2sf) =	vpush v1, $0xC  }
0x119: {  	s29 =	sld [smem:$0x7F3];
	s26 =	sadd.s32 s2, s26  }
0x11a: {  	[tilespmem:s30], [sflag:$0x2] =	stream.linear.gather [hbm4b:s26+s1], $0x400, $0x38;
	[tilespmem:$0x10700] =	vst v63  }
0x11b: {  	s26 =	sand.u32 $0x1FFFFF80, s31;
	s30 =	spop (v2sf);
	(v2sf) =	vpush v2, $0xD  }
0x11c: {  	s26 =	sadd.s32 s3, s26  }
0x11d: {  	[tilespmem:s29], [sflag:$0x2] =	stream.linear.gather [hbm4b:s26+s1], $0x400, $0x38;
	[tilespmem:$0x10700] =	vst v63  }
0x11e: {  	s29 =	spop (v2sf);
	(v2sf) =	vpush v1, $0xD;
	_ =	sdelay $0x1  }
0x11f: {  	s31 =	sld [smem:$0x7F4]  }
0x120: {  	s26 =	sand.u32 $0x1FFFFF80, s30  }
0x121: {  	s30 =	sld [smem:$0x7F5];
	s26 =	sadd.s32 s2, s26  }
0x122: {  	[tilespmem:s31], [sflag:$0x2] =	stream.linear.gather [hbm4b:s26+s1], $0x400, $0x38;
	[tilespmem:$0x10700] =	vst v63  }
0x123: {  	s26 =	sand.u32 $0x1FFFFF80, s29  }
0x124: {  	s29 =	sld [smem:$0x7F6];
	s26 =	sadd.s32 s3, s26;
	s31 =	spop (v2sf);
	(v2sf) =	vpush v2, $0xE  }
0x125: {  	[tilespmem:s30], [sflag:$0x2] =	stream.linear.gather [hbm4b:s26+s1], $0x400, $0x38;
	[tilespmem:$0x10700] =	vst v63  }
0x126: {  	s26 =	sand.u32 $0x1FFFFF80, s31;
	s30 =	spop (v2sf);
	(v2sf) =	vpush v1, $0xE  }
0x127: {  	s31 =	sld [smem:$0x7F7];
	s26 =	sadd.s32 s2, s26  }
0x128: {  	[tilespmem:s29], [sflag:$0x2] =	stream.linear.gather [hbm4b:s26+s1], $0x400, $0x38;
	[tilespmem:$0x10700] =	vst v63  }
0x129: {  	s26 =	sand.u32 $0x1FFFFF80, s30;
	s29 =	spop (v2sf);
	(v2sf) =	vpush v2, $0xF  }
0x12a: {  	s26 =	sadd.s32 s3, s26  }
0x12b: {  	[tilespmem:s31], [sflag:$0x2] =	stream.linear.gather [hbm4b:s26+s1], $0x400, $0x38;
	[tilespmem:$0x10700] =	vst v63  }
0x12c: {  	s30 =	sld [smem:$0x7F8];
	s31 =	spop (v2sf);
	(v2sf) =	vpush v1, $0xF  }
0x12d: {  	s26 =	sand.u32 $0x1FFFFF80, s29  }
0x12e: {  	s29 =	sld [smem:$0x7F9];
	s26 =	sadd.s32 s2, s26  }
0x12f: {  	[tilespmem:s30], [sflag:$0x2] =	stream.linear.gather [hbm4b:s26+s1], $0x400, $0x38;
	[tilespmem:$0x10700] =	vst v63  }
0x130: {  	s26 =	sand.u32 $0x1FFFFF80, s31  }
0x131: {  	s26 =	sadd.s32 s3, s26  }
0x132: {  	[tilespmem:s29], [sflag:$0x2] =	stream.linear.gather [hbm4b:s26+s1], $0x400, $0x38;
	[tilespmem:$0x10700] =	vst v63  }
0x133: {  	s31 =	sld [smem:$0x7FA];
	s30 =	spop (v2sf)  }
0x134: {  	s26 =	sand.u32 $0x1FFFFF80, s30  }
0x135: {  	s29 =	spop (v2sf);
	s30 =	sld [smem:$0x7FB];
	s26 =	sadd.s32 s2, s26  }
0x136: {  	[tilespmem:s31], [sflag:$0x2] =	stream.linear.gather [hbm4b:s26+s1], $0x400, $0x38;
	[tilespmem:$0x10700] =	vst v63  }
0x137: {  	s26 =	sand.u32 $0x1FFFFF80, s29  }
0x138: {  	s31 =	spop (v2sf);
	s29 =	sld [smem:$0x7FC];
	s26 =	sadd.s32 s3, s26  }
0x139: {  	[tilespmem:s30], [sflag:$0x2] =	stream.linear.gather [hbm4b:s26+s1], $0x400, $0x38;
	[tilespmem:$0x10700] =	vst v63  }
0x13a: {  	s26 =	sand.u32 $0x1FFFFF80, s31  }
0x13b: {  	s30 =	spop (v2sf);
	s31 =	sld [smem:$0x7FD];
	s26 =	sadd.s32 s2, s26  }
0x13c: {  	[tilespmem:s29], [sflag:$0x2] =	stream.linear.gather [hbm4b:s26+s1], $0x400, $0x38;
	[tilespmem:$0x10700] =	vst v63  }
0x13d: {  	s26 =	sand.u32 $0x1FFFFF80, s30  }
0x13e: {  	s26 =	sadd.s32 s3, s26  }
0x13f: {  	[tilespmem:s31], [sflag:$0x2] =	stream.linear.gather [hbm4b:s26+s1], $0x400, $0x38;
	[tilespmem:$0x10700] =	vst v63  }
0x140: {  	_ =	swait.ge [sflag:s18], $0x4000  }
0x141: {  	[sflag:s18] =	ssyncset.done $0x0  }
0x142: {  	[sflag:s18] =	ssyncadd.s32 $0xFFFFC000  }
0x143: {  	_ =	swait.ge [sflag:s18], $0x4000  }
0x144: {  	[sflag:s18] =	ssyncset.done $0x0  }
0x145: {  	[sflag:s18] =	ssyncadd.s32 $0xFFFFC000  }
0x146: {  	v1 =	vld [tilespmem:s25+$0x0]  }
0x147: {  	v4 =	vld [tilespmem:s25+$0x200];
	_ =	sdelay $0x3  }
0x148: {  	v1 =	vshll.u32 v1, $0x7  }
0x149: {  	v2 =	vand.u32 $0x380, v1;
	v1 =	vshll.u32 v4, $0x7  }
0x14a: {  	v4 =	vor.u32 v43, v2;
	v1 =	vand.u32 $0x380, v1  }
0x14b: {  	v5 =	vor.u32 v43, v1;
	_ =	sdelay $0x1  }
0x14c: {  	v6 =	vor.u32 v19, v2  }
0x14d: {  	v7 =	vor.u32 v19, v1  }
0x14e: {  	v4 =	vld.idx.msk [tilespmem:v4+s12+$0x0], $0xffff  }
0x14f: {  	v5 =	vld.idx.msk [tilespmem:v5+s15+$0x0], $0xffff  }
0x150: {  	v8 =	vor.u32 v18, v2  }
0x151: {  	v10 =	vor.u32 v20, v2;
	v6 =	vld.idx.msk [tilespmem:v6+s12+$0x0], $0xffff  }
0x152: {  	v9 =	vor.u32 v18, v1;
	v7 =	vld.idx.msk [tilespmem:v7+s15+$0x0], $0xffff  }
0x153: {  	v11 =	vor.u32 v20, v1  }
0x154: {  	v13 =	vor.u32 v61, v2;
	v12 =	vmul.f32 v5, v4  }
0x155: {  	v58 =	vor.u32 v22, v2;
	v8 =	vld.idx.msk [tilespmem:v8+s12+$0x0], $0xffff;
	v4 =	vmul.f32 v4, v4;
	v5 =	vmul.f32 v5, v5  }
0x156: {  	v14 =	vor.u32 v61, v1;
	v10 =	vld.idx.msk [tilespmem:v10+s12+$0x0], $0xffff;
	v12 =	vadd.f32 $0.0e+00, v12  }
0x157: {  	v9 =	vld.idx.msk [tilespmem:v9+s15+$0x0], $0xffff;
	v3 =	vadd.f32 v4, v3;
	v4 =	vadd.f32 v5, v63;
	v5 =	vmul.f32 v7, v6  }
0x158: {  	v11 =	vld.idx.msk [tilespmem:v11+s15+$0x0], $0xffff;
	v6 =	vmul.f32 v6, v6  }
0x159: {  	v5 =	vadd.f32 v5, v12;
	v12 =	vld.idx.msk [tilespmem:v13+s12+$0x0], $0xffff  }
0x15a: {  	v7 =	vmul.f32 v7, v7;
	v3 =	vadd.f32 v6, v3;
	v6 =	vld.idx.msk [tilespmem:v58+s12+$0x0], $0xffff  }
0x15b: {  	v15 =	vor.u32 v22, v1;
	v58 =	vld [tilespmem:$0x1FD80]  }
0x15c: {  	v61 =	vmul.f32 v9, v8;
	v4 =	vadd.f32 v7, v4;
	v7 =	vld.idx.msk [tilespmem:v14+s15+$0x0], $0xffff;
	v13 =	vor.u32 v23, v2  }
0x15d: {  	v8 =	vmul.f32 v8, v8;
	v14 =	vor.u32 v23, v1  }
0x15e: {  	v9 =	vmul.f32 v9, v9;
	v63 =	vmul.f32 v11, v10;
	v5 =	vadd.f32 v61, v5  }
0x15f: {  	v10 =	vmul.f32 v10, v10;
	v11 =	vmul.f32 v11, v11;
	v3 =	vadd.f32 v8, v3  }
0x160: {  	v4 =	vadd.f32 v9, v4;
	v9 =	vld.idx.msk [tilespmem:v15+s15+$0x0], $0xffff;
	v5 =	vadd.f32 v63, v5;
	v15 =	vor.u32 v58, v2  }
0x161: {  	v3 =	vadd.f32 v10, v3;
	v53 =	vmul.f32 v7, v12;
	v56 =	vor.u32 v58, v1;
	v10 =	vld.idx.msk [tilespmem:v13+s12+$0x0], $0xffff  }
0x162: {  	v4 =	vadd.f32 v11, v4;
	v57 =	vmul.f32 v12, v12;
	v11 =	vld.idx.msk [tilespmem:v14+s15+$0x0], $0xffff;
	v12 =	vor.u32 v25, v2  }
0x163: {  	v5 =	vadd.f32 v53, v5;
	v53 =	vor.u32 v25, v1  }
0x164: {  	v63 =	vor.u32 v27, v2;
	v7 =	vmul.f32 v7, v7;
	v13 =	vor.u32 v26, v2  }
0x165: {  	v61 =	vmul.f32 v9, v6;
	v3 =	vadd.f32 v57, v3;
	v6 =	vmul.f32 v6, v6;
	v8 =	vld.idx.msk [tilespmem:v15+s12+$0x0], $0xffff  }
0x166: {  	v4 =	vadd.f32 v7, v4;
	v7 =	vld.idx.msk [tilespmem:v56+s15+$0x0], $0xffff;
	v56 =	vmul.f32 v9, v9;
	v9 =	vor.u32 v26, v1  }
0x167: {  	v14 =	vor.u32 v27, v1;
	v5 =	vadd.f32 v61, v5;
	v57 =	vmul.f32 v11, v10;
	v12 =	vld.idx.msk [tilespmem:v12+s12+$0x0], $0xffff  }
0x168: {  	v3 =	vadd.f32 v6, v3;
	v61 =	vmul.f32 v11, v11;
	v4 =	vadd.f32 v56, v4;
	v11 =	vld.idx.msk [tilespmem:v53+s15+$0x0], $0xffff  }
0x169: {  	v10 =	vmul.f32 v10, v10;
	v5 =	vadd.f32 v57, v5;
	v57 =	vor.u32 v28, v2  }
0x16a: {  	v56 =	vld.idx.msk [tilespmem:v13+s12+$0x0], $0xffff;
	v4 =	vadd.f32 v61, v4;
	v61 =	vor.u32 v28, v1  }
0x16b: {  	v3 =	vadd.f32 v10, v3;
	v53 =	vmul.f32 v7, v8;
	v8 =	vmul.f32 v8, v8;
	v9 =	vld.idx.msk [tilespmem:v9+s15+$0x0], $0xffff  }
0x16c: {  	v6 =	vld.idx.msk [tilespmem:v63+s12+$0x0], $0xffff;
	v13 =	vor.u32 v29, v1;
	v7 =	vmul.f32 v7, v7  }
0x16d: {  	v3 =	vadd.f32 v8, v3;
	v63 =	vmul.f32 v11, v12;
	v8 =	vld.idx.msk [tilespmem:v14+s15+$0x0], $0xffff;
	v12 =	vmul.f32 v12, v12  }
0x16e: {  	v5 =	vadd.f32 v53, v5;
	v4 =	vadd.f32 v7, v4;
	v14 =	vor.u32 v29, v2;
	v7 =	vld.idx.msk [tilespmem:v57+s12+$0x0], $0xffff  }
0x16f: {  	v11 =	vmul.f32 v11, v11;
	v3 =	vadd.f32 v12, v3;
	v12 =	vld.idx.msk [tilespmem:v61+s15+$0x0], $0xffff  }
0x170: {  	v10 =	vmul.f32 v56, v56;
	v5 =	vadd.f32 v63, v5;
	v53 =	vmul.f32 v9, v56  }
0x171: {  	v57 =	vor.u32 v30, v1;
	v4 =	vadd.f32 v11, v4;
	v9 =	vmul.f32 v9, v9  }
0x172: {  	v3 =	vadd.f32 v10, v3;
	v10 =	vld.idx.msk [tilespmem:v13+s15+$0x0], $0xffff;
	v5 =	vadd.f32 v53, v5;
	v56 =	vmul.f32 v8, v6  }
0x173: {  	v15 =	vor.u32 v30, v2;
	v4 =	vadd.f32 v9, v4;
	v9 =	vld.idx.msk [tilespmem:v14+s12+$0x0], $0xffff  }
0x174: {  	v6 =	vmul.f32 v6, v6;
	v5 =	vadd.f32 v56, v5;
	v53 =	vmul.f32 v12, v7  }
0x175: {  	v61 =	vor.u32 v31, v2;
	v8 =	vmul.f32 v8, v8;
	v14 =	vor.u32 v31, v1  }
0x176: {  	v3 =	vadd.f32 v6, v3;
	v56 =	vmul.f32 v7, v7;
	v5 =	vadd.f32 v53, v5;
	v53 =	vld [tilespmem:$0x1FD90]  }
0x177: {  	v13 =	vor.u32 v32, v2;
	v4 =	vadd.f32 v8, v4;
	v8 =	vld.idx.msk [tilespmem:v57+s15+$0x0], $0xffff;
	v57 =	vmul.f32 v12, v12  }
0x178: {  	v7 =	vld.idx.msk [tilespmem:v15+s12+$0x0], $0xffff;
	v12 =	vor.u32 v32, v1;
	v3 =	vadd.f32 v56, v3;
	v56 =	vmul.f32 v10, v9  }
0x179: {  	v4 =	vadd.f32 v57, v4;
	v57 =	vmul.f32 v10, v10  }
0x17a: {  	v11 =	vld.idx.msk [tilespmem:v61+s12+$0x0], $0xffff;
	v9 =	vmul.f32 v9, v9;
	v5 =	vadd.f32 v56, v5;
	v56 =	vor.u32 v34, v2  }
0x17b: {  	v10 =	vld.idx.msk [tilespmem:v14+s15+$0x0], $0xffff;
	v63 =	vor.u32 v53, v2  }
0x17c: {  	v4 =	vadd.f32 v57, v4;
	v3 =	vadd.f32 v9, v3;
	v9 =	vld.idx.msk [tilespmem:v13+s12+$0x0], $0xffff;
	v14 =	vor.u32 v53, v1  }
0x17d: {  	v57 =	vor.u32 v34, v1;
	v61 =	vmul.f32 v8, v7;
	v7 =	vmul.f32 v7, v7;
	v12 =	vld.idx.msk [tilespmem:v12+s15+$0x0], $0xffff;
	_ =	sdelay $0x1  }
0x17e: {  	v8 =	vmul.f32 v8, v8;
	v13 =	vor.u32 v35, v1;
	v3 =	vadd.f32 v7, v3;
	v7 =	vld.idx.msk [tilespmem:v56+s12+$0x0], $0xffff  }
0x17f: {  	v5 =	vadd.f32 v61, v5;
	v61 =	vmul.f32 v10, v11;
	v11 =	vmul.f32 v11, v11;
	v6 =	vld.idx.msk [tilespmem:v63+s12+$0x0], $0xffff  }
0x180: {  	v4 =	vadd.f32 v8, v4;
	v10 =	vmul.f32 v10, v10;
	v8 =	vld.idx.msk [tilespmem:v14+s15+$0x0], $0xffff;
	v14 =	vor.u32 v35, v2  }
0x181: {  	v5 =	vadd.f32 v61, v5;
	v3 =	vadd.f32 v11, v3;
	v11 =	vld.idx.msk [tilespmem:v57+s15+$0x0], $0xffff;
	v63 =	vmul.f32 v12, v9  }
0x182: {  	v15 =	vor.u32 v49, v2;
	v4 =	vadd.f32 v10, v4;
	v12 =	vmul.f32 v12, v12  }
0x183: {  	v9 =	vmul.f32 v9, v9;
	v5 =	vadd.f32 v63, v5;
	v63 =	vor.u32 v49, v1  }
0x184: {  	v10 =	vld.idx.msk [tilespmem:v13+s15+$0x0], $0xffff;
	v4 =	vadd.f32 v12, v4;
	v12 =	vor.u32 v59, v2  }
0x185: {  	v3 =	vadd.f32 v9, v3;
	v57 =	vmul.f32 v8, v6;
	v9 =	vld.idx.msk [tilespmem:v14+s12+$0x0], $0xffff;
	v6 =	vmul.f32 v6, v6  }
0x186: {  	v56 =	vmovc v49;
	v49 =	vmul.f32 v11, v7;
	v8 =	vmul.f32 v8, v8;
	v14 =	vor.u32 v59, v1  }
0x187: {  	v61 =	vmul.f32 v7, v7;
	v7 =	vld.idx.msk [tilespmem:v15+s12+$0x0], $0xffff;
	v5 =	vadd.f32 v57, v5;
	v3 =	vadd.f32 v6, v3  }
0x188: {  	v13 =	vor.u32 v38, v2;
	v4 =	vadd.f32 v8, v4;
	v8 =	vld.idx.msk [tilespmem:v63+s15+$0x0], $0xffff;
	v63 =	vor.u32 v39, v2  }
0x189: {  	v12 =	vld.idx.msk [tilespmem:v12+s12+$0x0], $0xffff;
	v5 =	vadd.f32 v49, v5;
	v3 =	vadd.f32 v61, v3;
	v49 =	vmul.f32 v11, v11  }
0x18a: {  	v57 =	vmovc v59;
	v11 =	vor.u32 v38, v1;
	v59 =	vmul.f32 v10, v9;
	v9 =	vmul.f32 v9, v9  }
0x18b: {  	v61 =	vmul.f32 v10, v10;
	v38 =	vor.u32 v39, v1;
	v10 =	vld.idx.msk [tilespmem:v14+s15+$0x0], $0xffff;
	v4 =	vadd.f32 v49, v4  }
0x18c: {  	v5 =	vadd.f32 v59, v5;
	v3 =	vadd.f32 v9, v3  }
0x18d: {  	v49 =	vld.idx.msk [tilespmem:v13+s12+$0x0], $0xffff;
	v39 =	vmul.f32 v8, v7;
	v59 =	vor.u32 v48, v2;
	v7 =	vmul.f32 v7, v7  }
0x18e: {  	v8 =	vmul.f32 v8, v8;
	v6 =	vld.idx.msk [tilespmem:v63+s12+$0x0], $0xffff;
	v4 =	vadd.f32 v61, v4;
	v61 =	vor.u32 v48, v1  }
0x18f: {  	v14 =	vor.u32 v21, v2;
	v11 =	vld.idx.msk [tilespmem:v11+s15+$0x0], $0xffff;
	v5 =	vadd.f32 v39, v5  }
0x190: {  	v3 =	vadd.f32 v7, v3;
	v4 =	vadd.f32 v8, v4;
	v63 =	vmul.f32 v10, v12;
	v8 =	vld.idx.msk [tilespmem:v38+s15+$0x0], $0xffff  }
0x191: {  	v12 =	vmul.f32 v12, v12;
	v10 =	vmul.f32 v10, v10;
	v38 =	vor.u32 v21, v1  }
0x192: {  	v17 =	vor.u32 v44, v2;
	v48 =	vor.u32 v42, v2;
	v5 =	vadd.f32 v63, v5;
	v7 =	vld.idx.msk [tilespmem:v59+s12+$0x0], $0xffff  }
0x193: {  	v9 =	vmul.f32 v49, v49;
	v3 =	vadd.f32 v12, v3;
	v4 =	vadd.f32 v10, v4;
	v12 =	vld.idx.msk [tilespmem:v61+s15+$0x0], $0xffff  }
0x194: {  	v59 =	vor.u32 v42, v1;
	v61 =	vor.u32 v37, v2;
	v39 =	vmul.f32 v11, v49  }
0x195: {  	v11 =	vmul.f32 v11, v11;
	v3 =	vadd.f32 v9, v3;
	v9 =	vld.idx.msk [tilespmem:v14+s12+$0x0], $0xffff;
	v49 =	vmul.f32 v8, v6  }
0x196: {  	v13 =	vor.u32 v40, v2;
	v6 =	vmul.f32 v6, v6;
	v10 =	vld.idx.msk [tilespmem:v38+s15+$0x0], $0xffff;
	v8 =	vmul.f32 v8, v8  }
0x197: {  	v19 =	vld [tilespmem:$0x1FFC0];
	v5 =	vadd.f32 v39, v5;
	v4 =	vadd.f32 v11, v4;
	v39 =	vor.u32 v37, v1  }
0x198: {  	v3 =	vadd.f32 v6, v3;
	v42 =	vmul.f32 v7, v7;
	v38 =	vmul.f32 v12, v7;
	v7 =	vld.idx.msk [tilespmem:v48+s12+$0x0], $0xffff  }
0x199: {  	v5 =	vadd.f32 v49, v5;
	v4 =	vadd.f32 v8, v4;
	v8 =	vld.idx.msk [tilespmem:v59+s15+$0x0], $0xffff;
	v49 =	vor.u32 v40, v1  }
0x19a: {  	v37 =	vor.u32 v47, v2;
	v48 =	vmul.f32 v12, v12;
	v11 =	vld.idx.msk [tilespmem:v61+s12+$0x0], $0xffff;
	v40 =	vor.u32 v47, v1  }
0x19b: {  	v47 =	vld.idx.msk [tilespmem:v13+s12+$0x0], $0xffff;
	v3 =	vadd.f32 v42, v3;
	v5 =	vadd.f32 v38, v5;
	v59 =	vmul.f32 v10, v9  }
0x19c: {  	v9 =	vmul.f32 v9, v9;
	v4 =	vadd.f32 v48, v4;
	v38 =	vmul.f32 v10, v10;
	v39 =	vld.idx.msk [tilespmem:v39+s15+$0x0], $0xffff  }
0x19d: {  	v16 =	vor.u32 v55, v1;
	v20 =	vld [tilespmem:$0x1FFD0];
	v48 =	vor.u32 v33, v2;
	v5 =	vadd.f32 v59, v5  }
0x19e: {  	v3 =	vadd.f32 v9, v3;
	v4 =	vadd.f32 v38, v4;
	v42 =	vmul.f32 v8, v7;
	v12 =	vld.idx.msk [tilespmem:v49+s15+$0x0], $0xffff  }
0x19f: {  	v59 =	vld.idx.msk [tilespmem:v37+s12+$0x0], $0xffff;
	v7 =	vmul.f32 v7, v7;
	v8 =	vmul.f32 v8, v8;
	v49 =	vor.u32 v33, v1  }
0x1a0: {  	v22 =	vld [tilespmem:$0x1FDA0];
	v37 =	vor.u32 v45, v2;
	v9 =	vmul.f32 v47, v47;
	v5 =	vadd.f32 v42, v5  }
0x1a1: {  	v3 =	vadd.f32 v7, v3;
	v4 =	vadd.f32 v8, v4;
	v8 =	vld.idx.msk [tilespmem:v40+s15+$0x0], $0xffff;
	v63 =	vmul.f32 v39, v11  }
0x1a2: {  	v17 =	vld.idx.msk [tilespmem:v17+s12+$0x0], $0xffff;
	v11 =	vmul.f32 v11, v11;
	v10 =	vmul.f32 v39, v39;
	v39 =	vor.u32 v45, v1  }
0x1a3: {  	v38 =	vld.idx.msk [tilespmem:v48+s12+$0x0], $0xffff;
	v42 =	vor.u32 v41, v2;
	v5 =	vadd.f32 v63, v5;
	v40 =	vmul.f32 v12, v47  }
0x1a4: {  	v48 =	vor.u32 v41, v1;
	v6 =	vmul.f32 v59, v59;
	v3 =	vadd.f32 v11, v3;
	v11 =	vld.idx.msk [tilespmem:v49+s15+$0x0], $0xffff  }
0x1a5: {  	v23 =	vld [tilespmem:$0x1FDB0];
	v4 =	vadd.f32 v10, v4;
	v12 =	vmul.f32 v12, v12;
	v5 =	vadd.f32 v40, v5  }
0x1a6: {  	v49 =	vld.idx.msk [tilespmem:v37+s12+$0x0], $0xffff;
	v47 =	vmul.f32 v8, v59;
	v3 =	vadd.f32 v9, v3;
	v59 =	vor.u32 v46, v2  }
0x1a7: {  	v4 =	vadd.f32 v12, v4;
	v8 =	vmul.f32 v8, v8;
	v40 =	vor.u32 v54, v2;
	v10 =	vld.idx.msk [tilespmem:v39+s15+$0x0], $0xffff  }
0x1a8: {  	v37 =	vor.u32 v46, v1;
	v39 =	vld.idx.msk [tilespmem:v42+s12+$0x0], $0xffff;
	v42 =	vor.u32 v54, v1;
	v5 =	vadd.f32 v47, v5  }
0x1a9: {  	v3 =	vadd.f32 v6, v3;
	v4 =	vadd.f32 v8, v4;
	v8 =	vld.idx.msk [tilespmem:v48+s15+$0x0], $0xffff;
	v61 =	vmul.f32 v11, v38  }
0x1aa: {  	v29 =	vld [tilespmem:$0x1FDC0];
	v48 =	vor.u32 v50, v2;
	v38 =	vmul.f32 v38, v38;
	v41 =	vmul.f32 v11, v11  }
0x1ab: {  	v54 =	vor.u32 v50, v1;
	v9 =	vmul.f32 v49, v49;
	v5 =	vadd.f32 v61, v5;
	v12 =	vld.idx.msk [tilespmem:v59+s12+$0x0], $0xffff  }
0x1ac: {  	v3 =	vadd.f32 v38, v3;
	v4 =	vadd.f32 v41, v4;
	v13 =	vld.idx.msk [tilespmem:v40+s12+$0x0], $0xffff;
	v47 =	vmul.f32 v10, v49  }
0x1ad: {  	v49 =	vld.idx.msk [tilespmem:v37+s15+$0x0], $0xffff;
	v59 =	vmul.f32 v10, v10;
	v7 =	vmul.f32 v39, v39;
	v37 =	vor.u32 v51, v2  }
0x1ae: {  	v38 =	vld.idx.msk [tilespmem:v42+s15+$0x0], $0xffff;
	v3 =	vadd.f32 v9, v3;
	v61 =	vmul.f32 v8, v39;
	v39 =	vor.u32 v51, v1  }
0x1af: {  	v40 =	vmul.f32 v8, v8;
	v41 =	vld.idx.msk [tilespmem:v48+s12+$0x0], $0xffff;
	v48 =	vor.u32 v36, v1;
	v5 =	vadd.f32 v47, v5  }
0x1b0: {  	v21 =	vld [tilespmem:$0x1FFE0];
	v4 =	vadd.f32 v59, v4;
	v47 =	vor.u32 v36, v2;
	v59 =	vor.u32 v52, v2  }
0x1b1: {  	v14 =	vld.idx.msk [tilespmem:v54+s15+$0x0], $0xffff;
	v36 =	vor.u32 v52, v1;
	v3 =	vadd.f32 v7, v3;
	v5 =	vadd.f32 v61, v5  }
0x1b2: {  	v4 =	vadd.f32 v40, v4;
	v42 =	vmul.f32 v49, v12;
	v6 =	vmul.f32 v49, v49;
	v49 =	vld.idx.msk [tilespmem:v37+s12+$0x0], $0xffff  }
0x1b3: {  	v40 =	vor.u32 v24, v2;
	v12 =	vmul.f32 v12, v12;
	v54 =	vmul.f32 v38, v13;
	v11 =	vld.idx.msk [tilespmem:v39+s15+$0x0], $0xffff  }
0x1b4: {  	v13 =	vmul.f32 v13, v13;
	v61 =	vmul.f32 v38, v38;
	v7 =	vld.idx.msk [tilespmem:v48+s15+$0x0], $0xffff;
	v48 =	vor.u32 v62, v2  }
0x1b5: {  	v5 =	vadd.f32 v42, v5;
	v3 =	vadd.f32 v12, v3;
	v38 =	vld.idx.msk [tilespmem:v47+s12+$0x0], $0xffff;
	v42 =	vor.u32 v24, v1  }
0x1b6: {  	v37 =	vmul.f32 v14, v41;
	v4 =	vadd.f32 v6, v4;
	v15 =	vld.idx.msk [tilespmem:v59+s12+$0x0], $0xffff;
	v59 =	vor.u32 v55, v2  }
0x1b7: {  	v39 =	vmul.f32 v41, v41;
	v9 =	vld.idx.msk [tilespmem:v36+s15+$0x0], $0xffff;
	v5 =	vadd.f32 v54, v5;
	v3 =	vadd.f32 v13, v3  }
0x1b8: {  	v18 =	vor.u32 v60, v1;
	v41 =	vmul.f32 v14, v14;
	v4 =	vadd.f32 v61, v4;
	v8 =	vld.idx.msk [tilespmem:v40+s12+$0x0], $0xffff  }
0x1b9: {  	v10 =	vmul.f32 v49, v49;
	v5 =	vadd.f32 v37, v5;
	v3 =	vadd.f32 v39, v3;
	v39 =	vld.idx.msk [tilespmem:v48+s12+$0x0], $0xffff  }
0x1ba: {  	v47 =	vmul.f32 v11, v49;
	v4 =	vadd.f32 v41, v4;
	v54 =	vmul.f32 v11, v11;
	v37 =	vld.idx.msk [tilespmem:v42+s15+$0x0], $0xffff  }
0x1bb: {  	v49 =	vor.u32 v62, v1;
	v62 =	vmul.f32 v7, v38;
	v36 =	vmul.f32 v38, v38;
	v11 =	vld.idx.msk [tilespmem:v59+s12+$0x0], $0xffff  }
0x1bc: {  	v38 =	vor.u32 v0, v2;
	v41 =	vmul.f32 v9, v15;
	v48 =	vmul.f32 v9, v9;
	v9 =	vld.idx.msk [tilespmem:v16+s15+$0x0], $0xffff  }
0x1bd: {  	v40 =	vor.u32 v0, v1;
	v59 =	vor.u32 v19, v2;
	v19 =	vld [tilespmem:$0x1FFC0]  }
0x1be: {  	v3 =	vadd.f32 v10, v3;
	v10 =	vld.idx.msk [tilespmem:v18+s15+$0x0], $0xffff  }
0x1bf: {  	v7 =	vmul.f32 v7, v7;
	v16 =	vor.u32 v60, v2;
	v18 =	vld [tilespmem:$0x1FFE0]  }
0x1c0: {  	v5 =	vadd.f32 v47, v5;
	v4 =	vadd.f32 v54, v4;
	v47 =	vor.u32 v44, v1;
	v12 =	vld.idx.msk [tilespmem:v49+s15+$0x0], $0xffff  }
0x1c1: {  	v20 =	vor.u32 v20, v1;
	v54 =	vmul.f32 v8, v8;
	v14 =	vld.idx.msk [tilespmem:v38+s12+$0x0], $0xffff  }
0x1c2: {  	v5 =	vadd.f32 v62, v5;
	v4 =	vadd.f32 v7, v4;
	v49 =	vmul.f32 v37, v8;
	v8 =	vld.idx.msk [tilespmem:v40+s15+$0x0], $0xffff  }
0x1c3: {  	v21 =	vor.u32 v21, v1;
	v3 =	vadd.f32 v36, v3;
	v36 =	vmul.f32 v37, v37;
	v37 =	vld [tilespmem:$0x1FFD0]  }
0x1c4: {  	v5 =	vadd.f32 v41, v5;
	v4 =	vadd.f32 v48, v4;
	v19 =	vor.u32 v19, v1;
	v16 =	vld.idx.msk [tilespmem:v16+s12+$0x0], $0xffff  }
0x1c5: {  	v38 =	vmul.f32 v9, v11;
	v13 =	vld.idx.msk [tilespmem:v47+s15+$0x0], $0xffff;
	v18 =	vor.u32 v18, v2;
	v47 =	vmul.f32 v11, v11  }
0x1c6: {  	v11 =	vld.idx.msk [tilespmem:v20+s15+$0x0], $0xffff;
	v20 =	vor.u32 v23, v2;
	v23 =	vor.u32 v23, v1;
	v5 =	vadd.f32 v49, v5  }
0x1c7: {  	v63 =	vld.idx.msk [tilespmem:v59+s12+$0x0], $0xffff;
	v4 =	vadd.f32 v36, v4;
	v49 =	vmul.f32 v9, v9;
	v41 =	vmul.f32 v12, v12  }
0x1c8: {  	v9 =	vld.idx.msk [tilespmem:v21+s15+$0x0], $0xffff;
	v62 =	vmul.f32 v12, v39  }
0x1c9: {  	v42 =	vmul.f32 v15, v15;
	v15 =	vor.u32 v37, v2;
	v12 =	vld.idx.msk [tilespmem:v19+s15+$0x0], $0xffff;
	v4 =	vadd.f32 v41, v4  }
0x1ca: {  	v19 =	vor.u32 v22, v2;
	v5 =	vadd.f32 v62, v5;
	v18 =	vld.idx.msk [tilespmem:v18+s12+$0x0], $0xffff  }
0x1cb: {  	v40 =	vmul.f32 v8, v14;
	v4 =	vadd.f32 v49, v4;
	v49 =	vmov v0;
	v0 =	vld [tilespmem:$0x1FDE0]  }
0x1cc: {  	v22 =	vor.u32 v22, v1;
	v37 =	vmul.f32 v8, v8;
	v8 =	vld.idx.msk [tilespmem:v23+s15+$0x0], $0xffff;
	v5 =	vadd.f32 v38, v5  }
0x1cd: {  	v21 =	vor.u32 v29, v2;
	v62 =	vmov v24;
	v24 =	vor.u32 v29, v1;
	v29 =	vld [tilespmem:$0x1FDD0]  }
0x1ce: {  	v3 =	vadd.f32 v42, v3;
	v42 =	vmul.f32 v13, v17;
	v5 =	vadd.f32 v40, v5;
	v15 =	vld.idx.msk [tilespmem:v15+s12+$0x0], $0xffff  }
0x1cf: {  	v61 =	vmovc v33;
	v48 =	vmul.f32 v10, v16;
	v38 =	vmov v43;
	v43 =	vmov v46;
	v19 =	vld.idx.msk [tilespmem:v19+s12+$0x0], $0xffff  }
0x1d0: {  	v46 =	vmovc v26;
	v5 =	vadd.f32 v42, v5;
	v23 =	vor.u32 v0, v2;
	v26 =	vor.u32 v0, v1;
	v0 =	vld [tilespmem:$0x1FDF0]  }
0x1d1: {  	v3 =	vadd.f32 v54, v3;
	v39 =	vmul.f32 v39, v39;
	v33 =	vmul.f32 v14, v14;
	v14 =	vld.idx.msk [tilespmem:v22+s15+$0x0], $0xffff  }
0x1d2: {  	v59 =	vmov v58;
	v54 =	vmul.f32 v12, v63;
	v5 =	vadd.f32 v48, v5  }
0x1d3: {  	v58 =	vmovc v44;
	v44 =	vmovc v45;
	v45 =	vmov v25;
	v3 =	vadd.f32 v39, v3;
	v42 =	vmul.f32 v17, v17  }
0x1d4: {  	v25 =	vor.u32 v29, v1;
	v17 =	vld.idx.msk [tilespmem:v24+s15+$0x0], $0xffff;
	v36 =	vmul.f32 v11, v15;
	v5 =	vadd.f32 v54, v5  }
0x1d5: {  	v3 =	vadd.f32 v47, v3;
	v47 =	vmovc v27;
	v24 =	vor.u32 v0, v2;
	v27 =	vor.u32 v0, v1;
	v0 =	vld [tilespmem:$0x1FE00]  }
0x1d6: {  	v39 =	vmul.f32 v9, v18;
	v48 =	vmul.f32 v14, v19;
	v5 =	vadd.f32 v36, v5;
	_ =	sdelay $0x1  }
0x1d7: {  	v5 =	vadd.f32 v39, v5  }
0x1d8: {  	v54 =	vmul.f32 v13, v13;
	v13 =	vld.idx.msk [tilespmem:v25+s15+$0x0], $0xffff  }
0x1d9: {  	v5 =	vadd.f32 v48, v5;
	v48 =	vmovc v28;
	v25 =	vor.u32 v0, v2;
	v28 =	vor.u32 v0, v1;
	v0 =	vld [tilespmem:$0x1FE10];
	_ =	sdelay $0x3  }
0x1da: {  	v36 =	vmul.f32 v16, v16;
	v16 =	vld.idx.msk [tilespmem:v26+s15+$0x0], $0xffff  }
0x1db: {  	v22 =	vor.u32 v29, v2;
	v26 =	vor.u32 v0, v2;
	v29 =	vor.u32 v0, v1;
	v0 =	vld [tilespmem:$0x1FE20];
	_ =	sdelay $0x1  }
0x1dc: {  	v20 =	vld.idx.msk [tilespmem:v20+s12+$0x0], $0xffff;
	v3 =	vadd.f32 v33, v3  }
0x1dd: {  	v21 =	vld.idx.msk [tilespmem:v21+s12+$0x0], $0xffff  }
0x1de: {  	v3 =	vadd.f32 v42, v3;
	v39 =	vmul.f32 v10, v10;
	v10 =	vld.idx.msk [tilespmem:v27+s15+$0x0], $0xffff  }
0x1df: {  	v42 =	vmovc v50;
	v50 =	vmov v30;
	v27 =	vor.u32 v0, v2;
	v30 =	vor.u32 v0, v1;
	v0 =	vld [tilespmem:$0x1FE30];
	_ =	sdelay $0x1  }
0x1e0: {  	v22 =	vld.idx.msk [tilespmem:v22+s12+$0x0], $0xffff  }
0x1e1: {  	v33 =	vmul.f32 v8, v20  }
0x1e2: {  	v41 =	vmovc v51;
	v4 =	vadd.f32 v37, v4;
	v37 =	vmul.f32 v17, v21;
	v3 =	vadd.f32 v36, v3  }
0x1e3: {  	v51 =	vmovc v31;
	v5 =	vadd.f32 v33, v5;
	v36 =	vor.u32 v0, v2;
	v31 =	vor.u32 v0, v1;
	v0 =	vld [tilespmem:$0x1FE40];
	_ =	sdelay $0x1  }
0x1e4: {  	v4 =	vadd.f32 v54, v4;
	v54 =	vmul.f32 v13, v22;
	v5 =	vadd.f32 v37, v5  }
0x1e5: {  	v23 =	vld.idx.msk [tilespmem:v23+s12+$0x0], $0xffff  }
0x1e6: {  	v5 =	vadd.f32 v54, v5;
	v54 =	vmul.f32 v15, v15;
	v15 =	vld.idx.msk [tilespmem:v29+s15+$0x0], $0xffff  }
0x1e7: {  	v40 =	vmul.f32 v12, v12;
	v29 =	vor.u32 v0, v2;
	v12 =	vor.u32 v0, v1;
	v0 =	vld [tilespmem:$0x1FE50];
	_ =	sdelay $0x1  }
0x1e8: {  	v24 =	vld.idx.msk [tilespmem:v24+s12+$0x0], $0xffff  }
0x1e9: {  	v25 =	vld.idx.msk [tilespmem:v25+s12+$0x0], $0xffff  }
0x1ea: {  	v4 =	vadd.f32 v39, v4;
	v33 =	vmul.f32 v63, v63;
	v39 =	vmov v52;
	v28 =	vld.idx.msk [tilespmem:v28+s15+$0x0], $0xffff  }
0x1eb: {  	v52 =	vmovc v32;
	v37 =	vmul.f32 v16, v23;
	v63 =	vor.u32 v0, v2;
	v32 =	vor.u32 v0, v1;
	v0 =	vld [tilespmem:$0x1FE60]  }
0x1ec: {  	v3 =	vadd.f32 v33, v3;
	v26 =	vld.idx.msk [tilespmem:v26+s12+$0x0], $0xffff  }
0x1ed: {  	v33 =	vmul.f32 v10, v24;
	v5 =	vadd.f32 v37, v5;
	v27 =	vld.idx.msk [tilespmem:v27+s12+$0x0], $0xffff  }
0x1ee: {  	v18 =	vmul.f32 v18, v18;
	v3 =	vadd.f32 v54, v3;
	v6 =	vld.idx.msk [tilespmem:v30+s15+$0x0], $0xffff  }
0x1ef: {  	v5 =	vadd.f32 v33, v5;
	v30 =	vld.idx.msk [tilespmem:v36+s12+$0x0], $0xffff  }
0x1f0: {  	v3 =	vadd.f32 v18, v3;
	v33 =	vor.u32 v0, v2;
	v18 =	vor.u32 v0, v1;
	v0 =	vld [tilespmem:$0x1FE70]  }
0x1f1: {  	v11 =	vmul.f32 v11, v11;
	v31 =	vld.idx.msk [tilespmem:v31+s15+$0x0], $0xffff  }
0x1f2: {  	v4 =	vadd.f32 v40, v4;
	v54 =	vmov v34;
	v7 =	vmul.f32 v28, v25;
	v34 =	vld.idx.msk [tilespmem:v63+s12+$0x0], $0xffff  }
0x1f3: {  	v63 =	vld [tilespmem:$0x1FE80]  }
0x1f4: {  	v4 =	vadd.f32 v11, v4;
	v5 =	vadd.f32 v7, v5;
	v36 =	vmul.f32 v15, v26;
	v11 =	vld.idx.msk [tilespmem:v29+s12+$0x0], $0xffff  }
0x1f5: {  	v40 =	vmovc v55;
	v55 =	vmov v35;
	v29 =	vor.u32 v0, v2;
	v35 =	vor.u32 v0, v1;
	v0 =	vld [tilespmem:$0x1FE90]  }
0x1f6: {  	v37 =	vmul.f32 v6, v27;
	v5 =	vadd.f32 v36, v5;
	v12 =	vld.idx.msk [tilespmem:v12+s15+$0x0], $0xffff  }
0x1f7: {  	v9 =	vmul.f32 v9, v9;
	v19 =	vmul.f32 v19, v19  }
0x1f8: {  	v5 =	vadd.f32 v37, v5;
	v7 =	vmul.f32 v31, v30;
	v32 =	vld.idx.msk [tilespmem:v32+s15+$0x0], $0xffff;
	v36 =	vor.u32 v63, v2  }
0x1f9: {  	v4 =	vadd.f32 v9, v4;
	v3 =	vadd.f32 v19, v3;
	v9 =	vld.idx.msk [tilespmem:v33+s12+$0x0], $0xffff;
	v19 =	vor.u32 v63, v1  }
0x1fa: {  	v14 =	vmul.f32 v14, v14;
	v5 =	vadd.f32 v7, v5;
	v7 =	vld.idx.msk [tilespmem:v18+s15+$0x0], $0xffff;
	v18 =	vor.u32 v0, v2  }
0x1fb: {  	v33 =	vmul.f32 v12, v11;
	v29 =	vld.idx.msk [tilespmem:v29+s12+$0x0], $0xffff;
	v37 =	vor.u32 v0, v1;
	v0 =	vor.u32 $0x3F, v38  }
0x1fc: {  	v4 =	vadd.f32 v14, v4;
	v14 =	vmul.f32 v20, v20;
	v20 =	vld.idx.msk [tilespmem:v35+s15+$0x0], $0xffff;
	v2 =	vor.u32 v0, v2  }
0x1fd: {  	v5 =	vadd.f32 v33, v5;
	v33 =	vmul.f32 v32, v34;
	v35 =	vld.idx.msk [tilespmem:v36+s12+$0x0], $0xffff;
	v1 =	vor.u32 v0, v1  }
0x1fe: {  	v8 =	vmul.f32 v8, v8;
	v3 =	vadd.f32 v14, v3;
	v36 =	vmul.f32 v21, v21;
	v19 =	vld.idx.msk [tilespmem:v19+s15+$0x0], $0xffff  }
0x1ff: {  	v5 =	vadd.f32 v33, v5;
	v21 =	vmul.f32 v7, v9;
	v18 =	vld.idx.msk [tilespmem:v18+s12+$0x0], $0xffff  }
0x200: {  	v4 =	vadd.f32 v8, v4;
	v3 =	vadd.f32 v36, v3;
	v36 =	vmul.f32 v17, v17;
	v14 =	vld.idx.msk [tilespmem:v37+s15+$0x0], $0xffff  }
0x201: {  	v17 =	vmul.f32 v22, v22;
	v5 =	vadd.f32 v21, v5;
	v21 =	vmul.f32 v20, v29;
	v22 =	vld.idx.msk [tilespmem:v2+s12+$0x0], $0xffff  }
0x202: {  	v2 =	vadd.f32 v36, v4;
	v4 =	vmul.f32 v13, v13;
	v8 =	vld.idx.msk [tilespmem:v1+s15+$0x0], $0xffff  }
0x203: {  	v1 =	vadd.f32 v17, v3;
	v3 =	vadd.f32 v21, v5;
	v5 =	vmul.f32 v19, v35  }
0x204: {  	v2 =	vadd.f32 v4, v2;
	v4 =	vmul.f32 v23, v23  }
0x205: {  	v33 =	vmul.f32 v16, v16;
	v3 =	vadd.f32 v5, v3;
	v5 =	vmul.f32 v14, v18  }
0x206: {  	v10 =	vmul.f32 v10, v10;
	v1 =	vadd.f32 v4, v1;
	v4 =	vmul.f32 v24, v24  }
0x207: {  	v37 =	vld [tilespmem:$0x1FFA0];
	v2 =	vadd.f32 v33, v2;
	v3 =	vadd.f32 v5, v3;
	v5 =	vmul.f32 v8, v22  }
0x208: {  	v17 =	vld [tilespmem:$0x1FF50];
	v1 =	vadd.f32 v4, v1;
	v4 =	vmul.f32 v25, v25  }
0x209: {  	v36 =	vld [tilespmem:$0x1FF90];
	v2 =	vadd.f32 v10, v2;
	v3 =	vadd.f32 v5, v3;
	v5 =	vmul.f32 v28, v28  }
0x20a: {  	[tilespmem:$0x1FD70] =	vst v0;
	v21 =	vld [tilespmem:$0x1FF40];
	v1 =	vadd.f32 v4, v1;
	v4 =	vmul.f32 v26, v26  }
0x20b: {  	v23 =	vld [tilespmem:$0x1FFB0];
	v2 =	vadd.f32 v5, v2;
	[tilespmem:s25+$0x10400] =	vst v3;
	v3 =	vmul.f32 v15, v15  }
0x20c: {  	v24 =	vmov v62;
	v62 =	vld [tilespmem:$0x1FFF0];
	v1 =	vadd.f32 v4, v1;
	v4 =	vmul.f32 v27, v27;
	_ =	swait.ge [sflag:s19], $0x4000  }
0x20d: {  	v2 =	vadd.f32 v3, v2;
	v3 =	vmul.f32 v6, v6;
	[sflag:s19] =	ssyncset.done $0x0  }
0x20e: {  	v1 =	vadd.f32 v4, v1;
	v4 =	vmul.f32 v30, v30;
	[sflag:s19] =	ssyncadd.s32 $0xFFFFC000  }
0x20f: {  	v2 =	vadd.f32 v3, v2;
	v3 =	vmul.f32 v31, v31;
	_ =	swait.ge [sflag:s19], $0x4000  }
0x210: {  	v1 =	vadd.f32 v4, v1;
	v4 =	vmul.f32 v11, v11;
	[sflag:s19] =	ssyncset.done $0x0  }
0x211: {  	v2 =	vadd.f32 v3, v2;
	v3 =	vmul.f32 v12, v12;
	[sflag:s19] =	ssyncadd.s32 $0xFFFFC000  }
0x212: {  	v1 =	vadd.f32 v4, v1;
	v5 =	vld [tilespmem:s25+$0x10]  }
0x213: {  	v4 =	vmul.f32 v34, v34;
	v2 =	vadd.f32 v3, v2;
	v3 =	vmul.f32 v32, v32;
	_ =	sdelay $0x1  }
0x214: {  	v0 =	vmovc v49;
	v49 =	vld [tilespmem:s25+$0x210];
	v1 =	vadd.f32 v4, v1;
	v2 =	vadd.f32 v3, v2;
	v3 =	vmul.f32 v9, v9;
	_ =	sdelay $0x1  }
0x215: {  	v3 =	vadd.f32 v3, v1;
	v1 =	vshll.u32 v5, $0x7;
	v5 =	vmul.f32 v29, v29  }
0x216: {  	v15 =	vmul.f32 v19, v19;
	v19 =	vld [tilespmem:$0x1FF60];
	v4 =	vmul.f32 v7, v7  }
0x217: {  	v33 =	vmov v61;
	v61 =	vmul.f32 v20, v20;
	v3 =	vadd.f32 v5, v3;
	v5 =	vld [tilespmem:$0x1FF60]  }
0x218: {  	v4 =	vadd.f32 v4, v2;
	v2 =	vshll.u32 v49, $0x7;
	v1 =	vand.u32 $0x380, v1  }
0x219: {  	v49 =	vld [tilespmem:$0x1FF30];
	v2 =	vand.u32 $0x380, v2;
	v12 =	vor.u32 v38, v1  }
0x21a: {  	v9 =	vor.u32 v38, v2;
	v4 =	vadd.f32 v61, v4;
	v61 =	vmul.f32 v18, v18;
	v18 =	vld [tilespmem:$0x1FF30]  }
0x21b: {  	v11 =	vor.u32 v19, v2  }
0x21c: {  	v20 =	vld [tilespmem:$0x1FF20];
	v5 =	vor.u32 v5, v1  }
0x21d: {  	v13 =	vmul.f32 v35, v35  }
0x21e: {  	v7 =	vor.u32 v49, v1;
	v6 =	vld.idx.msk [tilespmem:v12+s16+$0x0], $0xffff  }
0x21f: {  	v3 =	vadd.f32 v13, v3;
	v9 =	vld.idx.msk [tilespmem:v9+s17+$0x0], $0xffff;
	v13 =	vor.u32 v18, v2  }
0x220: {  	v30 =	vmovc v50;
	v50 =	vmov v42;
	v42 =	vmul.f32 v14, v14;
	v4 =	vadd.f32 v15, v4;
	v10 =	vld.idx.msk [tilespmem:v11+s17+$0x0], $0xffff  }
0x221: {  	v49 =	vmul.f32 v22, v22;
	v3 =	vadd.f32 v61, v3;
	v12 =	vor.u32 v20, v1;
	v5 =	vld.idx.msk [tilespmem:v5+s16+$0x0], $0xffff  }
0x222: {  	v14 =	vor.u32 v20, v2;
	v22 =	vld [tilespmem:$0x1FEE0]  }
0x223: {  	v8 =	vmul.f32 v8, v8;
	v4 =	vadd.f32 v42, v4;
	v3 =	vadd.f32 v49, v3;
	v7 =	vld.idx.msk [tilespmem:v7+s16+$0x0], $0xffff  }
0x224: {  	v61 =	vmul.f32 v9, v6;
	v11 =	vld.idx.msk [tilespmem:v13+s17+$0x0], $0xffff;
	v6 =	vmul.f32 v6, v6;
	v13 =	vor.u32 v17, v1  }
0x225: {  	v16 =	vor.u32 v17, v2;
	v4 =	vadd.f32 v8, v4;
	v9 =	vmul.f32 v9, v9  }
0x226: {  	v8 =	vadd.f32 $0.0e+00, v61;
	v3 =	vadd.f32 v6, v3;
	v6 =	vld.idx.msk [tilespmem:v12+s16+$0x0], $0xffff;
	v49 =	vmul.f32 v10, v5  }
0x227: {  	v4 =	vadd.f32 v9, v4;
	v9 =	vld.idx.msk [tilespmem:v14+s17+$0x0], $0xffff;
	v12 =	vor.u32 v22, v1;
	v5 =	vmul.f32 v5, v5  }
0x228: {  	v15 =	vor.u32 v22, v2;
	v10 =	vmul.f32 v10, v10;
	v8 =	vadd.f32 v49, v8  }
0x229: {  	v49 =	vmul.f32 v11, v7;
	v3 =	vadd.f32 v5, v3;
	v5 =	vmul.f32 v7, v7;
	v7 =	vld.idx.msk [tilespmem:v13+s16+$0x0], $0xffff  }
0x22a: {  	v4 =	vadd.f32 v10, v4;
	v10 =	vld.idx.msk [tilespmem:v16+s17+$0x0], $0xffff;
	v13 =	vor.u32 v23, v1;
	v16 =	vor.u32 v59, v1  }
0x22b: {  	v25 =	vmovc v45;
	v3 =	vadd.f32 v5, v3;
	v5 =	vmul.f32 v11, v11;
	v11 =	vor.u32 v23, v2  }
0x22c: {  	v12 =	vld.idx.msk [tilespmem:v12+s16+$0x0], $0xffff;
	v8 =	vadd.f32 v49, v8;
	v49 =	vmul.f32 v9, v6;
	v6 =	vmul.f32 v6, v6  }
0x22d: {  	v4 =	vadd.f32 v5, v4;
	v5 =	vmul.f32 v9, v9;
	v9 =	vld.idx.msk [tilespmem:v15+s17+$0x0], $0xffff;
	v15 =	vor.u32 v59, v2  }
0x22e: {  	v8 =	vadd.f32 v49, v8;
	v3 =	vadd.f32 v6, v3;
	v59 =	vor.u32 v25, v1  }
0x22f: {  	v6 =	vld.idx.msk [tilespmem:v13+s16+$0x0], $0xffff;
	v4 =	vadd.f32 v5, v4;
	v5 =	vmul.f32 v10, v7;
	v7 =	vmul.f32 v7, v7  }
0x230: {  	v14 =	vor.u32 v25, v2;
	v10 =	vmul.f32 v10, v10;
	v11 =	vld.idx.msk [tilespmem:v11+s17+$0x0], $0xffff  }
0x231: {  	v26 =	vmov v46;
	v5 =	vadd.f32 v5, v8;
	v8 =	vld.idx.msk [tilespmem:v16+s16+$0x0], $0xffff;
	v3 =	vadd.f32 v7, v3  }
0x232: {  	v4 =	vadd.f32 v10, v4;
	v49 =	vmul.f32 v9, v12;
	v10 =	vld.idx.msk [tilespmem:v15+s17+$0x0], $0xffff;
	v12 =	vmul.f32 v12, v12  }
0x233: {  	v27 =	vmov v47;
	v29 =	vld [tilespmem:$0x1FF80];
	v13 =	vor.u32 v26, v2  }
0x234: {  	v9 =	vmul.f32 v9, v9;
	v15 =	vor.u32 v26, v1;
	v7 =	vld.idx.msk [tilespmem:v59+s16+$0x0], $0xffff;
	v3 =	vadd.f32 v12, v3  }
0x235: {  	v12 =	vld.idx.msk [tilespmem:v14+s17+$0x0], $0xffff;
	v14 =	vor.u32 v27, v1;
	v59 =	vmul.f32 v11, v6;
	v6 =	vmul.f32 v6, v6  }
0x236: {  	v16 =	vor.u32 v27, v2;
	v4 =	vadd.f32 v9, v4;
	v11 =	vmul.f32 v11, v11  }
0x237: {  	v28 =	vmovc v48;
	v5 =	vadd.f32 v49, v5;
	v49 =	vmul.f32 v10, v8;
	v3 =	vadd.f32 v6, v3  }
0x238: {  	v9 =	vld.idx.msk [tilespmem:v13+s17+$0x0], $0xffff;
	v4 =	vadd.f32 v11, v4;
	v8 =	vmul.f32 v8, v8;
	v11 =	vor.u32 v28, v1  }
0x239: {  	v5 =	vadd.f32 v59, v5;
	v6 =	vld.idx.msk [tilespmem:v15+s16+$0x0], $0xffff;
	v10 =	vmul.f32 v10, v10;
	v15 =	vor.u32 v28, v2  }
0x23a: {  	v13 =	vor.u32 v29, v1;
	v3 =	vadd.f32 v8, v3;
	v8 =	vld.idx.msk [tilespmem:v14+s16+$0x0], $0xffff  }
0x23b: {  	v5 =	vadd.f32 v49, v5;
	v4 =	vadd.f32 v10, v4;
	v10 =	vld.idx.msk [tilespmem:v16+s17+$0x0], $0xffff;
	v49 =	vmul.f32 v12, v12  }
0x23c: {  	v31 =	vmovc v51;
	v59 =	vmul.f32 v12, v7;
	v7 =	vmul.f32 v7, v7;
	v12 =	vor.u32 v29, v2  }
0x23d: {  	v16 =	vor.u32 v30, v1;
	v4 =	vadd.f32 v49, v4;
	v49 =	vmul.f32 v9, v9;
	v11 =	vld.idx.msk [tilespmem:v11+s16+$0x0], $0xffff  }
0x23e: {  	v5 =	vadd.f32 v59, v5;
	v3 =	vadd.f32 v7, v3;
	v59 =	vmul.f32 v9, v6;
	v9 =	vld.idx.msk [tilespmem:v15+s17+$0x0], $0xffff  }
0x23f: {  	v32 =	vmovc v52;
	v6 =	vmul.f32 v6, v6;
	v15 =	vor.u32 v30, v2;
	v4 =	vadd.f32 v49, v4  }
0x240: {  	v7 =	vld.idx.msk [tilespmem:v13+s16+$0x0], $0xffff;
	v49 =	vor.u32 v31, v1;
	v5 =	vadd.f32 v59, v5;
	v59 =	vmul.f32 v10, v8  }
0x241: {  	v14 =	vor.u32 v31, v2;
	v3 =	vadd.f32 v6, v3;
	v8 =	vmul.f32 v8, v8;
	v12 =	vld.idx.msk [tilespmem:v12+s17+$0x0], $0xffff  }
0x242: {  	v13 =	vor.u32 v32, v2;
	v10 =	vmul.f32 v10, v10;
	v5 =	vadd.f32 v59, v5  }
0x243: {  	v6 =	vld.idx.msk [tilespmem:v16+s16+$0x0], $0xffff;
	v3 =	vadd.f32 v8, v3;
	v59 =	vmul.f32 v9, v11;
	v11 =	vmul.f32 v11, v11  }
0x244: {  	v35 =	vmov v55;
	v4 =	vadd.f32 v10, v4;
	v10 =	vld.idx.msk [tilespmem:v15+s17+$0x0], $0xffff;
	v15 =	vor.u32 v32, v1  }
0x245: {  	v9 =	vmul.f32 v9, v9;
	v8 =	vld.idx.msk [tilespmem:v49+s16+$0x0], $0xffff;
	v5 =	vadd.f32 v59, v5;
	v3 =	vadd.f32 v11, v3  }
0x246: {  	v49 =	vmul.f32 v12, v7;
	v11 =	vld.idx.msk [tilespmem:v14+s17+$0x0], $0xffff;
	v7 =	vmul.f32 v7, v7;
	v14 =	vor.u32 v53, v1  }
0x247: {  	v34 =	vmovc v54;
	v16 =	vor.u32 v53, v2;
	v4 =	vadd.f32 v9, v4;
	v12 =	vmul.f32 v12, v12  }
0x248: {  	v9 =	vld.idx.msk [tilespmem:v13+s17+$0x0], $0xffff;
	v13 =	vor.u32 v35, v1;
	v5 =	vadd.f32 v49, v5;
	v3 =	vadd.f32 v7, v3  }
0x249: {  	v4 =	vadd.f32 v12, v4;
	v12 =	vor.u32 v34, v1;
	v59 =	vmul.f32 v10, v6;
	v7 =	vld.idx.msk [tilespmem:v15+s16+$0x0], $0xffff  }
0x24a: {  	v6 =	vmul.f32 v6, v6;
	v10 =	vmul.f32 v10, v10;
	v15 =	vor.u32 v34, v2  }
0x24b: {  	v5 =	vadd.f32 v59, v5;
	v49 =	vmul.f32 v11, v8;
	v59 =	vmul.f32 v8, v8;
	v8 =	vld.idx.msk [tilespmem:v14+s16+$0x0], $0xffff  }
0x24c: {  	v3 =	vadd.f32 v6, v3;
	v4 =	vadd.f32 v10, v4;
	v10 =	vld.idx.msk [tilespmem:v16+s17+$0x0], $0xffff;
	v16 =	vor.u32 v56, v1  }
0x24d: {  	v52 =	vmovc v39;
	v39 =	vld [tilespmem:$0x1FEA0];
	v5 =	vadd.f32 v49, v5;
	v49 =	vmul.f32 v11, v11;
	v11 =	vor.u32 v35, v2  }
0x24e: {  	v3 =	vadd.f32 v59, v3;
	v12 =	vld.idx.msk [tilespmem:v12+s16+$0x0], $0xffff;
	v14 =	vmul.f32 v9, v7;
	v7 =	vmul.f32 v7, v7  }
0x24f: {  	v6 =	vmul.f32 v9, v9;
	v9 =	vld.idx.msk [tilespmem:v15+s17+$0x0], $0xffff;
	v15 =	vor.u32 v56, v2;
	v4 =	vadd.f32 v49, v4  }
0x250: {  	v46 =	vmovc v43;
	v43 =	vmov v38;
	v38 =	vld [tilespmem:$0x1FEC0];
	v5 =	vadd.f32 v14, v5;
	v3 =	vadd.f32 v7, v3  }
0x251: {  	v7 =	vld.idx.msk [tilespmem:v13+s16+$0x0], $0xffff;
	v13 =	vor.u32 v57, v1;
	v4 =	vadd.f32 v6, v4;
	v6 =	vmul.f32 v10, v8  }
0x252: {  	v14 =	vor.u32 v57, v2;
	v8 =	vmul.f32 v8, v8;
	v10 =	vmul.f32 v10, v10;
	v11 =	vld.idx.msk [tilespmem:v11+s17+$0x0], $0xffff  }
0x253: {  	v5 =	vadd.f32 v6, v5;
	v6 =	vld.idx.msk [tilespmem:v16+s16+$0x0], $0xffff  }
0x254: {  	v3 =	vadd.f32 v8, v3;
	v4 =	vadd.f32 v10, v4;
	v8 =	vmul.f32 v9, v12;
	v10 =	vld.idx.msk [tilespmem:v15+s17+$0x0], $0xffff  }
0x255: {  	v48 =	vld [tilespmem:$0x1FF00];
	v12 =	vmul.f32 v12, v12;
	v9 =	vmul.f32 v9, v9;
	v15 =	vor.u32 v38, v1  }
0x256: {  	v5 =	vadd.f32 v8, v5;
	v8 =	vld.idx.msk [tilespmem:v13+s16+$0x0], $0xffff;
	v13 =	vor.u32 v38, v2  }
0x257: {  	v3 =	vadd.f32 v12, v3;
	v4 =	vadd.f32 v9, v4;
	v12 =	vld.idx.msk [tilespmem:v14+s17+$0x0], $0xffff;
	v9 =	vmul.f32 v11, v7  }
0x258: {  	v14 =	vor.u32 v39, v1;
	v7 =	vmul.f32 v7, v7;
	v11 =	vmul.f32 v11, v11  }
0x259: {  	v42 =	vld [tilespmem:$0x1FED0];
	v16 =	vor.u32 v39, v2;
	v5 =	vadd.f32 v9, v5;
	v9 =	vmul.f32 v10, v6  }
0x25a: {  	v3 =	vadd.f32 v7, v3;
	v4 =	vadd.f32 v11, v4;
	v7 =	vld.idx.msk [tilespmem:v15+s16+$0x0], $0xffff  }
0x25b: {  	v6 =	vmul.f32 v6, v6;
	v11 =	vor.u32 v48, v1;
	v5 =	vadd.f32 v9, v5;
	v9 =	vld.idx.msk [tilespmem:v13+s17+$0x0], $0xffff  }
0x25c: {  	v10 =	vmul.f32 v10, v10;
	v15 =	vor.u32 v48, v2;
	v13 =	vmul.f32 v12, v8  }
0x25d: {  	v3 =	vadd.f32 v6, v3;
	v6 =	vmul.f32 v8, v8;
	v8 =	vld.idx.msk [tilespmem:v14+s16+$0x0], $0xffff  }
0x25e: {  	v4 =	vadd.f32 v10, v4;
	v10 =	vld.idx.msk [tilespmem:v16+s17+$0x0], $0xffff;
	v5 =	vadd.f32 v13, v5;
	v13 =	vor.u32 v21, v1  }
0x25f: {  	v47 =	vld [tilespmem:$0x1FF10];
	v3 =	vadd.f32 v6, v3;
	v6 =	vmul.f32 v12, v12;
	v12 =	vor.u32 v21, v2  }
0x260: {  	v16 =	vor.u32 v42, v1;
	v11 =	vld.idx.msk [tilespmem:v11+s16+$0x0], $0xffff;
	v14 =	vmul.f32 v9, v7;
	v7 =	vmul.f32 v7, v7  }
0x261: {  	v4 =	vadd.f32 v6, v4;
	v6 =	vmul.f32 v9, v9;
	v9 =	vld.idx.msk [tilespmem:v15+s17+$0x0], $0xffff;
	v15 =	vor.u32 v42, v2  }
0x262: {  	v55 =	vmov v40;
	v40 =	vld [tilespmem:$0x1FEB0];
	v5 =	vadd.f32 v14, v5;
	v3 =	vadd.f32 v7, v3  }
0x263: {  	v4 =	vadd.f32 v6, v4;
	v6 =	vmul.f32 v10, v8;
	v7 =	vld.idx.msk [tilespmem:v13+s16+$0x0], $0xffff;
	v13 =	vor.u32 v37, v1  }
0x264: {  	v8 =	vmul.f32 v8, v8;
	v10 =	vmul.f32 v10, v10;
	v12 =	vld.idx.msk [tilespmem:v12+s17+$0x0], $0xffff;
	v14 =	vor.u32 v37, v2  }
0x265: {  	v5 =	vadd.f32 v6, v5;
	v6 =	vld.idx.msk [tilespmem:v16+s16+$0x0], $0xffff  }
0x266: {  	v3 =	vadd.f32 v8, v3;
	v4 =	vadd.f32 v10, v4;
	v8 =	vmul.f32 v9, v11;
	v10 =	vld.idx.msk [tilespmem:v15+s17+$0x0], $0xffff  }
0x267: {  	v11 =	vmul.f32 v11, v11;
	v9 =	vmul.f32 v9, v9;
	v15 =	vor.u32 v40, v1  }
0x268: {  	v5 =	vadd.f32 v8, v5;
	v8 =	vld.idx.msk [tilespmem:v13+s16+$0x0], $0xffff;
	v13 =	vor.u32 v40, v2  }
0x269: {  	v3 =	vadd.f32 v11, v3;
	v4 =	vadd.f32 v9, v4;
	v9 =	vmul.f32 v12, v7;
	v11 =	vld.idx.msk [tilespmem:v14+s17+$0x0], $0xffff  }
0x26a: {  	v7 =	vmul.f32 v7, v7;
	v12 =	vmul.f32 v12, v12;
	v14 =	vor.u32 v47, v1  }
0x26b: {  	v51 =	vmovc v41;
	v41 =	vld [tilespmem:$0x1FEF0];
	v16 =	vor.u32 v47, v2;
	v5 =	vadd.f32 v9, v5;
	v9 =	vmul.f32 v10, v6  }
0x26c: {  	v3 =	vadd.f32 v7, v3;
	v4 =	vadd.f32 v12, v4;
	v7 =	vld.idx.msk [tilespmem:v15+s16+$0x0], $0xffff  }
0x26d: {  	v12 =	vor.u32 v33, v1;
	v6 =	vmul.f32 v6, v6;
	v5 =	vadd.f32 v9, v5;
	v9 =	vld.idx.msk [tilespmem:v13+s17+$0x0], $0xffff  }
0x26e: {  	v10 =	vmul.f32 v10, v10;
	v15 =	vor.u32 v33, v2;
	v13 =	vmul.f32 v11, v8  }
0x26f: {  	v45 =	vmov v44;
	v3 =	vadd.f32 v6, v3;
	v6 =	vmul.f32 v8, v8;
	v8 =	vld.idx.msk [tilespmem:v14+s16+$0x0], $0xffff  }
0x270: {  	v4 =	vadd.f32 v10, v4;
	v10 =	vld.idx.msk [tilespmem:v16+s17+$0x0], $0xffff;
	v5 =	vadd.f32 v13, v5;
	v13 =	vor.u32 v45, v1  }
0x271: {  	v3 =	vadd.f32 v6, v3;
	v6 =	vmul.f32 v11, v11;
	v11 =	vor.u32 v45, v2  }
0x272: {  	v16 =	vor.u32 v41, v1;
	v12 =	vld.idx.msk [tilespmem:v12+s16+$0x0], $0xffff;
	v14 =	vmul.f32 v9, v7;
	v7 =	vmul.f32 v7, v7  }
0x273: {  	v4 =	vadd.f32 v6, v4;
	v6 =	vmul.f32 v9, v9;
	v9 =	vld.idx.msk [tilespmem:v15+s17+$0x0], $0xffff;
	v15 =	vor.u32 v41, v2  }
0x274: {  	v54 =	vld [tilespmem:$0x1FF70];
	v5 =	vadd.f32 v14, v5;
	v3 =	vadd.f32 v7, v3  }
0x275: {  	v4 =	vadd.f32 v6, v4;
	v6 =	vmul.f32 v10, v8;
	v7 =	vld.idx.msk [tilespmem:v13+s16+$0x0], $0xffff;
	v13 =	vor.u32 v46, v1  }
0x276: {  	v8 =	vmul.f32 v8, v8;
	v10 =	vmul.f32 v10, v10;
	v11 =	vld.idx.msk [tilespmem:v11+s17+$0x0], $0xffff;
	v14 =	vor.u32 v46, v2  }
0x277: {  	v5 =	vadd.f32 v6, v5;
	v6 =	vld.idx.msk [tilespmem:v16+s16+$0x0], $0xffff  }
0x278: {  	v3 =	vadd.f32 v8, v3;
	v4 =	vadd.f32 v10, v4;
	v8 =	vmul.f32 v9, v12;
	v10 =	vld.idx.msk [tilespmem:v15+s17+$0x0], $0xffff  }
0x279: {  	v12 =	vmul.f32 v12, v12;
	v9 =	vmul.f32 v9, v9;
	v15 =	vor.u32 v54, v1  }
0x27a: {  	v5 =	vadd.f32 v8, v5;
	v8 =	vld.idx.msk [tilespmem:v13+s16+$0x0], $0xffff;
	v13 =	vor.u32 v54, v2  }
0x27b: {  	v3 =	vadd.f32 v12, v3;
	v4 =	vadd.f32 v9, v4;
	v9 =	vmul.f32 v11, v7;
	v12 =	vld.idx.msk [tilespmem:v14+s17+$0x0], $0xffff  }
0x27c: {  	v7 =	vmul.f32 v7, v7;
	v11 =	vmul.f32 v11, v11  }
0x27d: {  	v14 =	vor.u32 v50, v1;
	v5 =	vadd.f32 v9, v5;
	v9 =	vmul.f32 v10, v6  }
0x27e: {  	v16 =	vor.u32 v50, v2;
	v3 =	vadd.f32 v7, v3;
	v7 =	vld.idx.msk [tilespmem:v15+s16+$0x0], $0xffff  }
0x27f: {  	v4 =	vadd.f32 v11, v4;
	v6 =	vmul.f32 v6, v6;
	v5 =	vadd.f32 v9, v5;
	v9 =	vld.idx.msk [tilespmem:v13+s17+$0x0], $0xffff  }
0x280: {  	v11 =	vor.u32 v51, v1;
	v10 =	vmul.f32 v10, v10;
	v13 =	vmul.f32 v12, v8  }
0x281: {  	v15 =	vor.u32 v51, v2;
	v3 =	vadd.f32 v6, v3;
	v6 =	vmul.f32 v8, v8  }
0x282: {  	v8 =	vld.idx.msk [tilespmem:v14+s16+$0x0], $0xffff;
	v4 =	vadd.f32 v10, v4;
	v5 =	vadd.f32 v13, v5  }
0x283: {  	v10 =	vld.idx.msk [tilespmem:v16+s17+$0x0], $0xffff;
	v13 =	vor.u32 v36, v1;
	v3 =	vadd.f32 v6, v3;
	v6 =	vmul.f32 v12, v12  }
0x284: {  	v16 =	vor.u32 v52, v1;
	v12 =	vor.u32 v36, v2;
	v14 =	vmul.f32 v9, v7  }
0x285: {  	v11 =	vld.idx.msk [tilespmem:v11+s16+$0x0], $0xffff;
	v4 =	vadd.f32 v6, v4;
	v7 =	vmul.f32 v7, v7;
	v6 =	vmul.f32 v9, v9  }
0x286: {  	v9 =	vld.idx.msk [tilespmem:v15+s17+$0x0], $0xffff;
	v15 =	vor.u32 v52, v2;
	v5 =	vadd.f32 v14, v5  }
0x287: {  	v3 =	vadd.f32 v7, v3;
	v4 =	vadd.f32 v6, v4  }
0x288: {  	v6 =	vmul.f32 v10, v8;
	v7 =	vld.idx.msk [tilespmem:v13+s16+$0x0], $0xffff;
	v13 =	vor.u32 v24, v1;
	v8 =	vmul.f32 v8, v8  }
0x289: {  	v10 =	vmul.f32 v10, v10;
	v12 =	vld.idx.msk [tilespmem:v12+s17+$0x0], $0xffff;
	v14 =	vor.u32 v24, v2  }
0x28a: {  	v5 =	vadd.f32 v6, v5;
	v6 =	vld.idx.msk [tilespmem:v16+s16+$0x0], $0xffff;
	v3 =	vadd.f32 v8, v3  }
0x28b: {  	v4 =	vadd.f32 v10, v4;
	v8 =	vmul.f32 v9, v11;
	v10 =	vld.idx.msk [tilespmem:v15+s17+$0x0], $0xffff;
	v11 =	vmul.f32 v11, v11  }
0x28c: {  	v9 =	vmul.f32 v9, v9;
	v15 =	vor.u32 v62, v1  }
0x28d: {  	v5 =	vadd.f32 v8, v5;
	v8 =	vld.idx.msk [tilespmem:v13+s16+$0x0], $0xffff;
	v13 =	vor.u32 v62, v2;
	v3 =	vadd.f32 v11, v3  }
0x28e: {  	v4 =	vadd.f32 v9, v4;
	v9 =	vmul.f32 v12, v7;
	v11 =	vld.idx.msk [tilespmem:v14+s17+$0x0], $0xffff;
	v14 =	vor.u32 v55, v1  }
0x28f: {  	v16 =	vor.u32 v55, v2;
	v7 =	vmul.f32 v7, v7;
	v12 =	vmul.f32 v12, v12  }
0x290: {  	v5 =	vadd.f32 v9, v5;
	v9 =	vmul.f32 v10, v6  }
0x291: {  	v3 =	vadd.f32 v7, v3;
	v4 =	vadd.f32 v12, v4;
	v7 =	vld.idx.msk [tilespmem:v15+s16+$0x0], $0xffff;
	v6 =	vmul.f32 v6, v6  }
0x292: {  	v10 =	vmul.f32 v10, v10;
	v15 =	vor.u32 v0, v2;
	v5 =	vadd.f32 v9, v5;
	v9 =	vld.idx.msk [tilespmem:v13+s17+$0x0], $0xffff  }
0x293: {  	v13 =	vmul.f32 v11, v8;
	v3 =	vadd.f32 v6, v3;
	v6 =	vmul.f32 v8, v8;
	v8 =	vld.idx.msk [tilespmem:v14+s16+$0x0], $0xffff  }
0x294: {  	v12 =	vor.u32 v0, v1;
	v4 =	vadd.f32 v10, v4;
	v10 =	vld.idx.msk [tilespmem:v16+s17+$0x0], $0xffff  }
0x295: {  	v44 =	vmov v58;
	v53 =	vld [tilespmem:$0x1FFC0];
	v5 =	vadd.f32 v13, v5;
	v13 =	vor.u32 v58, v1  }
0x296: {  	v49 =	vmovc v56;
	v56 =	vld [tilespmem:$0x1FFD0];
	v3 =	vadd.f32 v6, v3;
	v6 =	vmul.f32 v11, v11;
	v11 =	vor.u32 v58, v2  }
0x297: {  	v14 =	vmul.f32 v9, v7;
	v58 =	vmul.f32 v9, v9;
	v9 =	vld.idx.msk [tilespmem:v15+s17+$0x0], $0xffff;
	v15 =	vor.u32 v60, v2  }
0x298: {  	v59 =	vmovc v57;
	v57 =	vld [tilespmem:$0x1FFE0];
	v16 =	vor.u32 v60, v1;
	v4 =	vadd.f32 v6, v4;
	v7 =	vmul.f32 v7, v7  }
0x299: {  	v12 =	vld.idx.msk [tilespmem:v12+s16+$0x0], $0xffff;
	v6 =	vmul.f32 v10, v8;
	v10 =	vmul.f32 v10, v10  }
0x29a: {  	v3 =	vadd.f32 v7, v3;
	v4 =	vadd.f32 v58, v4;
	v7 =	vld.idx.msk [tilespmem:v13+s16+$0x0], $0xffff;
	v58 =	vor.u32 v53, v1  }
0x29b: {  	v8 =	vmul.f32 v8, v8;
	v5 =	vadd.f32 v14, v5;
	v11 =	vld.idx.msk [tilespmem:v11+s17+$0x0], $0xffff;
	v14 =	vor.u32 v53, v2  }
0x29c: {  	v4 =	vadd.f32 v10, v4;
	v10 =	vld.idx.msk [tilespmem:v15+s17+$0x0], $0xffff;
	v15 =	vor.u32 v56, v1;
	v56 =	vor.u32 v56, v2  }
0x29d: {  	v5 =	vadd.f32 v6, v5;
	v6 =	vld.idx.msk [tilespmem:v16+s16+$0x0], $0xffff  }
0x29e: {  	v61 =	vmovc v17;
	v17 =	vld [tilespmem:$0x1FDC0];
	v3 =	vadd.f32 v8, v3;
	v53 =	vmul.f32 v9, v12;
	v12 =	vmul.f32 v12, v12  }
0x29f: {  	v16 =	vor.u32 v57, v2;
	v9 =	vmul.f32 v9, v9;
	v8 =	vld.idx.msk [tilespmem:v58+s16+$0x0], $0xffff  }
0x2a0: {  	v5 =	vadd.f32 v53, v5;
	v3 =	vadd.f32 v12, v3;
	v58 =	vmul.f32 v11, v7;
	v12 =	vld.idx.msk [tilespmem:v14+s17+$0x0], $0xffff  }
0x2a1: {  	v4 =	vadd.f32 v9, v4;
	v11 =	vmul.f32 v11, v11;
	v9 =	vld.idx.msk [tilespmem:v56+s17+$0x0], $0xffff  }
0x2a2: {  	v5 =	vadd.f32 v58, v5;
	v53 =	vmul.f32 v10, v6;
	v56 =	vld [tilespmem:$0x1FDA0]  }
0x2a3: {  	v14 =	vor.u32 v57, v1;
	v4 =	vadd.f32 v11, v4;
	v10 =	vmul.f32 v10, v10  }
0x2a4: {  	v7 =	vmul.f32 v7, v7;
	v5 =	vadd.f32 v53, v5;
	v53 =	vld [tilespmem:$0x1FDB0]  }
0x2a5: {  	v4 =	vadd.f32 v10, v4;
	v10 =	vld.idx.msk [tilespmem:v16+s17+$0x0], $0xffff;
	v16 =	vor.u32 v17, v1  }
0x2a6: {  	v3 =	vadd.f32 v7, v3;
	v7 =	vld.idx.msk [tilespmem:v15+s16+$0x0], $0xffff;
	v6 =	vmul.f32 v6, v6  }
0x2a7: {  	v11 =	vor.u32 v56, v1;
	v15 =	vor.u32 v56, v2;
	v56 =	vmul.f32 v12, v12  }
0x2a8: {  	v57 =	vmul.f32 v12, v8;
	v58 =	vmul.f32 v8, v8;
	v8 =	vld.idx.msk [tilespmem:v14+s16+$0x0], $0xffff  }
0x2a9: {  	v13 =	vor.u32 v53, v1;
	v4 =	vadd.f32 v56, v4;
	v56 =	vld [tilespmem:$0x1FDD0]  }
0x2aa: {  	v3 =	vadd.f32 v6, v3;
	v12 =	vor.u32 v53, v2;
	v6 =	vld.idx.msk [tilespmem:v16+s16+$0x0], $0xffff  }
0x2ab: {  	v5 =	vadd.f32 v57, v5;
	v57 =	vmul.f32 v9, v7;
	v16 =	vld [tilespmem:$0x1FDE0]  }
0x2ac: {  	v3 =	vadd.f32 v58, v3;
	v7 =	vmul.f32 v7, v7;
	v58 =	vmul.f32 v9, v9;
	v11 =	vld.idx.msk [tilespmem:v11+s16+$0x0], $0xffff  }
0x2ad: {  	v5 =	vadd.f32 v57, v5;
	v53 =	vmul.f32 v10, v8;
	v9 =	vld.idx.msk [tilespmem:v15+s17+$0x0], $0xffff;
	v15 =	vor.u32 v17, v2  }
0x2ae: {  	v3 =	vadd.f32 v7, v3;
	v8 =	vmul.f32 v8, v8;
	v10 =	vmul.f32 v10, v10;
	v7 =	vld.idx.msk [tilespmem:v13+s16+$0x0], $0xffff  }
0x2af: {  	v4 =	vadd.f32 v58, v4;
	v5 =	vadd.f32 v53, v5;
	v57 =	vor.u32 v56, v1;
	v12 =	vld.idx.msk [tilespmem:v12+s17+$0x0], $0xffff  }
0x2b0: {  	v14 =	vor.u32 v56, v2;
	v53 =	vor.u32 v16, v1;
	v56 =	vor.u32 v16, v2;
	v16 =	vld [tilespmem:$0x1FDF0]  }
0x2b1: {  	v3 =	vadd.f32 v8, v3  }
0x2b2: {  	v4 =	vadd.f32 v10, v4;
	v58 =	vmul.f32 v9, v11;
	v10 =	vld.idx.msk [tilespmem:v15+s17+$0x0], $0xffff;
	v11 =	vmul.f32 v11, v11  }
0x2b3: {  	v17 =	vld [tilespmem:$0x1FE20];
	v9 =	vmul.f32 v9, v9  }
0x2b4: {  	v8 =	vld.idx.msk [tilespmem:v57+s16+$0x0], $0xffff;
	v3 =	vadd.f32 v11, v3;
	v57 =	vmul.f32 v12, v7;
	v7 =	vmul.f32 v7, v7  }
0x2b5: {  	v5 =	vadd.f32 v58, v5;
	v11 =	vld.idx.msk [tilespmem:v14+s17+$0x0], $0xffff;
	v14 =	vor.u32 v16, v1;
	v16 =	vor.u32 v16, v2  }
0x2b6: {  	v4 =	vadd.f32 v9, v4;
	v12 =	vmul.f32 v12, v12;
	v3 =	vadd.f32 v7, v3;
	v7 =	vld.idx.msk [tilespmem:v53+s16+$0x0], $0xffff  }
0x2b7: {  	v5 =	vadd.f32 v57, v5;
	v53 =	vld [tilespmem:$0x1FE00];
	v58 =	vmul.f32 v10, v6  }
0x2b8: {  	v4 =	vadd.f32 v12, v4;
	v10 =	vmul.f32 v10, v10  }
0x2b9: {  	v5 =	vadd.f32 v58, v5;
	v58 =	vld [tilespmem:$0x1FE10]  }
0x2ba: {  	v4 =	vadd.f32 v10, v4;
	v10 =	vld.idx.msk [tilespmem:v16+s17+$0x0], $0xffff;
	v16 =	vor.u32 v17, v1  }
0x2bb: {  	v6 =	vmul.f32 v6, v6  }
0x2bc: {  	v9 =	vld.idx.msk [tilespmem:v56+s17+$0x0], $0xffff;
	v12 =	vor.u32 v53, v1;
	v15 =	vor.u32 v53, v2;
	v53 =	vmul.f32 v11, v11  }
0x2bd: {  	v56 =	vmul.f32 v11, v8;
	v57 =	vmul.f32 v8, v8;
	v8 =	vld.idx.msk [tilespmem:v14+s16+$0x0], $0xffff  }
0x2be: {  	v4 =	vadd.f32 v53, v4;
	v53 =	vld [tilespmem:$0x1FE30];
	v13 =	vor.u32 v58, v1  }
0x2bf: {  	v3 =	vadd.f32 v6, v3;
	v11 =	vor.u32 v58, v2;
	v6 =	vld.idx.msk [tilespmem:v16+s16+$0x0], $0xffff  }
0x2c0: {  	v5 =	vadd.f32 v56, v5;
	v16 =	vld [tilespmem:$0x1FE40]  }
0x2c1: {  	v3 =	vadd.f32 v57, v3;
	v56 =	vmul.f32 v9, v7;
	v7 =	vmul.f32 v7, v7;
	v12 =	vld.idx.msk [tilespmem:v12+s16+$0x0], $0xffff  }
0x2c2: {  	v57 =	vmul.f32 v9, v9;
	v9 =	vld.idx.msk [tilespmem:v15+s17+$0x0], $0xffff  }
0x2c3: {  	v3 =	vadd.f32 v7, v3;
	v7 =	vld.idx.msk [tilespmem:v13+s16+$0x0], $0xffff  }
0x2c4: {  	v5 =	vadd.f32 v56, v5;
	v58 =	vmul.f32 v10, v8;
	v56 =	vor.u32 v53, v1;
	v11 =	vld.idx.msk [tilespmem:v11+s17+$0x0], $0xffff  }
0x2c5: {  	v8 =	vmul.f32 v8, v8;
	v15 =	vor.u32 v17, v2  }
0x2c6: {  	v4 =	vadd.f32 v57, v4;
	v5 =	vadd.f32 v58, v5;
	v58 =	vor.u32 v16, v1  }
0x2c7: {  	v3 =	vadd.f32 v8, v3;
	v57 =	vmul.f32 v9, v12;
	v12 =	vmul.f32 v12, v12  }
0x2c8: {  	v10 =	vmul.f32 v10, v10;
	v14 =	vor.u32 v53, v2;
	v53 =	vor.u32 v16, v2;
	v16 =	vld [tilespmem:$0x1FE50]  }
0x2c9: {  	v8 =	vld.idx.msk [tilespmem:v56+s16+$0x0], $0xffff;
	v3 =	vadd.f32 v12, v3;
	v56 =	vmul.f32 v11, v7;
	v7 =	vmul.f32 v7, v7  }
0x2ca: {  	v4 =	vadd.f32 v10, v4;
	v10 =	vld.idx.msk [tilespmem:v15+s17+$0x0], $0xffff  }
0x2cb: {  	v3 =	vadd.f32 v7, v3;
	v7 =	vld.idx.msk [tilespmem:v58+s16+$0x0], $0xffff  }
0x2cc: {  	v58 =	vld [tilespmem:$0x1FE60]  }
0x2cd: {  	v9 =	vmul.f32 v9, v9  }
0x2ce: {  	v5 =	vadd.f32 v57, v5;
	v12 =	vld.idx.msk [tilespmem:v14+s17+$0x0], $0xffff  }
0x2cf: {  	v4 =	vadd.f32 v9, v4;
	v11 =	vmul.f32 v11, v11  }
0x2d0: {  	v14 =	vor.u32 v16, v1;
	v9 =	vld.idx.msk [tilespmem:v53+s17+$0x0], $0xffff;
	v5 =	vadd.f32 v56, v5;
	v57 =	vmul.f32 v10, v6  }
0x2d1: {  	v4 =	vadd.f32 v11, v4;
	v11 =	vor.u32 v58, v1;
	v13 =	vor.u32 v58, v2;
	v58 =	vld [tilespmem:$0x1FE70]  }
0x2d2: {  	v16 =	vor.u32 v16, v2;
	v6 =	vmul.f32 v6, v6  }
0x2d3: {  	v5 =	vadd.f32 v57, v5;
	v15 =	vmul.f32 v12, v8  }
0x2d4: {  	v3 =	vadd.f32 v6, v3;
	v53 =	vmul.f32 v8, v8  }
0x2d5: {  	v10 =	vmul.f32 v10, v10;
	v8 =	vld.idx.msk [tilespmem:v14+s16+$0x0], $0xffff;
	v5 =	vadd.f32 v15, v5  }
0x2d6: {  	v3 =	vadd.f32 v53, v3;
	v53 =	vld [tilespmem:$0x1FE90];
	v57 =	vmul.f32 v9, v7;
	v17 =	vor.u32 v58, v1  }
0x2d7: {  	v4 =	vadd.f32 v10, v4;
	v10 =	vld.idx.msk [tilespmem:v16+s17+$0x0], $0xffff;
	v14 =	vor.u32 v58, v2  }
0x2d8: {  	v5 =	vadd.f32 v57, v5;
	v57 =	vld [tilespmem:$0x1FD70]  }
0x2d9: {  	v56 =	vmul.f32 v12, v12;
	v12 =	vor.u32 v63, v1;
	v11 =	vld.idx.msk [tilespmem:v11+s16+$0x0], $0xffff  }
0x2da: {  	v16 =	vor.u32 v63, v2;
	v7 =	vmul.f32 v7, v7;
	v13 =	vld.idx.msk [tilespmem:v13+s17+$0x0], $0xffff  }
0x2db: {  	v58 =	vmul.f32 v9, v9;
	v9 =	vld.idx.msk [tilespmem:v17+s16+$0x0], $0xffff;
	v17 =	vor.u32 v53, v1  }
0x2dc: {  	v4 =	vadd.f32 v56, v4;
	v3 =	vadd.f32 v7, v3;
	v7 =	vld.idx.msk [tilespmem:v14+s17+$0x0], $0xffff;
	v14 =	vor.u32 v53, v2  }
0x2dd: {  	v56 =	vmul.f32 v10, v8;
	v8 =	vmul.f32 v8, v8;
	v1 =	vor.u32 v57, v1  }
0x2de: {  	v12 =	vld.idx.msk [tilespmem:v12+s16+$0x0], $0xffff;
	v10 =	vmul.f32 v10, v10;
	v4 =	vadd.f32 v58, v4;
	v2 =	vor.u32 v57, v2  }
0x2df: {  	v15 =	vld.idx.msk [tilespmem:v16+s17+$0x0], $0xffff;
	v5 =	vadd.f32 v56, v5;
	v3 =	vadd.f32 v8, v3  }
0x2e0: {  	v4 =	vadd.f32 v10, v4;
	v58 =	vmul.f32 v13, v11;
	v63 =	vmul.f32 v11, v11;
	v10 =	vld.idx.msk [tilespmem:v17+s16+$0x0], $0xffff  }
0x2e1: {  	v53 =	vmul.f32 v13, v13;
	v13 =	vld.idx.msk [tilespmem:v14+s17+$0x0], $0xffff  }
0x2e2: {  	v5 =	vadd.f32 v58, v5;
	v3 =	vadd.f32 v63, v3;
	v56 =	vmul.f32 v7, v9;
	v1 =	vld.idx.msk [tilespmem:v1+s16+$0x0], $0xffff  }
0x2e3: {  	v4 =	vadd.f32 v53, v4;
	v57 =	vmul.f32 v9, v9;
	v58 =	vmul.f32 v7, v7;
	v2 =	vld.idx.msk [tilespmem:v2+s17+$0x0], $0xffff  }
0x2e4: {  	v63 =	vmul.f32 v15, v12;
	v53 =	vmul.f32 v15, v15;
	v5 =	vadd.f32 v56, v5  }
0x2e5: {  	v14 =	vmul.f32 v12, v12;
	v3 =	vadd.f32 v57, v3;
	v4 =	vadd.f32 v58, v4  }
0x2e6: {  	v5 =	vadd.f32 v63, v5;
	v56 =	vmul.f32 v13, v10  }
0x2e7: {  	p0 =	sne.s32 s24, $0x780;
	v3 =	vadd.f32 v14, v3;
	v4 =	vadd.f32 v53, v4;
	v57 =	vmul.f32 v10, v10  }
.Ltmp0:
0x2e8: {  	v58 =	vmul.f32 v13, v13;
	v63 =	vmul.f32 v2, v1;
	v5 =	vadd.f32 v56, v5;
	(pc) =	sbr.rel @p0 .LBB2_2-.Ltmp0, $3  }
0x2e9: {  	v1 =	vmul.f32 v1, v1;
	v3 =	vadd.f32 v57, v3  }
0x2ea: {  	v2 =	vmul.f32 v2, v2;
	v4 =	vadd.f32 v58, v4;
	v5 =	vadd.f32 v63, v5;
	_ =	sdelay $0x1  }
0x2eb: {  	s24 =	sadd.s32 $0x80, s24;
	v3 =	vadd.f32 v1, v3;
	v63 =	vadd.f32 v2, v4;
	[tilespmem:s25+$0x10410] =	vst v5  }
0x2ec: {  	_ = 	snop  }
0x2ed: {  	[tilespmem:$0x10600] =	vst v3  }
0x2ee: {  	[tilespmem:$0x10680] =	vst v63  }
0x2ef: {  	[hbm4b:s7+s1] =	stream.linear.scatter [tilespmem:s20], [sflag:$0x3], $0x200, $0x38;
	[tilespmem:$0x10700] =	vst v63  }
0x2f0: {  	_ =	swait.ge [sflag:s13], $0x200  }
0x2f1: {  	[sflag:s13] =	ssyncset.done $0x0  }
0x2f2: {  	[sflag:s13] =	ssyncadd.s32 $0xFFFFFE00  }
0x2f3: {  	[hbm4b:s8+s1] =	stream.linear.scatter [tilespmem:s21], [sflag:$0x3], $0x80, $0x38;
	[tilespmem:$0x10700] =	vst v63  }
0x2f4: {  	s23 =	sadd.s32 $0x1, s23;
	_ =	swait.ge [sflag:s13], $0x80  }
0x2f5: {  	p0 =	sne.s32 s23, s10;
	[sflag:s13] =	ssyncset.done $0x0  }
.Ltmp1:
0x2f6: {  	[sflag:s13] =	ssyncadd.s32 $0xFFFFFF80;
	(pc) =	sbr.rel @p0 .LBB2_1-.Ltmp1, $4  }
0x2f7: {  	[hbm4b:s9+s1] =	stream.linear.scatter [tilespmem:s22], [sflag:$0x3], $0x80, $0x38;
	[tilespmem:$0x10700] =	vst v63  }
0x2f8: {  	_ =	swait.ge [sflag:s13], $0x80  }
0x2f9: {  	[sflag:s13] =	ssyncset.done $0x0  }
0x2fa: {  	[sflag:s13] =	ssyncadd.s32 $0xFFFFFF80  }
0x2fb: {  	_ =	sfence.sel $0x180000  }
0x2fc: {  	[bflag:$0x0] =	sbarrier.arrive $0xFFFF  }
0x2fd: {  	p0 =	sne.s32 s4, $0x0;
	_ =	strace $0x90000047  }
0x2fe: {  	s0 =	sadd.s32 @!p0 $0x100000, s0;
	[bflag:$0x2] =	sbarrier.arrive $0xFFFF  }
0x2ff: {  	[sflag:s0] =	ssyncadd.tile.s32 @!p0 $0x1;
	_ =	shalt  }
.Lfunc_end2:
_tile_overlayer_lowered:
.L_overlay_start_2:
0x300: {  	(tag) =	ssettag $0x2  }
0x301: {  	s0 =	rddreg [dreg:$0x0];
	s2 =	stileid.u32  }
0x302: {  	s1 =	rddreg [dreg:$0x1];
	p0 =	sne.s32 s2, $0x0  }
0x303: {  	s3 =	rddreg [dreg:$0x2];
	[bflag:$0x3] =	sbarrier.arrive $0xFFFF;
	s2 =	simm.s32 @!p0 $0x1C03  }
0x304: {  	[timem:s3], [sflag:s2] =	dma.local @!p0 [hbm:s0], s1  }
0x305: {  	s0 =	simm.s32 @!p0 $0x3  }
0x306: {  	_ =	swait.ge @!p0 [sflag:s0], s1  }
0x307: {  	s1 =	ssub.s32 @!p0 $0x0, s1;
	[sflag:s0] =	ssyncset.done @!p0 $0x0  }
0x308: {  	[sflag:s0] =	ssyncadd.s32 @!p0 s1  }
0x309: {  	[bflag:$0x3] =	sbarrier.arrive $0xFFFF  }
0x30a: {  	_ =	shalt  }

</sc_bundles>
